<compile_context>
chip_gen: v7x
topology: tpu7x:2x2x1
jax: 0.10.2.dev20260603
libtpu: 0.0.44.dev20260713+nightly
codegen_flags: <defaults>
</compile_context>

<pallas_src>
import jax
import jax.numpy as jnp
from jax import lax
from jax.experimental import pallas as pl
from jax.experimental.pallas import tpu as pltpu
from jax.experimental.pallas import tpu_sc as plsc

N, E, D, R, RANK, B = 10000, 320000, 128, 400, 16, 1024
NC, NS = 2, 16
NW = NC * NS
NP = 10240
EPT = E // NS
CH = 80
NCHUNK = EPT // CH
GRP = CH // 16
STRIPE = NP // NS
HD = D // NC
BLKE = 800
CPB = BLKE // CH
NBLK = EPT // BLKE
RB = 4


def _dense1_body(tv_ref, tw_ref, tb_ref, tf_ref, fw_ref, fb_ref, emb_ref,
                 rel_ref, asrc_ref, adst_ref, wrel_ref,
                 xs_ref, p_ref, xd_ref, rout_ref, rels_ref, cf_ref):
    step = pl.program_id(0)

    @pl.when(step == 0)
    def _():
        w = fw_ref[0, :].reshape(RANK, 1, 1)
        cf_ref[...] = jnp.sum(tf_ref[...] * w, axis=0)
        rout_ref[...] = jnp.dot(rel_ref[...], wrel_ref[...],
                                preferred_element_type=jnp.float32)
        rels_ref[0] = rel_ref[...][:, :HD]
        rels_ref[1] = rel_ref[...][:, HD:]

    xt = jnp.dot(tv_ref[...], tw_ref[...],
                 preferred_element_type=jnp.float32) + tb_ref[0, :]
    fused = (jnp.dot(xt, cf_ref[1:, :], preferred_element_type=jnp.float32)
             + cf_ref[0:1, :] + fb_ref[0, :])
    x = emb_ref[...] * fused
    xs_ref[0] = x[:, :HD]
    xs_ref[1] = x[:, HD:]
    rel_att = rel_ref[...] * asrc_ref[0, :]
    p_ref[...] = lax.dot_general(x, rel_att, (((1,), (1,)), ((), ())),
                                 preferred_element_type=jnp.float32)
    xd_ref[...] = jnp.sum(x * adst_ref[0, :], axis=1, keepdims=True)


def _dense1(tv, tw, tb, tf, fw, fb, emb, rel, asrc, adst, wrel):
    blk = 1000
    grid = (N // blk,)
    return pl.pallas_call(
        _dense1_body,
        grid=grid,
        in_specs=[
            pl.BlockSpec((blk, 768), lambda i: (i, 0)),
            pl.BlockSpec((768, D), lambda i: (0, 0)),
            pl.BlockSpec((1, D), lambda i: (0, 0)),
            pl.BlockSpec((RANK, D + 1, D), lambda i: (0, 0, 0)),
            pl.BlockSpec((1, RANK), lambda i: (0, 0)),
            pl.BlockSpec((1, D), lambda i: (0, 0)),
            pl.BlockSpec((blk, D), lambda i: (i, 0)),
            pl.BlockSpec((R, D), lambda i: (0, 0)),
            pl.BlockSpec((1, D), lambda i: (0, 0)),
            pl.BlockSpec((1, D), lambda i: (0, 0)),
            pl.BlockSpec((D, D), lambda i: (0, 0)),
        ],
        out_specs=[
            pl.BlockSpec((NC, blk, HD), lambda i: (0, i, 0)),
            pl.BlockSpec((blk, R), lambda i: (i, 0)),
            pl.BlockSpec((blk, 1), lambda i: (i, 0)),
            pl.BlockSpec((R, D), lambda i: (0, 0)),
            pl.BlockSpec((NC, R, HD), lambda i: (0, 0, 0)),
        ],
        out_shape=[
            jax.ShapeDtypeStruct((NC, N, HD), jnp.float32),
            jax.ShapeDtypeStruct((N, R), jnp.float32),
            jax.ShapeDtypeStruct((N, 1), jnp.float32),
            jax.ShapeDtypeStruct((R, D), jnp.float32),
            jax.ShapeDtypeStruct((NC, R, HD), jnp.float32),
        ],
        scratch_shapes=[pltpu.VMEM((D + 1, D), jnp.float32)],
    )(tv, tw, tb, tf, fw, fb, emb, rel, asrc, adst, wrel)


def _edge_body(src_hbm, dst_hbm, et_hbm, norm_hbm, pflat_hbm, xd_hbm,
               xl_hbm, xr_hbm, rell_hbm, relr_hbm, zrows_hbm, zden_hbm,
               numer_out, denom_out,
               xd_v, rel_v, msrc_v, mdst_v, met_v, mnorm_v, pidx_v, pg_v,
               dstc_v, exc_v, w_v, xrows_v, zrows_v, numer_sh, denom_sh,
               sem_m, sem_g, sem_z):
    c = lax.axis_index("c")
    s = lax.axis_index("s")
    rows0 = s * STRIPE

    pltpu.sync_copy(zrows_hbm, numer_sh.at[pl.ds(rows0, STRIPE)])

    @pl.when(jnp.logical_and(s == 0, c == 0))
    def _():
        pltpu.sync_copy(zden_hbm, denom_sh)

    pltpu.sync_copy(xd_hbm, xd_v)

    @pl.when(c == 0)
    def _():
        pltpu.sync_copy(rell_hbm, rel_v)

    @pl.when(c == 1)
    def _():
        pltpu.sync_copy(relr_hbm, rel_v)

    plsc.subcore_barrier()

    iota16 = lax.iota(jnp.int32, 16)
    ebase0 = s * EPT

    def meta_copies(b, slot):
        base = pl.multiple_of(ebase0 + b * BLKE, 8)
        sl = pl.ds(base, BLKE)
        dsl = pl.ds(slot * BLKE, BLKE)
        return [
            pltpu.make_async_copy(src_hbm.at[sl], msrc_v.at[dsl], sem_m),
            pltpu.make_async_copy(dst_hbm.at[sl], mdst_v.at[dsl], sem_m),
            pltpu.make_async_copy(et_hbm.at[sl], met_v.at[dsl], sem_m),
            pltpu.make_async_copy(norm_hbm.at[sl], mnorm_v.at[dsl], sem_m),
        ]

    def compute_pidx(slot):
        def body(g, carry):
            sl = pl.ds(slot * BLKE + g * 16, 16)
            pidx_v[sl] = msrc_v[sl] * R + met_v[sl]
            return carry
        lax.fori_loop(0, BLKE // 16, body, 0, unroll=4)

    def gather_descs(j):
        pr = j % RB
        pb = (j // CPB) % 2
        off = pb * BLKE + (j % CPB) * CH
        dg = pltpu.make_async_copy(
            pflat_hbm.at[pidx_v.at[pl.ds(off, CH)]],
            pg_v.at[pl.ds(pr * CH, CH)], sem_g.at[pr])
        dxl = pltpu.make_async_copy(
            xl_hbm.at[msrc_v.at[pl.ds(off, CH)]],
            xrows_v.at[pl.ds(pr * CH, CH)], sem_g.at[pr])
        dxr = pltpu.make_async_copy(
            xr_hbm.at[msrc_v.at[pl.ds(off, CH)]],
            xrows_v.at[pl.ds(pr * CH, CH)], sem_g.at[pr])
        return dg, dxl, dxr

    def issue_gathers(j):
        dg, dxl, dxr = gather_descs(j)
        dg.start()

        @pl.when(c == 0)
        def _():
            dxl.start()

        @pl.when(c == 1)
        def _():
            dxr.start()

    def wait_gathers(j):
        dg, dxl, _ = gather_descs(j)
        dg.wait()
        dxl.wait()

    def z_descs(pj):
        dz = pltpu.make_async_copy(
            zrows_v.at[pl.ds(pj * CH, CH)],
            numer_sh.at[dstc_v.at[pj]], sem_z.at[pj])
        de = pltpu.make_async_copy(
            exc_v.at[pj], denom_sh.at[dstc_v.at[pj]], sem_z.at[pj])
        return dz, de

    def wait_scatters(pj):
        dz, de = z_descs(pj)
        dz.wait()

        @pl.when(c == 0)
        def _():
            de.wait()

    for d in meta_copies(0, 0):
        d.start()
    for d in meta_copies(0, 0):
        d.wait()
    compute_pidx(0)
    for jp in range(RB - 1):
        issue_gathers(jp)

    def chunk_body(j, carry):
        pj = j % 2
        b = j // CPB
        pb = b % 2
        o = j % CPB
        moff = pb * BLKE + o * CH

        @pl.when(jnp.logical_and(o == 0, b + 1 < NBLK))
        def _():
            for d in meta_copies(b + 1, 1 - pb):
                d.start()

        @pl.when(j >= 2)
        def _():
            wait_scatters(pj)

        @pl.when(jnp.logical_and(o == CPB - RB, b + 1 < NBLK))
        def _():
            for d in meta_copies(b + 1, 1 - pb):
                d.wait()
            compute_pidx(1 - pb)

        @pl.when(j + RB - 1 < NCHUNK)
        def _():
            issue_gathers(j + RB - 1)

        wait_gathers(j)

        pr6 = j % RB
        for g in range(GRP):
            gsl = pl.ds(g * 16, 16)
            msl = pl.ds(moff + g * 16, 16)
            d16 = mdst_v[msl]
            sc1 = pg_v[pl.ds(pr6 * CH + g * 16, 16)] \
                + plsc.load_gather(xd_v, [d16])
            sc1 = jnp.maximum(sc1, 0.2 * sc1)
            ex = jnp.exp(sc1)
            exc_v[pj, gsl] = ex
            w_v[pl.ds(pj * CH + g * 16, 16)] = ex * mnorm_v[msl]
            dstc_v[pj, gsl] = d16

        pr = j % RB
        for g in range(GRP):
            gof = pj * CH + g * 16
            xof = pr * CH + g * 16
            w16 = w_v[pl.ds(gof, 16)]
            etf16 = met_v[pl.ds(moff + g * 16, 16)] * HD

            @plsc.parallel_loop(0, 16, step=1, unroll=4)
            def _(l):
                lane = jnp.broadcast_to(l, (16,))
                w_b = jnp.take_along_axis(w16, lane, axis=0,
                                          mode="promise_in_bounds")
                etf_b = jnp.take_along_axis(etf16, lane, axis=0,
                                            mode="promise_in_bounds")
                for jj in range(HD // 16):
                    cols = iota16 + (jj * 16)
                    xv = xrows_v[xof + l, pl.ds(jj * 16, 16)]
                    rv = plsc.load_gather(rel_v, [etf_b + cols])
                    zrows_v[gof + l, pl.ds(jj * 16, 16)] = xv * rv * w_b

        pltpu.async_copy(zrows_v.at[pl.ds(pj * CH, CH)],
                         numer_sh.at[dstc_v.at[pj]], sem_z.at[pj], add=True)

        @pl.when(c == 0)
        def _():
            pltpu.async_copy(exc_v.at[pj], denom_sh.at[dstc_v.at[pj]],
                             sem_z.at[pj], add=True)

        return carry

    lax.fori_loop(0, NCHUNK, chunk_body, 0)

    wait_scatters(0)
    wait_scatters(1)

    plsc.subcore_barrier()
    pltpu.sync_copy(numer_sh.at[pl.ds(rows0, STRIPE)],
                    numer_out.at[c, pl.ds(rows0, STRIPE)])

    @pl.when(jnp.logical_and(s == 0, c == 0))
    def _():
        pltpu.sync_copy(denom_sh, denom_out)


def _edge_kernel(srcs, dsts, ets, norms, pflat, xdpad, xl, xr, rell, relr,
                 zrows, zden):
    mesh = plsc.VectorSubcoreMesh(core_axis_name="c", subcore_axis_name="s")
    f = pl.kernel(
        _edge_body,
        out_type=(
            jax.ShapeDtypeStruct((NC, NP, HD), jnp.float32),
            jax.ShapeDtypeStruct((NP,), jnp.float32),
        ),
        mesh=mesh,
        scratch_types=[
            pltpu.VMEM((NP,), jnp.float32),
            pltpu.VMEM((R * HD,), jnp.float32),
            pltpu.VMEM((2 * BLKE,), jnp.int32),
            pltpu.VMEM((2 * BLKE,), jnp.int32),
            pltpu.VMEM((2 * BLKE,), jnp.int32),
            pltpu.VMEM((2 * BLKE,), jnp.float32),
            pltpu.VMEM((2 * BLKE,), jnp.int32),
            pltpu.VMEM((RB * CH,), jnp.float32),
            pltpu.VMEM((2, CH), jnp.int32),
            pltpu.VMEM((2, CH), jnp.float32),
            pltpu.VMEM((2 * CH,), jnp.float32),
            pltpu.VMEM((RB * CH, HD), jnp.float32),
            pltpu.VMEM((2 * CH, HD), jnp.float32),
            pltpu.VMEM_SHARED((NP, HD), jnp.float32),
            pltpu.VMEM_SHARED((NP,), jnp.float32),
            pltpu.SemaphoreType.DMA,
            pltpu.SemaphoreType.DMA((RB,)),
            pltpu.SemaphoreType.DMA((2,)),
        ],
        compiler_params=pltpu.CompilerParams(needs_layout_passes=False,
                                             use_tc_tiling_on_sc=False),
    )
    return f(srcs, dsts, ets, norms, pflat, xdpad, xl, xr, rell, relr,
             zrows, zden)


def _dense2_body(num_ref, den_ref, w_ref, b_ref, out_ref):
    num = jnp.concatenate([num_ref[0], num_ref[1]], axis=1)
    den = den_ref[...] + 1e-16
    agg = num / den
    out_ref[...] = jnp.tanh(
        jnp.dot(agg, w_ref[...], preferred_element_type=jnp.float32)
        + b_ref[0, :])


def _dense2(numer, denom2, conv_W, conv_b):
    blk = 1280
    grid = (NP // blk,)
    return pl.pallas_call(
        _dense2_body,
        grid=grid,
        in_specs=[
            pl.BlockSpec((NC, blk, HD), lambda i: (0, i, 0)),
            pl.BlockSpec((blk, 1), lambda i: (i, 0)),
            pl.BlockSpec((D, D), lambda i: (0, 0)),
            pl.BlockSpec((1, D), lambda i: (0, 0)),
        ],
        out_specs=pl.BlockSpec((blk, D), lambda i: (i, 0)),
        out_shape=jax.ShapeDtypeStruct((NP, D), jnp.float32),
    )(numer, denom2, conv_W, conv_b)


def _gather_body(xout_hbm, rout_hbm, subj_hbm, rel_hbm, o1, o2,
                 subj_v, rel_v, rows1, rows2, sem):
    c = lax.axis_index("c")
    s = lax.axis_index("s")
    wid = c * NS + s
    bw = B // NW
    base = wid * bw
    pltpu.sync_copy(subj_hbm.at[pl.ds(base, bw)], subj_v)
    pltpu.sync_copy(rel_hbm.at[pl.ds(base, bw)], rel_v)
    pltpu.async_copy(xout_hbm.at[subj_v], rows1, sem).wait()
    pltpu.async_copy(rout_hbm.at[rel_v], rows2, sem).wait()
    pltpu.sync_copy(rows1, o1.at[pl.ds(base, bw)])
    pltpu.sync_copy(rows2, o2.at[pl.ds(base, bw)])


def _gather_kernel(xout_pad, rout, subj, rel):
    mesh = plsc.VectorSubcoreMesh(core_axis_name="c", subcore_axis_name="s")
    bw = B // NW
    f = pl.kernel(
        _gather_body,
        out_type=(
            jax.ShapeDtypeStruct((B, D), jnp.float32),
            jax.ShapeDtypeStruct((B, D), jnp.float32),
        ),
        mesh=mesh,
        scratch_types=[
            pltpu.VMEM((bw,), jnp.int32),
            pltpu.VMEM((bw,), jnp.int32),
            pltpu.VMEM((bw, D), jnp.float32),
            pltpu.VMEM((bw, D), jnp.float32),
            pltpu.SemaphoreType.DMA,
        ],
        compiler_params=pltpu.CompilerParams(needs_layout_passes=False,
                                             use_tc_tiling_on_sc=False),
    )
    return f(xout_pad, rout, subj, rel)


def kernel(edge_index, edge_type, subj, rel, edge_norm, init_embed,
           ent2textvector, text_W, text_b, text_factor, fusion_weights,
           fusion_bias, init_rel, conv_W, conv_b, conv_Wrel, att_src,
           att_dst):
    tb2 = text_b.reshape(1, D)
    asrc2 = att_src.reshape(1, D)
    adst2 = att_dst.reshape(1, D)
    cb2 = conv_b.reshape(1, D)

    xs, P, xd, r_out, rels = _dense1(ent2textvector, text_W, tb2, text_factor,
                                     fusion_weights, fusion_bias, init_embed,
                                     init_rel, asrc2, adst2, conv_Wrel)

    srcs = edge_index[0]
    dsts = edge_index[1]
    pflat = P.reshape(N * R)
    xdpad = jnp.pad(xd.reshape(N), (0, NP - N))
    zrows = jnp.zeros((STRIPE, HD), jnp.float32)
    zden = jnp.zeros((NP,), jnp.float32)

    numer, denom = _edge_kernel(srcs, dsts, edge_type, edge_norm,
                                pflat, xdpad, xs[0], xs[1],
                                rels[0].reshape(R * HD),
                                rels[1].reshape(R * HD),
                                zrows, zden)

    x_out_pad = _dense2(numer, denom.reshape(NP, 1), conv_W, cb2)
    o1, o2 = _gather_kernel(x_out_pad, r_out, subj, rel)
    return (o1, o2, x_out_pad[:N])

# --- scband reference (transcript-rebuilt; emitter-appended) ---
"""Pipeline reference for scband-rgat-17575006175422 (READ-ONLY COPY).

The authoritative reference and input builder live on the scoring server;
editing this copy changes nothing except your own understanding.
"""

import jax, jax.numpy as jnp
import numpy as np


def setup_inputs(seed: int = 0):
    key = jax.random.key(seed)
    k = lambda i: jax.random.fold_in(key, i)
    N, E, D, R, RANK, B = 10000, 320000, 128, 400, 16, 1024
    inp = {
        "edge_index": jax.random.randint(k(0), (2, E), 0, N, dtype=jnp.int32),
        "edge_type": jax.random.randint(k(1), (E,), 0, R, dtype=jnp.int32),
        "subj": jax.random.randint(k(2), (B,), 0, N, dtype=jnp.int32),
        "rel": jax.random.randint(k(3), (B,), 0, R, dtype=jnp.int32),
        "edge_norm": jax.random.uniform(k(4), (E,), dtype=jnp.float32),
        "init_embed": jax.random.normal(k(5), (N, D), dtype=jnp.float32) * 0.02,
        "ent2textvector": jax.random.normal(k(6), (N, 768), dtype=jnp.float32) * 0.02,
        "text_W": jax.random.normal(k(7), (768, D), dtype=jnp.float32) * 0.02,
        "text_b": jnp.zeros((D,), jnp.float32),
        "text_factor": jax.random.normal(k(8), (RANK, D + 1, D), dtype=jnp.float32) * 0.02,
        "fusion_weights": jax.random.normal(k(9), (1, RANK), dtype=jnp.float32) * 0.1,
        "fusion_bias": jnp.zeros((1, D), jnp.float32),
        "init_rel": jax.random.normal(k(10), (R, D), dtype=jnp.float32) * 0.02,
        "conv_W": jax.random.normal(k(11), (D, D), dtype=jnp.float32) * 0.02,
        "conv_b": jnp.zeros((D,), jnp.float32),
        "conv_Wrel": jax.random.normal(k(12), (D, D), dtype=jnp.float32) * 0.02,
        "att_src": jax.random.normal(k(13), (D,), dtype=jnp.float32) * 0.1,
        "att_dst": jax.random.normal(k(14), (D,), dtype=jnp.float32) * 0.1,
    }
    return inp


def _forward(edge_norm, init_embed, ent2textvector, text_W, text_b, text_factor,
             fusion_weights, fusion_bias, init_rel, conv_W, conv_b, conv_Wrel,
             att_src, att_dst, edge_index, edge_type, subj, rel):
    N, D = init_embed.shape
    # --- low-rank multimodal fusion (text branch only; use_img=use_attr=False) ---
    x_t = ent2textvector @ text_W + text_b                         # [N, D]
    x_t = jnp.concatenate([jnp.ones((N, 1), x_t.dtype), x_t], axis=1)  # [N, D+1]
    x_t = jnp.einsum('nk,rkd->rnd', x_t, text_factor)              # [RANK, N, D]
    fused = jnp.einsum('or,nrd->nod', fusion_weights,
                       jnp.transpose(x_t, (1, 0, 2)))[:, 0, :] + fusion_bias  # [N, D]
    x = init_embed * fused
    # --- relational graph attention conv (opn='mult', single layer) ---
    src, dst = edge_index[0], edge_index[1]
    msg = x[src] * init_rel[edge_type]                             # [E, D]
    score = jax.nn.leaky_relu(msg @ att_src + (x @ att_dst)[dst], 0.2)  # [E]
    smax = jax.ops.segment_max(score, dst, num_segments=N)
    smax = jnp.where(jnp.isfinite(smax), smax, 0.0)
    ex = jnp.exp(score - smax[dst])
    denom = jax.ops.segment_sum(ex, dst, num_segments=N)
    alpha = ex / (denom[dst] + 1e-16)
    agg = jax.ops.segment_sum((alpha * edge_norm)[:, None] * msg, dst, num_segments=N)
    x_out = jnp.tanh(agg @ conv_W + conv_b)                        # [N, D]
    r_out = init_rel @ conv_Wrel                                   # [2R, D]
    # dropout layers are identity at eval
    return (x_out[subj], r_out[rel], x_out)


def reference(edge_index, edge_type, subj, rel, edge_norm, init_embed,
              ent2textvector, text_W, text_b, text_factor, fusion_weights,
              fusion_bias, init_rel, conv_W, conv_b, conv_Wrel, att_src, att_dst):
    return _forward(edge_norm, init_embed, ent2textvector, text_W, text_b,
                    text_factor, fusion_weights, fusion_bias, init_rel, conv_W,
                    conv_b, conv_Wrel, att_src, att_dst, edge_index, edge_type,
                    subj, rel)

if __name__ == "__main__":
    import jax
    _d = setup_inputs()
    print(jax.jit(kernel)(*tuple(_d.values())))

</pallas_src>

<mosaic_0001>
#map = affine_map<(d0, d1) -> (0)>
#map1 = affine_map<(d0, d1) -> (0, 0)>
#map2 = affine_map<(d0, d1) -> (0, 0, 0)>
module attributes {stable_mosaic.version = 14 : i64} {
  func.func @_edge_body(%arg0: i32, %arg1: i32, %arg2: memref<320000xi32, #tpu.memory_space<hbm>>, %arg3: memref<320000xi32, #tpu.memory_space<hbm>>, %arg4: memref<320000xi32, #tpu.memory_space<hbm>>, %arg5: memref<320000xf32, #tpu.memory_space<hbm>>, %arg6: memref<4000000xf32, #tpu.memory_space<hbm>>, %arg7: memref<10240xf32, #tpu.memory_space<hbm>>, %arg8: memref<10000x64xf32, #tpu.memory_space<hbm>>, %arg9: memref<10000x64xf32, #tpu.memory_space<hbm>>, %arg10: memref<25600xf32, #tpu.memory_space<hbm>>, %arg11: memref<25600xf32, #tpu.memory_space<hbm>>, %arg12: memref<640x64xf32, #tpu.memory_space<hbm>>, %arg13: memref<10240xf32, #tpu.memory_space<hbm>>, %arg14: memref<2x10240x64xf32, #tpu.memory_space<hbm>>, %arg15: memref<10240xf32, #tpu.memory_space<hbm>>, %arg16: memref<10240xf32, #tpu.memory_space<vmem>>, %arg17: memref<25600xf32, #tpu.memory_space<vmem>>, %arg18: memref<1600xi32, #tpu.memory_space<vmem>>, %arg19: memref<1600xi32, #tpu.memory_space<vmem>>, %arg20: memref<1600xi32, #tpu.memory_space<vmem>>, %arg21: memref<1600xf32, #tpu.memory_space<vmem>>, %arg22: memref<1600xi32, #tpu.memory_space<vmem>>, %arg23: memref<320xf32, #tpu.memory_space<vmem>>, %arg24: memref<2x80xi32, #tpu.memory_space<vmem>>, %arg25: memref<2x80xf32, #tpu.memory_space<vmem>>, %arg26: memref<160xf32, #tpu.memory_space<vmem>>, %arg27: memref<320x64xf32, #tpu.memory_space<vmem>>, %arg28: memref<160x64xf32, #tpu.memory_space<vmem>>, %arg29: memref<10240x64xf32, #tpu.memory_space<vmem_shared>>, %arg30: memref<10240xf32, #tpu.memory_space<vmem_shared>>, %arg31: memref<!tpu.dma_semaphore, #tpu.memory_space<semaphore_mem>>, %arg32: memref<4x!tpu.dma_semaphore, #tpu.memory_space<semaphore_mem>>, %arg33: memref<2x!tpu.dma_semaphore, #tpu.memory_space<semaphore_mem>>) attributes {dimension_semantics = [#tpu.dimension_semantics<core_parallel>, #tpu.dimension_semantics<subcore_parallel>], iteration_bounds = array<i64: 2, 16>, scalar_prefetch = 0 : i64, scratch_operands = 18 : i64, tpu.core_type = #tpu.core_type<sc_vector_subcore>, window_params = [{transform_indices = #map}, {transform_indices = #map}, {transform_indices = #map}, {transform_indices = #map}, {transform_indices = #map}, {transform_indices = #map}, {transform_indices = #map1}, {transform_indices = #map1}, {transform_indices = #map}, {transform_indices = #map}, {transform_indices = #map1}, {transform_indices = #map}, {transform_indices = #map2}, {transform_indices = #map}]} {
    %mul3A = arith.constant 640 : i32
    %mul3A_0 = arith.muli %arg1, %mul3A : i32
    "tpu.region"() ({
      %run_scoped3A = tpu.sem_alloc : memref<!tpu.dma_semaphore, #tpu.memory_space<semaphore_mem>>
      %dma_start3A_222 = arith.constant 0 : i32
      %dma_start3A_223 = tpu.memref_slice %arg29[%mul3A_0, %dma_start3A_222] : memref<10240x64xf32, #tpu.memory_space<vmem_shared>> -> memref<640x64xf32, #tpu.memory_space<vmem_shared>>
      tpu.enqueue_dma source(%arg12 : memref<640x64xf32, #tpu.memory_space<hbm>>) target(%dma_start3A_223 : memref<640x64xf32, #tpu.memory_space<vmem_shared>>) target_semaphore(%run_scoped3A : memref<!tpu.dma_semaphore, #tpu.memory_space<semaphore_mem>>)
      %dma_wait3A_224 = arith.constant 0 : i32
      %dma_wait3A_225 = tpu.memref_slice %arg29[%mul3A_0, %dma_wait3A_224] : memref<10240x64xf32, #tpu.memory_space<vmem_shared>> -> memref<640x64xf32, #tpu.memory_space<vmem_shared>>
      tpu.wait_dma2 semaphore(%run_scoped3A : memref<!tpu.dma_semaphore, #tpu.memory_space<semaphore_mem>>) src(%arg12 : memref<640x64xf32, #tpu.memory_space<hbm>>) dst(%dma_wait3A_225 : memref<640x64xf32, #tpu.memory_space<vmem_shared>>)
      tpu.yield
    }) : () -> ()
    %eq3A = arith.constant 0 : i32
    %eq3A_1 = arith.cmpi eq, %arg1, %eq3A : i32
    %eq3A_2 = arith.constant 0 : i32
    %eq3A_3 = arith.cmpi eq, %arg0, %eq3A_2 : i32
    %and3A = arith.andi %eq3A_1, %eq3A_3 : i1
    %convert_element_type3A = arith.extui %and3A : i1 to i32
    %cond3A = arith.constant 0 : i32
    %cond3A_4 = arith.cmpi ne, %convert_element_type3A, %cond3A : i32
    scf.if %cond3A_4 {
      "tpu.region"() ({
        %run_scoped3A = tpu.sem_alloc : memref<!tpu.dma_semaphore, #tpu.memory_space<semaphore_mem>>
        tpu.enqueue_dma source(%arg13 : memref<10240xf32, #tpu.memory_space<hbm>>) target(%arg30 : memref<10240xf32, #tpu.memory_space<vmem_shared>>) target_semaphore(%run_scoped3A : memref<!tpu.dma_semaphore, #tpu.memory_space<semaphore_mem>>)
        tpu.wait_dma2 semaphore(%run_scoped3A : memref<!tpu.dma_semaphore, #tpu.memory_space<semaphore_mem>>) src(%arg13 : memref<10240xf32, #tpu.memory_space<hbm>>) dst(%arg30 : memref<10240xf32, #tpu.memory_space<vmem_shared>>)
        tpu.yield
      }) : () -> ()
    } else {
    }
    "tpu.region"() ({
      %run_scoped3A = tpu.sem_alloc : memref<!tpu.dma_semaphore, #tpu.memory_space<semaphore_mem>>
      tpu.enqueue_dma source(%arg7 : memref<10240xf32, #tpu.memory_space<hbm>>) target(%arg16 : memref<10240xf32, #tpu.memory_space<vmem>>) target_semaphore(%run_scoped3A : memref<!tpu.dma_semaphore, #tpu.memory_space<semaphore_mem>>)
      tpu.wait_dma2 semaphore(%run_scoped3A : memref<!tpu.dma_semaphore, #tpu.memory_space<semaphore_mem>>) src(%arg7 : memref<10240xf32, #tpu.memory_space<hbm>>) dst(%arg16 : memref<10240xf32, #tpu.memory_space<vmem>>)
      tpu.yield
    }) : () -> ()
    %eq3A_5 = arith.constant 0 : i32
    %eq3A_6 = arith.cmpi eq, %arg0, %eq3A_5 : i32
    %convert_element_type3A_7 = arith.extui %eq3A_6 : i1 to i32
    %cond3A_8 = arith.constant 0 : i32
    %cond3A_9 = arith.cmpi ne, %convert_element_type3A_7, %cond3A_8 : i32
    scf.if %cond3A_9 {
      "tpu.region"() ({
        %run_scoped3A = tpu.sem_alloc : memref<!tpu.dma_semaphore, #tpu.memory_space<semaphore_mem>>
        tpu.enqueue_dma source(%arg10 : memref<25600xf32, #tpu.memory_space<hbm>>) target(%arg17 : memref<25600xf32, #tpu.memory_space<vmem>>) target_semaphore(%run_scoped3A : memref<!tpu.dma_semaphore, #tpu.memory_space<semaphore_mem>>)
        tpu.wait_dma2 semaphore(%run_scoped3A : memref<!tpu.dma_semaphore, #tpu.memory_space<semaphore_mem>>) src(%arg10 : memref<25600xf32, #tpu.memory_space<hbm>>) dst(%arg17 : memref<25600xf32, #tpu.memory_space<vmem>>)
        tpu.yield
      }) : () -> ()
    } else {
    }
    %eq3A_10 = arith.constant 1 : i32
    %eq3A_11 = arith.cmpi eq, %arg0, %eq3A_10 : i32
    %convert_element_type3A_12 = arith.extui %eq3A_11 : i1 to i32
    %cond3A_13 = arith.constant 0 : i32
    %cond3A_14 = arith.cmpi ne, %convert_element_type3A_12, %cond3A_13 : i32
    scf.if %cond3A_14 {
      "tpu.region"() ({
        %run_scoped3A = tpu.sem_alloc : memref<!tpu.dma_semaphore, #tpu.memory_space<semaphore_mem>>
        tpu.enqueue_dma source(%arg11 : memref<25600xf32, #tpu.memory_space<hbm>>) target(%arg17 : memref<25600xf32, #tpu.memory_space<vmem>>) target_semaphore(%run_scoped3A : memref<!tpu.dma_semaphore, #tpu.memory_space<semaphore_mem>>)
        tpu.wait_dma2 semaphore(%run_scoped3A : memref<!tpu.dma_semaphore, #tpu.memory_space<semaphore_mem>>) src(%arg11 : memref<25600xf32, #tpu.memory_space<hbm>>) dst(%arg17 : memref<25600xf32, #tpu.memory_space<vmem>>)
        tpu.yield
      }) : () -> ()
    } else {
    }
    %barrier3A = arith.constant 0 : index
    tpu.barrier barrier_id(%barrier3A)
    %iota3A = tpu.iota {dimensions = array<i32: 0>} : vector<16xi32>
    %mul3A_15 = arith.constant 20000 : i32
    %mul3A_16 = arith.muli %arg1, %mul3A_15 : i32
    %add3A = arith.constant 0 : i32
    %add3A_17 = arith.addi %mul3A_16, %add3A : i32
    %multiple_of3A = tpu.assume_multiple %add3A_17, 8 : i32
    %dma_start3A = arith.constant 0 : i32
    %dma_start3A_18 = tpu.memref_slice %arg18[%dma_start3A] : memref<1600xi32, #tpu.memory_space<vmem>> -> memref<800xi32, #tpu.memory_space<vmem>>
    %dma_start3A_19 = tpu.memref_slice %arg2[%multiple_of3A] : memref<320000xi32, #tpu.memory_space<hbm>> -> memref<800xi32, #tpu.memory_space<hbm>>
    %dma_start3A_20 = arith.constant 0 : i32
    %dma_start3A_21 = tpu.memref_slice %arg18[%dma_start3A_20] : memref<1600xi32, #tpu.memory_space<vmem>> -> memref<800xi32, #tpu.memory_space<vmem>>
    %dma_start3A_22 = tpu.memref_slice %arg2[%multiple_of3A] : memref<320000xi32, #tpu.memory_space<hbm>> -> memref<800xi32, #tpu.memory_space<hbm>>
    tpu.enqueue_dma source(%dma_start3A_22 : memref<800xi32, #tpu.memory_space<hbm>>) target(%dma_start3A_21 : memref<800xi32, #tpu.memory_space<vmem>>) target_semaphore(%arg31 : memref<!tpu.dma_semaphore, #tpu.memory_space<semaphore_mem>>)
    %dma_start3A_23 = arith.constant 0 : i32
    %dma_start3A_24 = tpu.memref_slice %arg19[%dma_start3A_23] : memref<1600xi32, #tpu.memory_space<vmem>> -> memref<800xi32, #tpu.memory_space<vmem>>
    %dma_start3A_25 = tpu.memref_slice %arg3[%multiple_of3A] : memref<320000xi32, #tpu.memory_space<hbm>> -> memref<800xi32, #tpu.memory_space<hbm>>
    %dma_start3A_26 = arith.constant 0 : i32
    %dma_start3A_27 = tpu.memref_slice %arg19[%dma_start3A_26] : memref<1600xi32, #tpu.memory_space<vmem>> -> memref<800xi32, #tpu.memory_space<vmem>>
    %dma_start3A_28 = tpu.memref_slice %arg3[%multiple_of3A] : memref<320000xi32, #tpu.memory_space<hbm>> -> memref<800xi32, #tpu.memory_space<hbm>>
    tpu.enqueue_dma source(%dma_start3A_28 : memref<800xi32, #tpu.memory_space<hbm>>) target(%dma_start3A_27 : memref<800xi32, #tpu.memory_space<vmem>>) target_semaphore(%arg31 : memref<!tpu.dma_semaphore, #tpu.memory_space<semaphore_mem>>)
    %dma_start3A_29 = arith.constant 0 : i32
    %dma_start3A_30 = tpu.memref_slice %arg20[%dma_start3A_29] : memref<1600xi32, #tpu.memory_space<vmem>> -> memref<800xi32, #tpu.memory_space<vmem>>
    %dma_start3A_31 = tpu.memref_slice %arg4[%multiple_of3A] : memref<320000xi32, #tpu.memory_space<hbm>> -> memref<800xi32, #tpu.memory_space<hbm>>
    %dma_start3A_32 = arith.constant 0 : i32
    %dma_start3A_33 = tpu.memref_slice %arg20[%dma_start3A_32] : memref<1600xi32, #tpu.memory_space<vmem>> -> memref<800xi32, #tpu.memory_space<vmem>>
    %dma_start3A_34 = tpu.memref_slice %arg4[%multiple_of3A] : memref<320000xi32, #tpu.memory_space<hbm>> -> memref<800xi32, #tpu.memory_space<hbm>>
    tpu.enqueue_dma source(%dma_start3A_34 : memref<800xi32, #tpu.memory_space<hbm>>) target(%dma_start3A_33 : memref<800xi32, #tpu.memory_space<vmem>>) target_semaphore(%arg31 : memref<!tpu.dma_semaphore, #tpu.memory_space<semaphore_mem>>)
    %dma_start3A_35 = arith.constant 0 : i32
    %dma_start3A_36 = tpu.memref_slice %arg21[%dma_start3A_35] : memref<1600xf32, #tpu.memory_space<vmem>> -> memref<800xf32, #tpu.memory_space<vmem>>
    %dma_start3A_37 = tpu.memref_slice %arg5[%multiple_of3A] : memref<320000xf32, #tpu.memory_space<hbm>> -> memref<800xf32, #tpu.memory_space<hbm>>
    %dma_start3A_38 = arith.constant 0 : i32
    %dma_start3A_39 = tpu.memref_slice %arg21[%dma_start3A_38] : memref<1600xf32, #tpu.memory_space<vmem>> -> memref<800xf32, #tpu.memory_space<vmem>>
    %dma_start3A_40 = tpu.memref_slice %arg5[%multiple_of3A] : memref<320000xf32, #tpu.memory_space<hbm>> -> memref<800xf32, #tpu.memory_space<hbm>>
    tpu.enqueue_dma source(%dma_start3A_40 : memref<800xf32, #tpu.memory_space<hbm>>) target(%dma_start3A_39 : memref<800xf32, #tpu.memory_space<vmem>>) target_semaphore(%arg31 : memref<!tpu.dma_semaphore, #tpu.memory_space<semaphore_mem>>)
    %add3A_41 = arith.constant 0 : i32
    %add3A_42 = arith.addi %mul3A_16, %add3A_41 : i32
    %multiple_of3A_43 = tpu.assume_multiple %add3A_42, 8 : i32
    %dma_wait3A = arith.constant 0 : i32
    %dma_wait3A_44 = tpu.memref_slice %arg18[%dma_wait3A] : memref<1600xi32, #tpu.memory_space<vmem>> -> memref<800xi32, #tpu.memory_space<vmem>>
    %dma_wait3A_45 = tpu.memref_slice %arg2[%multiple_of3A_43] : memref<320000xi32, #tpu.memory_space<hbm>> -> memref<800xi32, #tpu.memory_space<hbm>>
    %dma_wait3A_46 = arith.constant 0 : i32
    %dma_wait3A_47 = tpu.memref_slice %arg18[%dma_wait3A_46] : memref<1600xi32, #tpu.memory_space<vmem>> -> memref<800xi32, #tpu.memory_space<vmem>>
    %dma_wait3A_48 = tpu.memref_slice %arg2[%multiple_of3A_43] : memref<320000xi32, #tpu.memory_space<hbm>> -> memref<800xi32, #tpu.memory_space<hbm>>
    tpu.wait_dma2 semaphore(%arg31 : memref<!tpu.dma_semaphore, #tpu.memory_space<semaphore_mem>>) src(%dma_wait3A_48 : memref<800xi32, #tpu.memory_space<hbm>>) dst(%dma_wait3A_47 : memref<800xi32, #tpu.memory_space<vmem>>)
    %dma_wait3A_49 = arith.constant 0 : i32
    %dma_wait3A_50 = tpu.memref_slice %arg19[%dma_wait3A_49] : memref<1600xi32, #tpu.memory_space<vmem>> -> memref<800xi32, #tpu.memory_space<vmem>>
    %dma_wait3A_51 = tpu.memref_slice %arg3[%multiple_of3A_43] : memref<320000xi32, #tpu.memory_space<hbm>> -> memref<800xi32, #tpu.memory_space<hbm>>
    %dma_wait3A_52 = arith.constant 0 : i32
    %dma_wait3A_53 = tpu.memref_slice %arg19[%dma_wait3A_52] : memref<1600xi32, #tpu.memory_space<vmem>> -> memref<800xi32, #tpu.memory_space<vmem>>
    %dma_wait3A_54 = tpu.memref_slice %arg3[%multiple_of3A_43] : memref<320000xi32, #tpu.memory_space<hbm>> -> memref<800xi32, #tpu.memory_space<hbm>>
    tpu.wait_dma2 semaphore(%arg31 : memref<!tpu.dma_semaphore, #tpu.memory_space<semaphore_mem>>) src(%dma_wait3A_54 : memref<800xi32, #tpu.memory_space<hbm>>) dst(%dma_wait3A_53 : memref<800xi32, #tpu.memory_space<vmem>>)
    %dma_wait3A_55 = arith.constant 0 : i32
    %dma_wait3A_56 = tpu.memref_slice %arg20[%dma_wait3A_55] : memref<1600xi32, #tpu.memory_space<vmem>> -> memref<800xi32, #tpu.memory_space<vmem>>
    %dma_wait3A_57 = tpu.memref_slice %arg4[%multiple_of3A_43] : memref<320000xi32, #tpu.memory_space<hbm>> -> memref<800xi32, #tpu.memory_space<hbm>>
    %dma_wait3A_58 = arith.constant 0 : i32
    %dma_wait3A_59 = tpu.memref_slice %arg20[%dma_wait3A_58] : memref<1600xi32, #tpu.memory_space<vmem>> -> memref<800xi32, #tpu.memory_space<vmem>>
    %dma_wait3A_60 = tpu.memref_slice %arg4[%multiple_of3A_43] : memref<320000xi32, #tpu.memory_space<hbm>> -> memref<800xi32, #tpu.memory_space<hbm>>
    tpu.wait_dma2 semaphore(%arg31 : memref<!tpu.dma_semaphore, #tpu.memory_space<semaphore_mem>>) src(%dma_wait3A_60 : memref<800xi32, #tpu.memory_space<hbm>>) dst(%dma_wait3A_59 : memref<800xi32, #tpu.memory_space<vmem>>)
    %dma_wait3A_61 = arith.constant 0 : i32
    %dma_wait3A_62 = tpu.memref_slice %arg21[%dma_wait3A_61] : memref<1600xf32, #tpu.memory_space<vmem>> -> memref<800xf32, #tpu.memory_space<vmem>>
    %dma_wait3A_63 = tpu.memref_slice %arg5[%multiple_of3A_43] : memref<320000xf32, #tpu.memory_space<hbm>> -> memref<800xf32, #tpu.memory_space<hbm>>
    %dma_wait3A_64 = arith.constant 0 : i32
    %dma_wait3A_65 = tpu.memref_slice %arg21[%dma_wait3A_64] : memref<1600xf32, #tpu.memory_space<vmem>> -> memref<800xf32, #tpu.memory_space<vmem>>
    %dma_wait3A_66 = tpu.memref_slice %arg5[%multiple_of3A_43] : memref<320000xf32, #tpu.memory_space<hbm>> -> memref<800xf32, #tpu.memory_space<hbm>>
    tpu.wait_dma2 semaphore(%arg31 : memref<!tpu.dma_semaphore, #tpu.memory_space<semaphore_mem>>) src(%dma_wait3A_66 : memref<800xf32, #tpu.memory_space<hbm>>) dst(%dma_wait3A_65 : memref<800xf32, #tpu.memory_space<vmem>>)
    %scan3A = arith.constant 0 : i32
    %scan3A_67 = arith.constant 0 : i32
    %scan3A_68 = arith.constant 48 : i32
    %scan3A_69 = arith.addi %scan3A_67, %scan3A_68 : i32
    %scan3A_70 = arith.constant 4 : i32
    scf.for %scan3A_222 = %scan3A_67 to %scan3A_69 step %scan3A_70  : i32 {
      %mul3A_223 = arith.constant 16 : i32
      %mul3A_224 = arith.muli %scan3A_222, %mul3A_223 : i32
      %add3A_225 = arith.constant 0 : i32
      %add3A_226 = arith.addi %add3A_225, %mul3A_224 : i32
      %get3A_227 = arith.index_cast %add3A_226 : i32 to index
      %get3A_228 = tpu.vector_load %arg18[%get3A_227] {strides = array<i32>} : memref<1600xi32, #tpu.memory_space<vmem>>, vector<16xi32>,
      %mul3A_229 = arith.constant 400 : i32
      %mul3A_230 = vector.broadcast %mul3A_229 : i32 to vector<16xi32>
      %mul3A_231 = arith.muli %get3A_228, %mul3A_230 : vector<16xi32>
      %get3A_232 = arith.index_cast %add3A_226 : i32 to index
      %get3A_233 = tpu.vector_load %arg20[%get3A_232] {strides = array<i32>} : memref<1600xi32, #tpu.memory_space<vmem>>, vector<16xi32>,
      %add3A_234 = arith.addi %mul3A_231, %get3A_233 : vector<16xi32>
      %swap3A_235 = arith.index_cast %add3A_226 : i32 to index
      %swap3A_236 = tpu.vector_load %arg22[%swap3A_235] {strides = array<i32>} : memref<1600xi32, #tpu.memory_space<vmem>>, vector<16xi32>,
      tpu.vector_store %arg22[%swap3A_235], %add3A_234 {strides = array<i32>} : memref<1600xi32, #tpu.memory_space<vmem>>, vector<16xi32>,
      %scan3A_237 = arith.constant 1 : i32
      %scan3A_238 = arith.addi %scan3A_222, %scan3A_237 : i32
      %mul3A_239 = arith.constant 16 : i32
      %mul3A_240 = arith.muli %scan3A_238, %mul3A_239 : i32
      %add3A_241 = arith.constant 0 : i32
      %add3A_242 = arith.addi %add3A_241, %mul3A_240 : i32
      %get3A_243 = arith.index_cast %add3A_242 : i32 to index
      %get3A_244 = tpu.vector_load %arg18[%get3A_243] {strides = array<i32>} : memref<1600xi32, #tpu.memory_space<vmem>>, vector<16xi32>,
      %mul3A_245 = arith.constant 400 : i32
      %mul3A_246 = vector.broadcast %mul3A_245 : i32 to vector<16xi32>
      %mul3A_247 = arith.muli %get3A_244, %mul3A_246 : vector<16xi32>
      %get3A_248 = arith.index_cast %add3A_242 : i32 to index
      %get3A_249 = tpu.vector_load %arg20[%get3A_248] {strides = array<i32>} : memref<1600xi32, #tpu.memory_space<vmem>>, vector<16xi32>,
      %add3A_250 = arith.addi %mul3A_247, %get3A_249 : vector<16xi32>
      %swap3A_251 = arith.index_cast %add3A_242 : i32 to index
      %swap3A_252 = tpu.vector_load %arg22[%swap3A_251] {strides = array<i32>} : memref<1600xi32, #tpu.memory_space<vmem>>, vector<16xi32>,
      tpu.vector_store %arg22[%swap3A_251], %add3A_250 {strides = array<i32>} : memref<1600xi32, #tpu.memory_space<vmem>>, vector<16xi32>,
      %scan3A_253 = arith.constant 2 : i32
      %scan3A_254 = arith.addi %scan3A_222, %scan3A_253 : i32
      %mul3A_255 = arith.constant 16 : i32
      %mul3A_256 = arith.muli %scan3A_254, %mul3A_255 : i32
      %add3A_257 = arith.constant 0 : i32
      %add3A_258 = arith.addi %add3A_257, %mul3A_256 : i32
      %get3A_259 = arith.index_cast %add3A_258 : i32 to index
      %get3A_260 = tpu.vector_load %arg18[%get3A_259] {strides = array<i32>} : memref<1600xi32, #tpu.memory_space<vmem>>, vector<16xi32>,
      %mul3A_261 = arith.constant 400 : i32
      %mul3A_262 = vector.broadcast %mul3A_261 : i32 to vector<16xi32>
      %mul3A_263 = arith.muli %get3A_260, %mul3A_262 : vector<16xi32>
      %get3A_264 = arith.index_cast %add3A_258 : i32 to index
      %get3A_265 = tpu.vector_load %arg20[%get3A_264] {strides = array<i32>} : memref<1600xi32, #tpu.memory_space<vmem>>, vector<16xi32>,
      %add3A_266 = arith.addi %mul3A_263, %get3A_265 : vector<16xi32>
      %swap3A_267 = arith.index_cast %add3A_258 : i32 to index
      %swap3A_268 = tpu.vector_load %arg22[%swap3A_267] {strides = array<i32>} : memref<1600xi32, #tpu.memory_space<vmem>>, vector<16xi32>,
      tpu.vector_store %arg22[%swap3A_267], %add3A_266 {strides = array<i32>} : memref<1600xi32, #tpu.memory_space<vmem>>, vector<16xi32>,
      %scan3A_269 = arith.constant 3 : i32
      %scan3A_270 = arith.addi %scan3A_222, %scan3A_269 : i32
      %mul3A_271 = arith.constant 16 : i32
      %mul3A_272 = arith.muli %scan3A_270, %mul3A_271 : i32
      %add3A_273 = arith.constant 0 : i32
      %add3A_274 = arith.addi %add3A_273, %mul3A_272 : i32
      %get3A_275 = arith.index_cast %add3A_274 : i32 to index
      %get3A_276 = tpu.vector_load %arg18[%get3A_275] {strides = array<i32>} : memref<1600xi32, #tpu.memory_space<vmem>>, vector<16xi32>,
      %mul3A_277 = arith.constant 400 : i32
      %mul3A_278 = vector.broadcast %mul3A_277 : i32 to vector<16xi32>
      %mul3A_279 = arith.muli %get3A_276, %mul3A_278 : vector<16xi32>
      %get3A_280 = arith.index_cast %add3A_274 : i32 to index
      %get3A_281 = tpu.vector_load %arg20[%get3A_280] {strides = array<i32>} : memref<1600xi32, #tpu.memory_space<vmem>>, vector<16xi32>,
      %add3A_282 = arith.addi %mul3A_279, %get3A_281 : vector<16xi32>
      %swap3A_283 = arith.index_cast %add3A_274 : i32 to index
      %swap3A_284 = tpu.vector_load %arg22[%swap3A_283] {strides = array<i32>} : memref<1600xi32, #tpu.memory_space<vmem>>, vector<16xi32>,
      tpu.vector_store %arg22[%swap3A_283], %add3A_282 {strides = array<i32>} : memref<1600xi32, #tpu.memory_space<vmem>>, vector<16xi32>,
    }
    %scan3A_71 = arith.constant 48 : i32
    %scan3A_72 = arith.addi %scan3A_67, %scan3A_71 : i32
    %mul3A_73 = arith.constant 16 : i32
    %mul3A_74 = arith.muli %scan3A_72, %mul3A_73 : i32
    %add3A_75 = arith.constant 0 : i32
    %add3A_76 = arith.addi %add3A_75, %mul3A_74 : i32
    %get3A = arith.index_cast %add3A_76 : i32 to index
    %get3A_77 = tpu.vector_load %arg18[%get3A] {strides = array<i32>} : memref<1600xi32, #tpu.memory_space<vmem>>, vector<16xi32>,
    %mul3A_78 = arith.constant 400 : i32
    %mul3A_79 = vector.broadcast %mul3A_78 : i32 to vector<16xi32>
    %mul3A_80 = arith.muli %get3A_77, %mul3A_79 : vector<16xi32>
    %get3A_81 = arith.index_cast %add3A_76 : i32 to index
    %get3A_82 = tpu.vector_load %arg20[%get3A_81] {strides = array<i32>} : memref<1600xi32, #tpu.memory_space<vmem>>, vector<16xi32>,
    %add3A_83 = arith.addi %mul3A_80, %get3A_82 : vector<16xi32>
    %swap3A = arith.index_cast %add3A_76 : i32 to index
    %swap3A_84 = tpu.vector_load %arg22[%swap3A] {strides = array<i32>} : memref<1600xi32, #tpu.memory_space<vmem>>, vector<16xi32>,
    tpu.vector_store %arg22[%swap3A], %add3A_83 {strides = array<i32>} : memref<1600xi32, #tpu.memory_space<vmem>>, vector<16xi32>,
    %scan3A_85 = arith.constant 49 : i32
    %scan3A_86 = arith.addi %scan3A_67, %scan3A_85 : i32
    %mul3A_87 = arith.constant 16 : i32
    %mul3A_88 = arith.muli %scan3A_86, %mul3A_87 : i32
    %add3A_89 = arith.constant 0 : i32
    %add3A_90 = arith.addi %add3A_89, %mul3A_88 : i32
    %get3A_91 = arith.index_cast %add3A_90 : i32 to index
    %get3A_92 = tpu.vector_load %arg18[%get3A_91] {strides = array<i32>} : memref<1600xi32, #tpu.memory_space<vmem>>, vector<16xi32>,
    %mul3A_93 = arith.constant 400 : i32
    %mul3A_94 = vector.broadcast %mul3A_93 : i32 to vector<16xi32>
    %mul3A_95 = arith.muli %get3A_92, %mul3A_94 : vector<16xi32>
    %get3A_96 = arith.index_cast %add3A_90 : i32 to index
    %get3A_97 = tpu.vector_load %arg20[%get3A_96] {strides = array<i32>} : memref<1600xi32, #tpu.memory_space<vmem>>, vector<16xi32>,
    %add3A_98 = arith.addi %mul3A_95, %get3A_97 : vector<16xi32>
    %swap3A_99 = arith.index_cast %add3A_90 : i32 to index
    %swap3A_100 = tpu.vector_load %arg22[%swap3A_99] {strides = array<i32>} : memref<1600xi32, #tpu.memory_space<vmem>>, vector<16xi32>,
    tpu.vector_store %arg22[%swap3A_99], %add3A_98 {strides = array<i32>} : memref<1600xi32, #tpu.memory_space<vmem>>, vector<16xi32>,
    %scan3A_101 = arith.constant 50 : i32
    %dma_start3A_102 = arith.constant 0 : i32
    %dma_start3A_103 = arith.constant 0 : i32
    %dma_start3A_104 = tpu.memref_slice %arg23[%dma_start3A_103] : memref<320xf32, #tpu.memory_space<vmem>> -> memref<80xf32, #tpu.memory_space<vmem>>
    %dma_start3A_105 = arith.constant 0 : i32
    %dma_start3A_106 = tpu.memref_slice %arg22[%dma_start3A_105] : memref<1600xi32, #tpu.memory_space<vmem>> -> memref<80xi32, #tpu.memory_space<vmem>>
    %dma_start3A_107 = arith.constant 0 : i32
    %dma_start3A_108 = tpu.memref_slice %arg6[%dma_start3A_107] : memref<4000000xf32, #tpu.memory_space<hbm>> -> memref<4000000xf32, #tpu.memory_space<hbm>>
    %dma_start3A_109 = tpu.memref_slice %arg32[%dma_start3A_102] : memref<4x!tpu.dma_semaphore, #tpu.memory_space<semaphore_mem>> -> memref<1x!tpu.dma_semaphore, #tpu.memory_space<semaphore_mem>>
    %dma_start3A_110 = tpu.memref_squeeze %dma_start3A_109 : memref<1x!tpu.dma_semaphore, #tpu.memory_space<semaphore_mem>> -> memref<!tpu.dma_semaphore, #tpu.memory_space<semaphore_mem>>
    tpu.enqueue_indirect_dma source(%dma_start3A_108 : memref<4000000xf32, #tpu.memory_space<hbm>>) target(%dma_start3A_104 : memref<80xf32, #tpu.memory_space<vmem>>) offsets(%dma_start3A_106 : memref<80xi32, #tpu.memory_space<vmem>>) semaphore(%dma_start3A_110 : memref<!tpu.dma_semaphore, #tpu.memory_space<semaphore_mem>>)
    %eq3A_111 = arith.constant 0 : i32
    %eq3A_112 = arith.cmpi eq, %arg0, %eq3A_111 : i32
    %convert_element_type3A_113 = arith.extui %eq3A_112 : i1 to i32
    %cond3A_114 = arith.constant 0 : i32
    %cond3A_115 = arith.constant 0 : i32
    %cond3A_116 = arith.cmpi ne, %convert_element_type3A_113, %cond3A_115 : i32
    scf.if %cond3A_116 {
      %dma_start3A_222 = arith.constant 0 : i32
      %dma_start3A_223 = arith.constant 0 : i32
      %dma_start3A_224 = tpu.memref_slice %arg27[%dma_start3A_222, %dma_start3A_223] : memref<320x64xf32, #tpu.memory_space<vmem>> -> memref<80x64xf32, #tpu.memory_space<vmem>>
      %dma_start3A_225 = arith.constant 0 : i32
      %dma_start3A_226 = tpu.memref_slice %arg18[%dma_start3A_225] : memref<1600xi32, #tpu.memory_space<vmem>> -> memref<80xi32, #tpu.memory_space<vmem>>
      %dma_start3A_227 = arith.constant 0 : i32
      %dma_start3A_228 = arith.constant 0 : i32
      %dma_start3A_229 = tpu.memref_slice %arg8[%dma_start3A_227, %dma_start3A_228] : memref<10000x64xf32, #tpu.memory_space<hbm>> -> memref<10000x64xf32, #tpu.memory_space<hbm>>
      %dma_start3A_230 = tpu.memref_slice %arg32[%cond3A_114] : memref<4x!tpu.dma_semaphore, #tpu.memory_space<semaphore_mem>> -> memref<1x!tpu.dma_semaphore, #tpu.memory_space<semaphore_mem>>
      %dma_start3A_231 = tpu.memref_squeeze %dma_start3A_230 : memref<1x!tpu.dma_semaphore, #tpu.memory_space<semaphore_mem>> -> memref<!tpu.dma_semaphore, #tpu.memory_space<semaphore_mem>>
      tpu.enqueue_indirect_dma source(%dma_start3A_229 : memref<10000x64xf32, #tpu.memory_space<hbm>>) target(%dma_start3A_224 : memref<80x64xf32, #tpu.memory_space<vmem>>) offsets(%dma_start3A_226 : memref<80xi32, #tpu.memory_space<vmem>>) semaphore(%dma_start3A_231 : memref<!tpu.dma_semaphore, #tpu.memory_space<semaphore_mem>>)
    } else {
    }
    %eq3A_117 = arith.constant 1 : i32
    %eq3A_118 = arith.cmpi eq, %arg0, %eq3A_117 : i32
    %convert_element_type3A_119 = arith.extui %eq3A_118 : i1 to i32
    %cond3A_120 = arith.constant 0 : i32
    %cond3A_121 = arith.constant 0 : i32
    %cond3A_122 = arith.cmpi ne, %convert_element_type3A_119, %cond3A_121 : i32
    scf.if %cond3A_122 {
      %dma_start3A_222 = arith.constant 0 : i32
      %dma_start3A_223 = arith.constant 0 : i32
      %dma_start3A_224 = tpu.memref_slice %arg27[%dma_start3A_222, %dma_start3A_223] : memref<320x64xf32, #tpu.memory_space<vmem>> -> memref<80x64xf32, #tpu.memory_space<vmem>>
      %dma_start3A_225 = arith.constant 0 : i32
      %dma_start3A_226 = tpu.memref_slice %arg18[%dma_start3A_225] : memref<1600xi32, #tpu.memory_space<vmem>> -> memref<80xi32, #tpu.memory_space<vmem>>
      %dma_start3A_227 = arith.constant 0 : i32
      %dma_start3A_228 = arith.constant 0 : i32
      %dma_start3A_229 = tpu.memref_slice %arg9[%dma_start3A_227, %dma_start3A_228] : memref<10000x64xf32, #tpu.memory_space<hbm>> -> memref<10000x64xf32, #tpu.memory_space<hbm>>
      %dma_start3A_230 = tpu.memref_slice %arg32[%cond3A_120] : memref<4x!tpu.dma_semaphore, #tpu.memory_space<semaphore_mem>> -> memref<1x!tpu.dma_semaphore, #tpu.memory_space<semaphore_mem>>
      %dma_start3A_231 = tpu.memref_squeeze %dma_start3A_230 : memref<1x!tpu.dma_semaphore, #tpu.memory_space<semaphore_mem>> -> memref<!tpu.dma_semaphore, #tpu.memory_space<semaphore_mem>>
      tpu.enqueue_indirect_dma source(%dma_start3A_229 : memref<10000x64xf32, #tpu.memory_space<hbm>>) target(%dma_start3A_224 : memref<80x64xf32, #tpu.memory_space<vmem>>) offsets(%dma_start3A_226 : memref<80xi32, #tpu.memory_space<vmem>>) semaphore(%dma_start3A_231 : memref<!tpu.dma_semaphore, #tpu.memory_space<semaphore_mem>>)
    } else {
    }
    %dma_start3A_123 = arith.constant 1 : i32
    %dma_start3A_124 = arith.constant 80 : i32
    %dma_start3A_125 = tpu.memref_slice %arg23[%dma_start3A_124] : memref<320xf32, #tpu.memory_space<vmem>> -> memref<80xf32, #tpu.memory_space<vmem>>
    %dma_start3A_126 = arith.constant 80 : i32
    %dma_start3A_127 = tpu.memref_slice %arg22[%dma_start3A_126] : memref<1600xi32, #tpu.memory_space<vmem>> -> memref<80xi32, #tpu.memory_space<vmem>>
    %dma_start3A_128 = arith.constant 0 : i32
    %dma_start3A_129 = tpu.memref_slice %arg6[%dma_start3A_128] : memref<4000000xf32, #tpu.memory_space<hbm>> -> memref<4000000xf32, #tpu.memory_space<hbm>>
    %dma_start3A_130 = tpu.memref_slice %arg32[%dma_start3A_123] : memref<4x!tpu.dma_semaphore, #tpu.memory_space<semaphore_mem>> -> memref<1x!tpu.dma_semaphore, #tpu.memory_space<semaphore_mem>>
    %dma_start3A_131 = tpu.memref_squeeze %dma_start3A_130 : memref<1x!tpu.dma_semaphore, #tpu.memory_space<semaphore_mem>> -> memref<!tpu.dma_semaphore, #tpu.memory_space<semaphore_mem>>
    tpu.enqueue_indirect_dma source(%dma_start3A_129 : memref<4000000xf32, #tpu.memory_space<hbm>>) target(%dma_start3A_125 : memref<80xf32, #tpu.memory_space<vmem>>) offsets(%dma_start3A_127 : memref<80xi32, #tpu.memory_space<vmem>>) semaphore(%dma_start3A_131 : memref<!tpu.dma_semaphore, #tpu.memory_space<semaphore_mem>>)
    %eq3A_132 = arith.constant 0 : i32
    %eq3A_133 = arith.cmpi eq, %arg0, %eq3A_132 : i32
    %convert_element_type3A_134 = arith.extui %eq3A_133 : i1 to i32
    %cond3A_135 = arith.constant 1 : i32
    %cond3A_136 = arith.constant 0 : i32
    %cond3A_137 = arith.cmpi ne, %convert_element_type3A_134, %cond3A_136 : i32
    scf.if %cond3A_137 {
      %dma_start3A_222 = arith.constant 80 : i32
      %dma_start3A_223 = arith.constant 0 : i32
      %dma_start3A_224 = tpu.memref_slice %arg27[%dma_start3A_222, %dma_start3A_223] : memref<320x64xf32, #tpu.memory_space<vmem>> -> memref<80x64xf32, #tpu.memory_space<vmem>>
      %dma_start3A_225 = arith.constant 80 : i32
      %dma_start3A_226 = tpu.memref_slice %arg18[%dma_start3A_225] : memref<1600xi32, #tpu.memory_space<vmem>> -> memref<80xi32, #tpu.memory_space<vmem>>
      %dma_start3A_227 = arith.constant 0 : i32
      %dma_start3A_228 = arith.constant 0 : i32
      %dma_start3A_229 = tpu.memref_slice %arg8[%dma_start3A_227, %dma_start3A_228] : memref<10000x64xf32, #tpu.memory_space<hbm>> -> memref<10000x64xf32, #tpu.memory_space<hbm>>
      %dma_start3A_230 = tpu.memref_slice %arg32[%cond3A_135] : memref<4x!tpu.dma_semaphore, #tpu.memory_space<semaphore_mem>> -> memref<1x!tpu.dma_semaphore, #tpu.memory_space<semaphore_mem>>
      %dma_start3A_231 = tpu.memref_squeeze %dma_start3A_230 : memref<1x!tpu.dma_semaphore, #tpu.memory_space<semaphore_mem>> -> memref<!tpu.dma_semaphore, #tpu.memory_space<semaphore_mem>>
      tpu.enqueue_indirect_dma source(%dma_start3A_229 : memref<10000x64xf32, #tpu.memory_space<hbm>>) target(%dma_start3A_224 : memref<80x64xf32, #tpu.memory_space<vmem>>) offsets(%dma_start3A_226 : memref<80xi32, #tpu.memory_space<vmem>>) semaphore(%dma_start3A_231 : memref<!tpu.dma_semaphore, #tpu.memory_space<semaphore_mem>>)
    } else {
    }
    %eq3A_138 = arith.constant 1 : i32
    %eq3A_139 = arith.cmpi eq, %arg0, %eq3A_138 : i32
    %convert_element_type3A_140 = arith.extui %eq3A_139 : i1 to i32
    %cond3A_141 = arith.constant 1 : i32
    %cond3A_142 = arith.constant 0 : i32
    %cond3A_143 = arith.cmpi ne, %convert_element_type3A_140, %cond3A_142 : i32
    scf.if %cond3A_143 {
      %dma_start3A_222 = arith.constant 80 : i32
      %dma_start3A_223 = arith.constant 0 : i32
      %dma_start3A_224 = tpu.memref_slice %arg27[%dma_start3A_222, %dma_start3A_223] : memref<320x64xf32, #tpu.memory_space<vmem>> -> memref<80x64xf32, #tpu.memory_space<vmem>>
      %dma_start3A_225 = arith.constant 80 : i32
      %dma_start3A_226 = tpu.memref_slice %arg18[%dma_start3A_225] : memref<1600xi32, #tpu.memory_space<vmem>> -> memref<80xi32, #tpu.memory_space<vmem>>
      %dma_start3A_227 = arith.constant 0 : i32
      %dma_start3A_228 = arith.constant 0 : i32
      %dma_start3A_229 = tpu.memref_slice %arg9[%dma_start3A_227, %dma_start3A_228] : memref<10000x64xf32, #tpu.memory_space<hbm>> -> memref<10000x64xf32, #tpu.memory_space<hbm>>
      %dma_start3A_230 = tpu.memref_slice %arg32[%cond3A_141] : memref<4x!tpu.dma_semaphore, #tpu.memory_space<semaphore_mem>> -> memref<1x!tpu.dma_semaphore, #tpu.memory_space<semaphore_mem>>
      %dma_start3A_231 = tpu.memref_squeeze %dma_start3A_230 : memref<1x!tpu.dma_semaphore, #tpu.memory_space<semaphore_mem>> -> memref<!tpu.dma_semaphore, #tpu.memory_space<semaphore_mem>>
      tpu.enqueue_indirect_dma source(%dma_start3A_229 : memref<10000x64xf32, #tpu.memory_space<hbm>>) target(%dma_start3A_224 : memref<80x64xf32, #tpu.memory_space<vmem>>) offsets(%dma_start3A_226 : memref<80xi32, #tpu.memory_space<vmem>>) semaphore(%dma_start3A_231 : memref<!tpu.dma_semaphore, #tpu.memory_space<semaphore_mem>>)
    } else {
    }
    %dma_start3A_144 = arith.constant 2 : i32
    %dma_start3A_145 = arith.constant 160 : i32
    %dma_start3A_146 = tpu.memref_slice %arg23[%dma_start3A_145] : memref<320xf32, #tpu.memory_space<vmem>> -> memref<80xf32, #tpu.memory_space<vmem>>
    %dma_start3A_147 = arith.constant 160 : i32
    %dma_start3A_148 = tpu.memref_slice %arg22[%dma_start3A_147] : memref<1600xi32, #tpu.memory_space<vmem>> -> memref<80xi32, #tpu.memory_space<vmem>>
    %dma_start3A_149 = arith.constant 0 : i32
    %dma_start3A_150 = tpu.memref_slice %arg6[%dma_start3A_149] : memref<4000000xf32, #tpu.memory_space<hbm>> -> memref<4000000xf32, #tpu.memory_space<hbm>>
    %dma_start3A_151 = tpu.memref_slice %arg32[%dma_start3A_144] : memref<4x!tpu.dma_semaphore, #tpu.memory_space<semaphore_mem>> -> memref<1x!tpu.dma_semaphore, #tpu.memory_space<semaphore_mem>>
    %dma_start3A_152 = tpu.memref_squeeze %dma_start3A_151 : memref<1x!tpu.dma_semaphore, #tpu.memory_space<semaphore_mem>> -> memref<!tpu.dma_semaphore, #tpu.memory_space<semaphore_mem>>
    tpu.enqueue_indirect_dma source(%dma_start3A_150 : memref<4000000xf32, #tpu.memory_space<hbm>>) target(%dma_start3A_146 : memref<80xf32, #tpu.memory_space<vmem>>) offsets(%dma_start3A_148 : memref<80xi32, #tpu.memory_space<vmem>>) semaphore(%dma_start3A_152 : memref<!tpu.dma_semaphore, #tpu.memory_space<semaphore_mem>>)
    %eq3A_153 = arith.constant 0 : i32
    %eq3A_154 = arith.cmpi eq, %arg0, %eq3A_153 : i32
    %convert_element_type3A_155 = arith.extui %eq3A_154 : i1 to i32
    %cond3A_156 = arith.constant 2 : i32
    %cond3A_157 = arith.constant 0 : i32
    %cond3A_158 = arith.cmpi ne, %convert_element_type3A_155, %cond3A_157 : i32
    scf.if %cond3A_158 {
      %dma_start3A_222 = arith.constant 160 : i32
      %dma_start3A_223 = arith.constant 0 : i32
      %dma_start3A_224 = tpu.memref_slice %arg27[%dma_start3A_222, %dma_start3A_223] : memref<320x64xf32, #tpu.memory_space<vmem>> -> memref<80x64xf32, #tpu.memory_space<vmem>>
      %dma_start3A_225 = arith.constant 160 : i32
      %dma_start3A_226 = tpu.memref_slice %arg18[%dma_start3A_225] : memref<1600xi32, #tpu.memory_space<vmem>> -> memref<80xi32, #tpu.memory_space<vmem>>
      %dma_start3A_227 = arith.constant 0 : i32
      %dma_start3A_228 = arith.constant 0 : i32
      %dma_start3A_229 = tpu.memref_slice %arg8[%dma_start3A_227, %dma_start3A_228] : memref<10000x64xf32, #tpu.memory_space<hbm>> -> memref<10000x64xf32, #tpu.memory_space<hbm>>
      %dma_start3A_230 = tpu.memref_slice %arg32[%cond3A_156] : memref<4x!tpu.dma_semaphore, #tpu.memory_space<semaphore_mem>> -> memref<1x!tpu.dma_semaphore, #tpu.memory_space<semaphore_mem>>
      %dma_start3A_231 = tpu.memref_squeeze %dma_start3A_230 : memref<1x!tpu.dma_semaphore, #tpu.memory_space<semaphore_mem>> -> memref<!tpu.dma_semaphore, #tpu.memory_space<semaphore_mem>>
      tpu.enqueue_indirect_dma source(%dma_start3A_229 : memref<10000x64xf32, #tpu.memory_space<hbm>>) target(%dma_start3A_224 : memref<80x64xf32, #tpu.memory_space<vmem>>) offsets(%dma_start3A_226 : memref<80xi32, #tpu.memory_space<vmem>>) semaphore(%dma_start3A_231 : memref<!tpu.dma_semaphore, #tpu.memory_space<semaphore_mem>>)
    } else {
    }
    %eq3A_159 = arith.constant 1 : i32
    %eq3A_160 = arith.cmpi eq, %arg0, %eq3A_159 : i32
    %convert_element_type3A_161 = arith.extui %eq3A_160 : i1 to i32
    %cond3A_162 = arith.constant 2 : i32
    %cond3A_163 = arith.constant 0 : i32
    %cond3A_164 = arith.cmpi ne, %convert_element_type3A_161, %cond3A_163 : i32
    scf.if %cond3A_164 {
      %dma_start3A_222 = arith.constant 160 : i32
      %dma_start3A_223 = arith.constant 0 : i32
      %dma_start3A_224 = tpu.memref_slice %arg27[%dma_start3A_222, %dma_start3A_223] : memref<320x64xf32, #tpu.memory_space<vmem>> -> memref<80x64xf32, #tpu.memory_space<vmem>>
      %dma_start3A_225 = arith.constant 160 : i32
      %dma_start3A_226 = tpu.memref_slice %arg18[%dma_start3A_225] : memref<1600xi32, #tpu.memory_space<vmem>> -> memref<80xi32, #tpu.memory_space<vmem>>
      %dma_start3A_227 = arith.constant 0 : i32
      %dma_start3A_228 = arith.constant 0 : i32
      %dma_start3A_229 = tpu.memref_slice %arg9[%dma_start3A_227, %dma_start3A_228] : memref<10000x64xf32, #tpu.memory_space<hbm>> -> memref<10000x64xf32, #tpu.memory_space<hbm>>
      %dma_start3A_230 = tpu.memref_slice %arg32[%cond3A_162] : memref<4x!tpu.dma_semaphore, #tpu.memory_space<semaphore_mem>> -> memref<1x!tpu.dma_semaphore, #tpu.memory_space<semaphore_mem>>
      %dma_start3A_231 = tpu.memref_squeeze %dma_start3A_230 : memref<1x!tpu.dma_semaphore, #tpu.memory_space<semaphore_mem>> -> memref<!tpu.dma_semaphore, #tpu.memory_space<semaphore_mem>>
      tpu.enqueue_indirect_dma source(%dma_start3A_229 : memref<10000x64xf32, #tpu.memory_space<hbm>>) target(%dma_start3A_224 : memref<80x64xf32, #tpu.memory_space<vmem>>) offsets(%dma_start3A_226 : memref<80xi32, #tpu.memory_space<vmem>>) semaphore(%dma_start3A_231 : memref<!tpu.dma_semaphore, #tpu.memory_space<semaphore_mem>>)
    } else {
    }
    %scan3A_165 = arith.constant 0 : i32
    %scan3A_166 = arith.constant 0 : i32
    %scan3A_167 = arith.constant 250 : i32
    %scan3A_168 = arith.addi %scan3A_166, %scan3A_167 : i32
    %scan3A_169 = arith.constant 1 : i32
    scf.for %scan3A_222 = %scan3A_166 to %scan3A_168 step %scan3A_169  : i32 {
      %jit3A = arith.constant 2 : i32
      %eq3A_223 = arith.constant 0 : i32
      %eq3A_224 = arith.cmpi eq, %jit3A, %eq3A_223 : i32
      %jit3A_225 = arith.constant 1 : i32
      %select_n3A = arith.select %eq3A_224, %jit3A_225, %jit3A : i32
      %rem3A = arith.remsi %scan3A_222, %select_n3A : i32
      %ne3A = arith.constant 0 : i32
      %ne3A_226 = arith.cmpi ne, %rem3A, %ne3A : i32
      %lt3A = arith.constant 0 : i32
      %lt3A_227 = arith.cmpi slt, %rem3A, %lt3A : i32
      %lt3A_228 = arith.constant 0 : i32
      %lt3A_229 = arith.cmpi slt, %select_n3A, %lt3A_228 : i32
      %ne3A_230 = arith.xori %lt3A_227, %lt3A_229 : i1
      %and3A_231 = arith.andi %ne3A_230, %ne3A_226 : i1
      %add3A_232 = arith.addi %rem3A, %select_n3A : i32
      %select_n3A_233 = arith.select %and3A_231, %add3A_232, %rem3A : i32
      %jit3A_234 = arith.constant 10 : i32
      %div3A = arith.divsi %scan3A_222, %jit3A_234 : i32
      %sign3A = arith.constant 0 : i32
      %sign3A_235 = arith.cmpi sgt, %scan3A_222, %sign3A : i32
      %sign3A_236 = arith.extui %sign3A_235 : i1 to i32
      %sign3A_237 = arith.constant 0 : i32
      %sign3A_238 = arith.cmpi slt, %scan3A_222, %sign3A_237 : i32
      %sign3A_239 = arith.extui %sign3A_238 : i1 to i32
      %sign3A_240 = arith.subi %sign3A_236, %sign3A_239 : i32
      %sign3A_241 = arith.constant 0 : i32
      %sign3A_242 = arith.cmpi sgt, %jit3A_234, %sign3A_241 : i32
      %sign3A_243 = arith.extui %sign3A_242 : i1 to i32
      %sign3A_244 = arith.constant 0 : i32
      %sign3A_245 = arith.cmpi slt, %jit3A_234, %sign3A_244 : i32
      %sign3A_246 = arith.extui %sign3A_245 : i1 to i32
      %sign3A_247 = arith.subi %sign3A_243, %sign3A_246 : i32
      %ne3A_248 = arith.cmpi ne, %sign3A_240, %sign3A_247 : i32
      %rem3A_249 = arith.remsi %scan3A_222, %jit3A_234 : i32
      %ne3A_250 = arith.constant 0 : i32
      %ne3A_251 = arith.cmpi ne, %rem3A_249, %ne3A_250 : i32
      %and3A_252 = arith.andi %ne3A_248, %ne3A_251 : i1
      %sub3A = arith.constant 1 : i32
      %sub3A_253 = arith.subi %div3A, %sub3A : i32
      %select_n3A_254 = arith.select %and3A_252, %sub3A_253, %div3A : i32
      %jit3A_255 = arith.constant 2 : i32
      %eq3A_256 = arith.constant 0 : i32
      %eq3A_257 = arith.cmpi eq, %jit3A_255, %eq3A_256 : i32
      %jit3A_258 = arith.constant 1 : i32
      %select_n3A_259 = arith.select %eq3A_257, %jit3A_258, %jit3A_255 : i32
      %rem3A_260 = arith.remsi %select_n3A_254, %select_n3A_259 : i32
      %ne3A_261 = arith.constant 0 : i32
      %ne3A_262 = arith.cmpi ne, %rem3A_260, %ne3A_261 : i32
      %lt3A_263 = arith.constant 0 : i32
      %lt3A_264 = arith.cmpi slt, %rem3A_260, %lt3A_263 : i32
      %lt3A_265 = arith.constant 0 : i32
      %lt3A_266 = arith.cmpi slt, %select_n3A_259, %lt3A_265 : i32
      %ne3A_267 = arith.xori %lt3A_264, %lt3A_266 : i1
      %and3A_268 = arith.andi %ne3A_267, %ne3A_262 : i1
      %add3A_269 = arith.addi %rem3A_260, %select_n3A_259 : i32
      %select_n3A_270 = arith.select %and3A_268, %add3A_269, %rem3A_260 : i32
      %jit3A_271 = arith.constant 10 : i32
      %eq3A_272 = arith.constant 0 : i32
      %eq3A_273 = arith.cmpi eq, %jit3A_271, %eq3A_272 : i32
      %jit3A_274 = arith.constant 1 : i32
      %select_n3A_275 = arith.select %eq3A_273, %jit3A_274, %jit3A_271 : i32
      %rem3A_276 = arith.remsi %scan3A_222, %select_n3A_275 : i32
      %ne3A_277 = arith.constant 0 : i32
      %ne3A_278 = arith.cmpi ne, %rem3A_276, %ne3A_277 : i32
      %lt3A_279 = arith.constant 0 : i32
      %lt3A_280 = arith.cmpi slt, %rem3A_276, %lt3A_279 : i32
      %lt3A_281 = arith.constant 0 : i32
      %lt3A_282 = arith.cmpi slt, %select_n3A_275, %lt3A_281 : i32
      %ne3A_283 = arith.xori %lt3A_280, %lt3A_282 : i1
      %and3A_284 = arith.andi %ne3A_283, %ne3A_278 : i1
      %add3A_285 = arith.addi %rem3A_276, %select_n3A_275 : i32
      %select_n3A_286 = arith.select %and3A_284, %add3A_285, %rem3A_276 : i32
      %mul3A_287 = arith.constant 800 : i32
      %mul3A_288 = arith.muli %select_n3A_270, %mul3A_287 : i32
      %mul3A_289 = arith.constant 80 : i32
      %mul3A_290 = arith.muli %select_n3A_286, %mul3A_289 : i32
      %add3A_291 = arith.addi %mul3A_288, %mul3A_290 : i32
      %eq3A_292 = arith.constant 0 : i32
      %eq3A_293 = arith.cmpi eq, %select_n3A_286, %eq3A_292 : i32
      %add3A_294 = arith.constant 1 : i32
      %add3A_295 = arith.addi %select_n3A_254, %add3A_294 : i32
      %lt3A_296 = arith.constant 25 : i32
      %lt3A_297 = arith.cmpi slt, %add3A_295, %lt3A_296 : i32
      %and3A_298 = arith.andi %eq3A_293, %lt3A_297 : i1
      %convert_element_type3A_299 = arith.extui %and3A_298 : i1 to i32
      %cond3A_300 = arith.constant 0 : i32
      %cond3A_301 = arith.cmpi ne, %convert_element_type3A_299, %cond3A_300 : i32
      scf.if %cond3A_301 {
        %add3A_727 = arith.constant 1 : i32
        %add3A_728 = arith.addi %select_n3A_254, %add3A_727 : i32
        %sub3A_729 = arith.constant 1 : i32
        %sub3A_730 = arith.subi %sub3A_729, %select_n3A_270 : i32
        %mul3A_731 = arith.constant 800 : i32
        %mul3A_732 = arith.muli %add3A_728, %mul3A_731 : i32
        %add3A_733 = arith.addi %mul3A_16, %mul3A_732 : i32
        %multiple_of3A_734 = tpu.assume_multiple %add3A_733, 8 : i32
        %mul3A_735 = arith.constant 800 : i32
        %mul3A_736 = arith.muli %sub3A_730, %mul3A_735 : i32
        %dma_start3A_737 = tpu.memref_slice %arg18[%mul3A_736] : memref<1600xi32, #tpu.memory_space<vmem>> -> memref<800xi32, #tpu.memory_space<vmem>>
        %dma_start3A_738 = tpu.memref_slice %arg2[%multiple_of3A_734] : memref<320000xi32, #tpu.memory_space<hbm>> -> memref<800xi32, #tpu.memory_space<hbm>>
        %dma_start3A_739 = tpu.memref_slice %arg18[%mul3A_736] : memref<1600xi32, #tpu.memory_space<vmem>> -> memref<800xi32, #tpu.memory_space<vmem>>
        %dma_start3A_740 = tpu.memref_slice %arg2[%multiple_of3A_734] : memref<320000xi32, #tpu.memory_space<hbm>> -> memref<800xi32, #tpu.memory_space<hbm>>
        tpu.enqueue_dma source(%dma_start3A_740 : memref<800xi32, #tpu.memory_space<hbm>>) target(%dma_start3A_739 : memref<800xi32, #tpu.memory_space<vmem>>) target_semaphore(%arg31 : memref<!tpu.dma_semaphore, #tpu.memory_space<semaphore_mem>>)
        %dma_start3A_741 = tpu.memref_slice %arg19[%mul3A_736] : memref<1600xi32, #tpu.memory_space<vmem>> -> memref<800xi32, #tpu.memory_space<vmem>>
        %dma_start3A_742 = tpu.memref_slice %arg3[%multiple_of3A_734] : memref<320000xi32, #tpu.memory_space<hbm>> -> memref<800xi32, #tpu.memory_space<hbm>>
        %dma_start3A_743 = tpu.memref_slice %arg19[%mul3A_736] : memref<1600xi32, #tpu.memory_space<vmem>> -> memref<800xi32, #tpu.memory_space<vmem>>
        %dma_start3A_744 = tpu.memref_slice %arg3[%multiple_of3A_734] : memref<320000xi32, #tpu.memory_space<hbm>> -> memref<800xi32, #tpu.memory_space<hbm>>
        tpu.enqueue_dma source(%dma_start3A_744 : memref<800xi32, #tpu.memory_space<hbm>>) target(%dma_start3A_743 : memref<800xi32, #tpu.memory_space<vmem>>) target_semaphore(%arg31 : memref<!tpu.dma_semaphore, #tpu.memory_space<semaphore_mem>>)
        %dma_start3A_745 = tpu.memref_slice %arg20[%mul3A_736] : memref<1600xi32, #tpu.memory_space<vmem>> -> memref<800xi32, #tpu.memory_space<vmem>>
        %dma_start3A_746 = tpu.memref_slice %arg4[%multiple_of3A_734] : memref<320000xi32, #tpu.memory_space<hbm>> -> memref<800xi32, #tpu.memory_space<hbm>>
        %dma_start3A_747 = tpu.memref_slice %arg20[%mul3A_736] : memref<1600xi32, #tpu.memory_space<vmem>> -> memref<800xi32, #tpu.memory_space<vmem>>
        %dma_start3A_748 = tpu.memref_slice %arg4[%multiple_of3A_734] : memref<320000xi32, #tpu.memory_space<hbm>> -> memref<800xi32, #tpu.memory_space<hbm>>
        tpu.enqueue_dma source(%dma_start3A_748 : memref<800xi32, #tpu.memory_space<hbm>>) target(%dma_start3A_747 : memref<800xi32, #tpu.memory_space<vmem>>) target_semaphore(%arg31 : memref<!tpu.dma_semaphore, #tpu.memory_space<semaphore_mem>>)
        %dma_start3A_749 = tpu.memref_slice %arg21[%mul3A_736] : memref<1600xf32, #tpu.memory_space<vmem>> -> memref<800xf32, #tpu.memory_space<vmem>>
        %dma_start3A_750 = tpu.memref_slice %arg5[%multiple_of3A_734] : memref<320000xf32, #tpu.memory_space<hbm>> -> memref<800xf32, #tpu.memory_space<hbm>>
        %dma_start3A_751 = tpu.memref_slice %arg21[%mul3A_736] : memref<1600xf32, #tpu.memory_space<vmem>> -> memref<800xf32, #tpu.memory_space<vmem>>
        %dma_start3A_752 = tpu.memref_slice %arg5[%multiple_of3A_734] : memref<320000xf32, #tpu.memory_space<hbm>> -> memref<800xf32, #tpu.memory_space<hbm>>
        tpu.enqueue_dma source(%dma_start3A_752 : memref<800xf32, #tpu.memory_space<hbm>>) target(%dma_start3A_751 : memref<800xf32, #tpu.memory_space<vmem>>) target_semaphore(%arg31 : memref<!tpu.dma_semaphore, #tpu.memory_space<semaphore_mem>>)
      } else {
      }
      %ge3A = arith.constant 2 : i32
      %ge3A_302 = arith.cmpi sge, %scan3A_222, %ge3A : i32
      %convert_element_type3A_303 = arith.extui %ge3A_302 : i1 to i32
      %cond3A_304 = arith.constant 0 : i32
      %cond3A_305 = arith.cmpi ne, %convert_element_type3A_303, %cond3A_304 : i32
      scf.if %cond3A_305 {
        %mul3A_727 = arith.constant 80 : i32
        %mul3A_728 = arith.muli %select_n3A_233, %mul3A_727 : i32
        %dma_wait3A_729 = arith.constant 0 : i32
        %dma_wait3A_730 = tpu.memref_slice %arg28[%mul3A_728, %dma_wait3A_729] : memref<160x64xf32, #tpu.memory_space<vmem>> -> memref<80x64xf32, #tpu.memory_space<vmem>>
        %dma_wait3A_731 = arith.constant 0 : i32
        %dma_wait3A_732 = tpu.memref_slice %arg24[%select_n3A_233, %dma_wait3A_731] : memref<2x80xi32, #tpu.memory_space<vmem>> -> memref<1x80xi32, #tpu.memory_space<vmem>>
        %dma_wait3A_733 = tpu.memref_squeeze %dma_wait3A_732 : memref<1x80xi32, #tpu.memory_space<vmem>> -> memref<80xi32, #tpu.memory_space<vmem>>
        %dma_wait3A_734 = arith.constant 0 : i32
        %dma_wait3A_735 = arith.constant 0 : i32
        %dma_wait3A_736 = tpu.memref_slice %arg29[%dma_wait3A_734, %dma_wait3A_735] : memref<10240x64xf32, #tpu.memory_space<vmem_shared>> -> memref<10240x64xf32, #tpu.memory_space<vmem_shared>>
        %dma_wait3A_737 = tpu.memref_slice %arg33[%select_n3A_233] : memref<2x!tpu.dma_semaphore, #tpu.memory_space<semaphore_mem>> -> memref<1x!tpu.dma_semaphore, #tpu.memory_space<semaphore_mem>>
        %dma_wait3A_738 = tpu.memref_squeeze %dma_wait3A_737 : memref<1x!tpu.dma_semaphore, #tpu.memory_space<semaphore_mem>> -> memref<!tpu.dma_semaphore, #tpu.memory_space<semaphore_mem>>
        tpu.wait_indirect_dma semaphore(%dma_wait3A_738 : memref<!tpu.dma_semaphore, #tpu.memory_space<semaphore_mem>>) src(%dma_wait3A_730 : memref<80x64xf32, #tpu.memory_space<vmem>>) dst(%dma_wait3A_736 : memref<10240x64xf32, #tpu.memory_space<vmem_shared>>)
        %eq3A_739 = arith.constant 0 : i32
        %eq3A_740 = arith.cmpi eq, %arg0, %eq3A_739 : i32
        %convert_element_type3A_741 = arith.extui %eq3A_740 : i1 to i32
        %cond3A_742 = arith.constant 0 : i32
        %cond3A_743 = arith.cmpi ne, %convert_element_type3A_741, %cond3A_742 : i32
        scf.if %cond3A_743 {
          %dma_wait3A_744 = arith.constant 0 : i32
          %dma_wait3A_745 = tpu.memref_slice %arg25[%select_n3A_233, %dma_wait3A_744] : memref<2x80xf32, #tpu.memory_space<vmem>> -> memref<1x80xf32, #tpu.memory_space<vmem>>
          %dma_wait3A_746 = tpu.memref_squeeze %dma_wait3A_745 : memref<1x80xf32, #tpu.memory_space<vmem>> -> memref<80xf32, #tpu.memory_space<vmem>>
          %dma_wait3A_747 = arith.constant 0 : i32
          %dma_wait3A_748 = tpu.memref_slice %arg24[%select_n3A_233, %dma_wait3A_747] : memref<2x80xi32, #tpu.memory_space<vmem>> -> memref<1x80xi32, #tpu.memory_space<vmem>>
          %dma_wait3A_749 = tpu.memref_squeeze %dma_wait3A_748 : memref<1x80xi32, #tpu.memory_space<vmem>> -> memref<80xi32, #tpu.memory_space<vmem>>
          %dma_wait3A_750 = arith.constant 0 : i32
          %dma_wait3A_751 = tpu.memref_slice %arg30[%dma_wait3A_750] : memref<10240xf32, #tpu.memory_space<vmem_shared>> -> memref<10240xf32, #tpu.memory_space<vmem_shared>>
          %dma_wait3A_752 = tpu.memref_slice %arg33[%select_n3A_233] : memref<2x!tpu.dma_semaphore, #tpu.memory_space<semaphore_mem>> -> memref<1x!tpu.dma_semaphore, #tpu.memory_space<semaphore_mem>>
          %dma_wait3A_753 = tpu.memref_squeeze %dma_wait3A_752 : memref<1x!tpu.dma_semaphore, #tpu.memory_space<semaphore_mem>> -> memref<!tpu.dma_semaphore, #tpu.memory_space<semaphore_mem>>
          tpu.wait_indirect_dma semaphore(%dma_wait3A_753 : memref<!tpu.dma_semaphore, #tpu.memory_space<semaphore_mem>>) src(%dma_wait3A_746 : memref<80xf32, #tpu.memory_space<vmem>>) dst(%dma_wait3A_751 : memref<10240xf32, #tpu.memory_space<vmem_shared>>)
        } else {
        }
      } else {
      }
      %eq3A_306 = arith.constant 6 : i32
      %eq3A_307 = arith.cmpi eq, %select_n3A_286, %eq3A_306 : i32
      %add3A_308 = arith.constant 1 : i32
      %add3A_309 = arith.addi %select_n3A_254, %add3A_308 : i32
      %lt3A_310 = arith.constant 25 : i32
      %lt3A_311 = arith.cmpi slt, %add3A_309, %lt3A_310 : i32
      %and3A_312 = arith.andi %eq3A_307, %lt3A_311 : i1
      %convert_element_type3A_313 = arith.extui %and3A_312 : i1 to i32
      %cond3A_314 = arith.constant 0 : i32
      %cond3A_315 = arith.cmpi ne, %convert_element_type3A_313, %cond3A_314 : i32
      scf.if %cond3A_315 {
        %add3A_727 = arith.constant 1 : i32
        %add3A_728 = arith.addi %select_n3A_254, %add3A_727 : i32
        %sub3A_729 = arith.constant 1 : i32
        %sub3A_730 = arith.subi %sub3A_729, %select_n3A_270 : i32
        %mul3A_731 = arith.constant 800 : i32
        %mul3A_732 = arith.muli %add3A_728, %mul3A_731 : i32
        %add3A_733 = arith.addi %mul3A_16, %mul3A_732 : i32
        %multiple_of3A_734 = tpu.assume_multiple %add3A_733, 8 : i32
        %mul3A_735 = arith.constant 800 : i32
        %mul3A_736 = arith.muli %sub3A_730, %mul3A_735 : i32
        %dma_wait3A_737 = tpu.memref_slice %arg18[%mul3A_736] : memref<1600xi32, #tpu.memory_space<vmem>> -> memref<800xi32, #tpu.memory_space<vmem>>
        %dma_wait3A_738 = tpu.memref_slice %arg2[%multiple_of3A_734] : memref<320000xi32, #tpu.memory_space<hbm>> -> memref<800xi32, #tpu.memory_space<hbm>>
        %dma_wait3A_739 = tpu.memref_slice %arg18[%mul3A_736] : memref<1600xi32, #tpu.memory_space<vmem>> -> memref<800xi32, #tpu.memory_space<vmem>>
        %dma_wait3A_740 = tpu.memref_slice %arg2[%multiple_of3A_734] : memref<320000xi32, #tpu.memory_space<hbm>> -> memref<800xi32, #tpu.memory_space<hbm>>
        tpu.wait_dma2 semaphore(%arg31 : memref<!tpu.dma_semaphore, #tpu.memory_space<semaphore_mem>>) src(%dma_wait3A_740 : memref<800xi32, #tpu.memory_space<hbm>>) dst(%dma_wait3A_739 : memref<800xi32, #tpu.memory_space<vmem>>)
        %dma_wait3A_741 = tpu.memref_slice %arg19[%mul3A_736] : memref<1600xi32, #tpu.memory_space<vmem>> -> memref<800xi32, #tpu.memory_space<vmem>>
        %dma_wait3A_742 = tpu.memref_slice %arg3[%multiple_of3A_734] : memref<320000xi32, #tpu.memory_space<hbm>> -> memref<800xi32, #tpu.memory_space<hbm>>
        %dma_wait3A_743 = tpu.memref_slice %arg19[%mul3A_736] : memref<1600xi32, #tpu.memory_space<vmem>> -> memref<800xi32, #tpu.memory_space<vmem>>
        %dma_wait3A_744 = tpu.memref_slice %arg3[%multiple_of3A_734] : memref<320000xi32, #tpu.memory_space<hbm>> -> memref<800xi32, #tpu.memory_space<hbm>>
        tpu.wait_dma2 semaphore(%arg31 : memref<!tpu.dma_semaphore, #tpu.memory_space<semaphore_mem>>) src(%dma_wait3A_744 : memref<800xi32, #tpu.memory_space<hbm>>) dst(%dma_wait3A_743 : memref<800xi32, #tpu.memory_space<vmem>>)
        %dma_wait3A_745 = tpu.memref_slice %arg20[%mul3A_736] : memref<1600xi32, #tpu.memory_space<vmem>> -> memref<800xi32, #tpu.memory_space<vmem>>
        %dma_wait3A_746 = tpu.memref_slice %arg4[%multiple_of3A_734] : memref<320000xi32, #tpu.memory_space<hbm>> -> memref<800xi32, #tpu.memory_space<hbm>>
        %dma_wait3A_747 = tpu.memref_slice %arg20[%mul3A_736] : memref<1600xi32, #tpu.memory_space<vmem>> -> memref<800xi32, #tpu.memory_space<vmem>>
        %dma_wait3A_748 = tpu.memref_slice %arg4[%multiple_of3A_734] : memref<320000xi32, #tpu.memory_space<hbm>> -> memref<800xi32, #tpu.memory_space<hbm>>
        tpu.wait_dma2 semaphore(%arg31 : memref<!tpu.dma_semaphore, #tpu.memory_space<semaphore_mem>>) src(%dma_wait3A_748 : memref<800xi32, #tpu.memory_space<hbm>>) dst(%dma_wait3A_747 : memref<800xi32, #tpu.memory_space<vmem>>)
        %dma_wait3A_749 = tpu.memref_slice %arg21[%mul3A_736] : memref<1600xf32, #tpu.memory_space<vmem>> -> memref<800xf32, #tpu.memory_space<vmem>>
        %dma_wait3A_750 = tpu.memref_slice %arg5[%multiple_of3A_734] : memref<320000xf32, #tpu.memory_space<hbm>> -> memref<800xf32, #tpu.memory_space<hbm>>
        %dma_wait3A_751 = tpu.memref_slice %arg21[%mul3A_736] : memref<1600xf32, #tpu.memory_space<vmem>> -> memref<800xf32, #tpu.memory_space<vmem>>
        %dma_wait3A_752 = tpu.memref_slice %arg5[%multiple_of3A_734] : memref<320000xf32, #tpu.memory_space<hbm>> -> memref<800xf32, #tpu.memory_space<hbm>>
        tpu.wait_dma2 semaphore(%arg31 : memref<!tpu.dma_semaphore, #tpu.memory_space<semaphore_mem>>) src(%dma_wait3A_752 : memref<800xf32, #tpu.memory_space<hbm>>) dst(%dma_wait3A_751 : memref<800xf32, #tpu.memory_space<vmem>>)
        %sub3A_753 = arith.constant 1 : i32
        %sub3A_754 = arith.subi %sub3A_753, %select_n3A_270 : i32
        %scan3A_755 = arith.constant 0 : i32
        %scan3A_756 = arith.constant 0 : i32
        %scan3A_757 = arith.constant 48 : i32
        %scan3A_758 = arith.addi %scan3A_756, %scan3A_757 : i32
        %scan3A_759 = arith.constant 4 : i32
        scf.for %scan3A_795 = %scan3A_756 to %scan3A_758 step %scan3A_759  : i32 {
          %mul3A_796 = arith.constant 800 : i32
          %mul3A_797 = arith.muli %sub3A_754, %mul3A_796 : i32
          %mul3A_798 = arith.constant 16 : i32
          %mul3A_799 = arith.muli %scan3A_795, %mul3A_798 : i32
          %add3A_800 = arith.addi %mul3A_797, %mul3A_799 : i32
          %get3A_801 = arith.index_cast %add3A_800 : i32 to index
          %get3A_802 = tpu.vector_load %arg18[%get3A_801] {strides = array<i32>} : memref<1600xi32, #tpu.memory_space<vmem>>, vector<16xi32>,
          %mul3A_803 = arith.constant 400 : i32
          %mul3A_804 = vector.broadcast %mul3A_803 : i32 to vector<16xi32>
          %mul3A_805 = arith.muli %get3A_802, %mul3A_804 : vector<16xi32>
          %get3A_806 = arith.index_cast %add3A_800 : i32 to index
          %get3A_807 = tpu.vector_load %arg20[%get3A_806] {strides = array<i32>} : memref<1600xi32, #tpu.memory_space<vmem>>, vector<16xi32>,
          %add3A_808 = arith.addi %mul3A_805, %get3A_807 : vector<16xi32>
          %swap3A_809 = arith.index_cast %add3A_800 : i32 to index
          %swap3A_810 = tpu.vector_load %arg22[%swap3A_809] {strides = array<i32>} : memref<1600xi32, #tpu.memory_space<vmem>>, vector<16xi32>,
          tpu.vector_store %arg22[%swap3A_809], %add3A_808 {strides = array<i32>} : memref<1600xi32, #tpu.memory_space<vmem>>, vector<16xi32>,
          %scan3A_811 = arith.constant 1 : i32
          %scan3A_812 = arith.addi %scan3A_795, %scan3A_811 : i32
          %mul3A_813 = arith.constant 800 : i32
          %mul3A_814 = arith.muli %sub3A_754, %mul3A_813 : i32
          %mul3A_815 = arith.constant 16 : i32
          %mul3A_816 = arith.muli %scan3A_812, %mul3A_815 : i32
          %add3A_817 = arith.addi %mul3A_814, %mul3A_816 : i32
          %get3A_818 = arith.index_cast %add3A_817 : i32 to index
          %get3A_819 = tpu.vector_load %arg18[%get3A_818] {strides = array<i32>} : memref<1600xi32, #tpu.memory_space<vmem>>, vector<16xi32>,
          %mul3A_820 = arith.constant 400 : i32
          %mul3A_821 = vector.broadcast %mul3A_820 : i32 to vector<16xi32>
          %mul3A_822 = arith.muli %get3A_819, %mul3A_821 : vector<16xi32>
          %get3A_823 = arith.index_cast %add3A_817 : i32 to index
          %get3A_824 = tpu.vector_load %arg20[%get3A_823] {strides = array<i32>} : memref<1600xi32, #tpu.memory_space<vmem>>, vector<16xi32>,
          %add3A_825 = arith.addi %mul3A_822, %get3A_824 : vector<16xi32>
          %swap3A_826 = arith.index_cast %add3A_817 : i32 to index
          %swap3A_827 = tpu.vector_load %arg22[%swap3A_826] {strides = array<i32>} : memref<1600xi32, #tpu.memory_space<vmem>>, vector<16xi32>,
          tpu.vector_store %arg22[%swap3A_826], %add3A_825 {strides = array<i32>} : memref<1600xi32, #tpu.memory_space<vmem>>, vector<16xi32>,
          %scan3A_828 = arith.constant 2 : i32
          %scan3A_829 = arith.addi %scan3A_795, %scan3A_828 : i32
          %mul3A_830 = arith.constant 800 : i32
          %mul3A_831 = arith.muli %sub3A_754, %mul3A_830 : i32
          %mul3A_832 = arith.constant 16 : i32
          %mul3A_833 = arith.muli %scan3A_829, %mul3A_832 : i32
          %add3A_834 = arith.addi %mul3A_831, %mul3A_833 : i32
          %get3A_835 = arith.index_cast %add3A_834 : i32 to index
          %get3A_836 = tpu.vector_load %arg18[%get3A_835] {strides = array<i32>} : memref<1600xi32, #tpu.memory_space<vmem>>, vector<16xi32>,
          %mul3A_837 = arith.constant 400 : i32
          %mul3A_838 = vector.broadcast %mul3A_837 : i32 to vector<16xi32>
          %mul3A_839 = arith.muli %get3A_836, %mul3A_838 : vector<16xi32>
          %get3A_840 = arith.index_cast %add3A_834 : i32 to index
          %get3A_841 = tpu.vector_load %arg20[%get3A_840] {strides = array<i32>} : memref<1600xi32, #tpu.memory_space<vmem>>, vector<16xi32>,
          %add3A_842 = arith.addi %mul3A_839, %get3A_841 : vector<16xi32>
          %swap3A_843 = arith.index_cast %add3A_834 : i32 to index
          %swap3A_844 = tpu.vector_load %arg22[%swap3A_843] {strides = array<i32>} : memref<1600xi32, #tpu.memory_space<vmem>>, vector<16xi32>,
          tpu.vector_store %arg22[%swap3A_843], %add3A_842 {strides = array<i32>} : memref<1600xi32, #tpu.memory_space<vmem>>, vector<16xi32>,
          %scan3A_845 = arith.constant 3 : i32
          %scan3A_846 = arith.addi %scan3A_795, %scan3A_845 : i32
          %mul3A_847 = arith.constant 800 : i32
          %mul3A_848 = arith.muli %sub3A_754, %mul3A_847 : i32
          %mul3A_849 = arith.constant 16 : i32
          %mul3A_850 = arith.muli %scan3A_846, %mul3A_849 : i32
          %add3A_851 = arith.addi %mul3A_848, %mul3A_850 : i32
          %get3A_852 = arith.index_cast %add3A_851 : i32 to index
          %get3A_853 = tpu.vector_load %arg18[%get3A_852] {strides = array<i32>} : memref<1600xi32, #tpu.memory_space<vmem>>, vector<16xi32>,
          %mul3A_854 = arith.constant 400 : i32
          %mul3A_855 = vector.broadcast %mul3A_854 : i32 to vector<16xi32>
          %mul3A_856 = arith.muli %get3A_853, %mul3A_855 : vector<16xi32>
          %get3A_857 = arith.index_cast %add3A_851 : i32 to index
          %get3A_858 = tpu.vector_load %arg20[%get3A_857] {strides = array<i32>} : memref<1600xi32, #tpu.memory_space<vmem>>, vector<16xi32>,
          %add3A_859 = arith.addi %mul3A_856, %get3A_858 : vector<16xi32>
          %swap3A_860 = arith.index_cast %add3A_851 : i32 to index
          %swap3A_861 = tpu.vector_load %arg22[%swap3A_860] {strides = array<i32>} : memref<1600xi32, #tpu.memory_space<vmem>>, vector<16xi32>,
          tpu.vector_store %arg22[%swap3A_860], %add3A_859 {strides = array<i32>} : memref<1600xi32, #tpu.memory_space<vmem>>, vector<16xi32>,
        }
        %scan3A_760 = arith.constant 48 : i32
        %scan3A_761 = arith.addi %scan3A_756, %scan3A_760 : i32
        %mul3A_762 = arith.constant 800 : i32
        %mul3A_763 = arith.muli %sub3A_754, %mul3A_762 : i32
        %mul3A_764 = arith.constant 16 : i32
        %mul3A_765 = arith.muli %scan3A_761, %mul3A_764 : i32
        %add3A_766 = arith.addi %mul3A_763, %mul3A_765 : i32
        %get3A_767 = arith.index_cast %add3A_766 : i32 to index
        %get3A_768 = tpu.vector_load %arg18[%get3A_767] {strides = array<i32>} : memref<1600xi32, #tpu.memory_space<vmem>>, vector<16xi32>,
        %mul3A_769 = arith.constant 400 : i32
        %mul3A_770 = vector.broadcast %mul3A_769 : i32 to vector<16xi32>
        %mul3A_771 = arith.muli %get3A_768, %mul3A_770 : vector<16xi32>
        %get3A_772 = arith.index_cast %add3A_766 : i32 to index
        %get3A_773 = tpu.vector_load %arg20[%get3A_772] {strides = array<i32>} : memref<1600xi32, #tpu.memory_space<vmem>>, vector<16xi32>,
        %add3A_774 = arith.addi %mul3A_771, %get3A_773 : vector<16xi32>
        %swap3A_775 = arith.index_cast %add3A_766 : i32 to index
        %swap3A_776 = tpu.vector_load %arg22[%swap3A_775] {strides = array<i32>} : memref<1600xi32, #tpu.memory_space<vmem>>, vector<16xi32>,
        tpu.vector_store %arg22[%swap3A_775], %add3A_774 {strides = array<i32>} : memref<1600xi32, #tpu.memory_space<vmem>>, vector<16xi32>,
        %scan3A_777 = arith.constant 49 : i32
        %scan3A_778 = arith.addi %scan3A_756, %scan3A_777 : i32
        %mul3A_779 = arith.constant 800 : i32
        %mul3A_780 = arith.muli %sub3A_754, %mul3A_779 : i32
        %mul3A_781 = arith.constant 16 : i32
        %mul3A_782 = arith.muli %scan3A_778, %mul3A_781 : i32
        %add3A_783 = arith.addi %mul3A_780, %mul3A_782 : i32
        %get3A_784 = arith.index_cast %add3A_783 : i32 to index
        %get3A_785 = tpu.vector_load %arg18[%get3A_784] {strides = array<i32>} : memref<1600xi32, #tpu.memory_space<vmem>>, vector<16xi32>,
        %mul3A_786 = arith.constant 400 : i32
        %mul3A_787 = vector.broadcast %mul3A_786 : i32 to vector<16xi32>
        %mul3A_788 = arith.muli %get3A_785, %mul3A_787 : vector<16xi32>
        %get3A_789 = arith.index_cast %add3A_783 : i32 to index
        %get3A_790 = tpu.vector_load %arg20[%get3A_789] {strides = array<i32>} : memref<1600xi32, #tpu.memory_space<vmem>>, vector<16xi32>,
        %add3A_791 = arith.addi %mul3A_788, %get3A_790 : vector<16xi32>
        %swap3A_792 = arith.index_cast %add3A_783 : i32 to index
        %swap3A_793 = tpu.vector_load %arg22[%swap3A_792] {strides = array<i32>} : memref<1600xi32, #tpu.memory_space<vmem>>, vector<16xi32>,
        tpu.vector_store %arg22[%swap3A_792], %add3A_791 {strides = array<i32>} : memref<1600xi32, #tpu.memory_space<vmem>>, vector<16xi32>,
        %scan3A_794 = arith.constant 50 : i32
      } else {
      }
      %add3A_316 = arith.constant 4 : i32
      %add3A_317 = arith.addi %scan3A_222, %add3A_316 : i32
      %sub3A_318 = arith.constant 1 : i32
      %sub3A_319 = arith.subi %add3A_317, %sub3A_318 : i32
      %lt3A_320 = arith.constant 250 : i32
      %lt3A_321 = arith.cmpi slt, %sub3A_319, %lt3A_320 : i32
      %convert_element_type3A_322 = arith.extui %lt3A_321 : i1 to i32
      %cond3A_323 = arith.constant 0 : i32
      %cond3A_324 = arith.cmpi ne, %convert_element_type3A_322, %cond3A_323 : i32
      scf.if %cond3A_324 {
        %add3A_727 = arith.constant 4 : i32
        %add3A_728 = arith.addi %scan3A_222, %add3A_727 : i32
        %sub3A_729 = arith.constant 1 : i32
        %sub3A_730 = arith.subi %add3A_728, %sub3A_729 : i32
        %jit3A_731 = arith.constant 4 : i32
        %eq3A_732 = arith.constant 0 : i32
        %eq3A_733 = arith.cmpi eq, %jit3A_731, %eq3A_732 : i32
        %jit3A_734 = arith.constant 1 : i32
        %select_n3A_735 = arith.select %eq3A_733, %jit3A_734, %jit3A_731 : i32
        %rem3A_736 = arith.remsi %sub3A_730, %select_n3A_735 : i32
        %ne3A_737 = arith.constant 0 : i32
        %ne3A_738 = arith.cmpi ne, %rem3A_736, %ne3A_737 : i32
        %lt3A_739 = arith.constant 0 : i32
        %lt3A_740 = arith.cmpi slt, %rem3A_736, %lt3A_739 : i32
        %lt3A_741 = arith.constant 0 : i32
        %lt3A_742 = arith.cmpi slt, %select_n3A_735, %lt3A_741 : i32
        %ne3A_743 = arith.xori %lt3A_740, %lt3A_742 : i1
        %and3A_744 = arith.andi %ne3A_743, %ne3A_738 : i1
        %add3A_745 = arith.addi %rem3A_736, %select_n3A_735 : i32
        %select_n3A_746 = arith.select %and3A_744, %add3A_745, %rem3A_736 : i32
        %jit3A_747 = arith.constant 10 : i32
        %div3A_748 = arith.divsi %sub3A_730, %jit3A_747 : i32
        %sign3A_749 = arith.constant 0 : i32
        %sign3A_750 = arith.cmpi sgt, %sub3A_730, %sign3A_749 : i32
        %sign3A_751 = arith.extui %sign3A_750 : i1 to i32
        %sign3A_752 = arith.constant 0 : i32
        %sign3A_753 = arith.cmpi slt, %sub3A_730, %sign3A_752 : i32
        %sign3A_754 = arith.extui %sign3A_753 : i1 to i32
        %sign3A_755 = arith.subi %sign3A_751, %sign3A_754 : i32
        %sign3A_756 = arith.constant 0 : i32
        %sign3A_757 = arith.cmpi sgt, %jit3A_747, %sign3A_756 : i32
        %sign3A_758 = arith.extui %sign3A_757 : i1 to i32
        %sign3A_759 = arith.constant 0 : i32
        %sign3A_760 = arith.cmpi slt, %jit3A_747, %sign3A_759 : i32
        %sign3A_761 = arith.extui %sign3A_760 : i1 to i32
        %sign3A_762 = arith.subi %sign3A_758, %sign3A_761 : i32
        %ne3A_763 = arith.cmpi ne, %sign3A_755, %sign3A_762 : i32
        %rem3A_764 = arith.remsi %sub3A_730, %jit3A_747 : i32
        %ne3A_765 = arith.constant 0 : i32
        %ne3A_766 = arith.cmpi ne, %rem3A_764, %ne3A_765 : i32
        %and3A_767 = arith.andi %ne3A_763, %ne3A_766 : i1
        %sub3A_768 = arith.constant 1 : i32
        %sub3A_769 = arith.subi %div3A_748, %sub3A_768 : i32
        %select_n3A_770 = arith.select %and3A_767, %sub3A_769, %div3A_748 : i32
        %jit3A_771 = arith.constant 2 : i32
        %eq3A_772 = arith.constant 0 : i32
        %eq3A_773 = arith.cmpi eq, %jit3A_771, %eq3A_772 : i32
        %jit3A_774 = arith.constant 1 : i32
        %select_n3A_775 = arith.select %eq3A_773, %jit3A_774, %jit3A_771 : i32
        %rem3A_776 = arith.remsi %select_n3A_770, %select_n3A_775 : i32
        %ne3A_777 = arith.constant 0 : i32
        %ne3A_778 = arith.cmpi ne, %rem3A_776, %ne3A_777 : i32
        %lt3A_779 = arith.constant 0 : i32
        %lt3A_780 = arith.cmpi slt, %rem3A_776, %lt3A_779 : i32
        %lt3A_781 = arith.constant 0 : i32
        %lt3A_782 = arith.cmpi slt, %select_n3A_775, %lt3A_781 : i32
        %ne3A_783 = arith.xori %lt3A_780, %lt3A_782 : i1
        %and3A_784 = arith.andi %ne3A_783, %ne3A_778 : i1
        %add3A_785 = arith.addi %rem3A_776, %select_n3A_775 : i32
        %select_n3A_786 = arith.select %and3A_784, %add3A_785, %rem3A_776 : i32
        %mul3A_787 = arith.constant 800 : i32
        %mul3A_788 = arith.muli %select_n3A_786, %mul3A_787 : i32
        %jit3A_789 = arith.constant 10 : i32
        %eq3A_790 = arith.constant 0 : i32
        %eq3A_791 = arith.cmpi eq, %jit3A_789, %eq3A_790 : i32
        %jit3A_792 = arith.constant 1 : i32
        %select_n3A_793 = arith.select %eq3A_791, %jit3A_792, %jit3A_789 : i32
        %rem3A_794 = arith.remsi %sub3A_730, %select_n3A_793 : i32
        %ne3A_795 = arith.constant 0 : i32
        %ne3A_796 = arith.cmpi ne, %rem3A_794, %ne3A_795 : i32
        %lt3A_797 = arith.constant 0 : i32
        %lt3A_798 = arith.cmpi slt, %rem3A_794, %lt3A_797 : i32
        %lt3A_799 = arith.constant 0 : i32
        %lt3A_800 = arith.cmpi slt, %select_n3A_793, %lt3A_799 : i32
        %ne3A_801 = arith.xori %lt3A_798, %lt3A_800 : i1
        %and3A_802 = arith.andi %ne3A_801, %ne3A_796 : i1
        %add3A_803 = arith.addi %rem3A_794, %select_n3A_793 : i32
        %select_n3A_804 = arith.select %and3A_802, %add3A_803, %rem3A_794 : i32
        %mul3A_805 = arith.constant 80 : i32
        %mul3A_806 = arith.muli %select_n3A_804, %mul3A_805 : i32
        %add3A_807 = arith.addi %mul3A_788, %mul3A_806 : i32
        %mul3A_808 = arith.constant 80 : i32
        %mul3A_809 = arith.muli %select_n3A_746, %mul3A_808 : i32
        %mul3A_810 = arith.constant 80 : i32
        %mul3A_811 = arith.muli %select_n3A_746, %mul3A_810 : i32
        %mul3A_812 = arith.constant 80 : i32
        %mul3A_813 = arith.muli %select_n3A_746, %mul3A_812 : i32
        %dma_start3A_814 = tpu.memref_slice %arg23[%mul3A_809] : memref<320xf32, #tpu.memory_space<vmem>> -> memref<80xf32, #tpu.memory_space<vmem>>
        %dma_start3A_815 = tpu.memref_slice %arg22[%add3A_807] : memref<1600xi32, #tpu.memory_space<vmem>> -> memref<80xi32, #tpu.memory_space<vmem>>
        %dma_start3A_816 = arith.constant 0 : i32
        %dma_start3A_817 = tpu.memref_slice %arg6[%dma_start3A_816] : memref<4000000xf32, #tpu.memory_space<hbm>> -> memref<4000000xf32, #tpu.memory_space<hbm>>
        %dma_start3A_818 = tpu.memref_slice %arg32[%select_n3A_746] : memref<4x!tpu.dma_semaphore, #tpu.memory_space<semaphore_mem>> -> memref<1x!tpu.dma_semaphore, #tpu.memory_space<semaphore_mem>>
        %dma_start3A_819 = tpu.memref_squeeze %dma_start3A_818 : memref<1x!tpu.dma_semaphore, #tpu.memory_space<semaphore_mem>> -> memref<!tpu.dma_semaphore, #tpu.memory_space<semaphore_mem>>
        tpu.enqueue_indirect_dma source(%dma_start3A_817 : memref<4000000xf32, #tpu.memory_space<hbm>>) target(%dma_start3A_814 : memref<80xf32, #tpu.memory_space<vmem>>) offsets(%dma_start3A_815 : memref<80xi32, #tpu.memory_space<vmem>>) semaphore(%dma_start3A_819 : memref<!tpu.dma_semaphore, #tpu.memory_space<semaphore_mem>>)
        %eq3A_820 = arith.constant 0 : i32
        %eq3A_821 = arith.cmpi eq, %arg0, %eq3A_820 : i32
        %convert_element_type3A_822 = arith.extui %eq3A_821 : i1 to i32
        %cond3A_823 = arith.constant 0 : i32
        %cond3A_824 = arith.cmpi ne, %convert_element_type3A_822, %cond3A_823 : i32
        scf.if %cond3A_824 {
          %dma_start3A_830 = arith.constant 0 : i32
          %dma_start3A_831 = tpu.memref_slice %arg27[%mul3A_811, %dma_start3A_830] : memref<320x64xf32, #tpu.memory_space<vmem>> -> memref<80x64xf32, #tpu.memory_space<vmem>>
          %dma_start3A_832 = tpu.memref_slice %arg18[%add3A_807] : memref<1600xi32, #tpu.memory_space<vmem>> -> memref<80xi32, #tpu.memory_space<vmem>>
          %dma_start3A_833 = arith.constant 0 : i32
          %dma_start3A_834 = arith.constant 0 : i32
          %dma_start3A_835 = tpu.memref_slice %arg8[%dma_start3A_833, %dma_start3A_834] : memref<10000x64xf32, #tpu.memory_space<hbm>> -> memref<10000x64xf32, #tpu.memory_space<hbm>>
          %dma_start3A_836 = tpu.memref_slice %arg32[%select_n3A_746] : memref<4x!tpu.dma_semaphore, #tpu.memory_space<semaphore_mem>> -> memref<1x!tpu.dma_semaphore, #tpu.memory_space<semaphore_mem>>
          %dma_start3A_837 = tpu.memref_squeeze %dma_start3A_836 : memref<1x!tpu.dma_semaphore, #tpu.memory_space<semaphore_mem>> -> memref<!tpu.dma_semaphore, #tpu.memory_space<semaphore_mem>>
          tpu.enqueue_indirect_dma source(%dma_start3A_835 : memref<10000x64xf32, #tpu.memory_space<hbm>>) target(%dma_start3A_831 : memref<80x64xf32, #tpu.memory_space<vmem>>) offsets(%dma_start3A_832 : memref<80xi32, #tpu.memory_space<vmem>>) semaphore(%dma_start3A_837 : memref<!tpu.dma_semaphore, #tpu.memory_space<semaphore_mem>>)
        } else {
        }
        %eq3A_825 = arith.constant 1 : i32
        %eq3A_826 = arith.cmpi eq, %arg0, %eq3A_825 : i32
        %convert_element_type3A_827 = arith.extui %eq3A_826 : i1 to i32
        %cond3A_828 = arith.constant 0 : i32
        %cond3A_829 = arith.cmpi ne, %convert_element_type3A_827, %cond3A_828 : i32
        scf.if %cond3A_829 {
          %dma_start3A_830 = arith.constant 0 : i32
          %dma_start3A_831 = tpu.memref_slice %arg27[%mul3A_813, %dma_start3A_830] : memref<320x64xf32, #tpu.memory_space<vmem>> -> memref<80x64xf32, #tpu.memory_space<vmem>>
          %dma_start3A_832 = tpu.memref_slice %arg18[%add3A_807] : memref<1600xi32, #tpu.memory_space<vmem>> -> memref<80xi32, #tpu.memory_space<vmem>>
          %dma_start3A_833 = arith.constant 0 : i32
          %dma_start3A_834 = arith.constant 0 : i32
          %dma_start3A_835 = tpu.memref_slice %arg9[%dma_start3A_833, %dma_start3A_834] : memref<10000x64xf32, #tpu.memory_space<hbm>> -> memref<10000x64xf32, #tpu.memory_space<hbm>>
          %dma_start3A_836 = tpu.memref_slice %arg32[%select_n3A_746] : memref<4x!tpu.dma_semaphore, #tpu.memory_space<semaphore_mem>> -> memref<1x!tpu.dma_semaphore, #tpu.memory_space<semaphore_mem>>
          %dma_start3A_837 = tpu.memref_squeeze %dma_start3A_836 : memref<1x!tpu.dma_semaphore, #tpu.memory_space<semaphore_mem>> -> memref<!tpu.dma_semaphore, #tpu.memory_space<semaphore_mem>>
          tpu.enqueue_indirect_dma source(%dma_start3A_835 : memref<10000x64xf32, #tpu.memory_space<hbm>>) target(%dma_start3A_831 : memref<80x64xf32, #tpu.memory_space<vmem>>) offsets(%dma_start3A_832 : memref<80xi32, #tpu.memory_space<vmem>>) semaphore(%dma_start3A_837 : memref<!tpu.dma_semaphore, #tpu.memory_space<semaphore_mem>>)
        } else {
        }
      } else {
      }
      %jit3A_325 = arith.constant 4 : i32
      %eq3A_326 = arith.constant 0 : i32
      %eq3A_327 = arith.cmpi eq, %jit3A_325, %eq3A_326 : i32
      %jit3A_328 = arith.constant 1 : i32
      %select_n3A_329 = arith.select %eq3A_327, %jit3A_328, %jit3A_325 : i32
      %rem3A_330 = arith.remsi %scan3A_222, %select_n3A_329 : i32
      %ne3A_331 = arith.constant 0 : i32
      %ne3A_332 = arith.cmpi ne, %rem3A_330, %ne3A_331 : i32
      %lt3A_333 = arith.constant 0 : i32
      %lt3A_334 = arith.cmpi slt, %rem3A_330, %lt3A_333 : i32
      %lt3A_335 = arith.constant 0 : i32
      %lt3A_336 = arith.cmpi slt, %select_n3A_329, %lt3A_335 : i32
      %ne3A_337 = arith.xori %lt3A_334, %lt3A_336 : i1
      %and3A_338 = arith.andi %ne3A_337, %ne3A_332 : i1
      %add3A_339 = arith.addi %rem3A_330, %select_n3A_329 : i32
      %select_n3A_340 = arith.select %and3A_338, %add3A_339, %rem3A_330 : i32
      %jit3A_341 = arith.constant 10 : i32
      %div3A_342 = arith.divsi %scan3A_222, %jit3A_341 : i32
      %sign3A_343 = arith.constant 0 : i32
      %sign3A_344 = arith.cmpi sgt, %scan3A_222, %sign3A_343 : i32
      %sign3A_345 = arith.extui %sign3A_344 : i1 to i32
      %sign3A_346 = arith.constant 0 : i32
      %sign3A_347 = arith.cmpi slt, %scan3A_222, %sign3A_346 : i32
      %sign3A_348 = arith.extui %sign3A_347 : i1 to i32
      %sign3A_349 = arith.subi %sign3A_345, %sign3A_348 : i32
      %sign3A_350 = arith.constant 0 : i32
      %sign3A_351 = arith.cmpi sgt, %jit3A_341, %sign3A_350 : i32
      %sign3A_352 = arith.extui %sign3A_351 : i1 to i32
      %sign3A_353 = arith.constant 0 : i32
      %sign3A_354 = arith.cmpi slt, %jit3A_341, %sign3A_353 : i32
      %sign3A_355 = arith.extui %sign3A_354 : i1 to i32
      %sign3A_356 = arith.subi %sign3A_352, %sign3A_355 : i32
      %ne3A_357 = arith.cmpi ne, %sign3A_349, %sign3A_356 : i32
      %rem3A_358 = arith.remsi %scan3A_222, %jit3A_341 : i32
      %ne3A_359 = arith.constant 0 : i32
      %ne3A_360 = arith.cmpi ne, %rem3A_358, %ne3A_359 : i32
      %and3A_361 = arith.andi %ne3A_357, %ne3A_360 : i1
      %sub3A_362 = arith.constant 1 : i32
      %sub3A_363 = arith.subi %div3A_342, %sub3A_362 : i32
      %select_n3A_364 = arith.select %and3A_361, %sub3A_363, %div3A_342 : i32
      %jit3A_365 = arith.constant 2 : i32
      %eq3A_366 = arith.constant 0 : i32
      %eq3A_367 = arith.cmpi eq, %jit3A_365, %eq3A_366 : i32
      %jit3A_368 = arith.constant 1 : i32
      %select_n3A_369 = arith.select %eq3A_367, %jit3A_368, %jit3A_365 : i32
      %rem3A_370 = arith.remsi %select_n3A_364, %select_n3A_369 : i32
      %ne3A_371 = arith.constant 0 : i32
      %ne3A_372 = arith.cmpi ne, %rem3A_370, %ne3A_371 : i32
      %lt3A_373 = arith.constant 0 : i32
      %lt3A_374 = arith.cmpi slt, %rem3A_370, %lt3A_373 : i32
      %lt3A_375 = arith.constant 0 : i32
      %lt3A_376 = arith.cmpi slt, %select_n3A_369, %lt3A_375 : i32
      %ne3A_377 = arith.xori %lt3A_374, %lt3A_376 : i1
      %and3A_378 = arith.andi %ne3A_377, %ne3A_372 : i1
      %add3A_379 = arith.addi %rem3A_370, %select_n3A_369 : i32
      %select_n3A_380 = arith.select %and3A_378, %add3A_379, %rem3A_370 : i32
      %mul3A_381 = arith.constant 800 : i32
      %mul3A_382 = arith.muli %select_n3A_380, %mul3A_381 : i32
      %jit3A_383 = arith.constant 10 : i32
      %eq3A_384 = arith.constant 0 : i32
      %eq3A_385 = arith.cmpi eq, %jit3A_383, %eq3A_384 : i32
      %jit3A_386 = arith.constant 1 : i32
      %select_n3A_387 = arith.select %eq3A_385, %jit3A_386, %jit3A_383 : i32
      %rem3A_388 = arith.remsi %scan3A_222, %select_n3A_387 : i32
      %ne3A_389 = arith.constant 0 : i32
      %ne3A_390 = arith.cmpi ne, %rem3A_388, %ne3A_389 : i32
      %lt3A_391 = arith.constant 0 : i32
      %lt3A_392 = arith.cmpi slt, %rem3A_388, %lt3A_391 : i32
      %lt3A_393 = arith.constant 0 : i32
      %lt3A_394 = arith.cmpi slt, %select_n3A_387, %lt3A_393 : i32
      %ne3A_395 = arith.xori %lt3A_392, %lt3A_394 : i1
      %and3A_396 = arith.andi %ne3A_395, %ne3A_390 : i1
      %add3A_397 = arith.addi %rem3A_388, %select_n3A_387 : i32
      %select_n3A_398 = arith.select %and3A_396, %add3A_397, %rem3A_388 : i32
      %mul3A_399 = arith.constant 80 : i32
      %mul3A_400 = arith.muli %select_n3A_398, %mul3A_399 : i32
      %add3A_401 = arith.addi %mul3A_382, %mul3A_400 : i32
      %mul3A_402 = arith.constant 80 : i32
      %mul3A_403 = arith.muli %select_n3A_340, %mul3A_402 : i32
      %mul3A_404 = arith.constant 80 : i32
      %mul3A_405 = arith.muli %select_n3A_340, %mul3A_404 : i32
      %mul3A_406 = arith.constant 80 : i32
      %mul3A_407 = arith.muli %select_n3A_340, %mul3A_406 : i32
      %dma_wait3A_408 = tpu.memref_slice %arg23[%mul3A_403] : memref<320xf32, #tpu.memory_space<vmem>> -> memref<80xf32, #tpu.memory_space<vmem>>
      %dma_wait3A_409 = tpu.memref_slice %arg22[%add3A_401] : memref<1600xi32, #tpu.memory_space<vmem>> -> memref<80xi32, #tpu.memory_space<vmem>>
      %dma_wait3A_410 = arith.constant 0 : i32
      %dma_wait3A_411 = tpu.memref_slice %arg6[%dma_wait3A_410] : memref<4000000xf32, #tpu.memory_space<hbm>> -> memref<4000000xf32, #tpu.memory_space<hbm>>
      %dma_wait3A_412 = tpu.memref_slice %arg32[%select_n3A_340] : memref<4x!tpu.dma_semaphore, #tpu.memory_space<semaphore_mem>> -> memref<1x!tpu.dma_semaphore, #tpu.memory_space<semaphore_mem>>
      %dma_wait3A_413 = tpu.memref_squeeze %dma_wait3A_412 : memref<1x!tpu.dma_semaphore, #tpu.memory_space<semaphore_mem>> -> memref<!tpu.dma_semaphore, #tpu.memory_space<semaphore_mem>>
      tpu.wait_indirect_dma semaphore(%dma_wait3A_413 : memref<!tpu.dma_semaphore, #tpu.memory_space<semaphore_mem>>) src(%dma_wait3A_411 : memref<4000000xf32, #tpu.memory_space<hbm>>) dst(%dma_wait3A_408 : memref<80xf32, #tpu.memory_space<vmem>>)
      %dma_wait3A_414 = arith.constant 0 : i32
      %dma_wait3A_415 = tpu.memref_slice %arg27[%mul3A_405, %dma_wait3A_414] : memref<320x64xf32, #tpu.memory_space<vmem>> -> memref<80x64xf32, #tpu.memory_space<vmem>>
      %dma_wait3A_416 = tpu.memref_slice %arg18[%add3A_401] : memref<1600xi32, #tpu.memory_space<vmem>> -> memref<80xi32, #tpu.memory_space<vmem>>
      %dma_wait3A_417 = arith.constant 0 : i32
      %dma_wait3A_418 = arith.constant 0 : i32
      %dma_wait3A_419 = tpu.memref_slice %arg8[%dma_wait3A_417, %dma_wait3A_418] : memref<10000x64xf32, #tpu.memory_space<hbm>> -> memref<10000x64xf32, #tpu.memory_space<hbm>>
      %dma_wait3A_420 = tpu.memref_slice %arg32[%select_n3A_340] : memref<4x!tpu.dma_semaphore, #tpu.memory_space<semaphore_mem>> -> memref<1x!tpu.dma_semaphore, #tpu.memory_space<semaphore_mem>>
      %dma_wait3A_421 = tpu.memref_squeeze %dma_wait3A_420 : memref<1x!tpu.dma_semaphore, #tpu.memory_space<semaphore_mem>> -> memref<!tpu.dma_semaphore, #tpu.memory_space<semaphore_mem>>
      tpu.wait_indirect_dma semaphore(%dma_wait3A_421 : memref<!tpu.dma_semaphore, #tpu.memory_space<semaphore_mem>>) src(%dma_wait3A_419 : memref<10000x64xf32, #tpu.memory_space<hbm>>) dst(%dma_wait3A_415 : memref<80x64xf32, #tpu.memory_space<vmem>>)
      %jit3A_422 = arith.constant 4 : i32
      %eq3A_423 = arith.constant 0 : i32
      %eq3A_424 = arith.cmpi eq, %jit3A_422, %eq3A_423 : i32
      %jit3A_425 = arith.constant 1 : i32
      %select_n3A_426 = arith.select %eq3A_424, %jit3A_425, %jit3A_422 : i32
      %rem3A_427 = arith.remsi %scan3A_222, %select_n3A_426 : i32
      %ne3A_428 = arith.constant 0 : i32
      %ne3A_429 = arith.cmpi ne, %rem3A_427, %ne3A_428 : i32
      %lt3A_430 = arith.constant 0 : i32
      %lt3A_431 = arith.cmpi slt, %rem3A_427, %lt3A_430 : i32
      %lt3A_432 = arith.constant 0 : i32
      %lt3A_433 = arith.cmpi slt, %select_n3A_426, %lt3A_432 : i32
      %ne3A_434 = arith.xori %lt3A_431, %lt3A_433 : i1
      %and3A_435 = arith.andi %ne3A_434, %ne3A_429 : i1
      %add3A_436 = arith.addi %rem3A_427, %select_n3A_426 : i32
      %select_n3A_437 = arith.select %and3A_435, %add3A_436, %rem3A_427 : i32
      %add3A_438 = arith.constant 0 : i32
      %add3A_439 = arith.addi %add3A_291, %add3A_438 : i32
      %get3A_440 = arith.index_cast %add3A_439 : i32 to index
      %get3A_441 = tpu.vector_load %arg19[%get3A_440] {strides = array<i32>} : memref<1600xi32, #tpu.memory_space<vmem>>, vector<16xi32>,
      %mul3A_442 = arith.constant 80 : i32
      %mul3A_443 = arith.muli %select_n3A_437, %mul3A_442 : i32
      %add3A_444 = arith.constant 0 : i32
      %add3A_445 = arith.addi %mul3A_443, %add3A_444 : i32
      %get3A_446 = arith.index_cast %add3A_445 : i32 to index
      %get3A_447 = tpu.vector_load %arg23[%get3A_446] {strides = array<i32>} : memref<320xf32, #tpu.memory_space<vmem>>, vector<16xf32>,
      %gather3A = tpu.vector_load_idx %arg16[%get3A_441] : memref<10240xf32, #tpu.memory_space<vmem>>[vector<16xi32>], vector<16xf32>,
      %add3A_448 = arith.addf %get3A_447, %gather3A : vector<16xf32>
      %mul3A_449 = arith.constant 2.000000e-01 : f32
      %mul3A_450 = vector.broadcast %mul3A_449 : f32 to vector<16xf32>
      %mul3A_451 = arith.mulf %mul3A_450, %add3A_448 : vector<16xf32>
      %max3A = arith.maximumf %add3A_448, %mul3A_451 : vector<16xf32>
      %exp3A = math.exp %max3A : vector<16xf32>
      %swap3A_452 = arith.index_cast %select_n3A_233 : i32 to index
      %swap3A_453 = arith.constant 0 : index
      %swap3A_454 = tpu.vector_load %arg25[%swap3A_452, %swap3A_453] {strides = array<i32>} : memref<2x80xf32, #tpu.memory_space<vmem>>, vector<16xf32>,
      tpu.vector_store %arg25[%swap3A_452, %swap3A_453], %exp3A {strides = array<i32>} : memref<2x80xf32, #tpu.memory_space<vmem>>, vector<16xf32>,
      %get3A_455 = arith.index_cast %add3A_439 : i32 to index
      %get3A_456 = tpu.vector_load %arg21[%get3A_455] {strides = array<i32>} : memref<1600xf32, #tpu.memory_space<vmem>>, vector<16xf32>,
      %mul3A_457 = arith.mulf %exp3A, %get3A_456 : vector<16xf32>
      %mul3A_458 = arith.constant 80 : i32
      %mul3A_459 = arith.muli %select_n3A_233, %mul3A_458 : i32
      %add3A_460 = arith.constant 0 : i32
      %add3A_461 = arith.addi %mul3A_459, %add3A_460 : i32
      %swap3A_462 = arith.index_cast %add3A_461 : i32 to index
      %swap3A_463 = tpu.vector_load %arg26[%swap3A_462] {strides = array<i32>} : memref<160xf32, #tpu.memory_space<vmem>>, vector<16xf32>,
      tpu.vector_store %arg26[%swap3A_462], %mul3A_457 {strides = array<i32>} : memref<160xf32, #tpu.memory_space<vmem>>, vector<16xf32>,
      %swap3A_464 = arith.index_cast %select_n3A_233 : i32 to index
      %swap3A_465 = arith.constant 0 : index
      %swap3A_466 = tpu.vector_load %arg24[%swap3A_464, %swap3A_465] {strides = array<i32>} : memref<2x80xi32, #tpu.memory_space<vmem>>, vector<16xi32>,
      tpu.vector_store %arg24[%swap3A_464, %swap3A_465], %get3A_441 {strides = array<i32>} : memref<2x80xi32, #tpu.memory_space<vmem>>, vector<16xi32>,
      %add3A_467 = arith.constant 16 : i32
      %add3A_468 = arith.addi %add3A_291, %add3A_467 : i32
      %get3A_469 = arith.index_cast %add3A_468 : i32 to index
      %get3A_470 = tpu.vector_load %arg19[%get3A_469] {strides = array<i32>} : memref<1600xi32, #tpu.memory_space<vmem>>, vector<16xi32>,
      %mul3A_471 = arith.constant 80 : i32
      %mul3A_472 = arith.muli %select_n3A_437, %mul3A_471 : i32
      %add3A_473 = arith.constant 16 : i32
      %add3A_474 = arith.addi %mul3A_472, %add3A_473 : i32
      %get3A_475 = arith.index_cast %add3A_474 : i32 to index
      %get3A_476 = tpu.vector_load %arg23[%get3A_475] {strides = array<i32>} : memref<320xf32, #tpu.memory_space<vmem>>, vector<16xf32>,
      %gather3A_477 = tpu.vector_load_idx %arg16[%get3A_470] : memref<10240xf32, #tpu.memory_space<vmem>>[vector<16xi32>], vector<16xf32>,
      %add3A_478 = arith.addf %get3A_476, %gather3A_477 : vector<16xf32>
      %mul3A_479 = arith.constant 2.000000e-01 : f32
      %mul3A_480 = vector.broadcast %mul3A_479 : f32 to vector<16xf32>
      %mul3A_481 = arith.mulf %mul3A_480, %add3A_478 : vector<16xf32>
      %max3A_482 = arith.maximumf %add3A_478, %mul3A_481 : vector<16xf32>
      %exp3A_483 = math.exp %max3A_482 : vector<16xf32>
      %swap3A_484 = arith.index_cast %select_n3A_233 : i32 to index
      %swap3A_485 = arith.constant 16 : index
      %swap3A_486 = tpu.vector_load %arg25[%swap3A_484, %swap3A_485] {strides = array<i32>} : memref<2x80xf32, #tpu.memory_space<vmem>>, vector<16xf32>,
      tpu.vector_store %arg25[%swap3A_484, %swap3A_485], %exp3A_483 {strides = array<i32>} : memref<2x80xf32, #tpu.memory_space<vmem>>, vector<16xf32>,
      %get3A_487 = arith.index_cast %add3A_468 : i32 to index
      %get3A_488 = tpu.vector_load %arg21[%get3A_487] {strides = array<i32>} : memref<1600xf32, #tpu.memory_space<vmem>>, vector<16xf32>,
      %mul3A_489 = arith.mulf %exp3A_483, %get3A_488 : vector<16xf32>
      %mul3A_490 = arith.constant 80 : i32
      %mul3A_491 = arith.muli %select_n3A_233, %mul3A_490 : i32
      %add3A_492 = arith.constant 16 : i32
      %add3A_493 = arith.addi %mul3A_491, %add3A_492 : i32
      %swap3A_494 = arith.index_cast %add3A_493 : i32 to index
      %swap3A_495 = tpu.vector_load %arg26[%swap3A_494] {strides = array<i32>} : memref<160xf32, #tpu.memory_space<vmem>>, vector<16xf32>,
      tpu.vector_store %arg26[%swap3A_494], %mul3A_489 {strides = array<i32>} : memref<160xf32, #tpu.memory_space<vmem>>, vector<16xf32>,
      %swap3A_496 = arith.index_cast %select_n3A_233 : i32 to index
      %swap3A_497 = arith.constant 16 : index
      %swap3A_498 = tpu.vector_load %arg24[%swap3A_496, %swap3A_497] {strides = array<i32>} : memref<2x80xi32, #tpu.memory_space<vmem>>, vector<16xi32>,
      tpu.vector_store %arg24[%swap3A_496, %swap3A_497], %get3A_470 {strides = array<i32>} : memref<2x80xi32, #tpu.memory_space<vmem>>, vector<16xi32>,
      %add3A_499 = arith.constant 32 : i32
      %add3A_500 = arith.addi %add3A_291, %add3A_499 : i32
      %get3A_501 = arith.index_cast %add3A_500 : i32 to index
      %get3A_502 = tpu.vector_load %arg19[%get3A_501] {strides = array<i32>} : memref<1600xi32, #tpu.memory_space<vmem>>, vector<16xi32>,
      %mul3A_503 = arith.constant 80 : i32
      %mul3A_504 = arith.muli %select_n3A_437, %mul3A_503 : i32
      %add3A_505 = arith.constant 32 : i32
      %add3A_506 = arith.addi %mul3A_504, %add3A_505 : i32
      %get3A_507 = arith.index_cast %add3A_506 : i32 to index
      %get3A_508 = tpu.vector_load %arg23[%get3A_507] {strides = array<i32>} : memref<320xf32, #tpu.memory_space<vmem>>, vector<16xf32>,
      %gather3A_509 = tpu.vector_load_idx %arg16[%get3A_502] : memref<10240xf32, #tpu.memory_space<vmem>>[vector<16xi32>], vector<16xf32>,
      %add3A_510 = arith.addf %get3A_508, %gather3A_509 : vector<16xf32>
      %mul3A_511 = arith.constant 2.000000e-01 : f32
      %mul3A_512 = vector.broadcast %mul3A_511 : f32 to vector<16xf32>
      %mul3A_513 = arith.mulf %mul3A_512, %add3A_510 : vector<16xf32>
      %max3A_514 = arith.maximumf %add3A_510, %mul3A_513 : vector<16xf32>
      %exp3A_515 = math.exp %max3A_514 : vector<16xf32>
      %swap3A_516 = arith.index_cast %select_n3A_233 : i32 to index
      %swap3A_517 = arith.constant 32 : index
      %swap3A_518 = tpu.vector_load %arg25[%swap3A_516, %swap3A_517] {strides = array<i32>} : memref<2x80xf32, #tpu.memory_space<vmem>>, vector<16xf32>,
      tpu.vector_store %arg25[%swap3A_516, %swap3A_517], %exp3A_515 {strides = array<i32>} : memref<2x80xf32, #tpu.memory_space<vmem>>, vector<16xf32>,
      %get3A_519 = arith.index_cast %add3A_500 : i32 to index
      %get3A_520 = tpu.vector_load %arg21[%get3A_519] {strides = array<i32>} : memref<1600xf32, #tpu.memory_space<vmem>>, vector<16xf32>,
      %mul3A_521 = arith.mulf %exp3A_515, %get3A_520 : vector<16xf32>
      %mul3A_522 = arith.constant 80 : i32
      %mul3A_523 = arith.muli %select_n3A_233, %mul3A_522 : i32
      %add3A_524 = arith.constant 32 : i32
      %add3A_525 = arith.addi %mul3A_523, %add3A_524 : i32
      %swap3A_526 = arith.index_cast %add3A_525 : i32 to index
      %swap3A_527 = tpu.vector_load %arg26[%swap3A_526] {strides = array<i32>} : memref<160xf32, #tpu.memory_space<vmem>>, vector<16xf32>,
      tpu.vector_store %arg26[%swap3A_526], %mul3A_521 {strides = array<i32>} : memref<160xf32, #tpu.memory_space<vmem>>, vector<16xf32>,
      %swap3A_528 = arith.index_cast %select_n3A_233 : i32 to index
      %swap3A_529 = arith.constant 32 : index
      %swap3A_530 = tpu.vector_load %arg24[%swap3A_528, %swap3A_529] {strides = array<i32>} : memref<2x80xi32, #tpu.memory_space<vmem>>, vector<16xi32>,
      tpu.vector_store %arg24[%swap3A_528, %swap3A_529], %get3A_502 {strides = array<i32>} : memref<2x80xi32, #tpu.memory_space<vmem>>, vector<16xi32>,
      %add3A_531 = arith.constant 48 : i32
      %add3A_532 = arith.addi %add3A_291, %add3A_531 : i32
      %get3A_533 = arith.index_cast %add3A_532 : i32 to index
      %get3A_534 = tpu.vector_load %arg19[%get3A_533] {strides = array<i32>} : memref<1600xi32, #tpu.memory_space<vmem>>, vector<16xi32>,
      %mul3A_535 = arith.constant 80 : i32
      %mul3A_536 = arith.muli %select_n3A_437, %mul3A_535 : i32
      %add3A_537 = arith.constant 48 : i32
      %add3A_538 = arith.addi %mul3A_536, %add3A_537 : i32
      %get3A_539 = arith.index_cast %add3A_538 : i32 to index
      %get3A_540 = tpu.vector_load %arg23[%get3A_539] {strides = array<i32>} : memref<320xf32, #tpu.memory_space<vmem>>, vector<16xf32>,
      %gather3A_541 = tpu.vector_load_idx %arg16[%get3A_534] : memref<10240xf32, #tpu.memory_space<vmem>>[vector<16xi32>], vector<16xf32>,
      %add3A_542 = arith.addf %get3A_540, %gather3A_541 : vector<16xf32>
      %mul3A_543 = arith.constant 2.000000e-01 : f32
      %mul3A_544 = vector.broadcast %mul3A_543 : f32 to vector<16xf32>
      %mul3A_545 = arith.mulf %mul3A_544, %add3A_542 : vector<16xf32>
      %max3A_546 = arith.maximumf %add3A_542, %mul3A_545 : vector<16xf32>
      %exp3A_547 = math.exp %max3A_546 : vector<16xf32>
      %swap3A_548 = arith.index_cast %select_n3A_233 : i32 to index
      %swap3A_549 = arith.constant 48 : index
      %swap3A_550 = tpu.vector_load %arg25[%swap3A_548, %swap3A_549] {strides = array<i32>} : memref<2x80xf32, #tpu.memory_space<vmem>>, vector<16xf32>,
      tpu.vector_store %arg25[%swap3A_548, %swap3A_549], %exp3A_547 {strides = array<i32>} : memref<2x80xf32, #tpu.memory_space<vmem>>, vector<16xf32>,
      %get3A_551 = arith.index_cast %add3A_532 : i32 to index
      %get3A_552 = tpu.vector_load %arg21[%get3A_551] {strides = array<i32>} : memref<1600xf32, #tpu.memory_space<vmem>>, vector<16xf32>,
      %mul3A_553 = arith.mulf %exp3A_547, %get3A_552 : vector<16xf32>
      %mul3A_554 = arith.constant 80 : i32
      %mul3A_555 = arith.muli %select_n3A_233, %mul3A_554 : i32
      %add3A_556 = arith.constant 48 : i32
      %add3A_557 = arith.addi %mul3A_555, %add3A_556 : i32
      %swap3A_558 = arith.index_cast %add3A_557 : i32 to index
      %swap3A_559 = tpu.vector_load %arg26[%swap3A_558] {strides = array<i32>} : memref<160xf32, #tpu.memory_space<vmem>>, vector<16xf32>,
      tpu.vector_store %arg26[%swap3A_558], %mul3A_553 {strides = array<i32>} : memref<160xf32, #tpu.memory_space<vmem>>, vector<16xf32>,
      %swap3A_560 = arith.index_cast %select_n3A_233 : i32 to index
      %swap3A_561 = arith.constant 48 : index
      %swap3A_562 = tpu.vector_load %arg24[%swap3A_560, %swap3A_561] {strides = array<i32>} : memref<2x80xi32, #tpu.memory_space<vmem>>, vector<16xi32>,
      tpu.vector_store %arg24[%swap3A_560, %swap3A_561], %get3A_534 {strides = array<i32>} : memref<2x80xi32, #tpu.memory_space<vmem>>, vector<16xi32>,
      %add3A_563 = arith.constant 64 : i32
      %add3A_564 = arith.addi %add3A_291, %add3A_563 : i32
      %get3A_565 = arith.index_cast %add3A_564 : i32 to index
      %get3A_566 = tpu.vector_load %arg19[%get3A_565] {strides = array<i32>} : memref<1600xi32, #tpu.memory_space<vmem>>, vector<16xi32>,
      %mul3A_567 = arith.constant 80 : i32
      %mul3A_568 = arith.muli %select_n3A_437, %mul3A_567 : i32
      %add3A_569 = arith.constant 64 : i32
      %add3A_570 = arith.addi %mul3A_568, %add3A_569 : i32
      %get3A_571 = arith.index_cast %add3A_570 : i32 to index
      %get3A_572 = tpu.vector_load %arg23[%get3A_571] {strides = array<i32>} : memref<320xf32, #tpu.memory_space<vmem>>, vector<16xf32>,
      %gather3A_573 = tpu.vector_load_idx %arg16[%get3A_566] : memref<10240xf32, #tpu.memory_space<vmem>>[vector<16xi32>], vector<16xf32>,
      %add3A_574 = arith.addf %get3A_572, %gather3A_573 : vector<16xf32>
      %mul3A_575 = arith.constant 2.000000e-01 : f32
      %mul3A_576 = vector.broadcast %mul3A_575 : f32 to vector<16xf32>
      %mul3A_577 = arith.mulf %mul3A_576, %add3A_574 : vector<16xf32>
      %max3A_578 = arith.maximumf %add3A_574, %mul3A_577 : vector<16xf32>
      %exp3A_579 = math.exp %max3A_578 : vector<16xf32>
      %swap3A_580 = arith.index_cast %select_n3A_233 : i32 to index
      %swap3A_581 = arith.constant 64 : index
      %swap3A_582 = tpu.vector_load %arg25[%swap3A_580, %swap3A_581] {strides = array<i32>} : memref<2x80xf32, #tpu.memory_space<vmem>>, vector<16xf32>,
      tpu.vector_store %arg25[%swap3A_580, %swap3A_581], %exp3A_579 {strides = array<i32>} : memref<2x80xf32, #tpu.memory_space<vmem>>, vector<16xf32>,
      %get3A_583 = arith.index_cast %add3A_564 : i32 to index
      %get3A_584 = tpu.vector_load %arg21[%get3A_583] {strides = array<i32>} : memref<1600xf32, #tpu.memory_space<vmem>>, vector<16xf32>,
      %mul3A_585 = arith.mulf %exp3A_579, %get3A_584 : vector<16xf32>
      %mul3A_586 = arith.constant 80 : i32
      %mul3A_587 = arith.muli %select_n3A_233, %mul3A_586 : i32
      %add3A_588 = arith.constant 64 : i32
      %add3A_589 = arith.addi %mul3A_587, %add3A_588 : i32
      %swap3A_590 = arith.index_cast %add3A_589 : i32 to index
      %swap3A_591 = tpu.vector_load %arg26[%swap3A_590] {strides = array<i32>} : memref<160xf32, #tpu.memory_space<vmem>>, vector<16xf32>,
      tpu.vector_store %arg26[%swap3A_590], %mul3A_585 {strides = array<i32>} : memref<160xf32, #tpu.memory_space<vmem>>, vector<16xf32>,
      %swap3A_592 = arith.index_cast %select_n3A_233 : i32 to index
      %swap3A_593 = arith.constant 64 : index
      %swap3A_594 = tpu.vector_load %arg24[%swap3A_592, %swap3A_593] {strides = array<i32>} : memref<2x80xi32, #tpu.memory_space<vmem>>, vector<16xi32>,
      tpu.vector_store %arg24[%swap3A_592, %swap3A_593], %get3A_566 {strides = array<i32>} : memref<2x80xi32, #tpu.memory_space<vmem>>, vector<16xi32>,
      %jit3A_595 = arith.constant 4 : i32
      %eq3A_596 = arith.constant 0 : i32
      %eq3A_597 = arith.cmpi eq, %jit3A_595, %eq3A_596 : i32
      %jit3A_598 = arith.constant 1 : i32
      %select_n3A_599 = arith.select %eq3A_597, %jit3A_598, %jit3A_595 : i32
      %rem3A_600 = arith.remsi %scan3A_222, %select_n3A_599 : i32
      %ne3A_601 = arith.constant 0 : i32
      %ne3A_602 = arith.cmpi ne, %rem3A_600, %ne3A_601 : i32
      %lt3A_603 = arith.constant 0 : i32
      %lt3A_604 = arith.cmpi slt, %rem3A_600, %lt3A_603 : i32
      %lt3A_605 = arith.constant 0 : i32
      %lt3A_606 = arith.cmpi slt, %select_n3A_599, %lt3A_605 : i32
      %ne3A_607 = arith.xori %lt3A_604, %lt3A_606 : i1
      %and3A_608 = arith.andi %ne3A_607, %ne3A_602 : i1
      %add3A_609 = arith.addi %rem3A_600, %select_n3A_599 : i32
      %select_n3A_610 = arith.select %and3A_608, %add3A_609, %rem3A_600 : i32
      %mul3A_611 = arith.constant 80 : i32
      %mul3A_612 = arith.muli %select_n3A_233, %mul3A_611 : i32
      %add3A_613 = arith.constant 0 : i32
      %add3A_614 = arith.addi %mul3A_612, %add3A_613 : i32
      %mul3A_615 = arith.constant 80 : i32
      %mul3A_616 = arith.muli %select_n3A_610, %mul3A_615 : i32
      %add3A_617 = arith.constant 0 : i32
      %add3A_618 = arith.addi %mul3A_616, %add3A_617 : i32
      %get3A_619 = arith.index_cast %add3A_614 : i32 to index
      %get3A_620 = tpu.vector_load %arg26[%get3A_619] {strides = array<i32>} : memref<160xf32, #tpu.memory_space<vmem>>, vector<16xf32>,
      %add3A_621 = arith.constant 0 : i32
      %add3A_622 = arith.addi %add3A_291, %add3A_621 : i32
      %get3A_623 = arith.index_cast %add3A_622 : i32 to index
      %get3A_624 = tpu.vector_load %arg20[%get3A_623] {strides = array<i32>} : memref<1600xi32, #tpu.memory_space<vmem>>, vector<16xi32>,
      %mul3A_625 = arith.constant 64 : i32
      %mul3A_626 = vector.broadcast %mul3A_625 : i32 to vector<16xi32>
      %mul3A_627 = arith.muli %get3A_624, %mul3A_626 : vector<16xi32>
      %parallel_loop3A = arith.constant 0 : i32
      %parallel_loop3A_628 = arith.constant 16 : i32
      %parallel_loop3A_629 = arith.constant 1 : i32
      scf.for %parallel_loop3A_727 = %parallel_loop3A to %parallel_loop3A_628 step %parallel_loop3A_629  : i32 {
        %parallel_loop3A_728 = vector.broadcast %parallel_loop3A_727 : i32 to vector<16xi32>
        %parallel_loop3A_729 = vector.shape_cast %parallel_loop3A_728 : vector<16xi32> to vector<16x1xi32>
        %parallel_loop3A_730 = vector.shape_cast %parallel_loop3A_729 : vector<16x1xi32> to vector<16xi32>
        %parallel_loop3A_731 = tpu.dynamic_gather %get3A_620[%parallel_loop3A_730] in [0] : vector<16xf32>, vector<16xi32> -> vector<16xf32>
        %parallel_loop3A_732 = vector.shape_cast %parallel_loop3A_728 : vector<16xi32> to vector<16x1xi32>
        %parallel_loop3A_733 = vector.shape_cast %parallel_loop3A_732 : vector<16x1xi32> to vector<16xi32>
        %parallel_loop3A_734 = tpu.dynamic_gather %mul3A_627[%parallel_loop3A_733] in [0] : vector<16xi32>, vector<16xi32> -> vector<16xi32>
        %parallel_loop3A_735 = arith.constant 0 : i32
        %parallel_loop3A_736 = vector.broadcast %parallel_loop3A_735 : i32 to vector<16xi32>
        %parallel_loop3A_737 = arith.addi %iota3A, %parallel_loop3A_736 : vector<16xi32>
        %parallel_loop3A_738 = arith.addi %add3A_618, %parallel_loop3A_727 : i32
        %parallel_loop3A_739 = arith.index_cast %parallel_loop3A_738 : i32 to index
        %parallel_loop3A_740 = arith.constant 0 : index
        %parallel_loop3A_741 = tpu.vector_load %arg27[%parallel_loop3A_739, %parallel_loop3A_740] {strides = array<i32>} : memref<320x64xf32, #tpu.memory_space<vmem>>, vector<16xf32>,
        %parallel_loop3A_742 = arith.addi %parallel_loop3A_734, %parallel_loop3A_737 : vector<16xi32>
        %parallel_loop3A_743 = tpu.vector_load_idx %arg17[%parallel_loop3A_742] : memref<25600xf32, #tpu.memory_space<vmem>>[vector<16xi32>], vector<16xf32>,
        %parallel_loop3A_744 = arith.mulf %parallel_loop3A_741, %parallel_loop3A_743 : vector<16xf32>
        %parallel_loop3A_745 = arith.mulf %parallel_loop3A_744, %parallel_loop3A_731 : vector<16xf32>
        %parallel_loop3A_746 = arith.addi %add3A_614, %parallel_loop3A_727 : i32
        %parallel_loop3A_747 = arith.index_cast %parallel_loop3A_746 : i32 to index
        %parallel_loop3A_748 = arith.constant 0 : index
        %parallel_loop3A_749 = tpu.vector_load %arg28[%parallel_loop3A_747, %parallel_loop3A_748] {strides = array<i32>} : memref<160x64xf32, #tpu.memory_space<vmem>>, vector<16xf32>,
        tpu.vector_store %arg28[%parallel_loop3A_747, %parallel_loop3A_748], %parallel_loop3A_745 {strides = array<i32>} : memref<160x64xf32, #tpu.memory_space<vmem>>, vector<16xf32>,
        %parallel_loop3A_750 = arith.constant 16 : i32
        %parallel_loop3A_751 = vector.broadcast %parallel_loop3A_750 : i32 to vector<16xi32>
        %parallel_loop3A_752 = arith.addi %iota3A, %parallel_loop3A_751 : vector<16xi32>
        %parallel_loop3A_753 = arith.addi %add3A_618, %parallel_loop3A_727 : i32
        %parallel_loop3A_754 = arith.index_cast %parallel_loop3A_753 : i32 to index
        %parallel_loop3A_755 = arith.constant 16 : index
        %parallel_loop3A_756 = tpu.vector_load %arg27[%parallel_loop3A_754, %parallel_loop3A_755] {strides = array<i32>} : memref<320x64xf32, #tpu.memory_space<vmem>>, vector<16xf32>,
        %parallel_loop3A_757 = arith.addi %parallel_loop3A_734, %parallel_loop3A_752 : vector<16xi32>
        %parallel_loop3A_758 = tpu.vector_load_idx %arg17[%parallel_loop3A_757] : memref<25600xf32, #tpu.memory_space<vmem>>[vector<16xi32>], vector<16xf32>,
        %parallel_loop3A_759 = arith.mulf %parallel_loop3A_756, %parallel_loop3A_758 : vector<16xf32>
        %parallel_loop3A_760 = arith.mulf %parallel_loop3A_759, %parallel_loop3A_731 : vector<16xf32>
        %parallel_loop3A_761 = arith.addi %add3A_614, %parallel_loop3A_727 : i32
        %parallel_loop3A_762 = arith.index_cast %parallel_loop3A_761 : i32 to index
        %parallel_loop3A_763 = arith.constant 16 : index
        %parallel_loop3A_764 = tpu.vector_load %arg28[%parallel_loop3A_762, %parallel_loop3A_763] {strides = array<i32>} : memref<160x64xf32, #tpu.memory_space<vmem>>, vector<16xf32>,
        tpu.vector_store %arg28[%parallel_loop3A_762, %parallel_loop3A_763], %parallel_loop3A_760 {strides = array<i32>} : memref<160x64xf32, #tpu.memory_space<vmem>>, vector<16xf32>,
        %parallel_loop3A_765 = arith.constant 32 : i32
        %parallel_loop3A_766 = vector.broadcast %parallel_loop3A_765 : i32 to vector<16xi32>
        %parallel_loop3A_767 = arith.addi %iota3A, %parallel_loop3A_766 : vector<16xi32>
        %parallel_loop3A_768 = arith.addi %add3A_618, %parallel_loop3A_727 : i32
        %parallel_loop3A_769 = arith.index_cast %parallel_loop3A_768 : i32 to index
        %parallel_loop3A_770 = arith.constant 32 : index
        %parallel_loop3A_771 = tpu.vector_load %arg27[%parallel_loop3A_769, %parallel_loop3A_770] {strides = array<i32>} : memref<320x64xf32, #tpu.memory_space<vmem>>, vector<16xf32>,
        %parallel_loop3A_772 = arith.addi %parallel_loop3A_734, %parallel_loop3A_767 : vector<16xi32>
        %parallel_loop3A_773 = tpu.vector_load_idx %arg17[%parallel_loop3A_772] : memref<25600xf32, #tpu.memory_space<vmem>>[vector<16xi32>], vector<16xf32>,
        %parallel_loop3A_774 = arith.mulf %parallel_loop3A_771, %parallel_loop3A_773 : vector<16xf32>
        %parallel_loop3A_775 = arith.mulf %parallel_loop3A_774, %parallel_loop3A_731 : vector<16xf32>
        %parallel_loop3A_776 = arith.addi %add3A_614, %parallel_loop3A_727 : i32
        %parallel_loop3A_777 = arith.index_cast %parallel_loop3A_776 : i32 to index
        %parallel_loop3A_778 = arith.constant 32 : index
        %parallel_loop3A_779 = tpu.vector_load %arg28[%parallel_loop3A_777, %parallel_loop3A_778] {strides = array<i32>} : memref<160x64xf32, #tpu.memory_space<vmem>>, vector<16xf32>,
        tpu.vector_store %arg28[%parallel_loop3A_777, %parallel_loop3A_778], %parallel_loop3A_775 {strides = array<i32>} : memref<160x64xf32, #tpu.memory_space<vmem>>, vector<16xf32>,
        %parallel_loop3A_780 = arith.constant 48 : i32
        %parallel_loop3A_781 = vector.broadcast %parallel_loop3A_780 : i32 to vector<16xi32>
        %parallel_loop3A_782 = arith.addi %iota3A, %parallel_loop3A_781 : vector<16xi32>
        %parallel_loop3A_783 = arith.addi %add3A_618, %parallel_loop3A_727 : i32
        %parallel_loop3A_784 = arith.index_cast %parallel_loop3A_783 : i32 to index
        %parallel_loop3A_785 = arith.constant 48 : index
        %parallel_loop3A_786 = tpu.vector_load %arg27[%parallel_loop3A_784, %parallel_loop3A_785] {strides = array<i32>} : memref<320x64xf32, #tpu.memory_space<vmem>>, vector<16xf32>,
        %parallel_loop3A_787 = arith.addi %parallel_loop3A_734, %parallel_loop3A_782 : vector<16xi32>
        %parallel_loop3A_788 = tpu.vector_load_idx %arg17[%parallel_loop3A_787] : memref<25600xf32, #tpu.memory_space<vmem>>[vector<16xi32>], vector<16xf32>,
        %parallel_loop3A_789 = arith.mulf %parallel_loop3A_786, %parallel_loop3A_788 : vector<16xf32>
        %parallel_loop3A_790 = arith.mulf %parallel_loop3A_789, %parallel_loop3A_731 : vector<16xf32>
        %parallel_loop3A_791 = arith.addi %add3A_614, %parallel_loop3A_727 : i32
        %parallel_loop3A_792 = arith.index_cast %parallel_loop3A_791 : i32 to index
        %parallel_loop3A_793 = arith.constant 48 : index
        %parallel_loop3A_794 = tpu.vector_load %arg28[%parallel_loop3A_792, %parallel_loop3A_793] {strides = array<i32>} : memref<160x64xf32, #tpu.memory_space<vmem>>, vector<16xf32>,
        tpu.vector_store %arg28[%parallel_loop3A_792, %parallel_loop3A_793], %parallel_loop3A_790 {strides = array<i32>} : memref<160x64xf32, #tpu.memory_space<vmem>>, vector<16xf32>,
      } {sc.loop_unroll_factor = 4 : i64, sc.parallel_access}
      %mul3A_630 = arith.constant 80 : i32
      %mul3A_631 = arith.muli %select_n3A_233, %mul3A_630 : i32
      %add3A_632 = arith.constant 16 : i32
      %add3A_633 = arith.addi %mul3A_631, %add3A_632 : i32
      %mul3A_634 = arith.constant 80 : i32
      %mul3A_635 = arith.muli %select_n3A_610, %mul3A_634 : i32
      %add3A_636 = arith.constant 16 : i32
      %add3A_637 = arith.addi %mul3A_635, %add3A_636 : i32
      %get3A_638 = arith.index_cast %add3A_633 : i32 to index
      %get3A_639 = tpu.vector_load %arg26[%get3A_638] {strides = array<i32>} : memref<160xf32, #tpu.memory_space<vmem>>, vector<16xf32>,
      %add3A_640 = arith.constant 16 : i32
      %add3A_641 = arith.addi %add3A_291, %add3A_640 : i32
      %get3A_642 = arith.index_cast %add3A_641 : i32 to index
      %get3A_643 = tpu.vector_load %arg20[%get3A_642] {strides = array<i32>} : memref<1600xi32, #tpu.memory_space<vmem>>, vector<16xi32>,
      %mul3A_644 = arith.constant 64 : i32
      %mul3A_645 = vector.broadcast %mul3A_644 : i32 to vector<16xi32>
      %mul3A_646 = arith.muli %get3A_643, %mul3A_645 : vector<16xi32>
      %parallel_loop3A_647 = arith.constant 0 : i32
      %parallel_loop3A_648 = arith.constant 16 : i32
      %parallel_loop3A_649 = arith.constant 1 : i32
      scf.for %parallel_loop3A_727 = %parallel_loop3A_647 to %parallel_loop3A_648 step %parallel_loop3A_649  : i32 {
        %parallel_loop3A_728 = vector.broadcast %parallel_loop3A_727 : i32 to vector<16xi32>
        %parallel_loop3A_729 = vector.shape_cast %parallel_loop3A_728 : vector<16xi32> to vector<16x1xi32>
        %parallel_loop3A_730 = vector.shape_cast %parallel_loop3A_729 : vector<16x1xi32> to vector<16xi32>
        %parallel_loop3A_731 = tpu.dynamic_gather %get3A_639[%parallel_loop3A_730] in [0] : vector<16xf32>, vector<16xi32> -> vector<16xf32>
        %parallel_loop3A_732 = vector.shape_cast %parallel_loop3A_728 : vector<16xi32> to vector<16x1xi32>
        %parallel_loop3A_733 = vector.shape_cast %parallel_loop3A_732 : vector<16x1xi32> to vector<16xi32>
        %parallel_loop3A_734 = tpu.dynamic_gather %mul3A_646[%parallel_loop3A_733] in [0] : vector<16xi32>, vector<16xi32> -> vector<16xi32>
        %parallel_loop3A_735 = arith.constant 0 : i32
        %parallel_loop3A_736 = vector.broadcast %parallel_loop3A_735 : i32 to vector<16xi32>
        %parallel_loop3A_737 = arith.addi %iota3A, %parallel_loop3A_736 : vector<16xi32>
        %parallel_loop3A_738 = arith.addi %add3A_637, %parallel_loop3A_727 : i32
        %parallel_loop3A_739 = arith.index_cast %parallel_loop3A_738 : i32 to index
        %parallel_loop3A_740 = arith.constant 0 : index
        %parallel_loop3A_741 = tpu.vector_load %arg27[%parallel_loop3A_739, %parallel_loop3A_740] {strides = array<i32>} : memref<320x64xf32, #tpu.memory_space<vmem>>, vector<16xf32>,
        %parallel_loop3A_742 = arith.addi %parallel_loop3A_734, %parallel_loop3A_737 : vector<16xi32>
        %parallel_loop3A_743 = tpu.vector_load_idx %arg17[%parallel_loop3A_742] : memref<25600xf32, #tpu.memory_space<vmem>>[vector<16xi32>], vector<16xf32>,
        %parallel_loop3A_744 = arith.mulf %parallel_loop3A_741, %parallel_loop3A_743 : vector<16xf32>
        %parallel_loop3A_745 = arith.mulf %parallel_loop3A_744, %parallel_loop3A_731 : vector<16xf32>
        %parallel_loop3A_746 = arith.addi %add3A_633, %parallel_loop3A_727 : i32
        %parallel_loop3A_747 = arith.index_cast %parallel_loop3A_746 : i32 to index
        %parallel_loop3A_748 = arith.constant 0 : index
        %parallel_loop3A_749 = tpu.vector_load %arg28[%parallel_loop3A_747, %parallel_loop3A_748] {strides = array<i32>} : memref<160x64xf32, #tpu.memory_space<vmem>>, vector<16xf32>,
        tpu.vector_store %arg28[%parallel_loop3A_747, %parallel_loop3A_748], %parallel_loop3A_745 {strides = array<i32>} : memref<160x64xf32, #tpu.memory_space<vmem>>, vector<16xf32>,
        %parallel_loop3A_750 = arith.constant 16 : i32
        %parallel_loop3A_751 = vector.broadcast %parallel_loop3A_750 : i32 to vector<16xi32>
        %parallel_loop3A_752 = arith.addi %iota3A, %parallel_loop3A_751 : vector<16xi32>
        %parallel_loop3A_753 = arith.addi %add3A_637, %parallel_loop3A_727 : i32
        %parallel_loop3A_754 = arith.index_cast %parallel_loop3A_753 : i32 to index
        %parallel_loop3A_755 = arith.constant 16 : index
        %parallel_loop3A_756 = tpu.vector_load %arg27[%parallel_loop3A_754, %parallel_loop3A_755] {strides = array<i32>} : memref<320x64xf32, #tpu.memory_space<vmem>>, vector<16xf32>,
        %parallel_loop3A_757 = arith.addi %parallel_loop3A_734, %parallel_loop3A_752 : vector<16xi32>
        %parallel_loop3A_758 = tpu.vector_load_idx %arg17[%parallel_loop3A_757] : memref<25600xf32, #tpu.memory_space<vmem>>[vector<16xi32>], vector<16xf32>,
        %parallel_loop3A_759 = arith.mulf %parallel_loop3A_756, %parallel_loop3A_758 : vector<16xf32>
        %parallel_loop3A_760 = arith.mulf %parallel_loop3A_759, %parallel_loop3A_731 : vector<16xf32>
        %parallel_loop3A_761 = arith.addi %add3A_633, %parallel_loop3A_727 : i32
        %parallel_loop3A_762 = arith.index_cast %parallel_loop3A_761 : i32 to index
        %parallel_loop3A_763 = arith.constant 16 : index
        %parallel_loop3A_764 = tpu.vector_load %arg28[%parallel_loop3A_762, %parallel_loop3A_763] {strides = array<i32>} : memref<160x64xf32, #tpu.memory_space<vmem>>, vector<16xf32>,
        tpu.vector_store %arg28[%parallel_loop3A_762, %parallel_loop3A_763], %parallel_loop3A_760 {strides = array<i32>} : memref<160x64xf32, #tpu.memory_space<vmem>>, vector<16xf32>,
        %parallel_loop3A_765 = arith.constant 32 : i32
        %parallel_loop3A_766 = vector.broadcast %parallel_loop3A_765 : i32 to vector<16xi32>
        %parallel_loop3A_767 = arith.addi %iota3A, %parallel_loop3A_766 : vector<16xi32>
        %parallel_loop3A_768 = arith.addi %add3A_637, %parallel_loop3A_727 : i32
        %parallel_loop3A_769 = arith.index_cast %parallel_loop3A_768 : i32 to index
        %parallel_loop3A_770 = arith.constant 32 : index
        %parallel_loop3A_771 = tpu.vector_load %arg27[%parallel_loop3A_769, %parallel_loop3A_770] {strides = array<i32>} : memref<320x64xf32, #tpu.memory_space<vmem>>, vector<16xf32>,
        %parallel_loop3A_772 = arith.addi %parallel_loop3A_734, %parallel_loop3A_767 : vector<16xi32>
        %parallel_loop3A_773 = tpu.vector_load_idx %arg17[%parallel_loop3A_772] : memref<25600xf32, #tpu.memory_space<vmem>>[vector<16xi32>], vector<16xf32>,
        %parallel_loop3A_774 = arith.mulf %parallel_loop3A_771, %parallel_loop3A_773 : vector<16xf32>
        %parallel_loop3A_775 = arith.mulf %parallel_loop3A_774, %parallel_loop3A_731 : vector<16xf32>
        %parallel_loop3A_776 = arith.addi %add3A_633, %parallel_loop3A_727 : i32
        %parallel_loop3A_777 = arith.index_cast %parallel_loop3A_776 : i32 to index
        %parallel_loop3A_778 = arith.constant 32 : index
        %parallel_loop3A_779 = tpu.vector_load %arg28[%parallel_loop3A_777, %parallel_loop3A_778] {strides = array<i32>} : memref<160x64xf32, #tpu.memory_space<vmem>>, vector<16xf32>,
        tpu.vector_store %arg28[%parallel_loop3A_777, %parallel_loop3A_778], %parallel_loop3A_775 {strides = array<i32>} : memref<160x64xf32, #tpu.memory_space<vmem>>, vector<16xf32>,
        %parallel_loop3A_780 = arith.constant 48 : i32
        %parallel_loop3A_781 = vector.broadcast %parallel_loop3A_780 : i32 to vector<16xi32>
        %parallel_loop3A_782 = arith.addi %iota3A, %parallel_loop3A_781 : vector<16xi32>
        %parallel_loop3A_783 = arith.addi %add3A_637, %parallel_loop3A_727 : i32
        %parallel_loop3A_784 = arith.index_cast %parallel_loop3A_783 : i32 to index
        %parallel_loop3A_785 = arith.constant 48 : index
        %parallel_loop3A_786 = tpu.vector_load %arg27[%parallel_loop3A_784, %parallel_loop3A_785] {strides = array<i32>} : memref<320x64xf32, #tpu.memory_space<vmem>>, vector<16xf32>,
        %parallel_loop3A_787 = arith.addi %parallel_loop3A_734, %parallel_loop3A_782 : vector<16xi32>
        %parallel_loop3A_788 = tpu.vector_load_idx %arg17[%parallel_loop3A_787] : memref<25600xf32, #tpu.memory_space<vmem>>[vector<16xi32>], vector<16xf32>,
        %parallel_loop3A_789 = arith.mulf %parallel_loop3A_786, %parallel_loop3A_788 : vector<16xf32>
        %parallel_loop3A_790 = arith.mulf %parallel_loop3A_789, %parallel_loop3A_731 : vector<16xf32>
        %parallel_loop3A_791 = arith.addi %add3A_633, %parallel_loop3A_727 : i32
        %parallel_loop3A_792 = arith.index_cast %parallel_loop3A_791 : i32 to index
        %parallel_loop3A_793 = arith.constant 48 : index
        %parallel_loop3A_794 = tpu.vector_load %arg28[%parallel_loop3A_792, %parallel_loop3A_793] {strides = array<i32>} : memref<160x64xf32, #tpu.memory_space<vmem>>, vector<16xf32>,
        tpu.vector_store %arg28[%parallel_loop3A_792, %parallel_loop3A_793], %parallel_loop3A_790 {strides = array<i32>} : memref<160x64xf32, #tpu.memory_space<vmem>>, vector<16xf32>,
      } {sc.loop_unroll_factor = 4 : i64, sc.parallel_access}
      %mul3A_650 = arith.constant 80 : i32
      %mul3A_651 = arith.muli %select_n3A_233, %mul3A_650 : i32
      %add3A_652 = arith.constant 32 : i32
      %add3A_653 = arith.addi %mul3A_651, %add3A_652 : i32
      %mul3A_654 = arith.constant 80 : i32
      %mul3A_655 = arith.muli %select_n3A_610, %mul3A_654 : i32
      %add3A_656 = arith.constant 32 : i32
      %add3A_657 = arith.addi %mul3A_655, %add3A_656 : i32
      %get3A_658 = arith.index_cast %add3A_653 : i32 to index
      %get3A_659 = tpu.vector_load %arg26[%get3A_658] {strides = array<i32>} : memref<160xf32, #tpu.memory_space<vmem>>, vector<16xf32>,
      %add3A_660 = arith.constant 32 : i32
      %add3A_661 = arith.addi %add3A_291, %add3A_660 : i32
      %get3A_662 = arith.index_cast %add3A_661 : i32 to index
      %get3A_663 = tpu.vector_load %arg20[%get3A_662] {strides = array<i32>} : memref<1600xi32, #tpu.memory_space<vmem>>, vector<16xi32>,
      %mul3A_664 = arith.constant 64 : i32
      %mul3A_665 = vector.broadcast %mul3A_664 : i32 to vector<16xi32>
      %mul3A_666 = arith.muli %get3A_663, %mul3A_665 : vector<16xi32>
      %parallel_loop3A_667 = arith.constant 0 : i32
      %parallel_loop3A_668 = arith.constant 16 : i32
      %parallel_loop3A_669 = arith.constant 1 : i32
      scf.for %parallel_loop3A_727 = %parallel_loop3A_667 to %parallel_loop3A_668 step %parallel_loop3A_669  : i32 {
        %parallel_loop3A_728 = vector.broadcast %parallel_loop3A_727 : i32 to vector<16xi32>
        %parallel_loop3A_729 = vector.shape_cast %parallel_loop3A_728 : vector<16xi32> to vector<16x1xi32>
        %parallel_loop3A_730 = vector.shape_cast %parallel_loop3A_729 : vector<16x1xi32> to vector<16xi32>
        %parallel_loop3A_731 = tpu.dynamic_gather %get3A_659[%parallel_loop3A_730] in [0] : vector<16xf32>, vector<16xi32> -> vector<16xf32>
        %parallel_loop3A_732 = vector.shape_cast %parallel_loop3A_728 : vector<16xi32> to vector<16x1xi32>
        %parallel_loop3A_733 = vector.shape_cast %parallel_loop3A_732 : vector<16x1xi32> to vector<16xi32>
        %parallel_loop3A_734 = tpu.dynamic_gather %mul3A_666[%parallel_loop3A_733] in [0] : vector<16xi32>, vector<16xi32> -> vector<16xi32>
        %parallel_loop3A_735 = arith.constant 0 : i32
        %parallel_loop3A_736 = vector.broadcast %parallel_loop3A_735 : i32 to vector<16xi32>
        %parallel_loop3A_737 = arith.addi %iota3A, %parallel_loop3A_736 : vector<16xi32>
        %parallel_loop3A_738 = arith.addi %add3A_657, %parallel_loop3A_727 : i32
        %parallel_loop3A_739 = arith.index_cast %parallel_loop3A_738 : i32 to index
        %parallel_loop3A_740 = arith.constant 0 : index
        %parallel_loop3A_741 = tpu.vector_load %arg27[%parallel_loop3A_739, %parallel_loop3A_740] {strides = array<i32>} : memref<320x64xf32, #tpu.memory_space<vmem>>, vector<16xf32>,
        %parallel_loop3A_742 = arith.addi %parallel_loop3A_734, %parallel_loop3A_737 : vector<16xi32>
        %parallel_loop3A_743 = tpu.vector_load_idx %arg17[%parallel_loop3A_742] : memref<25600xf32, #tpu.memory_space<vmem>>[vector<16xi32>], vector<16xf32>,
        %parallel_loop3A_744 = arith.mulf %parallel_loop3A_741, %parallel_loop3A_743 : vector<16xf32>
        %parallel_loop3A_745 = arith.mulf %parallel_loop3A_744, %parallel_loop3A_731 : vector<16xf32>
        %parallel_loop3A_746 = arith.addi %add3A_653, %parallel_loop3A_727 : i32
        %parallel_loop3A_747 = arith.index_cast %parallel_loop3A_746 : i32 to index
        %parallel_loop3A_748 = arith.constant 0 : index
        %parallel_loop3A_749 = tpu.vector_load %arg28[%parallel_loop3A_747, %parallel_loop3A_748] {strides = array<i32>} : memref<160x64xf32, #tpu.memory_space<vmem>>, vector<16xf32>,
        tpu.vector_store %arg28[%parallel_loop3A_747, %parallel_loop3A_748], %parallel_loop3A_745 {strides = array<i32>} : memref<160x64xf32, #tpu.memory_space<vmem>>, vector<16xf32>,
        %parallel_loop3A_750 = arith.constant 16 : i32
        %parallel_loop3A_751 = vector.broadcast %parallel_loop3A_750 : i32 to vector<16xi32>
        %parallel_loop3A_752 = arith.addi %iota3A, %parallel_loop3A_751 : vector<16xi32>
        %parallel_loop3A_753 = arith.addi %add3A_657, %parallel_loop3A_727 : i32
        %parallel_loop3A_754 = arith.index_cast %parallel_loop3A_753 : i32 to index
        %parallel_loop3A_755 = arith.constant 16 : index
        %parallel_loop3A_756 = tpu.vector_load %arg27[%parallel_loop3A_754, %parallel_loop3A_755] {strides = array<i32>} : memref<320x64xf32, #tpu.memory_space<vmem>>, vector<16xf32>,
        %parallel_loop3A_757 = arith.addi %parallel_loop3A_734, %parallel_loop3A_752 : vector<16xi32>
        %parallel_loop3A_758 = tpu.vector_load_idx %arg17[%parallel_loop3A_757] : memref<25600xf32, #tpu.memory_space<vmem>>[vector<16xi32>], vector<16xf32>,
        %parallel_loop3A_759 = arith.mulf %parallel_loop3A_756, %parallel_loop3A_758 : vector<16xf32>
        %parallel_loop3A_760 = arith.mulf %parallel_loop3A_759, %parallel_loop3A_731 : vector<16xf32>
        %parallel_loop3A_761 = arith.addi %add3A_653, %parallel_loop3A_727 : i32
        %parallel_loop3A_762 = arith.index_cast %parallel_loop3A_761 : i32 to index
        %parallel_loop3A_763 = arith.constant 16 : index
        %parallel_loop3A_764 = tpu.vector_load %arg28[%parallel_loop3A_762, %parallel_loop3A_763] {strides = array<i32>} : memref<160x64xf32, #tpu.memory_space<vmem>>, vector<16xf32>,
        tpu.vector_store %arg28[%parallel_loop3A_762, %parallel_loop3A_763], %parallel_loop3A_760 {strides = array<i32>} : memref<160x64xf32, #tpu.memory_space<vmem>>, vector<16xf32>,
        %parallel_loop3A_765 = arith.constant 32 : i32
        %parallel_loop3A_766 = vector.broadcast %parallel_loop3A_765 : i32 to vector<16xi32>
        %parallel_loop3A_767 = arith.addi %iota3A, %parallel_loop3A_766 : vector<16xi32>
        %parallel_loop3A_768 = arith.addi %add3A_657, %parallel_loop3A_727 : i32
        %parallel_loop3A_769 = arith.index_cast %parallel_loop3A_768 : i32 to index
        %parallel_loop3A_770 = arith.constant 32 : index
        %parallel_loop3A_771 = tpu.vector_load %arg27[%parallel_loop3A_769, %parallel_loop3A_770] {strides = array<i32>} : memref<320x64xf32, #tpu.memory_space<vmem>>, vector<16xf32>,
        %parallel_loop3A_772 = arith.addi %parallel_loop3A_734, %parallel_loop3A_767 : vector<16xi32>
        %parallel_loop3A_773 = tpu.vector_load_idx %arg17[%parallel_loop3A_772] : memref<25600xf32, #tpu.memory_space<vmem>>[vector<16xi32>], vector<16xf32>,
        %parallel_loop3A_774 = arith.mulf %parallel_loop3A_771, %parallel_loop3A_773 : vector<16xf32>
        %parallel_loop3A_775 = arith.mulf %parallel_loop3A_774, %parallel_loop3A_731 : vector<16xf32>
        %parallel_loop3A_776 = arith.addi %add3A_653, %parallel_loop3A_727 : i32
        %parallel_loop3A_777 = arith.index_cast %parallel_loop3A_776 : i32 to index
        %parallel_loop3A_778 = arith.constant 32 : index
        %parallel_loop3A_779 = tpu.vector_load %arg28[%parallel_loop3A_777, %parallel_loop3A_778] {strides = array<i32>} : memref<160x64xf32, #tpu.memory_space<vmem>>, vector<16xf32>,
        tpu.vector_store %arg28[%parallel_loop3A_777, %parallel_loop3A_778], %parallel_loop3A_775 {strides = array<i32>} : memref<160x64xf32, #tpu.memory_space<vmem>>, vector<16xf32>,
        %parallel_loop3A_780 = arith.constant 48 : i32
        %parallel_loop3A_781 = vector.broadcast %parallel_loop3A_780 : i32 to vector<16xi32>
        %parallel_loop3A_782 = arith.addi %iota3A, %parallel_loop3A_781 : vector<16xi32>
        %parallel_loop3A_783 = arith.addi %add3A_657, %parallel_loop3A_727 : i32
        %parallel_loop3A_784 = arith.index_cast %parallel_loop3A_783 : i32 to index
        %parallel_loop3A_785 = arith.constant 48 : index
        %parallel_loop3A_786 = tpu.vector_load %arg27[%parallel_loop3A_784, %parallel_loop3A_785] {strides = array<i32>} : memref<320x64xf32, #tpu.memory_space<vmem>>, vector<16xf32>,
        %parallel_loop3A_787 = arith.addi %parallel_loop3A_734, %parallel_loop3A_782 : vector<16xi32>
        %parallel_loop3A_788 = tpu.vector_load_idx %arg17[%parallel_loop3A_787] : memref<25600xf32, #tpu.memory_space<vmem>>[vector<16xi32>], vector<16xf32>,
        %parallel_loop3A_789 = arith.mulf %parallel_loop3A_786, %parallel_loop3A_788 : vector<16xf32>
        %parallel_loop3A_790 = arith.mulf %parallel_loop3A_789, %parallel_loop3A_731 : vector<16xf32>
        %parallel_loop3A_791 = arith.addi %add3A_653, %parallel_loop3A_727 : i32
        %parallel_loop3A_792 = arith.index_cast %parallel_loop3A_791 : i32 to index
        %parallel_loop3A_793 = arith.constant 48 : index
        %parallel_loop3A_794 = tpu.vector_load %arg28[%parallel_loop3A_792, %parallel_loop3A_793] {strides = array<i32>} : memref<160x64xf32, #tpu.memory_space<vmem>>, vector<16xf32>,
        tpu.vector_store %arg28[%parallel_loop3A_792, %parallel_loop3A_793], %parallel_loop3A_790 {strides = array<i32>} : memref<160x64xf32, #tpu.memory_space<vmem>>, vector<16xf32>,
      } {sc.loop_unroll_factor = 4 : i64, sc.parallel_access}
      %mul3A_670 = arith.constant 80 : i32
      %mul3A_671 = arith.muli %select_n3A_233, %mul3A_670 : i32
      %add3A_672 = arith.constant 48 : i32
      %add3A_673 = arith.addi %mul3A_671, %add3A_672 : i32
      %mul3A_674 = arith.constant 80 : i32
      %mul3A_675 = arith.muli %select_n3A_610, %mul3A_674 : i32
      %add3A_676 = arith.constant 48 : i32
      %add3A_677 = arith.addi %mul3A_675, %add3A_676 : i32
      %get3A_678 = arith.index_cast %add3A_673 : i32 to index
      %get3A_679 = tpu.vector_load %arg26[%get3A_678] {strides = array<i32>} : memref<160xf32, #tpu.memory_space<vmem>>, vector<16xf32>,
      %add3A_680 = arith.constant 48 : i32
      %add3A_681 = arith.addi %add3A_291, %add3A_680 : i32
      %get3A_682 = arith.index_cast %add3A_681 : i32 to index
      %get3A_683 = tpu.vector_load %arg20[%get3A_682] {strides = array<i32>} : memref<1600xi32, #tpu.memory_space<vmem>>, vector<16xi32>,
      %mul3A_684 = arith.constant 64 : i32
      %mul3A_685 = vector.broadcast %mul3A_684 : i32 to vector<16xi32>
      %mul3A_686 = arith.muli %get3A_683, %mul3A_685 : vector<16xi32>
      %parallel_loop3A_687 = arith.constant 0 : i32
      %parallel_loop3A_688 = arith.constant 16 : i32
      %parallel_loop3A_689 = arith.constant 1 : i32
      scf.for %parallel_loop3A_727 = %parallel_loop3A_687 to %parallel_loop3A_688 step %parallel_loop3A_689  : i32 {
        %parallel_loop3A_728 = vector.broadcast %parallel_loop3A_727 : i32 to vector<16xi32>
        %parallel_loop3A_729 = vector.shape_cast %parallel_loop3A_728 : vector<16xi32> to vector<16x1xi32>
        %parallel_loop3A_730 = vector.shape_cast %parallel_loop3A_729 : vector<16x1xi32> to vector<16xi32>
        %parallel_loop3A_731 = tpu.dynamic_gather %get3A_679[%parallel_loop3A_730] in [0] : vector<16xf32>, vector<16xi32> -> vector<16xf32>
        %parallel_loop3A_732 = vector.shape_cast %parallel_loop3A_728 : vector<16xi32> to vector<16x1xi32>
        %parallel_loop3A_733 = vector.shape_cast %parallel_loop3A_732 : vector<16x1xi32> to vector<16xi32>
        %parallel_loop3A_734 = tpu.dynamic_gather %mul3A_686[%parallel_loop3A_733] in [0] : vector<16xi32>, vector<16xi32> -> vector<16xi32>
        %parallel_loop3A_735 = arith.constant 0 : i32
        %parallel_loop3A_736 = vector.broadcast %parallel_loop3A_735 : i32 to vector<16xi32>
        %parallel_loop3A_737 = arith.addi %iota3A, %parallel_loop3A_736 : vector<16xi32>
        %parallel_loop3A_738 = arith.addi %add3A_677, %parallel_loop3A_727 : i32
        %parallel_loop3A_739 = arith.index_cast %parallel_loop3A_738 : i32 to index
        %parallel_loop3A_740 = arith.constant 0 : index
        %parallel_loop3A_741 = tpu.vector_load %arg27[%parallel_loop3A_739, %parallel_loop3A_740] {strides = array<i32>} : memref<320x64xf32, #tpu.memory_space<vmem>>, vector<16xf32>,
        %parallel_loop3A_742 = arith.addi %parallel_loop3A_734, %parallel_loop3A_737 : vector<16xi32>
        %parallel_loop3A_743 = tpu.vector_load_idx %arg17[%parallel_loop3A_742] : memref<25600xf32, #tpu.memory_space<vmem>>[vector<16xi32>], vector<16xf32>,
        %parallel_loop3A_744 = arith.mulf %parallel_loop3A_741, %parallel_loop3A_743 : vector<16xf32>
        %parallel_loop3A_745 = arith.mulf %parallel_loop3A_744, %parallel_loop3A_731 : vector<16xf32>
        %parallel_loop3A_746 = arith.addi %add3A_673, %parallel_loop3A_727 : i32
        %parallel_loop3A_747 = arith.index_cast %parallel_loop3A_746 : i32 to index
        %parallel_loop3A_748 = arith.constant 0 : index
        %parallel_loop3A_749 = tpu.vector_load %arg28[%parallel_loop3A_747, %parallel_loop3A_748] {strides = array<i32>} : memref<160x64xf32, #tpu.memory_space<vmem>>, vector<16xf32>,
        tpu.vector_store %arg28[%parallel_loop3A_747, %parallel_loop3A_748], %parallel_loop3A_745 {strides = array<i32>} : memref<160x64xf32, #tpu.memory_space<vmem>>, vector<16xf32>,
        %parallel_loop3A_750 = arith.constant 16 : i32
        %parallel_loop3A_751 = vector.broadcast %parallel_loop3A_750 : i32 to vector<16xi32>
        %parallel_loop3A_752 = arith.addi %iota3A, %parallel_loop3A_751 : vector<16xi32>
        %parallel_loop3A_753 = arith.addi %add3A_677, %parallel_loop3A_727 : i32
        %parallel_loop3A_754 = arith.index_cast %parallel_loop3A_753 : i32 to index
        %parallel_loop3A_755 = arith.constant 16 : index
        %parallel_loop3A_756 = tpu.vector_load %arg27[%parallel_loop3A_754, %parallel_loop3A_755] {strides = array<i32>} : memref<320x64xf32, #tpu.memory_space<vmem>>, vector<16xf32>,
        %parallel_loop3A_757 = arith.addi %parallel_loop3A_734, %parallel_loop3A_752 : vector<16xi32>
        %parallel_loop3A_758 = tpu.vector_load_idx %arg17[%parallel_loop3A_757] : memref<25600xf32, #tpu.memory_space<vmem>>[vector<16xi32>], vector<16xf32>,
        %parallel_loop3A_759 = arith.mulf %parallel_loop3A_756, %parallel_loop3A_758 : vector<16xf32>
        %parallel_loop3A_760 = arith.mulf %parallel_loop3A_759, %parallel_loop3A_731 : vector<16xf32>
        %parallel_loop3A_761 = arith.addi %add3A_673, %parallel_loop3A_727 : i32
        %parallel_loop3A_762 = arith.index_cast %parallel_loop3A_761 : i32 to index
        %parallel_loop3A_763 = arith.constant 16 : index
        %parallel_loop3A_764 = tpu.vector_load %arg28[%parallel_loop3A_762, %parallel_loop3A_763] {strides = array<i32>} : memref<160x64xf32, #tpu.memory_space<vmem>>, vector<16xf32>,
        tpu.vector_store %arg28[%parallel_loop3A_762, %parallel_loop3A_763], %parallel_loop3A_760 {strides = array<i32>} : memref<160x64xf32, #tpu.memory_space<vmem>>, vector<16xf32>,
        %parallel_loop3A_765 = arith.constant 32 : i32
        %parallel_loop3A_766 = vector.broadcast %parallel_loop3A_765 : i32 to vector<16xi32>
        %parallel_loop3A_767 = arith.addi %iota3A, %parallel_loop3A_766 : vector<16xi32>
        %parallel_loop3A_768 = arith.addi %add3A_677, %parallel_loop3A_727 : i32
        %parallel_loop3A_769 = arith.index_cast %parallel_loop3A_768 : i32 to index
        %parallel_loop3A_770 = arith.constant 32 : index
        %parallel_loop3A_771 = tpu.vector_load %arg27[%parallel_loop3A_769, %parallel_loop3A_770] {strides = array<i32>} : memref<320x64xf32, #tpu.memory_space<vmem>>, vector<16xf32>,
        %parallel_loop3A_772 = arith.addi %parallel_loop3A_734, %parallel_loop3A_767 : vector<16xi32>
        %parallel_loop3A_773 = tpu.vector_load_idx %arg17[%parallel_loop3A_772] : memref<25600xf32, #tpu.memory_space<vmem>>[vector<16xi32>], vector<16xf32>,
        %parallel_loop3A_774 = arith.mulf %parallel_loop3A_771, %parallel_loop3A_773 : vector<16xf32>
        %parallel_loop3A_775 = arith.mulf %parallel_loop3A_774, %parallel_loop3A_731 : vector<16xf32>
        %parallel_loop3A_776 = arith.addi %add3A_673, %parallel_loop3A_727 : i32
        %parallel_loop3A_777 = arith.index_cast %parallel_loop3A_776 : i32 to index
        %parallel_loop3A_778 = arith.constant 32 : index
        %parallel_loop3A_779 = tpu.vector_load %arg28[%parallel_loop3A_777, %parallel_loop3A_778] {strides = array<i32>} : memref<160x64xf32, #tpu.memory_space<vmem>>, vector<16xf32>,
        tpu.vector_store %arg28[%parallel_loop3A_777, %parallel_loop3A_778], %parallel_loop3A_775 {strides = array<i32>} : memref<160x64xf32, #tpu.memory_space<vmem>>, vector<16xf32>,
        %parallel_loop3A_780 = arith.constant 48 : i32
        %parallel_loop3A_781 = vector.broadcast %parallel_loop3A_780 : i32 to vector<16xi32>
        %parallel_loop3A_782 = arith.addi %iota3A, %parallel_loop3A_781 : vector<16xi32>
        %parallel_loop3A_783 = arith.addi %add3A_677, %parallel_loop3A_727 : i32
        %parallel_loop3A_784 = arith.index_cast %parallel_loop3A_783 : i32 to index
        %parallel_loop3A_785 = arith.constant 48 : index
        %parallel_loop3A_786 = tpu.vector_load %arg27[%parallel_loop3A_784, %parallel_loop3A_785] {strides = array<i32>} : memref<320x64xf32, #tpu.memory_space<vmem>>, vector<16xf32>,
        %parallel_loop3A_787 = arith.addi %parallel_loop3A_734, %parallel_loop3A_782 : vector<16xi32>
        %parallel_loop3A_788 = tpu.vector_load_idx %arg17[%parallel_loop3A_787] : memref<25600xf32, #tpu.memory_space<vmem>>[vector<16xi32>], vector<16xf32>,
        %parallel_loop3A_789 = arith.mulf %parallel_loop3A_786, %parallel_loop3A_788 : vector<16xf32>
        %parallel_loop3A_790 = arith.mulf %parallel_loop3A_789, %parallel_loop3A_731 : vector<16xf32>
        %parallel_loop3A_791 = arith.addi %add3A_673, %parallel_loop3A_727 : i32
        %parallel_loop3A_792 = arith.index_cast %parallel_loop3A_791 : i32 to index
        %parallel_loop3A_793 = arith.constant 48 : index
        %parallel_loop3A_794 = tpu.vector_load %arg28[%parallel_loop3A_792, %parallel_loop3A_793] {strides = array<i32>} : memref<160x64xf32, #tpu.memory_space<vmem>>, vector<16xf32>,
        tpu.vector_store %arg28[%parallel_loop3A_792, %parallel_loop3A_793], %parallel_loop3A_790 {strides = array<i32>} : memref<160x64xf32, #tpu.memory_space<vmem>>, vector<16xf32>,
      } {sc.loop_unroll_factor = 4 : i64, sc.parallel_access}
      %mul3A_690 = arith.constant 80 : i32
      %mul3A_691 = arith.muli %select_n3A_233, %mul3A_690 : i32
      %add3A_692 = arith.constant 64 : i32
      %add3A_693 = arith.addi %mul3A_691, %add3A_692 : i32
      %mul3A_694 = arith.constant 80 : i32
      %mul3A_695 = arith.muli %select_n3A_610, %mul3A_694 : i32
      %add3A_696 = arith.constant 64 : i32
      %add3A_697 = arith.addi %mul3A_695, %add3A_696 : i32
      %get3A_698 = arith.index_cast %add3A_693 : i32 to index
      %get3A_699 = tpu.vector_load %arg26[%get3A_698] {strides = array<i32>} : memref<160xf32, #tpu.memory_space<vmem>>, vector<16xf32>,
      %add3A_700 = arith.constant 64 : i32
      %add3A_701 = arith.addi %add3A_291, %add3A_700 : i32
      %get3A_702 = arith.index_cast %add3A_701 : i32 to index
      %get3A_703 = tpu.vector_load %arg20[%get3A_702] {strides = array<i32>} : memref<1600xi32, #tpu.memory_space<vmem>>, vector<16xi32>,
      %mul3A_704 = arith.constant 64 : i32
      %mul3A_705 = vector.broadcast %mul3A_704 : i32 to vector<16xi32>
      %mul3A_706 = arith.muli %get3A_703, %mul3A_705 : vector<16xi32>
      %parallel_loop3A_707 = arith.constant 0 : i32
      %parallel_loop3A_708 = arith.constant 16 : i32
      %parallel_loop3A_709 = arith.constant 1 : i32
      scf.for %parallel_loop3A_727 = %parallel_loop3A_707 to %parallel_loop3A_708 step %parallel_loop3A_709  : i32 {
        %parallel_loop3A_728 = vector.broadcast %parallel_loop3A_727 : i32 to vector<16xi32>
        %parallel_loop3A_729 = vector.shape_cast %parallel_loop3A_728 : vector<16xi32> to vector<16x1xi32>
        %parallel_loop3A_730 = vector.shape_cast %parallel_loop3A_729 : vector<16x1xi32> to vector<16xi32>
        %parallel_loop3A_731 = tpu.dynamic_gather %get3A_699[%parallel_loop3A_730] in [0] : vector<16xf32>, vector<16xi32> -> vector<16xf32>
        %parallel_loop3A_732 = vector.shape_cast %parallel_loop3A_728 : vector<16xi32> to vector<16x1xi32>
        %parallel_loop3A_733 = vector.shape_cast %parallel_loop3A_732 : vector<16x1xi32> to vector<16xi32>
        %parallel_loop3A_734 = tpu.dynamic_gather %mul3A_706[%parallel_loop3A_733] in [0] : vector<16xi32>, vector<16xi32> -> vector<16xi32>
        %parallel_loop3A_735 = arith.constant 0 : i32
        %parallel_loop3A_736 = vector.broadcast %parallel_loop3A_735 : i32 to vector<16xi32>
        %parallel_loop3A_737 = arith.addi %iota3A, %parallel_loop3A_736 : vector<16xi32>
        %parallel_loop3A_738 = arith.addi %add3A_697, %parallel_loop3A_727 : i32
        %parallel_loop3A_739 = arith.index_cast %parallel_loop3A_738 : i32 to index
        %parallel_loop3A_740 = arith.constant 0 : index
        %parallel_loop3A_741 = tpu.vector_load %arg27[%parallel_loop3A_739, %parallel_loop3A_740] {strides = array<i32>} : memref<320x64xf32, #tpu.memory_space<vmem>>, vector<16xf32>,
        %parallel_loop3A_742 = arith.addi %parallel_loop3A_734, %parallel_loop3A_737 : vector<16xi32>
        %parallel_loop3A_743 = tpu.vector_load_idx %arg17[%parallel_loop3A_742] : memref<25600xf32, #tpu.memory_space<vmem>>[vector<16xi32>], vector<16xf32>,
        %parallel_loop3A_744 = arith.mulf %parallel_loop3A_741, %parallel_loop3A_743 : vector<16xf32>
        %parallel_loop3A_745 = arith.mulf %parallel_loop3A_744, %parallel_loop3A_731 : vector<16xf32>
        %parallel_loop3A_746 = arith.addi %add3A_693, %parallel_loop3A_727 : i32
        %parallel_loop3A_747 = arith.index_cast %parallel_loop3A_746 : i32 to index
        %parallel_loop3A_748 = arith.constant 0 : index
        %parallel_loop3A_749 = tpu.vector_load %arg28[%parallel_loop3A_747, %parallel_loop3A_748] {strides = array<i32>} : memref<160x64xf32, #tpu.memory_space<vmem>>, vector<16xf32>,
        tpu.vector_store %arg28[%parallel_loop3A_747, %parallel_loop3A_748], %parallel_loop3A_745 {strides = array<i32>} : memref<160x64xf32, #tpu.memory_space<vmem>>, vector<16xf32>,
        %parallel_loop3A_750 = arith.constant 16 : i32
        %parallel_loop3A_751 = vector.broadcast %parallel_loop3A_750 : i32 to vector<16xi32>
        %parallel_loop3A_752 = arith.addi %iota3A, %parallel_loop3A_751 : vector<16xi32>
        %parallel_loop3A_753 = arith.addi %add3A_697, %parallel_loop3A_727 : i32
        %parallel_loop3A_754 = arith.index_cast %parallel_loop3A_753 : i32 to index
        %parallel_loop3A_755 = arith.constant 16 : index
        %parallel_loop3A_756 = tpu.vector_load %arg27[%parallel_loop3A_754, %parallel_loop3A_755] {strides = array<i32>} : memref<320x64xf32, #tpu.memory_space<vmem>>, vector<16xf32>,
        %parallel_loop3A_757 = arith.addi %parallel_loop3A_734, %parallel_loop3A_752 : vector<16xi32>
        %parallel_loop3A_758 = tpu.vector_load_idx %arg17[%parallel_loop3A_757] : memref<25600xf32, #tpu.memory_space<vmem>>[vector<16xi32>], vector<16xf32>,
        %parallel_loop3A_759 = arith.mulf %parallel_loop3A_756, %parallel_loop3A_758 : vector<16xf32>
        %parallel_loop3A_760 = arith.mulf %parallel_loop3A_759, %parallel_loop3A_731 : vector<16xf32>
        %parallel_loop3A_761 = arith.addi %add3A_693, %parallel_loop3A_727 : i32
        %parallel_loop3A_762 = arith.index_cast %parallel_loop3A_761 : i32 to index
        %parallel_loop3A_763 = arith.constant 16 : index
        %parallel_loop3A_764 = tpu.vector_load %arg28[%parallel_loop3A_762, %parallel_loop3A_763] {strides = array<i32>} : memref<160x64xf32, #tpu.memory_space<vmem>>, vector<16xf32>,
        tpu.vector_store %arg28[%parallel_loop3A_762, %parallel_loop3A_763], %parallel_loop3A_760 {strides = array<i32>} : memref<160x64xf32, #tpu.memory_space<vmem>>, vector<16xf32>,
        %parallel_loop3A_765 = arith.constant 32 : i32
        %parallel_loop3A_766 = vector.broadcast %parallel_loop3A_765 : i32 to vector<16xi32>
        %parallel_loop3A_767 = arith.addi %iota3A, %parallel_loop3A_766 : vector<16xi32>
        %parallel_loop3A_768 = arith.addi %add3A_697, %parallel_loop3A_727 : i32
        %parallel_loop3A_769 = arith.index_cast %parallel_loop3A_768 : i32 to index
        %parallel_loop3A_770 = arith.constant 32 : index
        %parallel_loop3A_771 = tpu.vector_load %arg27[%parallel_loop3A_769, %parallel_loop3A_770] {strides = array<i32>} : memref<320x64xf32, #tpu.memory_space<vmem>>, vector<16xf32>,
        %parallel_loop3A_772 = arith.addi %parallel_loop3A_734, %parallel_loop3A_767 : vector<16xi32>
        %parallel_loop3A_773 = tpu.vector_load_idx %arg17[%parallel_loop3A_772] : memref<25600xf32, #tpu.memory_space<vmem>>[vector<16xi32>], vector<16xf32>,
        %parallel_loop3A_774 = arith.mulf %parallel_loop3A_771, %parallel_loop3A_773 : vector<16xf32>
        %parallel_loop3A_775 = arith.mulf %parallel_loop3A_774, %parallel_loop3A_731 : vector<16xf32>
        %parallel_loop3A_776 = arith.addi %add3A_693, %parallel_loop3A_727 : i32
        %parallel_loop3A_777 = arith.index_cast %parallel_loop3A_776 : i32 to index
        %parallel_loop3A_778 = arith.constant 32 : index
        %parallel_loop3A_779 = tpu.vector_load %arg28[%parallel_loop3A_777, %parallel_loop3A_778] {strides = array<i32>} : memref<160x64xf32, #tpu.memory_space<vmem>>, vector<16xf32>,
        tpu.vector_store %arg28[%parallel_loop3A_777, %parallel_loop3A_778], %parallel_loop3A_775 {strides = array<i32>} : memref<160x64xf32, #tpu.memory_space<vmem>>, vector<16xf32>,
        %parallel_loop3A_780 = arith.constant 48 : i32
        %parallel_loop3A_781 = vector.broadcast %parallel_loop3A_780 : i32 to vector<16xi32>
        %parallel_loop3A_782 = arith.addi %iota3A, %parallel_loop3A_781 : vector<16xi32>
        %parallel_loop3A_783 = arith.addi %add3A_697, %parallel_loop3A_727 : i32
        %parallel_loop3A_784 = arith.index_cast %parallel_loop3A_783 : i32 to index
        %parallel_loop3A_785 = arith.constant 48 : index
        %parallel_loop3A_786 = tpu.vector_load %arg27[%parallel_loop3A_784, %parallel_loop3A_785] {strides = array<i32>} : memref<320x64xf32, #tpu.memory_space<vmem>>, vector<16xf32>,
        %parallel_loop3A_787 = arith.addi %parallel_loop3A_734, %parallel_loop3A_782 : vector<16xi32>
        %parallel_loop3A_788 = tpu.vector_load_idx %arg17[%parallel_loop3A_787] : memref<25600xf32, #tpu.memory_space<vmem>>[vector<16xi32>], vector<16xf32>,
        %parallel_loop3A_789 = arith.mulf %parallel_loop3A_786, %parallel_loop3A_788 : vector<16xf32>
        %parallel_loop3A_790 = arith.mulf %parallel_loop3A_789, %parallel_loop3A_731 : vector<16xf32>
        %parallel_loop3A_791 = arith.addi %add3A_693, %parallel_loop3A_727 : i32
        %parallel_loop3A_792 = arith.index_cast %parallel_loop3A_791 : i32 to index
        %parallel_loop3A_793 = arith.constant 48 : index
        %parallel_loop3A_794 = tpu.vector_load %arg28[%parallel_loop3A_792, %parallel_loop3A_793] {strides = array<i32>} : memref<160x64xf32, #tpu.memory_space<vmem>>, vector<16xf32>,
        tpu.vector_store %arg28[%parallel_loop3A_792, %parallel_loop3A_793], %parallel_loop3A_790 {strides = array<i32>} : memref<160x64xf32, #tpu.memory_space<vmem>>, vector<16xf32>,
      } {sc.loop_unroll_factor = 4 : i64, sc.parallel_access}
      %mul3A_710 = arith.constant 80 : i32
      %mul3A_711 = arith.muli %select_n3A_233, %mul3A_710 : i32
      %dma_start3A_712 = arith.constant 0 : i32
      %dma_start3A_713 = tpu.memref_slice %arg28[%mul3A_711, %dma_start3A_712] : memref<160x64xf32, #tpu.memory_space<vmem>> -> memref<80x64xf32, #tpu.memory_space<vmem>>
      %dma_start3A_714 = arith.constant 0 : i32
      %dma_start3A_715 = tpu.memref_slice %arg24[%select_n3A_233, %dma_start3A_714] : memref<2x80xi32, #tpu.memory_space<vmem>> -> memref<1x80xi32, #tpu.memory_space<vmem>>
      %dma_start3A_716 = tpu.memref_squeeze %dma_start3A_715 : memref<1x80xi32, #tpu.memory_space<vmem>> -> memref<80xi32, #tpu.memory_space<vmem>>
      %dma_start3A_717 = arith.constant 0 : i32
      %dma_start3A_718 = arith.constant 0 : i32
      %dma_start3A_719 = tpu.memref_slice %arg29[%dma_start3A_717, %dma_start3A_718] : memref<10240x64xf32, #tpu.memory_space<vmem_shared>> -> memref<10240x64xf32, #tpu.memory_space<vmem_shared>>
      %dma_start3A_720 = tpu.memref_slice %arg33[%select_n3A_233] : memref<2x!tpu.dma_semaphore, #tpu.memory_space<semaphore_mem>> -> memref<1x!tpu.dma_semaphore, #tpu.memory_space<semaphore_mem>>
      %dma_start3A_721 = tpu.memref_squeeze %dma_start3A_720 : memref<1x!tpu.dma_semaphore, #tpu.memory_space<semaphore_mem>> -> memref<!tpu.dma_semaphore, #tpu.memory_space<semaphore_mem>>
      tpu.enqueue_indirect_dma source(%dma_start3A_713 : memref<80x64xf32, #tpu.memory_space<vmem>>) target(%dma_start3A_719 : memref<10240x64xf32, #tpu.memory_space<vmem_shared>>) offsets(%dma_start3A_716 : memref<80xi32, #tpu.memory_space<vmem>>) semaphore(%dma_start3A_721 : memref<!tpu.dma_semaphore, #tpu.memory_space<semaphore_mem>>) {add = true}
      %eq3A_722 = arith.constant 0 : i32
      %eq3A_723 = arith.cmpi eq, %arg0, %eq3A_722 : i32
      %convert_element_type3A_724 = arith.extui %eq3A_723 : i1 to i32
      %cond3A_725 = arith.constant 0 : i32
      %cond3A_726 = arith.cmpi ne, %convert_element_type3A_724, %cond3A_725 : i32
      scf.if %cond3A_726 {
        %dma_start3A_727 = arith.constant 0 : i32
        %dma_start3A_728 = tpu.memref_slice %arg25[%select_n3A_233, %dma_start3A_727] : memref<2x80xf32, #tpu.memory_space<vmem>> -> memref<1x80xf32, #tpu.memory_space<vmem>>
        %dma_start3A_729 = tpu.memref_squeeze %dma_start3A_728 : memref<1x80xf32, #tpu.memory_space<vmem>> -> memref<80xf32, #tpu.memory_space<vmem>>
        %dma_start3A_730 = arith.constant 0 : i32
        %dma_start3A_731 = tpu.memref_slice %arg24[%select_n3A_233, %dma_start3A_730] : memref<2x80xi32, #tpu.memory_space<vmem>> -> memref<1x80xi32, #tpu.memory_space<vmem>>
        %dma_start3A_732 = tpu.memref_squeeze %dma_start3A_731 : memref<1x80xi32, #tpu.memory_space<vmem>> -> memref<80xi32, #tpu.memory_space<vmem>>
        %dma_start3A_733 = arith.constant 0 : i32
        %dma_start3A_734 = tpu.memref_slice %arg30[%dma_start3A_733] : memref<10240xf32, #tpu.memory_space<vmem_shared>> -> memref<10240xf32, #tpu.memory_space<vmem_shared>>
        %dma_start3A_735 = tpu.memref_slice %arg33[%select_n3A_233] : memref<2x!tpu.dma_semaphore, #tpu.memory_space<semaphore_mem>> -> memref<1x!tpu.dma_semaphore, #tpu.memory_space<semaphore_mem>>
        %dma_start3A_736 = tpu.memref_squeeze %dma_start3A_735 : memref<1x!tpu.dma_semaphore, #tpu.memory_space<semaphore_mem>> -> memref<!tpu.dma_semaphore, #tpu.memory_space<semaphore_mem>>
        tpu.enqueue_indirect_dma source(%dma_start3A_729 : memref<80xf32, #tpu.memory_space<vmem>>) target(%dma_start3A_734 : memref<10240xf32, #tpu.memory_space<vmem_shared>>) offsets(%dma_start3A_732 : memref<80xi32, #tpu.memory_space<vmem>>) semaphore(%dma_start3A_736 : memref<!tpu.dma_semaphore, #tpu.memory_space<semaphore_mem>>) {add = true}
      } else {
      }
    }
    %scan3A_170 = arith.constant 250 : i32
    %dma_wait3A_171 = arith.constant 0 : i32
    %dma_wait3A_172 = arith.constant 0 : i32
    %dma_wait3A_173 = arith.constant 0 : i32
    %dma_wait3A_174 = arith.constant 0 : i32
    %dma_wait3A_175 = tpu.memref_slice %arg28[%dma_wait3A_173, %dma_wait3A_174] : memref<160x64xf32, #tpu.memory_space<vmem>> -> memref<80x64xf32, #tpu.memory_space<vmem>>
    %dma_wait3A_176 = arith.constant 0 : i32
    %dma_wait3A_177 = tpu.memref_slice %arg24[%dma_wait3A_171, %dma_wait3A_176] : memref<2x80xi32, #tpu.memory_space<vmem>> -> memref<1x80xi32, #tpu.memory_space<vmem>>
    %dma_wait3A_178 = tpu.memref_squeeze %dma_wait3A_177 : memref<1x80xi32, #tpu.memory_space<vmem>> -> memref<80xi32, #tpu.memory_space<vmem>>
    %dma_wait3A_179 = arith.constant 0 : i32
    %dma_wait3A_180 = arith.constant 0 : i32
    %dma_wait3A_181 = tpu.memref_slice %arg29[%dma_wait3A_179, %dma_wait3A_180] : memref<10240x64xf32, #tpu.memory_space<vmem_shared>> -> memref<10240x64xf32, #tpu.memory_space<vmem_shared>>
    %dma_wait3A_182 = tpu.memref_slice %arg33[%dma_wait3A_172] : memref<2x!tpu.dma_semaphore, #tpu.memory_space<semaphore_mem>> -> memref<1x!tpu.dma_semaphore, #tpu.memory_space<semaphore_mem>>
    %dma_wait3A_183 = tpu.memref_squeeze %dma_wait3A_182 : memref<1x!tpu.dma_semaphore, #tpu.memory_space<semaphore_mem>> -> memref<!tpu.dma_semaphore, #tpu.memory_space<semaphore_mem>>
    tpu.wait_indirect_dma semaphore(%dma_wait3A_183 : memref<!tpu.dma_semaphore, #tpu.memory_space<semaphore_mem>>) src(%dma_wait3A_175 : memref<80x64xf32, #tpu.memory_space<vmem>>) dst(%dma_wait3A_181 : memref<10240x64xf32, #tpu.memory_space<vmem_shared>>)
    %eq3A_184 = arith.constant 0 : i32
    %eq3A_185 = arith.cmpi eq, %arg0, %eq3A_184 : i32
    %convert_element_type3A_186 = arith.extui %eq3A_185 : i1 to i32
    %cond3A_187 = arith.constant 0 : i32
    %cond3A_188 = arith.constant 0 : i32
    %cond3A_189 = arith.constant 0 : i32
    %cond3A_190 = arith.constant 0 : i32
    %cond3A_191 = arith.cmpi ne, %convert_element_type3A_186, %cond3A_190 : i32
    scf.if %cond3A_191 {
      %dma_wait3A_222 = arith.constant 0 : i32
      %dma_wait3A_223 = tpu.memref_slice %arg25[%cond3A_187, %dma_wait3A_222] : memref<2x80xf32, #tpu.memory_space<vmem>> -> memref<1x80xf32, #tpu.memory_space<vmem>>
      %dma_wait3A_224 = tpu.memref_squeeze %dma_wait3A_223 : memref<1x80xf32, #tpu.memory_space<vmem>> -> memref<80xf32, #tpu.memory_space<vmem>>
      %dma_wait3A_225 = arith.constant 0 : i32
      %dma_wait3A_226 = tpu.memref_slice %arg24[%cond3A_188, %dma_wait3A_225] : memref<2x80xi32, #tpu.memory_space<vmem>> -> memref<1x80xi32, #tpu.memory_space<vmem>>
      %dma_wait3A_227 = tpu.memref_squeeze %dma_wait3A_226 : memref<1x80xi32, #tpu.memory_space<vmem>> -> memref<80xi32, #tpu.memory_space<vmem>>
      %dma_wait3A_228 = arith.constant 0 : i32
      %dma_wait3A_229 = tpu.memref_slice %arg30[%dma_wait3A_228] : memref<10240xf32, #tpu.memory_space<vmem_shared>> -> memref<10240xf32, #tpu.memory_space<vmem_shared>>
      %dma_wait3A_230 = tpu.memref_slice %arg33[%cond3A_189] : memref<2x!tpu.dma_semaphore, #tpu.memory_space<semaphore_mem>> -> memref<1x!tpu.dma_semaphore, #tpu.memory_space<semaphore_mem>>
      %dma_wait3A_231 = tpu.memref_squeeze %dma_wait3A_230 : memref<1x!tpu.dma_semaphore, #tpu.memory_space<semaphore_mem>> -> memref<!tpu.dma_semaphore, #tpu.memory_space<semaphore_mem>>
      tpu.wait_indirect_dma semaphore(%dma_wait3A_231 : memref<!tpu.dma_semaphore, #tpu.memory_space<semaphore_mem>>) src(%dma_wait3A_224 : memref<80xf32, #tpu.memory_space<vmem>>) dst(%dma_wait3A_229 : memref<10240xf32, #tpu.memory_space<vmem_shared>>)
    } else {
    }
    %dma_wait3A_192 = arith.constant 1 : i32
    %dma_wait3A_193 = arith.constant 1 : i32
    %dma_wait3A_194 = arith.constant 80 : i32
    %dma_wait3A_195 = arith.constant 0 : i32
    %dma_wait3A_196 = tpu.memref_slice %arg28[%dma_wait3A_194, %dma_wait3A_195] : memref<160x64xf32, #tpu.memory_space<vmem>> -> memref<80x64xf32, #tpu.memory_space<vmem>>
    %dma_wait3A_197 = arith.constant 0 : i32
    %dma_wait3A_198 = tpu.memref_slice %arg24[%dma_wait3A_192, %dma_wait3A_197] : memref<2x80xi32, #tpu.memory_space<vmem>> -> memref<1x80xi32, #tpu.memory_space<vmem>>
    %dma_wait3A_199 = tpu.memref_squeeze %dma_wait3A_198 : memref<1x80xi32, #tpu.memory_space<vmem>> -> memref<80xi32, #tpu.memory_space<vmem>>
    %dma_wait3A_200 = arith.constant 0 : i32
    %dma_wait3A_201 = arith.constant 0 : i32
    %dma_wait3A_202 = tpu.memref_slice %arg29[%dma_wait3A_200, %dma_wait3A_201] : memref<10240x64xf32, #tpu.memory_space<vmem_shared>> -> memref<10240x64xf32, #tpu.memory_space<vmem_shared>>
    %dma_wait3A_203 = tpu.memref_slice %arg33[%dma_wait3A_193] : memref<2x!tpu.dma_semaphore, #tpu.memory_space<semaphore_mem>> -> memref<1x!tpu.dma_semaphore, #tpu.memory_space<semaphore_mem>>
    %dma_wait3A_204 = tpu.memref_squeeze %dma_wait3A_203 : memref<1x!tpu.dma_semaphore, #tpu.memory_space<semaphore_mem>> -> memref<!tpu.dma_semaphore, #tpu.memory_space<semaphore_mem>>
    tpu.wait_indirect_dma semaphore(%dma_wait3A_204 : memref<!tpu.dma_semaphore, #tpu.memory_space<semaphore_mem>>) src(%dma_wait3A_196 : memref<80x64xf32, #tpu.memory_space<vmem>>) dst(%dma_wait3A_202 : memref<10240x64xf32, #tpu.memory_space<vmem_shared>>)
    %eq3A_205 = arith.constant 0 : i32
    %eq3A_206 = arith.cmpi eq, %arg0, %eq3A_205 : i32
    %convert_element_type3A_207 = arith.extui %eq3A_206 : i1 to i32
    %cond3A_208 = arith.constant 1 : i32
    %cond3A_209 = arith.constant 1 : i32
    %cond3A_210 = arith.constant 1 : i32
    %cond3A_211 = arith.constant 0 : i32
    %cond3A_212 = arith.cmpi ne, %convert_element_type3A_207, %cond3A_211 : i32
    scf.if %cond3A_212 {
      %dma_wait3A_222 = arith.constant 0 : i32
      %dma_wait3A_223 = tpu.memref_slice %arg25[%cond3A_208, %dma_wait3A_222] : memref<2x80xf32, #tpu.memory_space<vmem>> -> memref<1x80xf32, #tpu.memory_space<vmem>>
      %dma_wait3A_224 = tpu.memref_squeeze %dma_wait3A_223 : memref<1x80xf32, #tpu.memory_space<vmem>> -> memref<80xf32, #tpu.memory_space<vmem>>
      %dma_wait3A_225 = arith.constant 0 : i32
      %dma_wait3A_226 = tpu.memref_slice %arg24[%cond3A_209, %dma_wait3A_225] : memref<2x80xi32, #tpu.memory_space<vmem>> -> memref<1x80xi32, #tpu.memory_space<vmem>>
      %dma_wait3A_227 = tpu.memref_squeeze %dma_wait3A_226 : memref<1x80xi32, #tpu.memory_space<vmem>> -> memref<80xi32, #tpu.memory_space<vmem>>
      %dma_wait3A_228 = arith.constant 0 : i32
      %dma_wait3A_229 = tpu.memref_slice %arg30[%dma_wait3A_228] : memref<10240xf32, #tpu.memory_space<vmem_shared>> -> memref<10240xf32, #tpu.memory_space<vmem_shared>>
      %dma_wait3A_230 = tpu.memref_slice %arg33[%cond3A_210] : memref<2x!tpu.dma_semaphore, #tpu.memory_space<semaphore_mem>> -> memref<1x!tpu.dma_semaphore, #tpu.memory_space<semaphore_mem>>
      %dma_wait3A_231 = tpu.memref_squeeze %dma_wait3A_230 : memref<1x!tpu.dma_semaphore, #tpu.memory_space<semaphore_mem>> -> memref<!tpu.dma_semaphore, #tpu.memory_space<semaphore_mem>>
      tpu.wait_indirect_dma semaphore(%dma_wait3A_231 : memref<!tpu.dma_semaphore, #tpu.memory_space<semaphore_mem>>) src(%dma_wait3A_224 : memref<80xf32, #tpu.memory_space<vmem>>) dst(%dma_wait3A_229 : memref<10240xf32, #tpu.memory_space<vmem_shared>>)
    } else {
    }
    %barrier3A_213 = arith.constant 0 : index
    tpu.barrier barrier_id(%barrier3A_213)
    "tpu.region"() ({
      %run_scoped3A = tpu.sem_alloc : memref<!tpu.dma_semaphore, #tpu.memory_space<semaphore_mem>>
      %dma_start3A_222 = arith.constant 0 : i32
      %dma_start3A_223 = tpu.memref_slice %arg14[%arg0, %mul3A_0, %dma_start3A_222] : memref<2x10240x64xf32, #tpu.memory_space<hbm>> -> memref<1x640x64xf32, #tpu.memory_space<hbm>>
      %dma_start3A_224 = tpu.memref_squeeze %dma_start3A_223 : memref<1x640x64xf32, #tpu.memory_space<hbm>> -> memref<640x64xf32, #tpu.memory_space<hbm>>
      %dma_start3A_225 = arith.constant 0 : i32
      %dma_start3A_226 = tpu.memref_slice %arg29[%mul3A_0, %dma_start3A_225] : memref<10240x64xf32, #tpu.memory_space<vmem_shared>> -> memref<640x64xf32, #tpu.memory_space<vmem_shared>>
      tpu.enqueue_dma source(%dma_start3A_226 : memref<640x64xf32, #tpu.memory_space<vmem_shared>>) target(%dma_start3A_224 : memref<640x64xf32, #tpu.memory_space<hbm>>) target_semaphore(%run_scoped3A : memref<!tpu.dma_semaphore, #tpu.memory_space<semaphore_mem>>)
      %dma_wait3A_227 = arith.constant 0 : i32
      %dma_wait3A_228 = tpu.memref_slice %arg14[%arg0, %mul3A_0, %dma_wait3A_227] : memref<2x10240x64xf32, #tpu.memory_space<hbm>> -> memref<1x640x64xf32, #tpu.memory_space<hbm>>
      %dma_wait3A_229 = tpu.memref_squeeze %dma_wait3A_228 : memref<1x640x64xf32, #tpu.memory_space<hbm>> -> memref<640x64xf32, #tpu.memory_space<hbm>>
      %dma_wait3A_230 = arith.constant 0 : i32
      %dma_wait3A_231 = tpu.memref_slice %arg29[%mul3A_0, %dma_wait3A_230] : memref<10240x64xf32, #tpu.memory_space<vmem_shared>> -> memref<640x64xf32, #tpu.memory_space<vmem_shared>>
      tpu.wait_dma2 semaphore(%run_scoped3A : memref<!tpu.dma_semaphore, #tpu.memory_space<semaphore_mem>>) src(%dma_wait3A_231 : memref<640x64xf32, #tpu.memory_space<vmem_shared>>) dst(%dma_wait3A_229 : memref<640x64xf32, #tpu.memory_space<hbm>>)
      tpu.yield
    }) : () -> ()
    %eq3A_214 = arith.constant 0 : i32
    %eq3A_215 = arith.cmpi eq, %arg1, %eq3A_214 : i32
    %eq3A_216 = arith.constant 0 : i32
    %eq3A_217 = arith.cmpi eq, %arg0, %eq3A_216 : i32
    %and3A_218 = arith.andi %eq3A_215, %eq3A_217 : i1
    %convert_element_type3A_219 = arith.extui %and3A_218 : i1 to i32
    %cond3A_220 = arith.constant 0 : i32
    %cond3A_221 = arith.cmpi ne, %convert_element_type3A_219, %cond3A_220 : i32
    scf.if %cond3A_221 {
      "tpu.region"() ({
        %run_scoped3A = tpu.sem_alloc : memref<!tpu.dma_semaphore, #tpu.memory_space<semaphore_mem>>
        tpu.enqueue_dma source(%arg30 : memref<10240xf32, #tpu.memory_space<vmem_shared>>) target(%arg15 : memref<10240xf32, #tpu.memory_space<hbm>>) target_semaphore(%run_scoped3A : memref<!tpu.dma_semaphore, #tpu.memory_space<semaphore_mem>>)
        tpu.wait_dma2 semaphore(%run_scoped3A : memref<!tpu.dma_semaphore, #tpu.memory_space<semaphore_mem>>) src(%arg30 : memref<10240xf32, #tpu.memory_space<vmem_shared>>) dst(%arg15 : memref<10240xf32, #tpu.memory_space<hbm>>)
        tpu.yield
      }) : () -> ()
    } else {
    }
    return
  }
}

#map = affine_map<(d0, d1) -> (0, 0)>
#map1 = affine_map<(d0, d1) -> (0)>
module attributes {stable_mosaic.version = 14 : i64} {
  func.func @_gather_body(%arg0: i32, %arg1: i32, %arg2: memref<10240x128xf32, #tpu.memory_space<hbm>>, %arg3: memref<400x128xf32, #tpu.memory_space<hbm>>, %arg4: memref<1024xi32, #tpu.memory_space<hbm>>, %arg5: memref<1024xi32, #tpu.memory_space<hbm>>, %arg6: memref<1024x128xf32, #tpu.memory_space<hbm>>, %arg7: memref<1024x128xf32, #tpu.memory_space<hbm>>, %arg8: memref<32xi32, #tpu.memory_space<vmem>>, %arg9: memref<32xi32, #tpu.memory_space<vmem>>, %arg10: memref<32x128xf32, #tpu.memory_space<vmem>>, %arg11: memref<32x128xf32, #tpu.memory_space<vmem>>, %arg12: memref<!tpu.dma_semaphore, #tpu.memory_space<semaphore_mem>>) attributes {dimension_semantics = [#tpu.dimension_semantics<core_parallel>, #tpu.dimension_semantics<subcore_parallel>], iteration_bounds = array<i64: 2, 16>, scalar_prefetch = 0 : i64, scratch_operands = 5 : i64, tpu.core_type = #tpu.core_type<sc_vector_subcore>, window_params = [{transform_indices = #map}, {transform_indices = #map}, {transform_indices = #map1}, {transform_indices = #map1}, {transform_indices = #map}, {transform_indices = #map}]} {
    %mul3A = arith.constant 16 : i32
    %mul3A_0 = arith.muli %arg0, %mul3A : i32
    %add3A = arith.addi %mul3A_0, %arg1 : i32
    %mul3A_1 = arith.constant 32 : i32
    %mul3A_2 = arith.muli %add3A, %mul3A_1 : i32
    "tpu.region"() ({
      %run_scoped3A = tpu.sem_alloc : memref<!tpu.dma_semaphore, #tpu.memory_space<semaphore_mem>>
      %dma_start3A_13 = tpu.memref_slice %arg4[%mul3A_2] : memref<1024xi32, #tpu.memory_space<hbm>> -> memref<32xi32, #tpu.memory_space<hbm>>
      %dma_start3A_14 = tpu.memref_slice %arg4[%mul3A_2] : memref<1024xi32, #tpu.memory_space<hbm>> -> memref<32xi32, #tpu.memory_space<hbm>>
      tpu.enqueue_dma source(%dma_start3A_14 : memref<32xi32, #tpu.memory_space<hbm>>) target(%arg8 : memref<32xi32, #tpu.memory_space<vmem>>) target_semaphore(%run_scoped3A : memref<!tpu.dma_semaphore, #tpu.memory_space<semaphore_mem>>)
      %dma_wait3A_15 = tpu.memref_slice %arg4[%mul3A_2] : memref<1024xi32, #tpu.memory_space<hbm>> -> memref<32xi32, #tpu.memory_space<hbm>>
      %dma_wait3A_16 = tpu.memref_slice %arg4[%mul3A_2] : memref<1024xi32, #tpu.memory_space<hbm>> -> memref<32xi32, #tpu.memory_space<hbm>>
      tpu.wait_dma2 semaphore(%run_scoped3A : memref<!tpu.dma_semaphore, #tpu.memory_space<semaphore_mem>>) src(%dma_wait3A_16 : memref<32xi32, #tpu.memory_space<hbm>>) dst(%arg8 : memref<32xi32, #tpu.memory_space<vmem>>)
      tpu.yield
    }) : () -> ()
    "tpu.region"() ({
      %run_scoped3A = tpu.sem_alloc : memref<!tpu.dma_semaphore, #tpu.memory_space<semaphore_mem>>
      %dma_start3A_13 = tpu.memref_slice %arg5[%mul3A_2] : memref<1024xi32, #tpu.memory_space<hbm>> -> memref<32xi32, #tpu.memory_space<hbm>>
      %dma_start3A_14 = tpu.memref_slice %arg5[%mul3A_2] : memref<1024xi32, #tpu.memory_space<hbm>> -> memref<32xi32, #tpu.memory_space<hbm>>
      tpu.enqueue_dma source(%dma_start3A_14 : memref<32xi32, #tpu.memory_space<hbm>>) target(%arg9 : memref<32xi32, #tpu.memory_space<vmem>>) target_semaphore(%run_scoped3A : memref<!tpu.dma_semaphore, #tpu.memory_space<semaphore_mem>>)
      %dma_wait3A_15 = tpu.memref_slice %arg5[%mul3A_2] : memref<1024xi32, #tpu.memory_space<hbm>> -> memref<32xi32, #tpu.memory_space<hbm>>
      %dma_wait3A_16 = tpu.memref_slice %arg5[%mul3A_2] : memref<1024xi32, #tpu.memory_space<hbm>> -> memref<32xi32, #tpu.memory_space<hbm>>
      tpu.wait_dma2 semaphore(%run_scoped3A : memref<!tpu.dma_semaphore, #tpu.memory_space<semaphore_mem>>) src(%dma_wait3A_16 : memref<32xi32, #tpu.memory_space<hbm>>) dst(%arg9 : memref<32xi32, #tpu.memory_space<vmem>>)
      tpu.yield
    }) : () -> ()
    %dma_start3A = arith.constant 0 : i32
    %dma_start3A_3 = arith.constant 0 : i32
    %dma_start3A_4 = tpu.memref_slice %arg2[%dma_start3A, %dma_start3A_3] : memref<10240x128xf32, #tpu.memory_space<hbm>> -> memref<10240x128xf32, #tpu.memory_space<hbm>>
    tpu.enqueue_indirect_dma source(%dma_start3A_4 : memref<10240x128xf32, #tpu.memory_space<hbm>>) target(%arg10 : memref<32x128xf32, #tpu.memory_space<vmem>>) offsets(%arg8 : memref<32xi32, #tpu.memory_space<vmem>>) semaphore(%arg12 : memref<!tpu.dma_semaphore, #tpu.memory_space<semaphore_mem>>)
    %dma_wait3A = arith.constant 0 : i32
    %dma_wait3A_5 = arith.constant 0 : i32
    %dma_wait3A_6 = tpu.memref_slice %arg2[%dma_wait3A, %dma_wait3A_5] : memref<10240x128xf32, #tpu.memory_space<hbm>> -> memref<10240x128xf32, #tpu.memory_space<hbm>>
    tpu.wait_indirect_dma semaphore(%arg12 : memref<!tpu.dma_semaphore, #tpu.memory_space<semaphore_mem>>) src(%dma_wait3A_6 : memref<10240x128xf32, #tpu.memory_space<hbm>>) dst(%arg10 : memref<32x128xf32, #tpu.memory_space<vmem>>)
    %dma_start3A_7 = arith.constant 0 : i32
    %dma_start3A_8 = arith.constant 0 : i32
    %dma_start3A_9 = tpu.memref_slice %arg3[%dma_start3A_7, %dma_start3A_8] : memref<400x128xf32, #tpu.memory_space<hbm>> -> memref<400x128xf32, #tpu.memory_space<hbm>>
    tpu.enqueue_indirect_dma source(%dma_start3A_9 : memref<400x128xf32, #tpu.memory_space<hbm>>) target(%arg11 : memref<32x128xf32, #tpu.memory_space<vmem>>) offsets(%arg9 : memref<32xi32, #tpu.memory_space<vmem>>) semaphore(%arg12 : memref<!tpu.dma_semaphore, #tpu.memory_space<semaphore_mem>>)
    %dma_wait3A_10 = arith.constant 0 : i32
    %dma_wait3A_11 = arith.constant 0 : i32
    %dma_wait3A_12 = tpu.memref_slice %arg3[%dma_wait3A_10, %dma_wait3A_11] : memref<400x128xf32, #tpu.memory_space<hbm>> -> memref<400x128xf32, #tpu.memory_space<hbm>>
    tpu.wait_indirect_dma semaphore(%arg12 : memref<!tpu.dma_semaphore, #tpu.memory_space<semaphore_mem>>) src(%dma_wait3A_12 : memref<400x128xf32, #tpu.memory_space<hbm>>) dst(%arg11 : memref<32x128xf32, #tpu.memory_space<vmem>>)
    "tpu.region"() ({
      %run_scoped3A = tpu.sem_alloc : memref<!tpu.dma_semaphore, #tpu.memory_space<semaphore_mem>>
      %dma_start3A_13 = arith.constant 0 : i32
      %dma_start3A_14 = tpu.memref_slice %arg6[%mul3A_2, %dma_start3A_13] : memref<1024x128xf32, #tpu.memory_space<hbm>> -> memref<32x128xf32, #tpu.memory_space<hbm>>
      %dma_start3A_15 = arith.constant 0 : i32
      %dma_start3A_16 = tpu.memref_slice %arg6[%mul3A_2, %dma_start3A_15] : memref<1024x128xf32, #tpu.memory_space<hbm>> -> memref<32x128xf32, #tpu.memory_space<hbm>>
      tpu.enqueue_dma source(%arg10 : memref<32x128xf32, #tpu.memory_space<vmem>>) target(%dma_start3A_16 : memref<32x128xf32, #tpu.memory_space<hbm>>) target_semaphore(%run_scoped3A : memref<!tpu.dma_semaphore, #tpu.memory_space<semaphore_mem>>)
      %dma_wait3A_17 = arith.constant 0 : i32
      %dma_wait3A_18 = tpu.memref_slice %arg6[%mul3A_2, %dma_wait3A_17] : memref<1024x128xf32, #tpu.memory_space<hbm>> -> memref<32x128xf32, #tpu.memory_space<hbm>>
      %dma_wait3A_19 = arith.constant 0 : i32
      %dma_wait3A_20 = tpu.memref_slice %arg6[%mul3A_2, %dma_wait3A_19] : memref<1024x128xf32, #tpu.memory_space<hbm>> -> memref<32x128xf32, #tpu.memory_space<hbm>>
      tpu.wait_dma2 semaphore(%run_scoped3A : memref<!tpu.dma_semaphore, #tpu.memory_space<semaphore_mem>>) src(%arg10 : memref<32x128xf32, #tpu.memory_space<vmem>>) dst(%dma_wait3A_20 : memref<32x128xf32, #tpu.memory_space<hbm>>)
      tpu.yield
    }) : () -> ()
    "tpu.region"() ({
      %run_scoped3A = tpu.sem_alloc : memref<!tpu.dma_semaphore, #tpu.memory_space<semaphore_mem>>
      %dma_start3A_13 = arith.constant 0 : i32
      %dma_start3A_14 = tpu.memref_slice %arg7[%mul3A_2, %dma_start3A_13] : memref<1024x128xf32, #tpu.memory_space<hbm>> -> memref<32x128xf32, #tpu.memory_space<hbm>>
      %dma_start3A_15 = arith.constant 0 : i32
      %dma_start3A_16 = tpu.memref_slice %arg7[%mul3A_2, %dma_start3A_15] : memref<1024x128xf32, #tpu.memory_space<hbm>> -> memref<32x128xf32, #tpu.memory_space<hbm>>
      tpu.enqueue_dma source(%arg11 : memref<32x128xf32, #tpu.memory_space<vmem>>) target(%dma_start3A_16 : memref<32x128xf32, #tpu.memory_space<hbm>>) target_semaphore(%run_scoped3A : memref<!tpu.dma_semaphore, #tpu.memory_space<semaphore_mem>>)
      %dma_wait3A_17 = arith.constant 0 : i32
      %dma_wait3A_18 = tpu.memref_slice %arg7[%mul3A_2, %dma_wait3A_17] : memref<1024x128xf32, #tpu.memory_space<hbm>> -> memref<32x128xf32, #tpu.memory_space<hbm>>
      %dma_wait3A_19 = arith.constant 0 : i32
      %dma_wait3A_20 = tpu.memref_slice %arg7[%mul3A_2, %dma_wait3A_19] : memref<1024x128xf32, #tpu.memory_space<hbm>> -> memref<32x128xf32, #tpu.memory_space<hbm>>
      tpu.wait_dma2 semaphore(%run_scoped3A : memref<!tpu.dma_semaphore, #tpu.memory_space<semaphore_mem>>) src(%arg11 : memref<32x128xf32, #tpu.memory_space<vmem>>) dst(%dma_wait3A_20 : memref<32x128xf32, #tpu.memory_space<hbm>>)
      tpu.yield
    }) : () -> ()
    return
  }
}

module attributes {stable_mosaic.version = 14 : i64} {
  func.func @_dense1_body(%arg0: i32, %arg1: memref<1000x768xf32, #tpu.memory_space<vmem>>, %arg2: memref<768x128xf32, #tpu.memory_space<vmem>>, %arg3: memref<1x128xf32, #tpu.memory_space<vmem>>, %arg4: memref<16x129x128xf32, #tpu.memory_space<vmem>>, %arg5: memref<1x16xf32, #tpu.memory_space<vmem>>, %arg6: memref<1x128xf32, #tpu.memory_space<vmem>>, %arg7: memref<1000x128xf32, #tpu.memory_space<vmem>>, %arg8: memref<400x128xf32, #tpu.memory_space<vmem>>, %arg9: memref<1x128xf32, #tpu.memory_space<vmem>>, %arg10: memref<1x128xf32, #tpu.memory_space<vmem>>, %arg11: memref<128x128xf32, #tpu.memory_space<vmem>>, %arg12: memref<2x1000x64xf32, #tpu.memory_space<vmem>>, %arg13: memref<1000x400xf32, #tpu.memory_space<vmem>>, %arg14: memref<1000x1xf32, #tpu.memory_space<vmem>>, %arg15: memref<400x128xf32, #tpu.memory_space<vmem>>, %arg16: memref<2x400x64xf32, #tpu.memory_space<vmem>>, %arg17: memref<129x128xf32, #tpu.memory_space<vmem>>) attributes {dimension_semantics = [#tpu.dimension_semantics<arbitrary>], iteration_bounds = array<i64: 10>, scalar_prefetch = 0 : i64, scratch_operands = 1 : i64, tpu.core_type = #tpu.core_type<tc>, window_params = [{transform_indices = @transform_0, window_bounds = array<i64: 1000, 768>}, {pipeline_mode = #tpu.pipeline_mode<synchronous>, transform_indices = @transform_1, window_bounds = array<i64: 768, 128>}, {pipeline_mode = #tpu.pipeline_mode<synchronous>, transform_indices = @transform_2, window_bounds = array<i64: 1, 128>}, {pipeline_mode = #tpu.pipeline_mode<synchronous>, transform_indices = @transform_3, window_bounds = array<i64: 16, 129, 128>}, {pipeline_mode = #tpu.pipeline_mode<synchronous>, transform_indices = @transform_4, window_bounds = array<i64: 1, 16>}, {pipeline_mode = #tpu.pipeline_mode<synchronous>, transform_indices = @transform_5, window_bounds = array<i64: 1, 128>}, {transform_indices = @transform_6, window_bounds = array<i64: 1000, 128>}, {pipeline_mode = #tpu.pipeline_mode<synchronous>, transform_indices = @transform_7, window_bounds = array<i64: 400, 128>}, {pipeline_mode = #tpu.pipeline_mode<synchronous>, transform_indices = @transform_8, window_bounds = array<i64: 1, 128>}, {pipeline_mode = #tpu.pipeline_mode<synchronous>, transform_indices = @transform_9, window_bounds = array<i64: 1, 128>}, {pipeline_mode = #tpu.pipeline_mode<synchronous>, transform_indices = @transform_10, window_bounds = array<i64: 128, 128>}, {transform_indices = @transform_11, window_bounds = array<i64: 2, 1000, 64>}, {transform_indices = @transform_12, window_bounds = array<i64: 1000, 400>}, {transform_indices = @transform_13, window_bounds = array<i64: 1000, 1>}, {pipeline_mode = #tpu.pipeline_mode<synchronous>, transform_indices = @transform_14, window_bounds = array<i64: 400, 128>}, {pipeline_mode = #tpu.pipeline_mode<synchronous>, transform_indices = @transform_15, window_bounds = array<i64: 2, 400, 64>}]} {
    %eq3A = arith.constant 0 : i32
    %eq3A_0 = arith.cmpi eq, %arg0, %eq3A : i32
    %convert_element_type3A = arith.extui %eq3A_0 : i1 to i32
    %cond3A = arith.constant 0 : i32
    %cond3A_1 = arith.cmpi ne, %convert_element_type3A, %cond3A : i32
    scf.if %cond3A_1 {
      %get3A_72 = arith.constant 0 : index
      %get3A_73 = arith.constant 0 : index
      %get3A_74 = vector.load %arg5[%get3A_72, %get3A_73] : memref<1x16xf32, #tpu.memory_space<vmem>>, vector<1x16xf32>
      %get3A_75 = vector.shape_cast %get3A_74 : vector<1x16xf32> to vector<16xf32>
      %reshape3A = vector.shape_cast %get3A_75 : vector<16xf32> to vector<16x1x1xf32>
      %get3A_76 = arith.constant 0 : index
      %get3A_77 = arith.constant 0 : index
      %get3A_78 = arith.constant 0 : index
      %get3A_79 = vector.load %arg4[%get3A_76, %get3A_77, %get3A_78] : memref<16x129x128xf32, #tpu.memory_space<vmem>>, vector<16x129x128xf32>
      %mul3A_80 = vector.broadcast %reshape3A : vector<16x1x1xf32> to vector<16x129x128xf32>
      %mul3A_81 = arith.mulf %get3A_79, %mul3A_80 : vector<16x129x128xf32>
      %reduce_sum3A_82 = arith.constant dense<0.000000e+00> : vector<129x128xf32>
      %reduce_sum3A_83 = vector.multi_reduction <add>, %mul3A_81, %reduce_sum3A_82 [0] : vector<16x129x128xf32> to vector<129x128xf32>
      %swap3A_84 = arith.constant 0 : index
      %swap3A_85 = arith.constant 0 : index
      %swap3A_86 = vector.load %arg17[%swap3A_84, %swap3A_85] : memref<129x128xf32, #tpu.memory_space<vmem>>, vector<129x128xf32>
      tpu.vector_store %arg17[%swap3A_84, %swap3A_85], %reduce_sum3A_83 {strides = array<i32>} : memref<129x128xf32, #tpu.memory_space<vmem>>, vector<129x128xf32>,
      %get3A_87 = arith.constant 0 : index
      %get3A_88 = arith.constant 0 : index
      %get3A_89 = vector.load %arg8[%get3A_87, %get3A_88] : memref<400x128xf32, #tpu.memory_space<vmem>>, vector<400x128xf32>
      %get3A_90 = arith.constant 0 : index
      %get3A_91 = arith.constant 0 : index
      %get3A_92 = vector.load %arg11[%get3A_90, %get3A_91] : memref<128x128xf32, #tpu.memory_space<vmem>>, vector<128x128xf32>
      %dot_general3A_93 = arith.constant dense<0.000000e+00> : vector<400x128xf32>
      %dot_general3A_94 = tpu.matmul %get3A_89, %get3A_92, %dot_general3A_93 {dimension_numbers = #tpu.dot_dimension_numbers<[1], [0], [0], [1], [0, 0, 1, 1], [], []>, transpose_lhs_hint = false} : vector<400x128xf32>, vector<128x128xf32>, vector<400x128xf32> -> vector<400x128xf32>
      %swap3A_95 = arith.constant 0 : index
      %swap3A_96 = arith.constant 0 : index
      %swap3A_97 = vector.load %arg15[%swap3A_95, %swap3A_96] : memref<400x128xf32, #tpu.memory_space<vmem>>, vector<400x128xf32>
      tpu.vector_store %arg15[%swap3A_95, %swap3A_96], %dot_general3A_94 {strides = array<i32>} : memref<400x128xf32, #tpu.memory_space<vmem>>, vector<400x128xf32>,
      %get3A_98 = arith.constant 0 : index
      %get3A_99 = arith.constant 0 : index
      %get3A_100 = vector.load %arg8[%get3A_98, %get3A_99] : memref<400x128xf32, #tpu.memory_space<vmem>>, vector<400x128xf32>
      %slice3A_101 = vector.extract_strided_slice %get3A_100 {offsets = [0, 0], sizes = [400, 64], strides = [1, 1]} : vector<400x128xf32> to vector<400x64xf32>
      %swap3A_102 = arith.constant 0 : index
      %swap3A_103 = arith.constant 0 : index
      %swap3A_104 = arith.constant 0 : index
      %swap3A_105 = vector.load %arg16[%swap3A_102, %swap3A_103, %swap3A_104] : memref<2x400x64xf32, #tpu.memory_space<vmem>>, vector<1x400x64xf32>
      %swap3A_106 = vector.shape_cast %swap3A_105 : vector<1x400x64xf32> to vector<400x64xf32>
      %swap3A_107 = vector.shape_cast %slice3A_101 : vector<400x64xf32> to vector<1x400x64xf32>
      tpu.vector_store %arg16[%swap3A_102, %swap3A_103, %swap3A_104], %swap3A_107 {strides = array<i32>} : memref<2x400x64xf32, #tpu.memory_space<vmem>>, vector<1x400x64xf32>,
      %get3A_108 = arith.constant 0 : index
      %get3A_109 = arith.constant 0 : index
      %get3A_110 = vector.load %arg8[%get3A_108, %get3A_109] : memref<400x128xf32, #tpu.memory_space<vmem>>, vector<400x128xf32>
      %slice3A_111 = vector.extract_strided_slice %get3A_110 {offsets = [0, 64], sizes = [400, 64], strides = [1, 1]} : vector<400x128xf32> to vector<400x64xf32>
      %swap3A_112 = arith.constant 1 : index
      %swap3A_113 = arith.constant 0 : index
      %swap3A_114 = arith.constant 0 : index
      %swap3A_115 = vector.load %arg16[%swap3A_112, %swap3A_113, %swap3A_114] : memref<2x400x64xf32, #tpu.memory_space<vmem>>, vector<1x400x64xf32>
      %swap3A_116 = vector.shape_cast %swap3A_115 : vector<1x400x64xf32> to vector<400x64xf32>
      %swap3A_117 = vector.shape_cast %slice3A_111 : vector<400x64xf32> to vector<1x400x64xf32>
      tpu.vector_store %arg16[%swap3A_112, %swap3A_113, %swap3A_114], %swap3A_117 {strides = array<i32>} : memref<2x400x64xf32, #tpu.memory_space<vmem>>, vector<1x400x64xf32>,
    } else {
    }
    %get3A = arith.constant 0 : index
    %get3A_2 = arith.constant 0 : index
    %get3A_3 = vector.load %arg1[%get3A, %get3A_2] : memref<1000x768xf32, #tpu.memory_space<vmem>>, vector<1000x768xf32>
    %get3A_4 = arith.constant 0 : index
    %get3A_5 = arith.constant 0 : index
    %get3A_6 = vector.load %arg2[%get3A_4, %get3A_5] : memref<768x128xf32, #tpu.memory_space<vmem>>, vector<768x128xf32>
    %dot_general3A = arith.constant dense<0.000000e+00> : vector<1000x128xf32>
    %dot_general3A_7 = tpu.matmul %get3A_3, %get3A_6, %dot_general3A {dimension_numbers = #tpu.dot_dimension_numbers<[1], [0], [0], [1], [0, 0, 1, 1], [], []>, transpose_lhs_hint = false} : vector<1000x768xf32>, vector<768x128xf32>, vector<1000x128xf32> -> vector<1000x128xf32>
    %get3A_8 = arith.constant 0 : index
    %get3A_9 = arith.constant 0 : index
    %get3A_10 = vector.load %arg3[%get3A_8, %get3A_9] : memref<1x128xf32, #tpu.memory_space<vmem>>, vector<1x128xf32>
    %get3A_11 = vector.shape_cast %get3A_10 : vector<1x128xf32> to vector<128xf32>
    %broadcast_in_dim3A = vector.shape_cast %get3A_11 : vector<128xf32> to vector<1x128xf32>
    %add3A = vector.broadcast %broadcast_in_dim3A : vector<1x128xf32> to vector<1000x128xf32>
    %add3A_12 = arith.addf %dot_general3A_7, %add3A : vector<1000x128xf32>
    %get3A_13 = arith.constant 1 : index
    %get3A_14 = arith.constant 0 : index
    %get3A_15 = vector.load %arg17[%get3A_13, %get3A_14] : memref<129x128xf32, #tpu.memory_space<vmem>>, vector<128x128xf32>
    %dot_general3A_16 = arith.constant dense<0.000000e+00> : vector<1000x128xf32>
    %dot_general3A_17 = tpu.matmul %add3A_12, %get3A_15, %dot_general3A_16 {dimension_numbers = #tpu.dot_dimension_numbers<[1], [0], [0], [1], [0, 0, 1, 1], [], []>, transpose_lhs_hint = false} : vector<1000x128xf32>, vector<128x128xf32>, vector<1000x128xf32> -> vector<1000x128xf32>
    %get3A_18 = arith.constant 0 : index
    %get3A_19 = arith.constant 0 : index
    %get3A_20 = vector.load %arg17[%get3A_18, %get3A_19] : memref<129x128xf32, #tpu.memory_space<vmem>>, vector<1x128xf32>
    %add3A_21 = vector.broadcast %get3A_20 : vector<1x128xf32> to vector<1000x128xf32>
    %add3A_22 = arith.addf %dot_general3A_17, %add3A_21 : vector<1000x128xf32>
    %get3A_23 = arith.constant 0 : index
    %get3A_24 = arith.constant 0 : index
    %get3A_25 = vector.load %arg6[%get3A_23, %get3A_24] : memref<1x128xf32, #tpu.memory_space<vmem>>, vector<1x128xf32>
    %get3A_26 = vector.shape_cast %get3A_25 : vector<1x128xf32> to vector<128xf32>
    %broadcast_in_dim3A_27 = vector.shape_cast %get3A_26 : vector<128xf32> to vector<1x128xf32>
    %add3A_28 = vector.broadcast %broadcast_in_dim3A_27 : vector<1x128xf32> to vector<1000x128xf32>
    %add3A_29 = arith.addf %add3A_22, %add3A_28 : vector<1000x128xf32>
    %get3A_30 = arith.constant 0 : index
    %get3A_31 = arith.constant 0 : index
    %get3A_32 = vector.load %arg7[%get3A_30, %get3A_31] : memref<1000x128xf32, #tpu.memory_space<vmem>>, vector<1000x128xf32>
    %mul3A = arith.mulf %get3A_32, %add3A_29 : vector<1000x128xf32>
    %slice3A = vector.extract_strided_slice %mul3A {offsets = [0, 0], sizes = [1000, 64], strides = [1, 1]} : vector<1000x128xf32> to vector<1000x64xf32>
    %swap3A = arith.constant 0 : index
    %swap3A_33 = arith.constant 0 : index
    %swap3A_34 = arith.constant 0 : index
    %swap3A_35 = vector.load %arg12[%swap3A, %swap3A_33, %swap3A_34] : memref<2x1000x64xf32, #tpu.memory_space<vmem>>, vector<1x1000x64xf32>
    %swap3A_36 = vector.shape_cast %swap3A_35 : vector<1x1000x64xf32> to vector<1000x64xf32>
    %swap3A_37 = vector.shape_cast %slice3A : vector<1000x64xf32> to vector<1x1000x64xf32>
    tpu.vector_store %arg12[%swap3A, %swap3A_33, %swap3A_34], %swap3A_37 {strides = array<i32>} : memref<2x1000x64xf32, #tpu.memory_space<vmem>>, vector<1x1000x64xf32>,
    %slice3A_38 = vector.extract_strided_slice %mul3A {offsets = [0, 64], sizes = [1000, 64], strides = [1, 1]} : vector<1000x128xf32> to vector<1000x64xf32>
    %swap3A_39 = arith.constant 1 : index
    %swap3A_40 = arith.constant 0 : index
    %swap3A_41 = arith.constant 0 : index
    %swap3A_42 = vector.load %arg12[%swap3A_39, %swap3A_40, %swap3A_41] : memref<2x1000x64xf32, #tpu.memory_space<vmem>>, vector<1x1000x64xf32>
    %swap3A_43 = vector.shape_cast %swap3A_42 : vector<1x1000x64xf32> to vector<1000x64xf32>
    %swap3A_44 = vector.shape_cast %slice3A_38 : vector<1000x64xf32> to vector<1x1000x64xf32>
    tpu.vector_store %arg12[%swap3A_39, %swap3A_40, %swap3A_41], %swap3A_44 {strides = array<i32>} : memref<2x1000x64xf32, #tpu.memory_space<vmem>>, vector<1x1000x64xf32>,
    %get3A_45 = arith.constant 0 : index
    %get3A_46 = arith.constant 0 : index
    %get3A_47 = vector.load %arg8[%get3A_45, %get3A_46] : memref<400x128xf32, #tpu.memory_space<vmem>>, vector<400x128xf32>
    %get3A_48 = arith.constant 0 : index
    %get3A_49 = arith.constant 0 : index
    %get3A_50 = vector.load %arg9[%get3A_48, %get3A_49] : memref<1x128xf32, #tpu.memory_space<vmem>>, vector<1x128xf32>
    %get3A_51 = vector.shape_cast %get3A_50 : vector<1x128xf32> to vector<128xf32>
    %broadcast_in_dim3A_52 = vector.shape_cast %get3A_51 : vector<128xf32> to vector<1x128xf32>
    %mul3A_53 = vector.broadcast %broadcast_in_dim3A_52 : vector<1x128xf32> to vector<400x128xf32>
    %mul3A_54 = arith.mulf %get3A_47, %mul3A_53 : vector<400x128xf32>
    %dot_general3A_55 = arith.constant dense<0.000000e+00> : vector<1000x400xf32>
    %dot_general3A_56 = tpu.matmul %mul3A, %mul3A_54, %dot_general3A_55 {dimension_numbers = #tpu.dot_dimension_numbers<[1], [1], [0], [0], [0, 0, 1, 0], [], []>, transpose_lhs_hint = false} : vector<1000x128xf32>, vector<400x128xf32>, vector<1000x400xf32> -> vector<1000x400xf32>
    %swap3A_57 = arith.constant 0 : index
    %swap3A_58 = arith.constant 0 : index
    %swap3A_59 = vector.load %arg13[%swap3A_57, %swap3A_58] : memref<1000x400xf32, #tpu.memory_space<vmem>>, vector<1000x400xf32>
    tpu.vector_store %arg13[%swap3A_57, %swap3A_58], %dot_general3A_56 {strides = array<i32>} : memref<1000x400xf32, #tpu.memory_space<vmem>>, vector<1000x400xf32>,
    %get3A_60 = arith.constant 0 : index
    %get3A_61 = arith.constant 0 : index
    %get3A_62 = vector.load %arg10[%get3A_60, %get3A_61] : memref<1x128xf32, #tpu.memory_space<vmem>>, vector<1x128xf32>
    %get3A_63 = vector.shape_cast %get3A_62 : vector<1x128xf32> to vector<128xf32>
    %broadcast_in_dim3A_64 = vector.shape_cast %get3A_63 : vector<128xf32> to vector<1x128xf32>
    %mul3A_65 = vector.broadcast %broadcast_in_dim3A_64 : vector<1x128xf32> to vector<1000x128xf32>
    %mul3A_66 = arith.mulf %mul3A, %mul3A_65 : vector<1000x128xf32>
    %reduce_sum3A = arith.constant dense<0.000000e+00> : vector<1000xf32>
    %reduce_sum3A_67 = vector.multi_reduction <add>, %mul3A_66, %reduce_sum3A [1] : vector<1000x128xf32> to vector<1000xf32>
    %broadcast_in_dim3A_68 = vector.shape_cast %reduce_sum3A_67 : vector<1000xf32> to vector<1000x1xf32>
    %swap3A_69 = arith.constant 0 : index
    %swap3A_70 = arith.constant 0 : index
    %swap3A_71 = vector.load %arg14[%swap3A_69, %swap3A_70] : memref<1000x1xf32, #tpu.memory_space<vmem>>, vector<1000x1xf32>
    tpu.vector_store %arg14[%swap3A_69, %swap3A_70], %broadcast_in_dim3A_68 {strides = array<i32>} : memref<1000x1xf32, #tpu.memory_space<vmem>>, vector<1000x1xf32>,
    return
  }
  func.func @transform_0(%arg0: i32) -> (i32, i32) {
    %c0_i32 = arith.constant 0 : i32
    %c0_i32_0 = arith.constant 0 : i32
    return %arg0, %c0_i32 : i32, i32
  }
  func.func @transform_1(%arg0: i32) -> (i32, i32) {
    %c0_i32 = arith.constant 0 : i32
    %c0_i32_0 = arith.constant 0 : i32
    %c0_i32_1 = arith.constant 0 : i32
    return %c0_i32, %c0_i32_0 : i32, i32
  }
  func.func @transform_2(%arg0: i32) -> (i32, i32) {
    %c0_i32 = arith.constant 0 : i32
    %c0_i32_0 = arith.constant 0 : i32
    %c0_i32_1 = arith.constant 0 : i32
    return %c0_i32, %c0_i32_0 : i32, i32
  }
  func.func @transform_3(%arg0: i32) -> (i32, i32, i32) {
    %c0_i32 = arith.constant 0 : i32
    %c0_i32_0 = arith.constant 0 : i32
    %c0_i32_1 = arith.constant 0 : i32
    %c0_i32_2 = arith.constant 0 : i32
    return %c0_i32, %c0_i32_0, %c0_i32_1 : i32, i32, i32
  }
  func.func @transform_4(%arg0: i32) -> (i32, i32) {
    %c0_i32 = arith.constant 0 : i32
    %c0_i32_0 = arith.constant 0 : i32
    %c0_i32_1 = arith.constant 0 : i32
    return %c0_i32, %c0_i32_0 : i32, i32
  }
  func.func @transform_5(%arg0: i32) -> (i32, i32) {
    %c0_i32 = arith.constant 0 : i32
    %c0_i32_0 = arith.constant 0 : i32
    %c0_i32_1 = arith.constant 0 : i32
    return %c0_i32, %c0_i32_0 : i32, i32
  }
  func.func @transform_6(%arg0: i32) -> (i32, i32) {
    %c0_i32 = arith.constant 0 : i32
    %c0_i32_0 = arith.constant 0 : i32
    return %arg0, %c0_i32 : i32, i32
  }
  func.func @transform_7(%arg0: i32) -> (i32, i32) {
    %c0_i32 = arith.constant 0 : i32
    %c0_i32_0 = arith.constant 0 : i32
    %c0_i32_1 = arith.constant 0 : i32
    return %c0_i32, %c0_i32_0 : i32, i32
  }
  func.func @transform_8(%arg0: i32) -> (i32, i32) {
    %c0_i32 = arith.constant 0 : i32
    %c0_i32_0 = arith.constant 0 : i32
    %c0_i32_1 = arith.constant 0 : i32
    return %c0_i32, %c0_i32_0 : i32, i32
  }
  func.func @transform_9(%arg0: i32) -> (i32, i32) {
    %c0_i32 = arith.constant 0 : i32
    %c0_i32_0 = arith.constant 0 : i32
    %c0_i32_1 = arith.constant 0 : i32
    return %c0_i32, %c0_i32_0 : i32, i32
  }
  func.func @transform_10(%arg0: i32) -> (i32, i32) {
    %c0_i32 = arith.constant 0 : i32
    %c0_i32_0 = arith.constant 0 : i32
    %c0_i32_1 = arith.constant 0 : i32
    return %c0_i32, %c0_i32_0 : i32, i32
  }
  func.func @transform_11(%arg0: i32) -> (i32, i32, i32) {
    %c0_i32 = arith.constant 0 : i32
    %c0_i32_0 = arith.constant 0 : i32
    %c0_i32_1 = arith.constant 0 : i32
    return %c0_i32, %arg0, %c0_i32_0 : i32, i32, i32
  }
  func.func @transform_12(%arg0: i32) -> (i32, i32) {
    %c0_i32 = arith.constant 0 : i32
    %c0_i32_0 = arith.constant 0 : i32
    return %arg0, %c0_i32 : i32, i32
  }
  func.func @transform_13(%arg0: i32) -> (i32, i32) {
    %c0_i32 = arith.constant 0 : i32
    %c0_i32_0 = arith.constant 0 : i32
    return %arg0, %c0_i32 : i32, i32
  }
  func.func @transform_14(%arg0: i32) -> (i32, i32) {
    %c0_i32 = arith.constant 0 : i32
    %c0_i32_0 = arith.constant 0 : i32
    %c0_i32_1 = arith.constant 0 : i32
    return %c0_i32, %c0_i32_0 : i32, i32
  }
  func.func @transform_15(%arg0: i32) -> (i32, i32, i32) {
    %c0_i32 = arith.constant 0 : i32
    %c0_i32_0 = arith.constant 0 : i32
    %c0_i32_1 = arith.constant 0 : i32
    %c0_i32_2 = arith.constant 0 : i32
    return %c0_i32, %c0_i32_0, %c0_i32_1 : i32, i32, i32
  }
}

module attributes {stable_mosaic.version = 14 : i64} {
  func.func @_dense2_body(%arg0: i32, %arg1: memref<2x1280x64xf32, #tpu.memory_space<vmem>>, %arg2: memref<1280x1xf32, #tpu.memory_space<vmem>>, %arg3: memref<128x128xf32, #tpu.memory_space<vmem>>, %arg4: memref<1x128xf32, #tpu.memory_space<vmem>>, %arg5: memref<1280x128xf32, #tpu.memory_space<vmem>>) attributes {dimension_semantics = [#tpu.dimension_semantics<arbitrary>], iteration_bounds = array<i64: 8>, scalar_prefetch = 0 : i64, scratch_operands = 0 : i64, tpu.core_type = #tpu.core_type<tc>, window_params = [{transform_indices = @transform_0, window_bounds = array<i64: 2, 1280, 64>}, {transform_indices = @transform_1, window_bounds = array<i64: 1280, 1>}, {pipeline_mode = #tpu.pipeline_mode<synchronous>, transform_indices = @transform_2, window_bounds = array<i64: 128, 128>}, {pipeline_mode = #tpu.pipeline_mode<synchronous>, transform_indices = @transform_3, window_bounds = array<i64: 1, 128>}, {transform_indices = @transform_4, window_bounds = array<i64: 1280, 128>}]} {
    %get3A = arith.constant 0 : index
    %get3A_0 = arith.constant 0 : index
    %get3A_1 = arith.constant 0 : index
    %get3A_2 = vector.load %arg1[%get3A, %get3A_0, %get3A_1] : memref<2x1280x64xf32, #tpu.memory_space<vmem>>, vector<1x1280x64xf32>
    %get3A_3 = vector.shape_cast %get3A_2 : vector<1x1280x64xf32> to vector<1280x64xf32>
    %get3A_4 = arith.constant 1 : index
    %get3A_5 = arith.constant 0 : index
    %get3A_6 = arith.constant 0 : index
    %get3A_7 = vector.load %arg1[%get3A_4, %get3A_5, %get3A_6] : memref<2x1280x64xf32, #tpu.memory_space<vmem>>, vector<1x1280x64xf32>
    %get3A_8 = vector.shape_cast %get3A_7 : vector<1x1280x64xf32> to vector<1280x64xf32>
    %concatenate3A = tpu.concatenate %get3A_3, %get3A_8 in 1 : vector<1280x64xf32>, vector<1280x64xf32> -> vector<1280x128xf32>
    %get3A_9 = arith.constant 0 : index
    %get3A_10 = arith.constant 0 : index
    %get3A_11 = vector.load %arg2[%get3A_9, %get3A_10] : memref<1280x1xf32, #tpu.memory_space<vmem>>, vector<1280x1xf32>
    %add3A = arith.constant 1.000000e-16 : f32
    %add3A_12 = vector.broadcast %add3A : f32 to vector<1280x1xf32>
    %add3A_13 = arith.addf %get3A_11, %add3A_12 : vector<1280x1xf32>
    %div3A = vector.broadcast %add3A_13 : vector<1280x1xf32> to vector<1280x128xf32>
    %div3A_14 = arith.divf %concatenate3A, %div3A : vector<1280x128xf32>
    %get3A_15 = arith.constant 0 : index
    %get3A_16 = arith.constant 0 : index
    %get3A_17 = vector.load %arg3[%get3A_15, %get3A_16] : memref<128x128xf32, #tpu.memory_space<vmem>>, vector<128x128xf32>
    %dot_general3A = arith.constant dense<0.000000e+00> : vector<1280x128xf32>
    %dot_general3A_18 = tpu.matmul %div3A_14, %get3A_17, %dot_general3A {dimension_numbers = #tpu.dot_dimension_numbers<[1], [0], [0], [1], [0, 0, 1, 1], [], []>, transpose_lhs_hint = false} : vector<1280x128xf32>, vector<128x128xf32>, vector<1280x128xf32> -> vector<1280x128xf32>
    %get3A_19 = arith.constant 0 : index
    %get3A_20 = arith.constant 0 : index
    %get3A_21 = vector.load %arg4[%get3A_19, %get3A_20] : memref<1x128xf32, #tpu.memory_space<vmem>>, vector<1x128xf32>
    %get3A_22 = vector.shape_cast %get3A_21 : vector<1x128xf32> to vector<128xf32>
    %broadcast_in_dim3A = vector.shape_cast %get3A_22 : vector<128xf32> to vector<1x128xf32>
    %add3A_23 = vector.broadcast %broadcast_in_dim3A : vector<1x128xf32> to vector<1280x128xf32>
    %add3A_24 = arith.addf %dot_general3A_18, %add3A_23 : vector<1280x128xf32>
    %tanh3A = math.tanh %add3A_24 : vector<1280x128xf32>
    %swap3A = arith.constant 0 : index
    %swap3A_25 = arith.constant 0 : index
    %swap3A_26 = vector.load %arg5[%swap3A, %swap3A_25] : memref<1280x128xf32, #tpu.memory_space<vmem>>, vector<1280x128xf32>
    tpu.vector_store %arg5[%swap3A, %swap3A_25], %tanh3A {strides = array<i32>} : memref<1280x128xf32, #tpu.memory_space<vmem>>, vector<1280x128xf32>,
    return
  }
  func.func @transform_0(%arg0: i32) -> (i32, i32, i32) {
    %c0_i32 = arith.constant 0 : i32
    %c0_i32_0 = arith.constant 0 : i32
    %c0_i32_1 = arith.constant 0 : i32
    return %c0_i32, %arg0, %c0_i32_0 : i32, i32, i32
  }
  func.func @transform_1(%arg0: i32) -> (i32, i32) {
    %c0_i32 = arith.constant 0 : i32
    %c0_i32_0 = arith.constant 0 : i32
    return %arg0, %c0_i32 : i32, i32
  }
  func.func @transform_2(%arg0: i32) -> (i32, i32) {
    %c0_i32 = arith.constant 0 : i32
    %c0_i32_0 = arith.constant 0 : i32
    %c0_i32_1 = arith.constant 0 : i32
    return %c0_i32, %c0_i32_0 : i32, i32
  }
  func.func @transform_3(%arg0: i32) -> (i32, i32) {
    %c0_i32 = arith.constant 0 : i32
    %c0_i32_0 = arith.constant 0 : i32
    %c0_i32_1 = arith.constant 0 : i32
    return %c0_i32, %c0_i32_0 : i32, i32
  }
  func.func @transform_4(%arg0: i32) -> (i32, i32) {
    %c0_i32 = arith.constant 0 : i32
    %c0_i32_0 = arith.constant 0 : i32
    return %arg0, %c0_i32 : i32, i32
  }
}

</mosaic_0001>

<sc_bundles>
// kernel: kernel.6.cloned.1.call-start
scs
__scs_entry_jumppad:
0x0: {  	(pc) =	sbr.rel $0x88, $3  }
0x1: {  	(tag) =	ssettag $0x0;
	lr =	simm.s32 $0x1  }
0x2: {  	[smem:$0x3F8F] =	sst lr;
	_ =	strace $0xD0000000  }
0x3: {  	_ = 	snop  }
0x4: {  	_ = 	snop  }
0x5: {  	_ = 	snop  }
0x6: {  	_ = 	snop  }
0x7: {  	_ = 	snop  }
__scs_overlays_trampoline_lowered:
0x8: {  	[smem:$0x3F9E] =	sst s0  }
0x9: {  	[smem:$0x3F9F] =	sst s1  }
0xa: {  	[smem:$0x3FA0] =	sst s2  }
0xb: {  	[smem:$0x3FA1] =	sst s3  }
0xc: {  	[smem:$0x3FA2] =	sst s4  }
0xd: {  	[smem:$0x3FA3] =	sst s5  }
0xe: {  	[smem:$0x3FA4] =	sst s6  }
0xf: {  	[smem:$0x3FA5] =	sst s7  }
0x10: {  	[smem:$0x3FA6] =	sst s8  }
0x11: {  	[smem:$0x3FA7] =	sst s9;
	s0 =	simm.s32 @!p0 $0x0  }
0x12: {  	s1 =	sld [smem:$0x3F8D];
	s0 =	simm.s32 @p0 $0x1  }
0x13: {  	[smem:$0x3FA8] =	sst s0;
	s0 =	simm.s32 @!p1 $0x0  }
0x14: {  	s2 =	sld [smem:$0x3F8C];
	s0 =	simm.s32 @p1 $0x1  }
0x15: {  	[smem:$0x3FA9] =	sst s0;
	s0 =	simm.s32 @!p2 $0x0  }
0x16: {  	s3 =	sld [smem:$0x3FDB];
	s0 =	simm.s32 @p2 $0x1  }
0x17: {  	s4 =	simm.s32 $0x1BF5;
	[smem:$0x3FAB] =	sst s0  }
0x18: {  	s0 =	sld [smem:$0x3F8E];
	_ =	swait.ge [sflag:s4], $0x0  }
0x19: {  	s7 =	sld [smem:$0x3F8F]  }
0x1a: {  	s8 =	sadd.s32 $0xFFFFE003, lr  }
0x1b: {  	s9 =	sadd.s32 $0xFFFFFEF7, lr;
	s5 =	simm.s32 $0xFFFFFFFF;
	p2 =	slt.u32 s8, $0xFFFFF086  }
0x1c: {  	p1 =	slt.u32 s9, $0xF7A;
	s5 =	simm.s32 @!p2 $0x0  }
0x1d: {  	s5 =	simm.s32 @p1 $0x1;
	p0 =	seq.s32 s7, s2  }
0x1e: {  	s7 =	smul.u32 @!p0 $0xF7A, s2;
	p2 =	seq.s32 @!p0 s5, $0x0  }
0x1f: {  	s9 =	smul.u32 $0xF7A, s1;
	s8 =	simm.s32 @!p0 $0x1BF5;
	p2 =	por !p2, p0  }
0x20: {  	[sflag:s8] =	ssyncset.s32 @!p0 $0xFFFFF086;
	s6 =	sadd.s32 @!p0 s3, s7;
	s7 =	simm.s32 @!p0 $0x108  }
0x21: {  	s3 =	sadd.s32 s3, s9;
	s6 =	sadd.s32 @!p0 $0x88, s6;
	s7 =	simm.s32 @p2 $0x1082  }
0x22: {  	[simem:s7], [sflag:s8] =	dma.local @!p0 [hbm:s6], $0xF7A  }
0x23: {  	s9 =	sor.u32 $0xD0000000, s2;
	s6 =	simm.s32 $0x108;
	_ =	swait.ge @!p0 [sflag:s8], $0x0  }
0x24: {  	s3 =	sadd.s32 $0x88, s3;
	s6 =	simm.s32 @!p1 $0x1082;
	[sflag:s4] =	ssyncset.s32 $0xFFFFF086  }
0x25: {  	[simem:s6], [sflag:s4] =	dma.local [hbm:s3], $0xF7A  }
0x26: {  	[smem:$0x3F8F] =	sst s1;
	(tag) =	ssettag s2;
	_ =	strace s9  }
0x27: {  	s1 =	sld [smem:$0x3F9F]  }
0x28: {  	s2 =	sld [smem:$0x3FA0]  }
0x29: {  	s4 =	sld [smem:$0x3FA2]  }
0x2a: {  	p0 =	seq.s32 s5, $0x0;
	s5 =	sld [smem:$0x3FA3]  }
0x2b: {  	s6 =	sld [smem:$0x3FA4]  }
0x2c: {  	s7 =	sld [smem:$0x3FA5]  }
0x2d: {  	s3 =	simm.s32 $0x108;
	s8 =	sld [smem:$0x3FA6]  }
0x2e: {  	s3 =	simm.s32 @!p0 $0x1082;
	s9 =	sld [smem:$0x3FA7]  }
0x2f: {  	lr =	sadd.s32 s0, s3;
	s0 =	sld [smem:$0x3F9E]  }
0x30: {  	s3 =	sld [smem:$0x3FA1]  }
0x31: {  	[smem:$0x3FAA] =	sst s10  }
0x32: {  	s10 =	sld [smem:$0x3FA8];
	_ =	sdelay $0x3  }
0x33: {  	p0 =	seq.s32 s10, $0x1;
	s10 =	sld [smem:$0x3FAA];
	_ =	sdelay $0x3  }
0x34: {  	[smem:$0x3FAA] =	sst s10  }
0x35: {  	s10 =	sld [smem:$0x3FA9];
	_ =	sdelay $0x3  }
0x36: {  	p1 =	seq.s32 s10, $0x1;
	s10 =	sld [smem:$0x3FAA];
	_ =	sdelay $0x3  }
0x37: {  	[smem:$0x3FAA] =	sst s10  }
0x38: {  	s10 =	sld [smem:$0x3FAB]  }
0x39: {  	_ = 	snop;
	(pc) =	sbr.ind lr, $3  }
0x3a: {  	_ = 	snop  }
0x3b: {  	_ = 	snop  }
0x3c: {  	p2 =	seq.s32 s10, $0x1;
	s10 =	sld [smem:$0x3FAA]  }
0x3d: {  	_ =	shalt  }
0x3e: {  	_ =	shalt  }
0x3f: {  	_ =	shalt  }
0x40: {  	_ =	shalt  }
0x41: {  	_ =	shalt  }
0x42: {  	_ =	shalt  }
0x43: {  	_ =	shalt  }
0x44: {  	_ =	shalt  }
0x45: {  	_ =	shalt  }
0x46: {  	_ =	shalt  }
0x47: {  	_ =	shalt  }
0x48: {  	_ =	shalt  }
0x49: {  	_ =	shalt  }
0x4a: {  	_ =	shalt  }
0x4b: {  	_ =	shalt  }
0x4c: {  	_ =	shalt  }
0x4d: {  	_ =	shalt  }
0x4e: {  	_ =	shalt  }
0x4f: {  	_ =	shalt  }
0x50: {  	_ =	shalt  }
0x51: {  	_ =	shalt  }
0x52: {  	_ =	shalt  }
0x53: {  	_ =	shalt  }
0x54: {  	_ =	shalt  }
0x55: {  	_ =	shalt  }
0x56: {  	_ =	shalt  }
0x57: {  	_ =	shalt  }
0x58: {  	_ =	shalt  }
0x59: {  	_ =	shalt  }
0x5a: {  	_ =	shalt  }
0x5b: {  	_ =	shalt  }
0x5c: {  	_ =	shalt  }
0x5d: {  	_ =	shalt  }
0x5e: {  	_ =	shalt  }
0x5f: {  	_ =	shalt  }
0x60: {  	_ =	shalt  }
0x61: {  	_ =	shalt  }
0x62: {  	_ =	shalt  }
0x63: {  	_ =	shalt  }
0x64: {  	_ =	shalt  }
0x65: {  	_ =	shalt  }
0x66: {  	_ =	shalt  }
0x67: {  	_ =	shalt  }
0x68: {  	_ =	shalt  }
0x69: {  	_ =	shalt  }
0x6a: {  	_ =	shalt  }
0x6b: {  	_ =	shalt  }
0x6c: {  	_ =	shalt  }
0x6d: {  	_ =	shalt  }
0x6e: {  	_ =	shalt  }
0x6f: {  	_ =	shalt  }
0x70: {  	_ =	shalt  }
0x71: {  	_ =	shalt  }
0x72: {  	_ =	shalt  }
0x73: {  	_ =	shalt  }
0x74: {  	_ =	shalt  }
0x75: {  	_ =	shalt  }
0x76: {  	_ =	shalt  }
0x77: {  	_ =	shalt  }
0x78: {  	_ =	shalt  }
0x79: {  	_ =	shalt  }
0x7a: {  	_ =	shalt  }
0x7b: {  	_ =	shalt  }
0x7c: {  	_ =	shalt  }
0x7d: {  	_ =	shalt  }
0x7e: {  	_ =	shalt  }
0x7f: {  	_ =	shalt  }
0x80: {  	_ =	shalt  }
0x81: {  	_ =	shalt  }
0x82: {  	_ =	shalt  }
0x83: {  	_ =	shalt  }
0x84: {  	_ =	shalt  }
0x85: {  	_ =	shalt  }
0x86: {  	_ =	shalt  }
0x87: {  	_ =	shalt  }
.Lfunc_end0:
.L_simem_size_0:
called_computation_lowered:
.L_overlay_start_0:
0x88: {  	s2 =	sld [smem:$0x3FD9]  }
0x89: {  	s3 =	sld [smem:$0x3FFE];
	_ =	sdelay $0x1  }
0x8a: {  	s1 =	srdreg.scid  }
0x8b: {  	s0 =	sand.u32 $0x1, s1  }
0x8c: {  	s14 =	sshll.u32 s0, $0xA;
	s2 =	sadd.s32 s3, s2  }
0x8d: {  	s2 =	sadd.s32 s2, s14  }
0x8e: {  	[smem:$0x3FB6] =	sst s2  }
0x8f: {  	_ = 	snop  }
0x90: {  	s2 =	sld [smem:$0x3FD0];
	_ =	sdelay $0x1  }
0x91: {  	s15 =	sld [smem:$0x3FC8]  }
0x92: {  	s5 =	simm.s32 $0xA;
	s6 =	simm.s32 $0x10;
	s4 =	sld [smem:$0x3FC5]  }
0x93: {  	[smem:s6], [sflag:s5] =	dma.local [hbm:s2], $0x1  }
0x94: {  	_ =	swait.eq [sflag:s5], $0x1  }
0x95: {  	s16 =	sld [smem:$0x10];
	[sflag:s5] =	ssyncset.done $0x0  }
0x96: {  	s17 =	sld [smem:$0x11];
	[sflag:s5] =	ssyncadd.s32 $0xFFFFFFFF  }
0x97: {  	s18 =	sld [smem:$0x12];
	(tm) =	ssettm $0x1  }
0x98: {  	s7 =	sld [smem:$0x3FFB];
	_ =	sdelay $0x3  }
0x99: {  	_ =	strace s7  }
0x9a: {  	s7 =	sld [smem:$0x3FFC];
	_ =	sdelay $0x3  }
0x9b: {  	_ =	strace s7  }
0x9c: {  	s7 =	sld [smem:$0x3FFD];
	_ =	sdelay $0x3  }
0x9d: {  	_ =	strace s7  }
0x9e: {  	_ =	strace $0x8FFFFFFF  }
0x9f: {  	s19 =	sld [smem:$0x3FDB];
	_ =	sdelay $0x1  }
0xa0: {  	s8 =	simm.s32 $_scs_section_size  }
0xa1: {  	s9 =	simm.s32 $_size__tile_overlayer_lowered;
	s10 =	simm.s32 $_tile_overlayer_lowered  }
0xa2: {  	s22 =	simm.s32 $0x1BFF;
	s21 =	sshll.u32 s10, $0x1;
	s7 =	sadd.s32 s8, s19  }
0xa3: {  	s11 =	simm.s32 $0x0;
	s20 =	sshll.u32 s9, $0x1;
	s9 =	sadd.s32 s21, s7  }
0xa4: {  	[timem:s11], [sflag:s22] =	dma.local [hbm:s9], s20  }
0xa5: {  	_ =	swait.ge [sflag:s22], s20  }
0xa6: {  	s8 =	ssub.s32 $0x0, s20;
	[sflag:s22] =	ssyncset.done $0x0  }
0xa7: {  	[sflag:s22] =	ssyncadd.s32 s8;
	_ =	sdelay $0x1  }
0xa8: {  	s23 =	simm.s32 $0x1B8B  }
0xa9: {  	_ =	swait.ge [sflag:s23], $0x1  }
0xaa: {  	[sflag:s23] =	ssyncset.done $0x0  }
0xab: {  	s25 =	simm.s32 $0x1B8E;
	s24 =	sld [smem:$0x3FFE];
	[sflag:s23] =	ssyncadd.s32 $0xFFFFFFFF  }
0xac: {  	s26 =	simm.s32 $execute0_lowered;
	[smem:$0x3FD2] =	sst s25  }
0xad: {  	s9 =	sshll.u32 s26, $0x1;
	_ =	strace $0x80000046;
	[dreg:$0x1] =	wrdreg $0xFFFFFFFF  }
0xae: {  	s28 =	simm.s32 $_size_execute0_lowered;
	s7 =	sadd.s32 s7, s9;
	[dreg:$0x0] =	wrdreg $0x0  }
0xaf: {  	s9 =	sshll.u32 s28, $0x1;
	[dreg:$0x2] =	wrdreg s7  }
0xb0: {  	[dreg:$0x3] =	wrdreg s9  }
0xb1: {  	[dreg:$0x4] =	wrdreg $0xC0  }
0xb2: {  	_ =	task [dreg:s11], $0x5FFFF  }
0xb3: {  	[dreg:$0x1] =	wrdreg $0xFFFFFFFF  }
0xb4: {  	[dreg:$0x0] =	wrdreg $0x60  }
0xb5: {  	[dreg:$0x2] =	wrdreg s24  }
0xb6: {  	[dreg:$0x3] =	wrdreg s15  }
0xb7: {  	[dreg:$0x4] =	wrdreg s4  }
0xb8: {  	[dreg:$0x5] =	wrdreg s18  }
0xb9: {  	[dreg:$0x6] =	wrdreg s16  }
0xba: {  	[dreg:$0x7] =	wrdreg s17  }
0xbb: {  	[dreg:$0x8] =	wrdreg $0x126600  }
0xbc: {  	[dreg:$0x9] =	wrdreg $0x1C6600  }
0xbd: {  	[dreg:$0xa] =	wrdreg $0x9  }
0xbe: {  	_ =	task.clear_ibuf [dreg:s11], $0xBFFFF;
	_ =	strace $0x90000046  }
0xbf: {  	s29 =	simm.s32 $0x9;
	_ =	strace $0x80000048  }
0xc0: {  	_ =	swait.ge [sflag:s29], $0x1  }
0xc1: {  	[sflag:s29] =	ssyncadd.s32 $0xFFFFFFFF  }
0xc2: {  	_ =	strace $0x90000048  }
0xc3: {  	_ =	sfence  }
0xc4: {  	s30 =	sld [smem:$0x0];
	_ =	sdelay $0x2  }
0xc5: {  	s31 =	sshll.u32 s1, $0xD;
	s1 =	sshrl.u32 s1, $0x2  }
0xc6: {  	s3 =	sand.u32 $0x4000, s31;
	s1 =	sadd.s32 s1, s30  }
0xc7: {  	s0 =	sor.u32 s3, s0;
	s1 =	sshll.u32 s1, $0x11  }
0xc8: {  	s0 =	sor.u32 s1, s0  }
0xc9: {  	s0 =	sadd.s32 $0x8F2B, s0  }
0xca: {  	[sflag:s0] =	ssyncadd.remote.s32 $0x1  }
0xcb: {  	_ =	sfence.sel $0xFFFF  }
0xcc: {  	[dreg:$0x0] =	wrdreg $0xFFFFFFFF;
	(pc) =	sbr.abs _section_cstart, $3  }
0xcd: {  	[dreg:$0x1] =	wrdreg $0xFFFFFFFF  }
0xce: {  	_ =	task.clear_ibuf [dreg:s11], $0x2FFFF;
	_ =	strace $0x9FFFFFFF  }
0xcf: {  	(tm) =	ssettm $0x7FFFFFFF  }
tec
execute0_lowered:
.L_overlay_start_1:
0x0: {  	(tag) =	ssettag $0x1  }
0x1: {  	s0 =	rddreg [dreg:$0x0]  }
0x2: {  	s7 =	rddreg [dreg:$0x1]  }
0x3: {  	s8 =	rddreg [dreg:$0x2]  }
0x4: {  	s1 =	rddreg [dreg:$0x3]  }
0x5: {  	s2 =	rddreg [dreg:$0x4]  }
0x6: {  	s10 =	rddreg [dreg:$0x6];
	s3 =	srdreg.scid  }
0x7: {  	s9 =	stileid.u32;
	s4 =	simm.s32 $0x0;
	s28 =	simm.s32 $0x2800  }
0x8: {  	s11 =	sand.u32 $0x1, s3;
	s31 =	smul.u32 $0xA000, s9;
	[smem:$0x7FF] =	sst s4  }
0x9: {  	s12 =	sadd.s32 $0x87C00, s0;
	s13 =	sadd.s32 $0x7DE00, s0;
	s5 =	sadd.s32 $0x3C00, s0  }
0xa: {  	s17 =	sadd.s32 $0x91A00, s0;
	_ =	strace $0x80000047;
	[dreg:$0xc] =	wrdreg s5  }
0xb: {  	s14 =	sadd.s32 $0xC8C00, s0;
	s18 =	sadd.s32 $0x92000, s0;
	[dreg:$0xd] =	wrdreg s17  }
0xc: {  	s15 =	sadd.s32 $0xA1A00, s0;
	s6 =	smul.u32 $0x4E20, s9;
	[dreg:$0x10] =	wrdreg s18  }
0xd: {  	s21 =	sshll.u32 s9, $0x6;
	s16 =	smul.u32 $0xA0000, s11;
	[dreg:$0xa] =	wrdreg s12  }
0xe: {  	s19 =	ssub.s32 $0x2, s11;
	p0 =	seq.s32 s11, $0x0;
	[dreg:$0xb] =	wrdreg s13  }
0xf: {  	s23 =	sor.u32 s11, s9;
	[dreg:$0x9] =	wrdreg s11;
	s3 =	sadd.s32 s31, s10  }
0x10: {  	p1 =	sne.s32 s11, $0x0;
	s15 =	smov.u32 @p0 s2;
	[dreg:$0x12] =	wrdreg s3  }
0x11: {  	s5 =	simm.s32 $0x0;
	s14 =	smov.u32 @p0 s1;
	[dreg:$0xf] =	wrdreg s15  }
0x12: {  	s20 =	sshrl.u32 s19, $0x1;
	s30 =	sadd.s32 $0x320, s6;
	[dreg:$0xe] =	wrdreg s14  }
0x13: {  	s10 =	sor.u32 $0x1C08, s21;
	s22 =	sshrl.u32 s6, $0x3;
	[dreg:$0x18] =	wrdreg s30  }
0x14: {  	p0 =	sne.s32 s23, $0x0;
	s24 =	sadd.s32 s12, s22;
	[dreg:$0x13] =	wrdreg s10  }
0x15: {  	s4 =	sadd.s32 s31, s16;
	s25 =	sadd.s32 s13, s22;
	[dreg:$0x14] =	wrdreg s24  }
0x16: {  	s26 =	sadd.s32 s7, s22;
	s29 =	sadd.s32 s8, s22;
	[dreg:$0x15] =	wrdreg s25  }
.Ltmp0:
0x17: {  	s4 =	sshrl.u32 s4, $0x3;
	[dreg:$0x16] =	wrdreg s26;
	(pc) =	sbr.rel .LBB2_1-.Ltmp0, $4  }
0x18: {  	[dreg:$0x17] =	wrdreg s29;
	s4 =	sadd.s32 s4, s0;
	s0 =	sadd.s32 $0x92600, s0  }
0x19: {  	[dreg:$0x11] =	wrdreg s0;
	s0 =	ssub.s32 s19, s20;
	s31 =	sadd.s32 $0xDC600, s4  }
0x1a: {  	v0 =	vlaneseq.u32;
	s2 =	simm.s32 $0x8;
	[dreg:$0x19] =	wrdreg s31;
	s0 =	smax.u32 s0, $0x1  }
0x1b: {  	v1 =	vor.u32 $0x10, v0;
	v2 =	vor.u32 $0x20, v0;
	v3 =	vor.u32 $0x30, v0;
	s3 =	simm.s32 $0x8C00;
	s4 =	simm.s32 $0x1;
	[dreg:$0x1a] =	wrdreg s0  }
.LBB2_21:
0x1c: {  	s0 =	simm.s32 $0x6  }
0x1d: {  	_ =	swait.ge [sflag:s0], $0x1400  }
0x1e: {  	[sflag:s0] =	ssyncset.done $0x0  }
0x1f: {  	[sflag:s0] =	ssyncadd.s32 $0xFFFFEC00;
	s0 =	simm.s32 @p1 $0x7  }
0x20: {  	_ =	swait.ge @p1 [sflag:s0], $0x1400  }
0x21: {  	[sflag:s0] =	ssyncset.done @p1 $0x0  }
0x22: {  	[sflag:s0] =	ssyncadd.s32 @p1 $0xFFFFEC00;
	s0 =	simm.s32 @!p1 $0x6  }
0x23: {  	_ =	swait.ge @!p1 [sflag:s0], $0x50  }
0x24: {  	[sflag:s0] =	ssyncset.done @!p1 $0x0  }
0x25: {  	[sflag:s0] =	ssyncadd.s32 @!p1 $0xFFFFFFB0;
	s0 =	simm.s32 @!p1 $0x7  }
0x26: {  	_ =	swait.ge @!p1 [sflag:s0], $0x1400  }
0x27: {  	[sflag:s0] =	ssyncset.done @!p1 $0x0  }
0x28: {  	[sflag:s0] =	ssyncadd.s32 @!p1 $0xFFFFEC00  }
0x29: {  	_ =	swait.ge @!p1 [sflag:s0], $0x50  }
0x2a: {  	[sflag:s0] =	ssyncset.done @!p1 $0x0  }
0x2b: {  	[sflag:s0] =	ssyncadd.s32 @!p1 $0xFFFFFFB0  }
0x2c: {  	[bflag:$0x0] =	sbarrier.arrive $0xFFFF  }
0x2d: {  	s10 =	rddreg [dreg:$0x13]  }
0x2e: {  	s30 =	rddreg [dreg:$0x19]  }
0x2f: {  	s2 =	simm.s32 $0x8;
	s1 =	rddreg [dreg:$0x1c]  }
0x30: {  	[hbm:s30], [sflag:s10] =	dma.local [spmem:s1], $0x1400  }
0x31: {  	_ =	swait.ge [sflag:s2], $0x1400  }
0x32: {  	[sflag:s2] =	ssyncset.done $0x0;
	s0 =	rddreg [dreg:$0x11]  }
0x33: {  	s1 =	rddreg [dreg:$0x1d];
	[sflag:s2] =	ssyncadd.s32 $0xFFFFEC00  }
0x34: {  	[hbm:s0], [sflag:s10] =	dma.local @!p0 [spmem:s1], $0x500  }
0x35: {  	s0 =	simm.s32 @!p0 $0x8  }
0x36: {  	_ =	swait.ge @!p0 [sflag:s0], $0x500  }
0x37: {  	s5 =	rddreg [dreg:$0x1b]  }
0x38: {  	s31 =	rddreg [dreg:$0x1a];
	s5 =	sadd.s32 $0x1, s5  }
0x39: {  	p2 =	sne.s32 s5, s31  }
.Ltmp1:
0x3a: {  	_ = 	snop;
	(pc) =	sbr.rel @!p2 .LBB2_22-.Ltmp1, $3  }
0x3b: {  	_ =	sdelay $0x1  }
0x3c: {  	[sflag:s0] =	ssyncset.done @!p0 $0x0  }
0x3d: {  	s3 =	simm.s32 $0x8C00;
	[sflag:s0] =	ssyncadd.s32 @!p0 $0xFFFFFB00  }
.LBB2_1:
0x3e: {  	[dreg:$0x1b] =	wrdreg s5  }
0x3f: {  	s0 =	rddreg [dreg:$0x12]  }
0x40: {  	s18 =	rddreg [dreg:$0x5];
	s1 =	sshrl.u32 s0, $0x3  }
0x41: {  	[dreg:$0x1c] =	wrdreg s1  }
0x42: {  	[spmem:s1], [sflag:s10] =	dma.local [hbm:s18], $0x1400  }
0x43: {  	_ =	swait.ge [sflag:s2], $0x1400  }
0x44: {  	[sflag:s2] =	ssyncset.done $0x0  }
0x45: {  	[sflag:s2] =	ssyncadd.s32 $0xFFFFEC00  }
0x46: {  	s0 =	rddreg [dreg:$0x7]  }
0x47: {  	s1 =	sshrl.u32 @!p0 s0, $0x3;
	s0 =	rddreg [dreg:$0x10]  }
0x48: {  	[dreg:$0x1d] =	wrdreg s1  }
0x49: {  	[spmem:s1], [sflag:s10] =	dma.local @!p0 [hbm:s0], $0x500  }
0x4a: {  	s0 =	simm.s32 @!p0 $0x8  }
0x4b: {  	_ =	swait.ge @!p0 [sflag:s0], $0x500  }
0x4c: {  	[sflag:s0] =	ssyncset.done @!p0 $0x0  }
0x4d: {  	s19 =	simm.s32 $0x0;
	s20 =	rddreg [dreg:$0xd];
	[sflag:s0] =	ssyncadd.s32 @!p0 $0xFFFFFB00  }
0x4e: {  	[tilespmem:s19], [sflag:$0x8] =	stream.linear.gather [hbm4b:s20+s19], $0x2800, $0x38;
	[tilespmem:$0x1C8E0] =	vst v63  }
0x4f: {  	_ =	swait.ge [sflag:s2], $0x2800  }
0x50: {  	[sflag:s2] =	ssyncset.done $0x0  }
0x51: {  	s21 =	rddreg [dreg:$0xf];
	[sflag:s2] =	ssyncadd.s32 $0xFFFFD800  }
0x52: {  	[tilespmem:s28], [sflag:$0x8] =	stream.linear.gather [hbm4b:s21+s19], $0x6400, $0x38;
	[tilespmem:$0x1C8E0] =	vst v63  }
0x53: {  	_ =	swait.ge [sflag:s2], $0x6400  }
0x54: {  	[sflag:s2] =	ssyncset.done $0x0  }
0x55: {  	[sflag:s2] =	ssyncadd.s32 $0xFFFF9C00  }
0x56: {  	[bflag:$0x0] =	sbarrier.arrive $0xFFFF  }
0x57: {  	s22 =	rddreg [dreg:$0x14]  }
0x58: {  	[tilespmem:s3], [sflag:$0x1] =	stream.linear.gather [hbm4b:s22+s19], $0x320, $0x38;
	[tilespmem:$0x1C8E0] =	vst v63  }
0x59: {  	s24 =	simm.s32 $0x9240;
	s23 =	rddreg [dreg:$0x15]  }
0x5a: {  	[tilespmem:s24], [sflag:$0x1] =	stream.linear.gather [hbm4b:s23+s19], $0x320, $0x38;
	[tilespmem:$0x1C8E0] =	vst v63  }
0x5b: {  	s26 =	simm.s32 $0x9880;
	s25 =	rddreg [dreg:$0x16]  }
0x5c: {  	[tilespmem:s26], [sflag:$0x1] =	stream.linear.gather [hbm4b:s25+s19], $0x320, $0x38;
	[tilespmem:$0x1C8E0] =	vst v63  }
0x5d: {  	s30 =	simm.s32 $0x9EC0;
	s29 =	rddreg [dreg:$0x17]  }
0x5e: {  	[tilespmem:s30], [sflag:$0x1] =	stream.linear.gather [hbm4b:s29+s19], $0x320, $0x38;
	[tilespmem:$0x1C8E0] =	vst v63  }
0x5f: {  	_ =	swait.ge [sflag:s4], $0x320  }
0x60: {  	[sflag:s4] =	ssyncset.done $0x0  }
0x61: {  	[sflag:s4] =	ssyncadd.s32 $0xFFFFFCE0  }
0x62: {  	_ =	swait.ge [sflag:s4], $0x320  }
0x63: {  	[sflag:s4] =	ssyncset.done $0x0  }
0x64: {  	[sflag:s4] =	ssyncadd.s32 $0xFFFFFCE0  }
0x65: {  	_ =	swait.ge [sflag:s4], $0x320  }
0x66: {  	[sflag:s4] =	ssyncset.done $0x0  }
0x67: {  	[sflag:s4] =	ssyncadd.s32 $0xFFFFFCE0  }
0x68: {  	_ =	swait.ge [sflag:s4], $0x320  }
0x69: {  	[sflag:s4] =	ssyncset.done $0x0  }
0x6a: {  	s31 =	simm.s32 $0x8C20;
	[sflag:s4] =	ssyncadd.s32 $0xFFFFFCE0  }
0x6b: {  	v4 =	vld [tilespmem:s31+$0xFFFFFFE0]  }
0x6c: {  	s0 =	simm.s32 $0x98A0  }
0x6d: {  	v5 =	vld [tilespmem:s0+$0xFFFFFFE0];
	_ =	sdelay $0x2  }
0x6e: {  	v4 =	vmul.u32 $0x190, v4;
	_ =	sdelay $0x1  }
0x6f: {  	s1 =	simm.s32 $0xA520;
	v4 =	vadd.s32 v5, v4  }
0x70: {  	[tilespmem:s1+$0xFFFFFFE0] =	vst v4  }
0x71: {  	v4 =	vld [tilespmem:s31+$0xFFFFFFF0];
	_ =	sdelay $0x1  }
0x72: {  	v5 =	vld [tilespmem:s0+$0xFFFFFFF0];
	_ =	sdelay $0x2  }
0x73: {  	v4 =	vmul.u32 $0x190, v4;
	_ =	sdelay $0x1  }
0x74: {  	v4 =	vadd.s32 v5, v4  }
0x75: {  	[tilespmem:s1+$0xFFFFFFF0] =	vst v4  }
0x76: {  	v4 =	vld [tilespmem:s31+$0x0];
	_ =	sdelay $0x1  }
0x77: {  	v5 =	vld [tilespmem:s0+$0x0];
	_ =	sdelay $0x2  }
0x78: {  	v4 =	vmul.u32 $0x190, v4;
	_ =	sdelay $0x1  }
0x79: {  	v4 =	vadd.s32 v5, v4  }
0x7a: {  	[tilespmem:s1+$0x0] =	vst v4  }
0x7b: {  	v4 =	vld [tilespmem:s31+$0x10];
	_ =	sdelay $0x1  }
0x7c: {  	v5 =	vld [tilespmem:s0+$0x10];
	_ =	sdelay $0x2  }
0x7d: {  	v4 =	vmul.u32 $0x190, v4;
	_ =	sdelay $0x1  }
0x7e: {  	v4 =	vadd.s32 v5, v4  }
0x7f: {  	s5 =	simm.s32 $0x8C60;
	s2 =	simm.s32 $0x0;
	[tilespmem:s1+$0x10] =	vst v4  }
.LBB2_2:
0x80: {  	v4 =	vld [tilespmem:s5+$0xFFFFFFE0];
	s2 =	sadd.s32 $0x4, s2;
	s0 =	sadd.s32 $0x40, s0  }
0x81: {  	v5 =	vld [tilespmem:s0+$0xFFFFFFE0];
	p2 =	slt.u32 s2, $0x2C;
	_ =	sdelay $0x3  }
0x82: {  	v4 =	vmul.u32 $0x190, v4;
	_ =	sdelay $0x1  }
0x83: {  	s1 =	sadd.s32 $0x40, s1;
	v4 =	vadd.s32 v5, v4  }
0x84: {  	[tilespmem:s1+$0xFFFFFFE0] =	vst v4  }
0x85: {  	v4 =	vld [tilespmem:s5+$0xFFFFFFF0];
	_ =	sdelay $0x1  }
0x86: {  	v5 =	vld [tilespmem:s0+$0xFFFFFFF0];
	_ =	sdelay $0x2  }
0x87: {  	v4 =	vmul.u32 $0x190, v4;
	_ =	sdelay $0x1  }
0x88: {  	v4 =	vadd.s32 v5, v4  }
0x89: {  	[tilespmem:s1+$0xFFFFFFF0] =	vst v4  }
0x8a: {  	v4 =	vld [tilespmem:s5+$0x0];
	_ =	sdelay $0x1  }
0x8b: {  	v5 =	vld [tilespmem:s0+$0x0];
	_ =	sdelay $0x2  }
0x8c: {  	v4 =	vmul.u32 $0x190, v4;
	_ =	sdelay $0x1  }
0x8d: {  	v4 =	vadd.s32 v5, v4  }
0x8e: {  	[tilespmem:s1+$0x0] =	vst v4  }
0x8f: {  	v4 =	vld [tilespmem:s5+$0x10]  }
0x90: {  	v5 =	vld [tilespmem:s0+$0x10];
	_ =	sdelay $0x2  }
.Ltmp2:
0x91: {  	(pc) =	sbr.rel @p2 .LBB2_2-.Ltmp2, $3  }
0x92: {  	v4 =	vmul.u32 $0x190, v4;
	_ =	sdelay $0x1  }
0x93: {  	v4 =	vadd.s32 v5, v4  }
0x94: {  	s5 =	sadd.s32 $0x40, s5;
	[tilespmem:s1+$0x10] =	vst v4  }
0x95: {  	v4 =	vld [tilespmem:$0x8F00]  }
0x96: {  	v5 =	vld [tilespmem:$0x8F10]  }
0x97: {  	v6 =	vld [tilespmem:$0x9B80]  }
0x98: {  	v7 =	vld [tilespmem:$0x9B90];
	_ =	sdelay $0x1  }
0x99: {  	v4 =	vmul.u32 $0x190, v4  }
0x9a: {  	v5 =	vmul.u32 $0x190, v5  }
0x9b: {  	v4 =	vadd.s32 v6, v4  }
0x9c: {  	s0 =	rddreg [dreg:$0xc];
	[tilespmem:$0xA800] =	vst v4;
	v4 =	vadd.s32 v7, v5  }
0x9d: {  	s2 =	simm.s32 $0x50;
	s1 =	simm.s32 $0xA500;
	s5 =	simm.s32 $0xAB40;
	[tilespmem:$0xA810] =	vst v4  }
0x9e: {  	[tilespmem:s5], [sflag:$0x2] =	stream.indirect.gather [hbm4b:s0+s2], $0x1, s1, s2, $0xb8;
	[tilespmem:$0x1C8E0] =	vst v63  }
0x9f: {  	s20 =	rddreg [dreg:$0xe];
	s21 =	simm.s32 $0xAE60  }
0xa0: {  	[tilespmem:s21], [sflag:$0x2] =	stream.indirect.gather [hbm4b:s20+s2], $0x40, s3, s2, $0xb8;
	[tilespmem:$0x1C8E0] =	vst v63  }
0xa1: {  	s22 =	simm.s32 $0xA550;
	s23 =	simm.s32 $0xAB90  }
0xa2: {  	[tilespmem:s23], [sflag:$0x3] =	stream.indirect.gather [hbm4b:s0+s2], $0x1, s22, s2, $0xb8;
	[tilespmem:$0x1C8E0] =	vst v63  }
0xa3: {  	s24 =	simm.s32 $0x8C50;
	s25 =	simm.s32 $0xC260;
	s26 =	simm.s32 $0xA5A0  }
0xa4: {  	[tilespmem:s25], [sflag:$0x3] =	stream.indirect.gather [hbm4b:s20+s2], $0x40, s24, s2, $0xb8;
	[tilespmem:$0x1C8E0] =	vst v63  }
0xa5: {  	s29 =	simm.s32 $0xABE0;
	s30 =	simm.s32 $0x8CA0;
	s31 =	simm.s32 $0xD660  }
0xa6: {  	[tilespmem:s29], [sflag:$0x4] =	stream.indirect.gather [hbm4b:s0+s2], $0x1, s26, s2, $0xb8;
	[tilespmem:$0x1C8E0] =	vst v63  }
0xa7: {  	s12 =	simm.s32 $0x0;
	p2 =	por $0x0, $0x0;
	s15 =	simm.s32 $0x0  }
0xa8: {  	[tilespmem:s31], [sflag:$0x4] =	stream.indirect.gather [hbm4b:s20+s2], $0x40, s30, s2, $0xb8;
	[tilespmem:$0x1C8E0] =	vst v63  }
.LBB2_4:
0xa9: {  	s0 =	smul.u32 $0xCD, s15;
	_ =	sdelay $0x1  }
0xaa: {  	s1 =	sshrl.u32 s0, $0xB  }
0xab: {  	s2 =	sand.u32 $0x1F, s1  }
0xac: {  	s31 =	smul.u32 $0xA, s2;
	_ =	sdelay $0x1  }
0xad: {  	p3 =	sgt.u32 s15, $0xEF;
	s0 =	ssub.s32 s15, s31  }
0xae: {  	s5 =	sand.u32 @!p3 $0xFF, s0  }
0xaf: {  	p4 =	sne.s32 @!p3 s5, $0x0  }
0xb0: {  	p4 =	por p4, p3  }
0xb1: {  	s1 =	sand.u32 $0x1, s1;
	s2 =	smul.u32 @!p4 $0x320, s2  }
0xb2: {  	s3 =	rddreg [dreg:$0x18];
	s6 =	sxor.u32 @!p4 $0x1, s1  }
0xb3: {  	s6 =	smul.u32 @!p4 $0x320, s6;
	s2 =	sadd.s32 @!p4 s2, s3  }
0xb4: {  	s9 =	simm.s32 @!p4 $0x0;
	s3 =	rddreg [dreg:$0xa];
	s2 =	sshrl.u32 @!p4 s2, $0x3  }
0xb5: {  	s7 =	sor.u32 @!p4 $0x8C00, s6;
	s8 =	sadd.s32 @!p4 s3, s2;
	s3 =	rddreg [dreg:$0xb]  }
0xb6: {  	[tilespmem:s7], [sflag:$0x1] =	stream.linear.gather @!p4 [hbm4b:s8+s9], $0x320, $0x38;
	[tilespmem:$0x1C8E0] =	vst v63  }
0xb7: {  	s7 =	sadd.s32 @!p4 $0x9240, s6;
	s8 =	sadd.s32 @!p4 s3, s2;
	s3 =	rddreg [dreg:$0x1]  }
0xb8: {  	[tilespmem:s7], [sflag:$0x1] =	stream.linear.gather @!p4 [hbm4b:s8+s9], $0x320, $0x38;
	[tilespmem:$0x1C8E0] =	vst v63  }
0xb9: {  	s7 =	sadd.s32 @!p4 $0x9880, s6;
	s8 =	sadd.s32 @!p4 s3, s2;
	s3 =	rddreg [dreg:$0x2]  }
0xba: {  	[tilespmem:s7], [sflag:$0x1] =	stream.linear.gather @!p4 [hbm4b:s8+s9], $0x320, $0x38;
	[tilespmem:$0x1C8E0] =	vst v63  }
0xbb: {  	s6 =	sadd.s32 @!p4 $0x9EC0, s6;
	s2 =	sadd.s32 @!p4 s3, s2  }
0xbc: {  	[tilespmem:s6], [sflag:$0x1] =	stream.linear.gather @!p4 [hbm4b:s2+s9], $0x320, $0x38;
	[tilespmem:$0x1C8E0] =	vst v63  }
0xbd: {  	s16 =	sand.u32 $0x1, s15;
	p4 =	slt.u32 s15, $0x2  }
0xbe: {  	s2 =	sor.u32 @!p4 $0x6, s16  }
0xbf: {  	_ =	swait.ge @!p4 [sflag:s2], $0x1400  }
0xc0: {  	s3 =	rddreg [dreg:$0x9]  }
0xc1: {  	[sflag:s2] =	ssyncset.done @!p4 $0x0;
	p5 =	sne.s32 @!p4 s3, $0x0  }
0xc2: {  	[sflag:s2] =	ssyncadd.s32 @!p4 $0xFFFFEC00;
	p4 =	por p5, p4;
	p5 =	sne.s32 @!p3 s5, $0x6  }
0xc3: {  	p3 =	por p3, p5  }
.Ltmp3:
0xc4: {  	_ = 	snop;
	(pc) =	sbr.rel @p3 .LBB2_8-.Ltmp3, $4  }
0xc5: {  	_ = 	snop  }
0xc6: {  	_ =	swait.ge @!p4 [sflag:s2], $0x50  }
0xc7: {  	[sflag:s2] =	ssyncset.done @!p4 $0x0  }
0xc8: {  	[sflag:s2] =	ssyncadd.s32 @!p4 $0xFFFFFFB0  }
0xc9: {  	_ =	swait.ge [sflag:s4], $0x320  }
0xca: {  	s2 =	smulhi.u32 $0xCCCCCCCD, s15;
	[sflag:s4] =	ssyncset.done $0x0  }
0xcb: {  	[sflag:s4] =	ssyncadd.s32 $0xFFFFFCE0  }
0xcc: {  	s2 =	sshrl.u32 s2, $0x3;
	_ =	swait.ge [sflag:s4], $0x320  }
0xcd: {  	s2 =	sand.u32 $0x1, s2;
	[sflag:s4] =	ssyncset.done $0x0  }
0xce: {  	p3 =	seq.s32 s2, $0x1;
	[sflag:s4] =	ssyncadd.s32 $0xFFFFFCE0  }
0xcf: {  	s2 =	simm.s32 $0x1;
	p3 =	por !p3, !p3;
	_ =	swait.ge [sflag:s4], $0x320  }
0xd0: {  	s2 =	simm.s32 @!p3 $0x0;
	[sflag:s4] =	ssyncset.done $0x0  }
0xd1: {  	s2 =	smul.u32 $0xC80, s2;
	[sflag:s4] =	ssyncadd.s32 $0xFFFFFCE0  }
0xd2: {  	_ =	swait.ge [sflag:s4], $0x320  }
0xd3: {  	s5 =	sshrl.u32 s2, $0x2;
	[sflag:s4] =	ssyncset.done $0x0  }
0xd4: {  	s8 =	sadd.s32 $0x8C20, s5;
	[sflag:s4] =	ssyncadd.s32 $0xFFFFFCE0  }
0xd5: {  	v4 =	vld [tilespmem:s8+$0xFFFFFFE0]  }
0xd6: {  	s2 =	sadd.s32 $0x98A0, s5  }
0xd7: {  	v5 =	vld [tilespmem:s2+$0xFFFFFFE0];
	_ =	sdelay $0x2  }
0xd8: {  	v4 =	vmul.u32 $0x190, v4;
	_ =	sdelay $0x1  }
0xd9: {  	s5 =	sadd.s32 $0xA520, s5;
	v4 =	vadd.s32 v5, v4  }
0xda: {  	[tilespmem:s5+$0xFFFFFFE0] =	vst v4  }
0xdb: {  	v4 =	vld [tilespmem:s8+$0xFFFFFFF0];
	_ =	sdelay $0x1  }
0xdc: {  	v5 =	vld [tilespmem:s2+$0xFFFFFFF0];
	_ =	sdelay $0x2  }
0xdd: {  	v4 =	vmul.u32 $0x190, v4;
	_ =	sdelay $0x1  }
0xde: {  	v4 =	vadd.s32 v5, v4  }
0xdf: {  	[tilespmem:s5+$0xFFFFFFF0] =	vst v4  }
0xe0: {  	v4 =	vld [tilespmem:s8+$0x0];
	_ =	sdelay $0x1  }
0xe1: {  	v5 =	vld [tilespmem:s2+$0x0];
	_ =	sdelay $0x2  }
0xe2: {  	v4 =	vmul.u32 $0x190, v4;
	_ =	sdelay $0x1  }
0xe3: {  	v4 =	vadd.s32 v5, v4  }
0xe4: {  	[tilespmem:s5+$0x0] =	vst v4  }
0xe5: {  	v4 =	vld [tilespmem:s8+$0x10];
	_ =	sdelay $0x1  }
0xe6: {  	v5 =	vld [tilespmem:s2+$0x10];
	_ =	sdelay $0x2  }
0xe7: {  	v4 =	vmul.u32 $0x190, v4;
	_ =	sdelay $0x1  }
0xe8: {  	s6 =	sxor.u32 $0x1, s1;
	v4 =	vadd.s32 v5, v4  }
0xe9: {  	s7 =	simm.s32 $0x0;
	s6 =	smul.u32 $0x320, s6;
	s8 =	sadd.s32 $0x40, s8;
	[tilespmem:s5+$0x10] =	vst v4  }
.LBB2_6:
0xea: {  	v4 =	vld [tilespmem:s8+$0xFFFFFFE0];
	s7 =	sadd.s32 $0x4, s7;
	s2 =	sadd.s32 $0x40, s2  }
0xeb: {  	v5 =	vld [tilespmem:s2+$0xFFFFFFE0];
	p3 =	slt.u32 s7, $0x2C;
	_ =	sdelay $0x3  }
0xec: {  	v4 =	vmul.u32 $0x190, v4;
	_ =	sdelay $0x1  }
0xed: {  	s5 =	sadd.s32 $0x40, s5;
	v4 =	vadd.s32 v5, v4  }
0xee: {  	[tilespmem:s5+$0xFFFFFFE0] =	vst v4  }
0xef: {  	v4 =	vld [tilespmem:s8+$0xFFFFFFF0];
	_ =	sdelay $0x1  }
0xf0: {  	v5 =	vld [tilespmem:s2+$0xFFFFFFF0];
	_ =	sdelay $0x2  }
0xf1: {  	v4 =	vmul.u32 $0x190, v4;
	_ =	sdelay $0x1  }
0xf2: {  	v4 =	vadd.s32 v5, v4  }
0xf3: {  	[tilespmem:s5+$0xFFFFFFF0] =	vst v4  }
0xf4: {  	v4 =	vld [tilespmem:s8+$0x0];
	_ =	sdelay $0x1  }
0xf5: {  	v5 =	vld [tilespmem:s2+$0x0];
	_ =	sdelay $0x2  }
0xf6: {  	v4 =	vmul.u32 $0x190, v4;
	_ =	sdelay $0x1  }
0xf7: {  	v4 =	vadd.s32 v5, v4  }
0xf8: {  	[tilespmem:s5+$0x0] =	vst v4  }
0xf9: {  	v4 =	vld [tilespmem:s8+$0x10]  }
0xfa: {  	v5 =	vld [tilespmem:s2+$0x10];
	_ =	sdelay $0x2  }
.Ltmp4:
0xfb: {  	(pc) =	sbr.rel @p3 .LBB2_6-.Ltmp4, $3  }
0xfc: {  	v4 =	vmul.u32 $0x190, v4;
	_ =	sdelay $0x1  }
0xfd: {  	v4 =	vadd.s32 v5, v4  }
0xfe: {  	s8 =	sadd.s32 $0x40, s8;
	[tilespmem:s5+$0x10] =	vst v4  }
0xff: {  	v4 =	vld [tilespmem:s6+$0x8F00]  }
0x100: {  	v5 =	vld [tilespmem:s6+$0x8F10]  }
0x101: {  	v6 =	vld [tilespmem:s6+$0x9B80]  }
0x102: {  	v7 =	vld [tilespmem:s6+$0x9B90];
	_ =	sdelay $0x1  }
0x103: {  	v4 =	vmul.u32 $0x190, v4  }
0x104: {  	v5 =	vmul.u32 $0x190, v5  }
0x105: {  	v4 =	vadd.s32 v6, v4  }
0x106: {  	[tilespmem:s6+$0xA800] =	vst v4;
	v4 =	vadd.s32 v7, v5  }
0x107: {  	[tilespmem:s6+$0xA810] =	vst v4  }
.LBB2_9:
0x108: {  	s2 =	sadd.s32 $0x3, s15  }
0x109: {  	s5 =	smul.u32 $0xCD, s2;
	_ =	sdelay $0x1  }
0x10a: {  	s5 =	sshrl.u32 s5, $0xB  }
0x10b: {  	s6 =	sand.u32 $0x1F, s5  }
0x10c: {  	s6 =	smul.u32 $0xA, s6;
	_ =	sdelay $0x1  }
0x10d: {  	s3 =	rddreg [dreg:$0xc];
	s7 =	sand.u32 $0x3, s2;
	s2 =	ssub.s32 s2, s6  }
0x10e: {  	s25 =	smul.u32 $0x140, s7;
	s5 =	sand.u32 $0x1, s5;
	s2 =	sand.u32 $0xFF, s2  }
0x10f: {  	p3 =	seq.s32 s5, $0x1;
	s5 =	simm.s32 $0x320;
	s2 =	smul.u32 $0x50, s2  }
0x110: {  	s8 =	sadd.s32 $0x2, s7;
	s7 =	smul.u32 $0x5000, s7;
	s5 =	simm.s32 @!p3 $0x0  }
0x111: {  	s9 =	simm.s32 $0x50;
	s6 =	sshrl.u32 s25, $0x2;
	s2 =	sadd.s32 s2, s5  }
0x112: {  	s30 =	sshrl.u32 s7, $0x2;
	s26 =	sadd.s32 $0xAB40, s6;
	s29 =	sadd.s32 $0xA500, s2  }
0x113: {  	[tilespmem:s26], [sflag:s8] =	stream.indirect.gather [hbm4b:s3+s9], $0x1, s29, s9, $0xb8;
	[tilespmem:$0x1C8E0] =	vst v63  }
0x114: {  	s31 =	rddreg [dreg:$0xe];
	s5 =	sadd.s32 $0xAE60, s30;
	s2 =	sadd.s32 $0x8C00, s2  }
0x115: {  	[tilespmem:s5], [sflag:s8] =	stream.indirect.gather [hbm4b:s31+s9], $0x40, s2, s9, $0xb8;
	[tilespmem:$0x1C8E0] =	vst v63  }
.LBB2_10:
0x116: {  	s2 =	sand.u32 $0x3, s15  }
0x117: {  	s5 =	sadd.s32 $0x2, s2  }
0x118: {  	_ =	swait.ge [sflag:s5], $0x50  }
0x119: {  	[sflag:s5] =	ssyncset.done $0x0  }
0x11a: {  	s0 =	sand.u32 $0xFF, s0;
	s1 =	smul.u32 $0x320, s1;
	[sflag:s5] =	ssyncadd.s32 $0xFFFFFFB0  }
0x11b: {  	s0 =	smul.u32 $0x50, s0;
	_ =	swait.ge [sflag:s5], $0x1400  }
0x11c: {  	[sflag:s5] =	ssyncset.done $0x0  }
0x11d: {  	s24 =	sadd.s32 s0, s1;
	[sflag:s5] =	ssyncadd.s32 $0xFFFFEC00  }
0x11e: {  	v4 =	vld [tilespmem:s24+$0x9240];
	_ =	sdelay $0x3  }
0x11f: {  	s8 =	smul.u32 $0x140, s2;
	_ =	sdelay $0x1  }
0x120: {  	s0 =	sshrl.u32 s8, $0x2  }
0x121: {  	s9 =	simm.s32 $0x0;
	v5 =	vld [tilespmem:s0+$0xAB40]  }
0x122: {  	v6 =	vld.idx.msk [tilespmem:v4+s9+$0x0], $0xffff;
	_ =	sdelay $0x4  }
0x123: {  	v5 =	vadd.f32 v6, v5;
	_ =	sdelay $0x1  }
0x124: {  	v6 =	vmul.f32 $2.000000030e-01, v5;
	_ =	sdelay $0x1  }
0x125: {  	v5 =	vmax.f32 v5, v6  }
0x126: {  	v5 =	vmul.f32 $1.442695020e+00, v5;
	_ =	sdelay $0x1  }
0x127: {  	(erf) = vpow2.f32 v5;
	_ =	sdelay $0x7  }
0x128: {  	s10 =	smul.u32 $0x50, s16  }
0x129: {  	v5 =	vpop (erf)  }
0x12a: {  	[tilespmem:s10+$0xAD20] =	vst v5  }
0x12b: {  	v6 =	vld [tilespmem:s24+$0x9EC0];
	_ =	sdelay $0x3  }
0x12c: {  	s11 =	smul.u32 $0x140, s16  }
0x12d: {  	v5 =	vmul.f32 v5, v6  }
0x12e: {  	s1 =	sshrl.u32 s11, $0x2  }
0x12f: {  	[tilespmem:s1+$0xADC0] =	vst v5  }
0x130: {  	[tilespmem:s10+$0xAC80] =	vst v4  }
0x131: {  	v4 =	vld [tilespmem:s24+$0x9250];
	_ =	sdelay $0x4  }
0x132: {  	s2 =	smul.u32 $0x50, s2;
	_ =	sdelay $0x1  }
0x133: {  	v5 =	vld [tilespmem:s2+$0xAB50]  }
0x134: {  	v6 =	vld.idx.msk [tilespmem:v4+s9+$0x0], $0xffff;
	_ =	sdelay $0x4  }
0x135: {  	v5 =	vadd.f32 v6, v5;
	_ =	sdelay $0x1  }
0x136: {  	v6 =	vmul.f32 $2.000000030e-01, v5;
	_ =	sdelay $0x1  }
0x137: {  	v5 =	vmax.f32 v5, v6  }
0x138: {  	v5 =	vmul.f32 $1.442695020e+00, v5;
	_ =	sdelay $0x1  }
0x139: {  	(erf) = vpow2.f32 v5;
	_ =	sdelay $0x8  }
0x13a: {  	v5 =	vpop (erf)  }
0x13b: {  	[tilespmem:s10+$0xAD30] =	vst v5  }
0x13c: {  	v6 =	vld [tilespmem:s24+$0x9ED0];
	_ =	sdelay $0x4  }
0x13d: {  	v5 =	vmul.f32 v5, v6  }
0x13e: {  	[tilespmem:s10+$0xAC90] =	vst v4  }
0x13f: {  	[tilespmem:s10+$0xADD0] =	vst v5  }
0x140: {  	v4 =	vld [tilespmem:s24+$0x9260];
	_ =	sdelay $0x6  }
0x141: {  	v5 =	vld [tilespmem:s2+$0xAB60]  }
0x142: {  	v6 =	vld.idx.msk [tilespmem:v4+s9+$0x0], $0xffff;
	_ =	sdelay $0x4  }
0x143: {  	v5 =	vadd.f32 v6, v5;
	_ =	sdelay $0x1  }
0x144: {  	v6 =	vmul.f32 $2.000000030e-01, v5;
	_ =	sdelay $0x1  }
0x145: {  	v5 =	vmax.f32 v5, v6  }
0x146: {  	v5 =	vmul.f32 $1.442695020e+00, v5;
	_ =	sdelay $0x1  }
0x147: {  	(erf) = vpow2.f32 v5;
	_ =	sdelay $0x8  }
0x148: {  	v5 =	vpop (erf)  }
0x149: {  	[tilespmem:s10+$0xAD40] =	vst v5  }
0x14a: {  	v6 =	vld [tilespmem:s24+$0x9EE0];
	_ =	sdelay $0x4  }
0x14b: {  	v5 =	vmul.f32 v5, v6  }
0x14c: {  	[tilespmem:s10+$0xACA0] =	vst v4  }
0x14d: {  	[tilespmem:s10+$0xADE0] =	vst v5  }
0x14e: {  	v4 =	vld [tilespmem:s24+$0x9270];
	_ =	sdelay $0x6  }
0x14f: {  	v5 =	vld [tilespmem:s2+$0xAB70]  }
0x150: {  	v6 =	vld.idx.msk [tilespmem:v4+s9+$0x0], $0xffff;
	_ =	sdelay $0x4  }
0x151: {  	v5 =	vadd.f32 v6, v5;
	_ =	sdelay $0x1  }
0x152: {  	v6 =	vmul.f32 $2.000000030e-01, v5;
	_ =	sdelay $0x1  }
0x153: {  	v5 =	vmax.f32 v5, v6  }
0x154: {  	v5 =	vmul.f32 $1.442695020e+00, v5;
	_ =	sdelay $0x1  }
0x155: {  	(erf) = vpow2.f32 v5;
	_ =	sdelay $0x8  }
0x156: {  	v5 =	vpop (erf)  }
0x157: {  	[tilespmem:s10+$0xAD50] =	vst v5  }
0x158: {  	v6 =	vld [tilespmem:s24+$0x9EF0];
	_ =	sdelay $0x4  }
0x159: {  	v5 =	vmul.f32 v5, v6  }
0x15a: {  	[tilespmem:s10+$0xACB0] =	vst v4  }
0x15b: {  	[tilespmem:s10+$0xADF0] =	vst v5  }
0x15c: {  	v4 =	vld [tilespmem:s24+$0x9280];
	_ =	sdelay $0x6  }
0x15d: {  	v5 =	vld [tilespmem:s2+$0xAB80]  }
0x15e: {  	v6 =	vld.idx.msk [tilespmem:v4+s9+$0x0], $0xffff;
	_ =	sdelay $0x4  }
0x15f: {  	v5 =	vadd.f32 v6, v5;
	_ =	sdelay $0x1  }
0x160: {  	v6 =	vmul.f32 $2.000000030e-01, v5;
	_ =	sdelay $0x1  }
0x161: {  	v5 =	vmax.f32 v5, v6  }
0x162: {  	v5 =	vmul.f32 $1.442695020e+00, v5;
	_ =	sdelay $0x1  }
0x163: {  	(erf) = vpow2.f32 v5;
	_ =	sdelay $0x8  }
0x164: {  	v5 =	vpop (erf)  }
0x165: {  	[tilespmem:s10+$0xAD60] =	vst v5  }
0x166: {  	v6 =	vld [tilespmem:s24+$0x9F00];
	_ =	sdelay $0x4  }
0x167: {  	v5 =	vmul.f32 v5, v6  }
0x168: {  	[tilespmem:s10+$0xACC0] =	vst v4  }
0x169: {  	[tilespmem:s10+$0xAE00] =	vst v5  }
0x16a: {  	v4 =	vld [tilespmem:s24+$0x9880];
	_ =	sdelay $0x3  }
0x16b: {  	s13 =	simm.s32 $0x1  }
0x16c: {  	s14 =	sand.u32 $0x3, s12;
	s17 =	simm.s32 $0x2;
	v8 =	vshll.u32 v4, $0x6;
	v4 =	vmov s13  }
0x16d: {  	s18 =	simm.s32 $0x3;
	s2 =	smul.u32 $0x5000, s14;
	v5 =	vmov s17;
	v15 =	vperm.xlane v8, v4  }
0x16e: {  	v10 =	vmov s18;
	v18 =	vperm.xlane v8, v5  }
0x16f: {  	s19 =	sshrl.u32 s2, $0x2;
	v21 =	vperm.xlane v8, v10;
	v6 =	vadd.s32 v0, v15  }
0x170: {  	s5 =	sadd.s32 $0xAEE0, s19;
	v9 =	vld [tilespmem:s1+$0xADC0];
	v11 =	vadd.s32 v0, v18  }
0x171: {  	v7 =	vmov s9;
	v12 =	vld [tilespmem:s5+$0xFFFFFFC0];
	v14 =	vadd.s32 v0, v21  }
0x172: {  	v17 =	vld [tilespmem:s5+$0x0];
	v19 =	vperm.xlane v8, v7  }
0x173: {  	v20 =	vld [tilespmem:s5+$0x40]  }
0x174: {  	v13 =	vadd.s32 v0, v19;
	v6 =	vld.idx.msk [tilespmem:v6+s28+$0x0], $0xffff  }
0x175: {  	v11 =	vld.idx.msk [tilespmem:v11+s28+$0x0], $0xffff  }
0x176: {  	v14 =	vld.idx.msk [tilespmem:v14+s28+$0x0], $0xffff;
	_ =	sdelay $0x1  }
0x177: {  	v16 =	vld [tilespmem:s5+$0xFFFFFF80];
	s1 =	simm.s32 $0x1  }
0x178: {  	s1 =	simm.s32 @!p2 $0x0;
	v4 =	vperm.xlane v9, v4;
	v13 =	vld.idx.msk [tilespmem:v13+s28+$0x0], $0xffff  }
0x179: {  	s1 =	smul.u32 $0x5000, s1;
	v5 =	vperm.xlane v9, v5;
	v6 =	vmul.f32 v6, v12;
	v12 =	vadd.s32 v1, v15  }
0x17a: {  	v11 =	vmul.f32 v11, v17;
	v14 =	vmul.f32 v14, v20  }
0x17b: {  	s1 =	sshrl.u32 s1, $0x2;
	s13 =	sadd.s32 $0x100, s5;
	v17 =	vadd.s32 v1, v18;
	v22 =	vmul.f32 v6, v4;
	v6 =	vperm.xlane v9, v7  }
0x17c: {  	s2 =	sadd.s32 $0xFEE0, s1;
	v31 =	vld [tilespmem:s13+$0xFFFFFF80];
	v20 =	vadd.s32 v1, v21;
	v7 =	vperm.xlane v9, v10;
	v10 =	vmul.f32 v11, v5  }
0x17d: {  	v33 =	vld [tilespmem:s13+$0xFFFFFFC0];
	v13 =	vmul.f32 v13, v16;
	[tilespmem:s2+$0xFFFFFFC0] =	vst v22  }
0x17e: {  	s23 =	simm.s32 $0x6;
	[tilespmem:s2+$0x0] =	vst v10;
	v10 =	vmul.f32 v14, v7;
	v11 =	vld.idx.msk [tilespmem:v12+s28+$0x0], $0xffff;
	v12 =	vadd.s32 v1, v19  }
0x17f: {  	s25 =	simm.s32 $0x7;
	v24 =	vmov s23;
	v13 =	vmul.f32 v13, v6;
	v16 =	vld [tilespmem:s5+$0xFFFFFFD0]  }
0x180: {  	v26 =	vmov s25;
	v14 =	vld.idx.msk [tilespmem:v17+s28+$0x0], $0xffff;
	[tilespmem:s2+$0x40] =	vst v10;
	v10 =	vperm.xlane v8, v24  }
0x181: {  	s6 =	simm.s32 $0x5;
	[tilespmem:s2+$0xFFFFFF80] =	vst v13;
	v13 =	vperm.xlane v8, v26;
	v20 =	vld.idx.msk [tilespmem:v20+s28+$0x0], $0xffff  }
0x182: {  	v23 =	vmov s6;
	v29 =	vld [tilespmem:s5+$0x50];
	v32 =	vadd.s32 v0, v10  }
0x183: {  	v34 =	vadd.s32 v0, v13;
	v22 =	vld.idx.msk [tilespmem:v12+s28+$0x0], $0xffff;
	v12 =	vperm.xlane v8, v23  }
0x184: {  	s7 =	simm.s32 $0x4;
	v25 =	vadd.s32 v2, v15;
	v11 =	vmul.f32 v11, v16;
	v16 =	vld [tilespmem:s5+$0x10]  }
0x185: {  	v27 =	vmov s7;
	v35 =	vld [tilespmem:s13+$0x0];
	v28 =	vadd.s32 v0, v12  }
0x186: {  	v17 =	vld [tilespmem:s5+$0xFFFFFF90];
	v30 =	vmul.f32 v11, v4;
	v11 =	vperm.xlane v8, v27  }
0x187: {  	v20 =	vmul.f32 v20, v29;
	v29 =	vld.idx.msk [tilespmem:v32+s28+$0x0], $0xffff  }
0x188: {  	v34 =	vld.idx.msk [tilespmem:v34+s28+$0x0], $0xffff;
	[tilespmem:s2+$0xFFFFFFD0] =	vst v30;
	v30 =	vadd.s32 v0, v11  }
0x189: {  	v57 =	vadd.s32 v2, v21;
	v25 =	vld.idx.msk [tilespmem:v25+s28+$0x0], $0xffff;
	v14 =	vmul.f32 v14, v16  }
0x18a: {  	v16 =	vmul.f32 v20, v7;
	v28 =	vld.idx.msk [tilespmem:v28+s28+$0x0], $0xffff  }
0x18b: {  	v36 =	vadd.s32 v2, v18;
	v17 =	vmul.f32 v22, v17;
	v22 =	vld [tilespmem:s13+$0x40];
	v14 =	vmul.f32 v14, v5  }
0x18c: {  	v37 =	vld [tilespmem:s5+$0xFFFFFFE0];
	[tilespmem:s2+$0x50] =	vst v16  }
0x18d: {  	v20 =	vld.idx.msk [tilespmem:v30+s28+$0x0], $0xffff;
	[tilespmem:s2+$0x10] =	vst v14;
	v14 =	vmul.f32 v17, v6  }
0x18e: {  	v16 =	vperm.xlane v9, v23;
	v32 =	vld.idx.msk [tilespmem:v57+s28+$0x0], $0xffff;
	v30 =	vadd.s32 v2, v19  }
0x18f: {  	v23 =	vadd.s32 v1, v12;
	[tilespmem:s2+$0xFFFFFF90] =	vst v14;
	v14 =	vperm.xlane v9, v24;
	v24 =	vld [tilespmem:s5+$0x60];
	v17 =	vmul.f32 v28, v33  }
0x190: {  	v60 =	vadd.s32 v3, v15;
	v29 =	vmul.f32 v29, v35;
	v28 =	vld.idx.msk [tilespmem:v36+s28+$0x0], $0xffff  }
0x191: {  	v15 =	vperm.xlane v9, v27;
	v58 =	vadd.s32 v1, v10;
	v59 =	vld [tilespmem:s5+$0xFFFFFFA0];
	v17 =	vmul.f32 v17, v16  }
0x192: {  	s6 =	sadd.s32 $0x100, s2;
	v27 =	vmul.f32 v29, v14;
	v29 =	vld [tilespmem:s5+$0x20];
	v20 =	vmul.f32 v20, v31  }
0x193: {  	v25 =	vmul.f32 v25, v37;
	v30 =	vld.idx.msk [tilespmem:v30+s28+$0x0], $0xffff;
	[tilespmem:s6+$0xFFFFFFC0] =	vst v17  }
0x194: {  	v17 =	vperm.xlane v9, v26;
	v26 =	vmul.f32 v20, v15;
	v31 =	vld.idx.msk [tilespmem:v23+s28+$0x0], $0xffff  }
0x195: {  	[tilespmem:s6+$0x0] =	vst v27;
	v27 =	vadd.s32 v1, v11;
	v23 =	vmul.f32 v25, v4;
	v25 =	vmul.f32 v34, v22;
	v61 =	vld [tilespmem:s13+$0xFFFFFFD0]  }
0x196: {  	v62 =	vadd.s32 v1, v13;
	v22 =	vld.idx.msk [tilespmem:v58+s28+$0x0], $0xffff;
	[tilespmem:s6+$0xFFFFFF80] =	vst v26  }
0x197: {  	[tilespmem:s2+$0xFFFFFFE0] =	vst v23;
	v25 =	vmul.f32 v25, v17;
	v26 =	vld [tilespmem:s13+$0xFFFFFF90]  }
0x198: {  	s26 =	sadd.s32 $0xAD20, s10;
	s18 =	sadd.s32 $0x20, s10;
	s11 =	sadd.s32 $0x10, s10;
	v24 =	vmul.f32 v32, v24;
	v20 =	vld.idx.msk [tilespmem:v60+s28+$0x0], $0xffff  }
0x199: {  	s8 =	simm.s32 $0x8;
	s31 =	sadd.s32 $0x30, s24;
	s25 =	sadd.s32 $0x40, s24;
	v63 =	vadd.s32 v3, v21;
	v30 =	vmul.f32 v30, v59;
	v23 =	vld [tilespmem:s5+$0xFFFFFFF0];
	[tilespmem:s6+$0x40] =	vst v25  }
0x19a: {  	s21 =	sadd.s32 $0xBF50, s19;
	s14 =	sadd.s32 $0xBB50, s19;
	v24 =	vmul.f32 v24, v7;
	v21 =	vmul.f32 v28, v29;
	v29 =	vld.idx.msk [tilespmem:v27+s28+$0x0], $0xffff;
	[dreg:$0x1e] =	wrdreg s26  }
0x19b: {  	s29 =	sadd.s32 $0xB750, s19;
	s0 =	sadd.s32 $0xB350, s19;
	s19 =	sor.u32 $0xAC80, s10;
	v27 =	vmul.f32 v30, v6;
	v25 =	vld.idx.msk [tilespmem:v62+s28+$0x0], $0xffff  }
0x19c: {  	s9 =	sadd.s32 $0x10, s24;
	s20 =	sadd.s32 $0x10F50, s1;
	s22 =	sadd.s32 $0x10B50, s1;
	v31 =	vmul.f32 v31, v61;
	[tilespmem:s2+$0x60] =	vst v24;
	v24 =	vmul.f32 v21, v5;
	v30 =	vld [tilespmem:s13+$0x10]  }
0x19d: {  	s7 =	sadd.s32 $0x10750, s1;
	s30 =	sor.u32 $0x10350, s1;
	s1 =	sadd.s32 $0x30, s10;
	[tilespmem:s2+$0xFFFFFFA0] =	vst v27;
	v27 =	vadd.s32 v3, v19;
	v21 =	vld [tilespmem:s5+$0x70]  }
0x19e: {  	v28 =	vadd.s32 v3, v18;
	s26 =	sadd.s32 $0x20, s24;
	s24 =	sadd.s32 $0x40, s10;
	s10 =	smov.u32 s13;
	v19 =	vmul.f32 v31, v16;
	[tilespmem:s2+$0x20] =	vst v24;
	v24 =	vld.idx.msk [tilespmem:v63+s28+$0x0], $0xffff  }
.LBB2_11:
0x19f: {  	s3 =	sadd.s32 $0x1, s8  }
0x1a0: {  	v31 =	vmov s8;
	s13 =	sadd.s32 $0x100, s13;
	v20 =	vmul.f32 v20, v23;
	v23 =	vld [tilespmem:s5+$0x30];
	s17 =	smov.u32 s8;
	s23 =	sadd.s32 $0x4, s8  }
0x1a1: {  	p3 =	slt.u32 s8, $0xC;
	v26 =	vmul.f32 v29, v26;
	v18 =	vperm.xlane v8, v31;
	v32 =	vmov s3;
	s3 =	sadd.s32 $0x2, s17;
	[tilespmem:s6+$0xFFFFFFD0] =	vst v19;
	v29 =	vld [tilespmem:s5+$0xFFFFFFB0];
	s5 =	smov.u32 s10  }
0x1a2: {  	v35 =	vadd.s32 v2, v12;
	s10 =	smov.u32 s13;
	v33 =	vperm.xlane v8, v32;
	v34 =	vmov s3;
	s3 =	sadd.s32 $0x3, s17;
	v27 =	vld.idx.msk [tilespmem:v27+s28+$0x0], $0xffff  }
0x1a3: {  	v20 =	vmul.f32 v20, v4;
	v4 =	vmovc v16;
	v19 =	vperm.xlane v8, v34;
	v36 =	vmov s3;
	v28 =	vld.idx.msk [tilespmem:v28+s28+$0x0], $0xffff  }
0x1a4: {  	v22 =	vmul.f32 v22, v30;
	v16 =	vadd.s32 v0, v33;
	v37 =	vperm.xlane v8, v36;
	v30 =	vld [tilespmem:s5+$0x50]  }
0x1a5: {  	v26 =	vmul.f32 v26, v15;
	v38 =	vld [tilespmem:s13+$0xFFFFFF80];
	v39 =	vadd.s32 v0, v19;
	[tilespmem:s2+$0xFFFFFFF0] =	vst v20  }
0x1a6: {  	v21 =	vmul.f32 v24, v21;
	v22 =	vmul.f32 v22, v14;
	v20 =	vld [tilespmem:s13+$0xFFFFFFC0];
	v40 =	vadd.s32 v0, v37  }
0x1a7: {  	v24 =	vadd.s32 v0, v18;
	v41 =	vld [tilespmem:s13+$0x0];
	[tilespmem:s6+$0xFFFFFF90] =	vst v26  }
0x1a8: {  	v21 =	vmul.f32 v21, v7;
	v7 =	vmov v17;
	v26 =	vld.idx.msk [tilespmem:v35+s28+$0x0], $0xffff;
	[tilespmem:s6+$0x10] =	vst v22;
	v22 =	vmul.f32 v27, v29  }
0x1a9: {  	v23 =	vmul.f32 v28, v23;
	v17 =	vld.idx.msk [tilespmem:v16+s28+$0x0], $0xffff;
	v16 =	vmul.f32 v25, v30  }
0x1aa: {  	v27 =	vadd.s32 v2, v13;
	v25 =	vld.idx.msk [tilespmem:v39+s28+$0x0], $0xffff;
	v22 =	vmul.f32 v22, v6;
	[tilespmem:s2+$0x70] =	vst v21;
	v6 =	vmov v15  }
0x1ab: {  	v28 =	vadd.s32 v2, v10;
	v15 =	vmul.f32 v23, v5;
	v21 =	vld.idx.msk [tilespmem:v40+s28+$0x0], $0xffff;
	v16 =	vmul.f32 v16, v7  }
0x1ac: {  	v5 =	vmov v14;
	v23 =	vld.idx.msk [tilespmem:v24+s28+$0x0], $0xffff;
	[tilespmem:s2+$0xFFFFFFB0] =	vst v22  }
0x1ad: {  	v24 =	vadd.s32 v2, v11;
	v22 =	vld [tilespmem:s13+$0x40];
	[tilespmem:s2+$0x30] =	vst v15;
	s2 =	smov.u32 s6  }
0x1ae: {  	v15 =	vperm.xlane v9, v31;
	v29 =	vld [tilespmem:s5+$0xFFFFFFE0];
	[tilespmem:s6+$0x50] =	vst v16  }
0x1af: {  	v16 =	vperm.xlane v9, v32;
	v17 =	vmul.f32 v17, v20;
	v20 =	vld.idx.msk [tilespmem:v27+s28+$0x0], $0xffff  }
0x1b0: {  	v14 =	vperm.xlane v9, v34;
	v27 =	vadd.s32 v1, v33;
	v25 =	vmul.f32 v25, v41;
	v28 =	vld.idx.msk [tilespmem:v28+s28+$0x0], $0xffff  }
0x1b1: {  	s6 =	sadd.s32 $0x100, s6;
	v30 =	vmul.f32 v17, v16;
	v17 =	vperm.xlane v9, v36;
	v31 =	vld [tilespmem:s5+$0x60]  }
0x1b2: {  	v32 =	vadd.s32 v1, v19;
	v23 =	vmul.f32 v23, v38;
	v25 =	vmul.f32 v25, v14;
	v24 =	vld.idx.msk [tilespmem:v24+s28+$0x0], $0xffff  }
0x1b3: {  	v21 =	vmul.f32 v21, v22;
	[tilespmem:s6+$0xFFFFFFC0] =	vst v30;
	v30 =	vld [tilespmem:s5+$0xFFFFFFA0];
	v22 =	vmul.f32 v26, v29;
	v26 =	vadd.s32 v3, v12  }
0x1b4: {  	v23 =	vmul.f32 v23, v15;
	v12 =	vmov v33;
	[tilespmem:s6+$0x0] =	vst v25;
	v25 =	vld [tilespmem:s5+$0x20]  }
0x1b5: {  	v21 =	vmul.f32 v21, v17;
	v27 =	vld.idx.msk [tilespmem:v27+s28+$0x0], $0xffff;
	v29 =	vmul.f32 v22, v4  }
0x1b6: {  	v33 =	vadd.s32 v1, v18;
	[tilespmem:s6+$0xFFFFFF80] =	vst v23;
	v34 =	vld [tilespmem:s13+$0xFFFFFFD0]  }
0x1b7: {  	v22 =	vld.idx.msk [tilespmem:v32+s28+$0x0], $0xffff;
	v32 =	vadd.s32 v1, v37;
	[tilespmem:s2+$0xFFFFFFE0] =	vst v29;
	v29 =	vmul.f32 v20, v31  }
0x1b8: {  	v24 =	vmul.f32 v24, v30;
	v20 =	vld.idx.msk [tilespmem:v26+s28+$0x0], $0xffff  }
0x1b9: {  	[tilespmem:s6+$0x40] =	vst v21;
	v23 =	vld [tilespmem:s5+$0xFFFFFFF0];
	v21 =	vmul.f32 v28, v25;
	v25 =	vmul.f32 v29, v7  }
0x1ba: {  	v31 =	vadd.s32 v3, v13;
	v13 =	vmov v37;
	v26 =	vld [tilespmem:s13+$0xFFFFFF90];
	v24 =	vmul.f32 v24, v6  }
.Ltmp5:
0x1bb: {  	v29 =	vld.idx.msk [tilespmem:v33+s28+$0x0], $0xffff;
	v21 =	vmul.f32 v21, v5;
	[tilespmem:s2+$0x60] =	vst v25;
	(pc) =	sbr.rel @p3 .LBB2_11-.Ltmp5, $4  }
0x1bc: {  	v25 =	vld.idx.msk [tilespmem:v32+s28+$0x0], $0xffff;
	[tilespmem:s2+$0xFFFFFFA0] =	vst v24  }
0x1bd: {  	v24 =	vmul.f32 v27, v34;
	v27 =	vadd.s32 v3, v11;
	v11 =	vmov v18;
	[tilespmem:s2+$0x20] =	vst v21;
	v21 =	vld [tilespmem:s5+$0x70]  }
0x1be: {  	v28 =	vadd.s32 v3, v10;
	v10 =	vmov v19;
	v30 =	vld [tilespmem:s13+$0x10]  }
0x1bf: {  	s8 =	smov.u32 s23;
	v19 =	vmul.f32 v24, v16;
	v24 =	vld.idx.msk [tilespmem:v31+s28+$0x0], $0xffff  }
0x1c0: {  	v8 =	vld [tilespmem:s10+$0x50];
	_ =	sdelay $0x2  }
0x1c1: {  	v9 =	vadd.s32 v2, v12;
	_ =	sdelay $0x1  }
0x1c2: {  	v18 =	vadd.s32 v2, v13;
	v8 =	vmul.f32 v25, v8  }
0x1c3: {  	[tilespmem:s6+$0xFFFFFFD0] =	vst v19;
	v22 =	vmul.f32 v22, v30;
	v25 =	vadd.s32 v2, v10  }
0x1c4: {  	v19 =	vmul.f32 v29, v26;
	v29 =	vld [tilespmem:s10+$0xFFFFFFE0];
	v8 =	vmul.f32 v8, v17  }
0x1c5: {  	v22 =	vmul.f32 v22, v14;
	v9 =	vld.idx.msk [tilespmem:v9+s28+$0x0], $0xffff  }
0x1c6: {  	[tilespmem:s6+$0x50] =	vst v8  }
0x1c7: {  	v26 =	vadd.s32 v2, v11;
	[tilespmem:s6+$0x10] =	vst v22;
	v18 =	vld.idx.msk [tilespmem:v18+s28+$0x0], $0xffff  }
0x1c8: {  	v8 =	vmul.f32 v19, v15;
	v19 =	vld.idx.msk [tilespmem:v25+s28+$0x0], $0xffff  }
0x1c9: {  	v25 =	vld [tilespmem:s10+$0x20]  }
0x1ca: {  	v12 =	vadd.s32 v3, v12;
	v9 =	vmul.f32 v9, v29;
	[tilespmem:s6+$0xFFFFFF90] =	vst v8;
	v8 =	vld [tilespmem:s10+$0x60]  }
0x1cb: {  	v30 =	vld [tilespmem:s5+$0xFFFFFFB0]  }
0x1cc: {  	v22 =	vld.idx.msk [tilespmem:v26+s28+$0x0], $0xffff;
	v9 =	vmul.f32 v9, v16  }
0x1cd: {  	v26 =	vld [tilespmem:s10+$0xFFFFFFA0]  }
0x1ce: {  	v10 =	vadd.s32 v3, v10;
	v29 =	vld [tilespmem:s5+$0x30];
	[tilespmem:s6+$0xFFFFFFE0] =	vst v9;
	v9 =	vmul.f32 v19, v25  }
0x1cf: {  	v12 =	vld.idx.msk [tilespmem:v12+s28+$0x0], $0xffff;
	v8 =	vmul.f32 v18, v8  }
0x1d0: {  	v13 =	vadd.s32 v3, v13;
	v18 =	vld.idx.msk [tilespmem:v27+s28+$0x0], $0xffff;
	v9 =	vmul.f32 v9, v14  }
0x1d1: {  	v27 =	vld.idx.msk [tilespmem:v28+s28+$0x0], $0xffff;
	v8 =	vmul.f32 v8, v17  }
0x1d2: {  	v19 =	vmul.f32 v22, v26;
	v22 =	vld [tilespmem:s10+$0xFFFFFFF0];
	[tilespmem:s6+$0x20] =	vst v9  }
0x1d3: {  	[tilespmem:s6+$0x60] =	vst v8;
	v8 =	vadd.s32 v3, v11;
	v10 =	vld.idx.msk [tilespmem:v10+s28+$0x0], $0xffff  }
0x1d4: {  	v11 =	vmul.f32 v19, v15;
	v19 =	vld [tilespmem:s10+$0x70]  }
0x1d5: {  	v21 =	vmul.f32 v24, v21;
	v9 =	vld.idx.msk [tilespmem:v13+s28+$0x0], $0xffff;
	v13 =	vmul.f32 v20, v23  }
0x1d6: {  	[tilespmem:s6+$0xFFFFFFA0] =	vst v11;
	v11 =	vld [tilespmem:s10+$0x30]  }
0x1d7: {  	v7 =	vmul.f32 v21, v7;
	v20 =	vld [tilespmem:s10+$0xFFFFFFB0];
	v4 =	vmul.f32 v13, v4  }
0x1d8: {  	v13 =	vmul.f32 v18, v30;
	v18 =	vmul.f32 v27, v29;
	v8 =	vld.idx.msk [tilespmem:v8+s28+$0x0], $0xffff;
	_ =	sdelay $0x1  }
0x1d9: {  	[tilespmem:s2+$0x70] =	vst v7;
	v5 =	vmul.f32 v18, v5;
	v7 =	vmul.f32 v9, v19  }
0x1da: {  	[tilespmem:s2+$0xFFFFFFF0] =	vst v4;
	v4 =	vmul.f32 v13, v6;
	v6 =	vmul.f32 v12, v22  }
0x1db: {  	[tilespmem:s2+$0x30] =	vst v5;
	v5 =	vmul.f32 v7, v17;
	v7 =	vmul.f32 v10, v11  }
0x1dc: {  	[tilespmem:s2+$0xFFFFFFB0] =	vst v4;
	v4 =	vmul.f32 v6, v16;
	v6 =	vmul.f32 v8, v20  }
0x1dd: {  	[tilespmem:s6+$0x70] =	vst v5;
	v5 =	vmul.f32 v7, v14  }
0x1de: {  	[tilespmem:s6+$0xFFFFFFF0] =	vst v4;
	v4 =	vmul.f32 v6, v15  }
0x1df: {  	[tilespmem:s6+$0x30] =	vst v5  }
0x1e0: {  	[tilespmem:s6+$0xFFFFFFB0] =	vst v4  }
0x1e1: {  	v4 =	vld [tilespmem:s9+$0x9880];
	_ =	sdelay $0x3  }
0x1e2: {  	s8 =	simm.s32 $0x1  }
0x1e3: {  	v8 =	vshll.u32 v4, $0x6;
	v4 =	vmov s8  }
0x1e4: {  	v15 =	vperm.xlane v8, v4  }
0x1e5: {  	s9 =	simm.s32 $0x2  }
0x1e6: {  	s3 =	simm.s32 $0x0;
	v6 =	vmov s9;
	v5 =	vadd.s32 v0, v15  }
0x1e7: {  	s10 =	simm.s32 $0x3;
	v7 =	vmov s3;
	v18 =	vperm.xlane v8, v6  }
0x1e8: {  	v10 =	vmov s10;
	v19 =	vperm.xlane v8, v7  }
0x1e9: {  	v9 =	vld [tilespmem:s11+$0xADC0];
	v20 =	vperm.xlane v8, v10;
	v11 =	vadd.s32 v0, v18  }
0x1ea: {  	v12 =	vld [tilespmem:s0+$0xFFFFFF50];
	v13 =	vadd.s32 v0, v19  }
0x1eb: {  	v14 =	vadd.s32 v0, v20;
	v16 =	vld.idx.msk [tilespmem:v5+s28+$0x0], $0xffff  }
0x1ec: {  	v17 =	vld [tilespmem:s0+$0xFFFFFF10]  }
0x1ed: {  	v21 =	vld [tilespmem:s0+$0xFFFFFF90]  }
0x1ee: {  	v11 =	vld.idx.msk [tilespmem:v11+s28+$0x0], $0xffff  }
0x1ef: {  	v13 =	vld.idx.msk [tilespmem:v13+s28+$0x0], $0xffff  }
0x1f0: {  	v14 =	vld.idx.msk [tilespmem:v14+s28+$0x0], $0xffff;
	v5 =	vperm.xlane v9, v4;
	v4 =	vmul.f32 v16, v12;
	v12 =	vadd.s32 v1, v15  }
0x1f1: {  	v16 =	vld [tilespmem:s0+$0xFFFFFFD0]  }
0x1f2: {  	v22 =	vmul.f32 v4, v5  }
0x1f3: {  	v11 =	vmul.f32 v11, v21;
	v4 =	vperm.xlane v9, v6  }
0x1f4: {  	v21 =	vadd.s32 v1, v18;
	v13 =	vmul.f32 v13, v17;
	v6 =	vperm.xlane v9, v7;
	[tilespmem:s30+$0xFFFFFF50] =	vst v22  }
0x1f5: {  	s5 =	sadd.s32 $0x100, s0;
	v7 =	vperm.xlane v9, v10;
	v10 =	vmul.f32 v11, v4;
	v11 =	vld.idx.msk [tilespmem:v12+s28+$0x0], $0xffff;
	v12 =	vadd.s32 v1, v19  }
0x1f6: {  	v31 =	vld [tilespmem:s5+$0xFFFFFF10];
	v17 =	vadd.s32 v1, v20;
	v14 =	vmul.f32 v14, v16  }
0x1f7: {  	s17 =	simm.s32 $0x7;
	v13 =	vmul.f32 v13, v6;
	v16 =	vld [tilespmem:s0+$0xFFFFFF60]  }
0x1f8: {  	v26 =	vmov s17;
	v33 =	vld [tilespmem:s5+$0xFFFFFF50];
	[tilespmem:s30+$0xFFFFFF90] =	vst v10;
	v10 =	vmul.f32 v14, v7  }
0x1f9: {  	s13 =	simm.s32 $0x6;
	[tilespmem:s30+$0xFFFFFF10] =	vst v13;
	v13 =	vperm.xlane v8, v26;
	v14 =	vld.idx.msk [tilespmem:v21+s28+$0x0], $0xffff  }
0x1fa: {  	v24 =	vmov s13;
	s11 =	simm.s32 $0x5;
	[tilespmem:s30+$0xFFFFFFD0] =	vst v10;
	v22 =	vld.idx.msk [tilespmem:v12+s28+$0x0], $0xffff  }
0x1fb: {  	v23 =	vmov s11;
	v34 =	vadd.s32 v0, v13;
	v10 =	vperm.xlane v8, v24;
	v17 =	vld.idx.msk [tilespmem:v17+s28+$0x0], $0xffff  }
0x1fc: {  	v25 =	vadd.s32 v2, v15;
	v11 =	vmul.f32 v11, v16;
	v12 =	vperm.xlane v8, v23;
	v16 =	vld [tilespmem:s0+$0xFFFFFFA0]  }
0x1fd: {  	s23 =	simm.s32 $0x4;
	v29 =	vld [tilespmem:s0+$0xFFFFFFE0];
	v32 =	vadd.s32 v0, v10  }
0x1fe: {  	v27 =	vmov s23;
	v21 =	vld [tilespmem:s0+$0xFFFFFF20];
	v28 =	vadd.s32 v0, v12;
	v30 =	vmul.f32 v11, v5  }
0x1ff: {  	v35 =	vld [tilespmem:s5+$0xFFFFFF90];
	v11 =	vperm.xlane v8, v27  }
0x200: {  	v34 =	vld.idx.msk [tilespmem:v34+s28+$0x0], $0xffff;
	[tilespmem:s30+$0xFFFFFF60] =	vst v30  }
0x201: {  	v30 =	vadd.s32 v0, v11;
	v25 =	vld.idx.msk [tilespmem:v25+s28+$0x0], $0xffff;
	v14 =	vmul.f32 v14, v16  }
0x202: {  	v56 =	vadd.s32 v2, v20;
	v17 =	vmul.f32 v17, v29;
	v29 =	vld.idx.msk [tilespmem:v32+s28+$0x0], $0xffff  }
0x203: {  	v36 =	vadd.s32 v2, v18;
	v21 =	vmul.f32 v22, v21;
	v28 =	vld.idx.msk [tilespmem:v28+s28+$0x0], $0xffff;
	v14 =	vmul.f32 v14, v4  }
0x204: {  	v37 =	vld [tilespmem:s0+$0xFFFFFF70];
	v16 =	vmul.f32 v17, v7  }
0x205: {  	v60 =	vadd.s32 v3, v15;
	v22 =	vld [tilespmem:s5+$0xFFFFFFD0];
	[tilespmem:s30+$0xFFFFFFA0] =	vst v14;
	v14 =	vmul.f32 v21, v6  }
0x206: {  	v15 =	vperm.xlane v9, v27;
	v17 =	vld.idx.msk [tilespmem:v30+s28+$0x0], $0xffff;
	v30 =	vadd.s32 v2, v19;
	[tilespmem:s30+$0xFFFFFFE0] =	vst v16  }
0x207: {  	v21 =	vld.idx.msk [tilespmem:v56+s28+$0x0], $0xffff;
	[tilespmem:s30+$0xFFFFFF20] =	vst v14;
	v14 =	vperm.xlane v9, v24;
	v29 =	vmul.f32 v29, v35  }
0x208: {  	v58 =	vadd.s32 v1, v10;
	v16 =	vperm.xlane v9, v23;
	v57 =	vld.idx.msk [tilespmem:v36+s28+$0x0], $0xffff;
	v23 =	vmul.f32 v28, v33  }
0x209: {  	v25 =	vmul.f32 v25, v37;
	v24 =	vld [tilespmem:s0+$0xFFFFFFF0];
	v27 =	vmul.f32 v29, v14  }
0x20a: {  	s2 =	sadd.s32 $0x100, s30;
	v28 =	vadd.s32 v1, v12;
	v59 =	vld [tilespmem:s0+$0xFFFFFF30];
	v23 =	vmul.f32 v23, v16  }
0x20b: {  	v25 =	vmul.f32 v25, v5;
	v29 =	vld [tilespmem:s0+$0xFFFFFFB0];
	[tilespmem:s2+$0xFFFFFF90] =	vst v27  }
0x20c: {  	v30 =	vld.idx.msk [tilespmem:v30+s28+$0x0], $0xffff;
	[tilespmem:s2+$0xFFFFFF50] =	vst v23;
	v23 =	vmul.f32 v17, v31  }
0x20d: {  	[tilespmem:s30+$0xFFFFFF70] =	vst v25;
	v17 =	vperm.xlane v9, v26;
	v26 =	vmul.f32 v34, v22;
	v22 =	vld.idx.msk [tilespmem:v58+s28+$0x0], $0xffff  }
0x20e: {  	v24 =	vmul.f32 v21, v24;
	v21 =	vld.idx.msk [tilespmem:v60+s28+$0x0], $0xffff  }
0x20f: {  	v27 =	vadd.s32 v1, v11;
	v31 =	vld.idx.msk [tilespmem:v28+s28+$0x0], $0xffff  }
0x210: {  	v62 =	vadd.s32 v1, v13;
	v61 =	vld [tilespmem:s5+$0xFFFFFF60];
	v23 =	vmul.f32 v23, v15  }
0x211: {  	v25 =	vmul.f32 v26, v17;
	v26 =	vmul.f32 v30, v59;
	v30 =	vld [tilespmem:s5+$0xFFFFFFA0]  }
0x212: {  	v63 =	vadd.s32 v3, v20;
	[tilespmem:s2+$0xFFFFFF10] =	vst v23;
	v23 =	vld [tilespmem:s0+$0xFFFFFF80]  }
0x213: {  	v24 =	vmul.f32 v24, v7;
	v20 =	vmul.f32 v57, v29;
	v28 =	vld [tilespmem:s5+$0xFFFFFF20]  }
0x214: {  	[tilespmem:s2+$0xFFFFFFD0] =	vst v25;
	v29 =	vld.idx.msk [tilespmem:v27+s28+$0x0], $0xffff;
	v26 =	vmul.f32 v26, v6  }
0x215: {  	[tilespmem:s30+$0xFFFFFFF0] =	vst v24;
	v24 =	vmul.f32 v20, v4;
	v25 =	vld.idx.msk [tilespmem:v62+s28+$0x0], $0xffff;
	v31 =	vmul.f32 v31, v61  }
0x216: {  	v20 =	vld [tilespmem:s0+$0x0];
	[tilespmem:s30+$0xFFFFFF30] =	vst v26;
	v26 =	vadd.s32 v3, v19  }
0x217: {  	s6 =	smov.u32 s5;
	s9 =	simm.s32 $0x8;
	v27 =	vadd.s32 v3, v18;
	[tilespmem:s30+$0xFFFFFFB0] =	vst v24;
	v24 =	vld.idx.msk [tilespmem:v63+s28+$0x0], $0xffff;
	v19 =	vmul.f32 v31, v16  }
.LBB2_13:
0x218: {  	s3 =	sadd.s32 $0x1, s9  }
0x219: {  	v31 =	vmov s9;
	s5 =	sadd.s32 $0x100, s5;
	v21 =	vmul.f32 v21, v23;
	v23 =	vld [tilespmem:s0+$0xFFFFFFC0];
	s10 =	smov.u32 s9;
	s8 =	sadd.s32 $0x4, s9  }
0x21a: {  	p3 =	slt.u32 s9, $0xC;
	v28 =	vmul.f32 v29, v28;
	v18 =	vperm.xlane v8, v31;
	v32 =	vmov s3;
	s3 =	sadd.s32 $0x2, s10;
	[tilespmem:s2+$0xFFFFFF60] =	vst v19;
	v29 =	vld [tilespmem:s0+$0xFFFFFF40];
	s0 =	smov.u32 s6  }
0x21b: {  	v35 =	vadd.s32 v2, v12;
	s6 =	smov.u32 s5;
	v33 =	vperm.xlane v8, v32;
	v34 =	vmov s3;
	s3 =	sadd.s32 $0x3, s10;
	v26 =	vld.idx.msk [tilespmem:v26+s28+$0x0], $0xffff  }
0x21c: {  	v21 =	vmul.f32 v21, v5;
	v5 =	vmovc v16;
	v19 =	vperm.xlane v8, v34;
	v36 =	vmov s3;
	v27 =	vld.idx.msk [tilespmem:v27+s28+$0x0], $0xffff  }
0x21d: {  	v22 =	vmul.f32 v22, v30;
	v16 =	vadd.s32 v0, v33;
	v37 =	vperm.xlane v8, v36;
	v30 =	vld [tilespmem:s0+$0xFFFFFFE0]  }
0x21e: {  	v28 =	vmul.f32 v28, v15;
	v38 =	vld [tilespmem:s5+$0xFFFFFF10];
	v39 =	vadd.s32 v0, v19;
	[tilespmem:s30+$0xFFFFFF80] =	vst v21  }
0x21f: {  	v20 =	vmul.f32 v24, v20;
	v22 =	vmul.f32 v22, v14;
	v21 =	vld [tilespmem:s5+$0xFFFFFF50];
	v40 =	vadd.s32 v0, v37  }
0x220: {  	v24 =	vadd.s32 v0, v18;
	v41 =	vld [tilespmem:s5+$0xFFFFFF90];
	[tilespmem:s2+$0xFFFFFF20] =	vst v28  }
0x221: {  	v20 =	vmul.f32 v20, v7;
	v7 =	vmov v17;
	v28 =	vld.idx.msk [tilespmem:v35+s28+$0x0], $0xffff;
	[tilespmem:s2+$0xFFFFFFA0] =	vst v22;
	v22 =	vmul.f32 v26, v29  }
0x222: {  	v23 =	vmul.f32 v27, v23;
	v17 =	vld.idx.msk [tilespmem:v16+s28+$0x0], $0xffff;
	v16 =	vmul.f32 v25, v30  }
0x223: {  	v26 =	vadd.s32 v2, v13;
	v25 =	vld.idx.msk [tilespmem:v39+s28+$0x0], $0xffff;
	v22 =	vmul.f32 v22, v6;
	[tilespmem:s30+$0x0] =	vst v20;
	v6 =	vmov v15  }
0x224: {  	v27 =	vadd.s32 v2, v10;
	v15 =	vmul.f32 v23, v4;
	v20 =	vld.idx.msk [tilespmem:v40+s28+$0x0], $0xffff;
	v16 =	vmul.f32 v16, v7  }
0x225: {  	v4 =	vmov v14;
	v23 =	vld.idx.msk [tilespmem:v24+s28+$0x0], $0xffff;
	[tilespmem:s30+$0xFFFFFF40] =	vst v22  }
0x226: {  	v24 =	vadd.s32 v2, v11;
	v22 =	vld [tilespmem:s5+$0xFFFFFFD0];
	[tilespmem:s30+$0xFFFFFFC0] =	vst v15;
	s30 =	smov.u32 s2  }
0x227: {  	v15 =	vperm.xlane v9, v31;
	v29 =	vld [tilespmem:s0+$0xFFFFFF70];
	[tilespmem:s2+$0xFFFFFFE0] =	vst v16  }
0x228: {  	v16 =	vperm.xlane v9, v32;
	v17 =	vmul.f32 v17, v21;
	v21 =	vld.idx.msk [tilespmem:v26+s28+$0x0], $0xffff  }
0x229: {  	v14 =	vperm.xlane v9, v34;
	v26 =	vadd.s32 v1, v33;
	v25 =	vmul.f32 v25, v41;
	v27 =	vld.idx.msk [tilespmem:v27+s28+$0x0], $0xffff  }
0x22a: {  	s2 =	sadd.s32 $0x100, s2;
	v30 =	vmul.f32 v17, v16;
	v17 =	vperm.xlane v9, v36;
	v31 =	vld [tilespmem:s0+$0xFFFFFFF0]  }
0x22b: {  	v32 =	vadd.s32 v1, v19;
	v23 =	vmul.f32 v23, v38;
	v25 =	vmul.f32 v25, v14;
	v24 =	vld.idx.msk [tilespmem:v24+s28+$0x0], $0xffff  }
0x22c: {  	v20 =	vmul.f32 v20, v22;
	[tilespmem:s2+$0xFFFFFF50] =	vst v30;
	v30 =	vld [tilespmem:s0+$0xFFFFFF30];
	v22 =	vmul.f32 v28, v29;
	v28 =	vadd.s32 v3, v12  }
0x22d: {  	v23 =	vmul.f32 v23, v15;
	v12 =	vmov v33;
	[tilespmem:s2+$0xFFFFFF90] =	vst v25;
	v25 =	vld [tilespmem:s0+$0xFFFFFFB0]  }
0x22e: {  	v20 =	vmul.f32 v20, v17;
	v26 =	vld.idx.msk [tilespmem:v26+s28+$0x0], $0xffff;
	v29 =	vmul.f32 v22, v5  }
0x22f: {  	v33 =	vadd.s32 v1, v18;
	[tilespmem:s2+$0xFFFFFF10] =	vst v23;
	v34 =	vld [tilespmem:s5+$0xFFFFFF60]  }
0x230: {  	v22 =	vld.idx.msk [tilespmem:v32+s28+$0x0], $0xffff;
	v32 =	vadd.s32 v1, v37;
	[tilespmem:s30+$0xFFFFFF70] =	vst v29;
	v29 =	vmul.f32 v21, v31  }
0x231: {  	v24 =	vmul.f32 v24, v30;
	v21 =	vld.idx.msk [tilespmem:v28+s28+$0x0], $0xffff  }
0x232: {  	[tilespmem:s2+$0xFFFFFFD0] =	vst v20;
	v23 =	vld [tilespmem:s0+$0xFFFFFF80];
	v20 =	vmul.f32 v27, v25;
	v25 =	vmul.f32 v29, v7  }
0x233: {  	v31 =	vadd.s32 v3, v13;
	v13 =	vmov v37;
	v28 =	vld [tilespmem:s5+$0xFFFFFF20];
	v24 =	vmul.f32 v24, v6  }
.Ltmp6:
0x234: {  	v29 =	vld.idx.msk [tilespmem:v33+s28+$0x0], $0xffff;
	v20 =	vmul.f32 v20, v4;
	[tilespmem:s30+$0xFFFFFFF0] =	vst v25;
	(pc) =	sbr.rel @p3 .LBB2_13-.Ltmp6, $4  }
0x235: {  	v25 =	vld.idx.msk [tilespmem:v32+s28+$0x0], $0xffff;
	[tilespmem:s30+$0xFFFFFF30] =	vst v24  }
0x236: {  	v24 =	vmul.f32 v26, v34;
	v26 =	vadd.s32 v3, v11;
	v11 =	vmov v18;
	[tilespmem:s30+$0xFFFFFFB0] =	vst v20;
	v20 =	vld [tilespmem:s0+$0x0]  }
0x237: {  	v27 =	vadd.s32 v3, v10;
	v10 =	vmov v19;
	v30 =	vld [tilespmem:s5+$0xFFFFFFA0]  }
0x238: {  	s9 =	smov.u32 s8;
	v19 =	vmul.f32 v24, v16;
	v24 =	vld.idx.msk [tilespmem:v31+s28+$0x0], $0xffff  }
0x239: {  	v8 =	vld [tilespmem:s6+$0xFFFFFFE0];
	_ =	sdelay $0x2  }
0x23a: {  	v9 =	vadd.s32 v2, v12;
	_ =	sdelay $0x1  }
0x23b: {  	v18 =	vadd.s32 v2, v13;
	v8 =	vmul.f32 v25, v8  }
0x23c: {  	[tilespmem:s2+$0xFFFFFF60] =	vst v19;
	v22 =	vmul.f32 v22, v30;
	v25 =	vadd.s32 v2, v10  }
0x23d: {  	v19 =	vmul.f32 v29, v28;
	v29 =	vld [tilespmem:s6+$0xFFFFFF70];
	v8 =	vmul.f32 v8, v17  }
0x23e: {  	v22 =	vmul.f32 v22, v14;
	v9 =	vld.idx.msk [tilespmem:v9+s28+$0x0], $0xffff  }
0x23f: {  	[tilespmem:s2+$0xFFFFFFE0] =	vst v8  }
0x240: {  	v28 =	vadd.s32 v2, v11;
	[tilespmem:s2+$0xFFFFFFA0] =	vst v22;
	v18 =	vld.idx.msk [tilespmem:v18+s28+$0x0], $0xffff  }
0x241: {  	v8 =	vmul.f32 v19, v15;
	v19 =	vld.idx.msk [tilespmem:v25+s28+$0x0], $0xffff  }
0x242: {  	v25 =	vld [tilespmem:s6+$0xFFFFFFB0]  }
0x243: {  	v12 =	vadd.s32 v3, v12;
	v9 =	vmul.f32 v9, v29;
	[tilespmem:s2+$0xFFFFFF20] =	vst v8;
	v8 =	vld [tilespmem:s6+$0xFFFFFFF0]  }
0x244: {  	v30 =	vld [tilespmem:s0+$0xFFFFFF40]  }
0x245: {  	v22 =	vld.idx.msk [tilespmem:v28+s28+$0x0], $0xffff;
	v9 =	vmul.f32 v9, v16  }
0x246: {  	v28 =	vld [tilespmem:s6+$0xFFFFFF30]  }
0x247: {  	v10 =	vadd.s32 v3, v10;
	v29 =	vld [tilespmem:s0+$0xFFFFFFC0];
	[tilespmem:s2+$0xFFFFFF70] =	vst v9;
	v9 =	vmul.f32 v19, v25  }
0x248: {  	v12 =	vld.idx.msk [tilespmem:v12+s28+$0x0], $0xffff;
	v8 =	vmul.f32 v18, v8  }
0x249: {  	v13 =	vadd.s32 v3, v13;
	v18 =	vld.idx.msk [tilespmem:v26+s28+$0x0], $0xffff;
	v9 =	vmul.f32 v9, v14  }
0x24a: {  	v26 =	vld.idx.msk [tilespmem:v27+s28+$0x0], $0xffff;
	v8 =	vmul.f32 v8, v17  }
0x24b: {  	v19 =	vmul.f32 v22, v28;
	v22 =	vld [tilespmem:s6+$0xFFFFFF80];
	[tilespmem:s2+$0xFFFFFFB0] =	vst v9  }
0x24c: {  	[tilespmem:s2+$0xFFFFFFF0] =	vst v8;
	v8 =	vadd.s32 v3, v11;
	v10 =	vld.idx.msk [tilespmem:v10+s28+$0x0], $0xffff  }
0x24d: {  	v11 =	vmul.f32 v19, v15;
	v19 =	vld [tilespmem:s6+$0x0]  }
0x24e: {  	v20 =	vmul.f32 v24, v20;
	v9 =	vld.idx.msk [tilespmem:v13+s28+$0x0], $0xffff;
	v13 =	vmul.f32 v21, v23  }
0x24f: {  	[tilespmem:s2+$0xFFFFFF30] =	vst v11;
	v11 =	vld [tilespmem:s6+$0xFFFFFFC0]  }
0x250: {  	v7 =	vmul.f32 v20, v7;
	v21 =	vld [tilespmem:s6+$0xFFFFFF40];
	v5 =	vmul.f32 v13, v5  }
0x251: {  	v13 =	vmul.f32 v18, v30;
	v18 =	vmul.f32 v26, v29;
	v8 =	vld.idx.msk [tilespmem:v8+s28+$0x0], $0xffff;
	_ =	sdelay $0x1  }
0x252: {  	[tilespmem:s30+$0x0] =	vst v7;
	v4 =	vmul.f32 v18, v4;
	v7 =	vmul.f32 v9, v19  }
0x253: {  	[tilespmem:s30+$0xFFFFFF80] =	vst v5;
	v5 =	vmul.f32 v13, v6;
	v6 =	vmul.f32 v12, v22  }
0x254: {  	[tilespmem:s30+$0xFFFFFFC0] =	vst v4;
	v4 =	vmul.f32 v7, v17;
	v7 =	vmul.f32 v10, v11  }
0x255: {  	[tilespmem:s30+$0xFFFFFF40] =	vst v5;
	v5 =	vmul.f32 v6, v16;
	v6 =	vmul.f32 v8, v21  }
0x256: {  	[tilespmem:s2+$0x0] =	vst v4;
	v4 =	vmul.f32 v7, v14  }
0x257: {  	[tilespmem:s2+$0xFFFFFF80] =	vst v5;
	v5 =	vmul.f32 v6, v15  }
0x258: {  	[tilespmem:s2+$0xFFFFFFC0] =	vst v4  }
0x259: {  	[tilespmem:s2+$0xFFFFFF40] =	vst v5  }
0x25a: {  	v4 =	vld [tilespmem:s26+$0x9880];
	_ =	sdelay $0x3  }
0x25b: {  	s10 =	simm.s32 $0x1  }
0x25c: {  	v8 =	vshll.u32 v4, $0x6;
	v4 =	vmov s10  }
0x25d: {  	v15 =	vperm.xlane v8, v4  }
0x25e: {  	s11 =	simm.s32 $0x2  }
0x25f: {  	s13 =	simm.s32 $0x0;
	v6 =	vmov s11;
	v5 =	vadd.s32 v0, v15  }
0x260: {  	s17 =	simm.s32 $0x3;
	v7 =	vmov s13;
	v18 =	vperm.xlane v8, v6  }
0x261: {  	v10 =	vmov s17;
	v19 =	vperm.xlane v8, v7  }
0x262: {  	v9 =	vld [tilespmem:s18+$0xADC0];
	v20 =	vperm.xlane v8, v10;
	v11 =	vadd.s32 v0, v18  }
0x263: {  	v12 =	vld [tilespmem:s29+$0xFFFFFF50];
	v13 =	vadd.s32 v0, v19  }
0x264: {  	v14 =	vadd.s32 v0, v20;
	v16 =	vld.idx.msk [tilespmem:v5+s28+$0x0], $0xffff  }
0x265: {  	v17 =	vld [tilespmem:s29+$0xFFFFFF10]  }
0x266: {  	v21 =	vld [tilespmem:s29+$0xFFFFFF90]  }
0x267: {  	v11 =	vld.idx.msk [tilespmem:v11+s28+$0x0], $0xffff  }
0x268: {  	v13 =	vld.idx.msk [tilespmem:v13+s28+$0x0], $0xffff  }
0x269: {  	v14 =	vld.idx.msk [tilespmem:v14+s28+$0x0], $0xffff;
	v5 =	vperm.xlane v9, v4;
	v4 =	vmul.f32 v16, v12;
	v12 =	vadd.s32 v1, v15  }
0x26a: {  	v16 =	vld [tilespmem:s29+$0xFFFFFFD0]  }
0x26b: {  	v22 =	vmul.f32 v4, v5  }
0x26c: {  	v11 =	vmul.f32 v11, v21;
	v4 =	vperm.xlane v9, v6  }
0x26d: {  	v21 =	vadd.s32 v1, v18;
	v13 =	vmul.f32 v13, v17;
	v6 =	vperm.xlane v9, v7;
	[tilespmem:s7+$0xFFFFFF50] =	vst v22  }
0x26e: {  	s2 =	sadd.s32 $0x100, s29;
	v7 =	vperm.xlane v9, v10;
	v10 =	vmul.f32 v11, v4;
	v11 =	vld.idx.msk [tilespmem:v12+s28+$0x0], $0xffff;
	v12 =	vadd.s32 v1, v19  }
0x26f: {  	v31 =	vld [tilespmem:s2+$0xFFFFFF10];
	v17 =	vadd.s32 v1, v20;
	v14 =	vmul.f32 v14, v16  }
0x270: {  	s26 =	simm.s32 $0x7;
	v13 =	vmul.f32 v13, v6;
	v16 =	vld [tilespmem:s29+$0xFFFFFF60]  }
0x271: {  	v33 =	vld [tilespmem:s2+$0xFFFFFF50];
	v26 =	vmov s26;
	[tilespmem:s7+$0xFFFFFF90] =	vst v10;
	v10 =	vmul.f32 v14, v7  }
0x272: {  	s23 =	simm.s32 $0x6;
	[tilespmem:s7+$0xFFFFFF10] =	vst v13;
	v13 =	vperm.xlane v8, v26;
	v14 =	vld.idx.msk [tilespmem:v21+s28+$0x0], $0xffff  }
0x273: {  	v24 =	vmov s23;
	s18 =	simm.s32 $0x5;
	[tilespmem:s7+$0xFFFFFFD0] =	vst v10;
	v22 =	vld.idx.msk [tilespmem:v12+s28+$0x0], $0xffff  }
0x274: {  	v23 =	vmov s18;
	v34 =	vadd.s32 v0, v13;
	v10 =	vperm.xlane v8, v24;
	v17 =	vld.idx.msk [tilespmem:v17+s28+$0x0], $0xffff  }
0x275: {  	v25 =	vadd.s32 v2, v15;
	v11 =	vmul.f32 v11, v16;
	v12 =	vperm.xlane v8, v23;
	v16 =	vld [tilespmem:s29+$0xFFFFFFA0]  }
0x276: {  	s30 =	simm.s32 $0x4;
	v29 =	vld [tilespmem:s29+$0xFFFFFFE0];
	v32 =	vadd.s32 v0, v10  }
0x277: {  	v27 =	vmov s30;
	v21 =	vld [tilespmem:s29+$0xFFFFFF20];
	v28 =	vadd.s32 v0, v12;
	v30 =	vmul.f32 v11, v5  }
0x278: {  	v35 =	vld [tilespmem:s2+$0xFFFFFF90];
	v11 =	vperm.xlane v8, v27  }
0x279: {  	v34 =	vld.idx.msk [tilespmem:v34+s28+$0x0], $0xffff;
	[tilespmem:s7+$0xFFFFFF60] =	vst v30  }
0x27a: {  	v30 =	vadd.s32 v0, v11;
	v25 =	vld.idx.msk [tilespmem:v25+s28+$0x0], $0xffff;
	v14 =	vmul.f32 v14, v16  }
0x27b: {  	v56 =	vadd.s32 v2, v20;
	v17 =	vmul.f32 v17, v29;
	v29 =	vld.idx.msk [tilespmem:v32+s28+$0x0], $0xffff  }
0x27c: {  	v36 =	vadd.s32 v2, v18;
	v21 =	vmul.f32 v22, v21;
	v28 =	vld.idx.msk [tilespmem:v28+s28+$0x0], $0xffff;
	v14 =	vmul.f32 v14, v4  }
0x27d: {  	v37 =	vld [tilespmem:s29+$0xFFFFFF70];
	v16 =	vmul.f32 v17, v7  }
0x27e: {  	v60 =	vadd.s32 v3, v15;
	v22 =	vld [tilespmem:s2+$0xFFFFFFD0];
	[tilespmem:s7+$0xFFFFFFA0] =	vst v14;
	v14 =	vmul.f32 v21, v6  }
0x27f: {  	v15 =	vperm.xlane v9, v27;
	v17 =	vld.idx.msk [tilespmem:v30+s28+$0x0], $0xffff;
	v30 =	vadd.s32 v2, v19;
	[tilespmem:s7+$0xFFFFFFE0] =	vst v16  }
0x280: {  	v21 =	vld.idx.msk [tilespmem:v56+s28+$0x0], $0xffff;
	[tilespmem:s7+$0xFFFFFF20] =	vst v14;
	v14 =	vperm.xlane v9, v24;
	v29 =	vmul.f32 v29, v35  }
0x281: {  	v58 =	vadd.s32 v1, v10;
	v16 =	vperm.xlane v9, v23;
	v57 =	vld.idx.msk [tilespmem:v36+s28+$0x0], $0xffff;
	v23 =	vmul.f32 v28, v33  }
0x282: {  	v25 =	vmul.f32 v25, v37;
	v24 =	vld [tilespmem:s29+$0xFFFFFFF0];
	v27 =	vmul.f32 v29, v14  }
0x283: {  	s0 =	sadd.s32 $0x100, s7;
	v28 =	vadd.s32 v1, v12;
	v59 =	vld [tilespmem:s29+$0xFFFFFF30];
	v23 =	vmul.f32 v23, v16  }
0x284: {  	v25 =	vmul.f32 v25, v5;
	v29 =	vld [tilespmem:s29+$0xFFFFFFB0];
	[tilespmem:s0+$0xFFFFFF90] =	vst v27  }
0x285: {  	v30 =	vld.idx.msk [tilespmem:v30+s28+$0x0], $0xffff;
	[tilespmem:s0+$0xFFFFFF50] =	vst v23;
	v23 =	vmul.f32 v17, v31  }
0x286: {  	[tilespmem:s7+$0xFFFFFF70] =	vst v25;
	v17 =	vperm.xlane v9, v26;
	v26 =	vmul.f32 v34, v22;
	v22 =	vld.idx.msk [tilespmem:v58+s28+$0x0], $0xffff  }
0x287: {  	v24 =	vmul.f32 v21, v24;
	v21 =	vld.idx.msk [tilespmem:v60+s28+$0x0], $0xffff  }
0x288: {  	v27 =	vadd.s32 v1, v11;
	v31 =	vld.idx.msk [tilespmem:v28+s28+$0x0], $0xffff  }
0x289: {  	v62 =	vadd.s32 v1, v13;
	v61 =	vld [tilespmem:s2+$0xFFFFFF60];
	v23 =	vmul.f32 v23, v15  }
0x28a: {  	v25 =	vmul.f32 v26, v17;
	v26 =	vmul.f32 v30, v59;
	v30 =	vld [tilespmem:s2+$0xFFFFFFA0]  }
0x28b: {  	v63 =	vadd.s32 v3, v20;
	[tilespmem:s0+$0xFFFFFF10] =	vst v23;
	v23 =	vld [tilespmem:s29+$0xFFFFFF80]  }
0x28c: {  	v24 =	vmul.f32 v24, v7;
	v20 =	vmul.f32 v57, v29;
	v28 =	vld [tilespmem:s2+$0xFFFFFF20]  }
0x28d: {  	[tilespmem:s0+$0xFFFFFFD0] =	vst v25;
	v29 =	vld.idx.msk [tilespmem:v27+s28+$0x0], $0xffff;
	v26 =	vmul.f32 v26, v6  }
0x28e: {  	[tilespmem:s7+$0xFFFFFFF0] =	vst v24;
	v24 =	vmul.f32 v20, v4;
	v25 =	vld.idx.msk [tilespmem:v62+s28+$0x0], $0xffff;
	v31 =	vmul.f32 v31, v61  }
0x28f: {  	v20 =	vld [tilespmem:s29+$0x0];
	[tilespmem:s7+$0xFFFFFF30] =	vst v26;
	v26 =	vadd.s32 v3, v19  }
0x290: {  	s8 =	simm.s32 $0x8;
	s5 =	smov.u32 s2;
	v27 =	vadd.s32 v3, v18;
	[tilespmem:s7+$0xFFFFFFB0] =	vst v24;
	v24 =	vld.idx.msk [tilespmem:v63+s28+$0x0], $0xffff;
	v19 =	vmul.f32 v31, v16  }
.LBB2_15:
0x291: {  	s3 =	sadd.s32 $0x1, s8  }
0x292: {  	v31 =	vmov s8;
	s2 =	sadd.s32 $0x100, s2;
	v21 =	vmul.f32 v21, v23;
	v23 =	vld [tilespmem:s29+$0xFFFFFFC0];
	s9 =	smov.u32 s8;
	s6 =	sadd.s32 $0x4, s8  }
0x293: {  	p3 =	slt.u32 s8, $0xC;
	v28 =	vmul.f32 v29, v28;
	v18 =	vperm.xlane v8, v31;
	v32 =	vmov s3;
	s3 =	sadd.s32 $0x2, s9;
	[tilespmem:s0+$0xFFFFFF60] =	vst v19;
	v29 =	vld [tilespmem:s29+$0xFFFFFF40];
	s29 =	smov.u32 s5  }
0x294: {  	v35 =	vadd.s32 v2, v12;
	s5 =	smov.u32 s2;
	v33 =	vperm.xlane v8, v32;
	v34 =	vmov s3;
	s3 =	sadd.s32 $0x3, s9;
	v26 =	vld.idx.msk [tilespmem:v26+s28+$0x0], $0xffff  }
0x295: {  	v21 =	vmul.f32 v21, v5;
	v5 =	vmovc v16;
	v19 =	vperm.xlane v8, v34;
	v36 =	vmov s3;
	v27 =	vld.idx.msk [tilespmem:v27+s28+$0x0], $0xffff  }
0x296: {  	v22 =	vmul.f32 v22, v30;
	v16 =	vadd.s32 v0, v33;
	v37 =	vperm.xlane v8, v36;
	v30 =	vld [tilespmem:s29+$0xFFFFFFE0]  }
0x297: {  	v28 =	vmul.f32 v28, v15;
	v38 =	vld [tilespmem:s2+$0xFFFFFF10];
	v39 =	vadd.s32 v0, v19;
	[tilespmem:s7+$0xFFFFFF80] =	vst v21  }
0x298: {  	v20 =	vmul.f32 v24, v20;
	v22 =	vmul.f32 v22, v14;
	v21 =	vld [tilespmem:s2+$0xFFFFFF50];
	v40 =	vadd.s32 v0, v37  }
0x299: {  	v24 =	vadd.s32 v0, v18;
	v41 =	vld [tilespmem:s2+$0xFFFFFF90];
	[tilespmem:s0+$0xFFFFFF20] =	vst v28  }
0x29a: {  	v20 =	vmul.f32 v20, v7;
	v7 =	vmov v17;
	v28 =	vld.idx.msk [tilespmem:v35+s28+$0x0], $0xffff;
	[tilespmem:s0+$0xFFFFFFA0] =	vst v22;
	v22 =	vmul.f32 v26, v29  }
0x29b: {  	v23 =	vmul.f32 v27, v23;
	v17 =	vld.idx.msk [tilespmem:v16+s28+$0x0], $0xffff;
	v16 =	vmul.f32 v25, v30  }
0x29c: {  	v26 =	vadd.s32 v2, v13;
	v25 =	vld.idx.msk [tilespmem:v39+s28+$0x0], $0xffff;
	v22 =	vmul.f32 v22, v6;
	[tilespmem:s7+$0x0] =	vst v20;
	v6 =	vmov v15  }
0x29d: {  	v27 =	vadd.s32 v2, v10;
	v15 =	vmul.f32 v23, v4;
	v20 =	vld.idx.msk [tilespmem:v40+s28+$0x0], $0xffff;
	v16 =	vmul.f32 v16, v7  }
0x29e: {  	v4 =	vmov v14;
	v23 =	vld.idx.msk [tilespmem:v24+s28+$0x0], $0xffff;
	[tilespmem:s7+$0xFFFFFF40] =	vst v22  }
0x29f: {  	v24 =	vadd.s32 v2, v11;
	v22 =	vld [tilespmem:s2+$0xFFFFFFD0];
	[tilespmem:s7+$0xFFFFFFC0] =	vst v15;
	s7 =	smov.u32 s0  }
0x2a0: {  	v15 =	vperm.xlane v9, v31;
	v29 =	vld [tilespmem:s29+$0xFFFFFF70];
	[tilespmem:s0+$0xFFFFFFE0] =	vst v16  }
0x2a1: {  	v16 =	vperm.xlane v9, v32;
	v17 =	vmul.f32 v17, v21;
	v21 =	vld.idx.msk [tilespmem:v26+s28+$0x0], $0xffff  }
0x2a2: {  	v14 =	vperm.xlane v9, v34;
	v26 =	vadd.s32 v1, v33;
	v25 =	vmul.f32 v25, v41;
	v27 =	vld.idx.msk [tilespmem:v27+s28+$0x0], $0xffff  }
0x2a3: {  	s0 =	sadd.s32 $0x100, s0;
	v30 =	vmul.f32 v17, v16;
	v17 =	vperm.xlane v9, v36;
	v31 =	vld [tilespmem:s29+$0xFFFFFFF0]  }
0x2a4: {  	v32 =	vadd.s32 v1, v19;
	v23 =	vmul.f32 v23, v38;
	v25 =	vmul.f32 v25, v14;
	v24 =	vld.idx.msk [tilespmem:v24+s28+$0x0], $0xffff  }
0x2a5: {  	v20 =	vmul.f32 v20, v22;
	[tilespmem:s0+$0xFFFFFF50] =	vst v30;
	v30 =	vld [tilespmem:s29+$0xFFFFFF30];
	v22 =	vmul.f32 v28, v29;
	v28 =	vadd.s32 v3, v12  }
0x2a6: {  	v23 =	vmul.f32 v23, v15;
	v12 =	vmov v33;
	[tilespmem:s0+$0xFFFFFF90] =	vst v25;
	v25 =	vld [tilespmem:s29+$0xFFFFFFB0]  }
0x2a7: {  	v20 =	vmul.f32 v20, v17;
	v26 =	vld.idx.msk [tilespmem:v26+s28+$0x0], $0xffff;
	v29 =	vmul.f32 v22, v5  }
0x2a8: {  	v33 =	vadd.s32 v1, v18;
	[tilespmem:s0+$0xFFFFFF10] =	vst v23;
	v34 =	vld [tilespmem:s2+$0xFFFFFF60]  }
0x2a9: {  	v22 =	vld.idx.msk [tilespmem:v32+s28+$0x0], $0xffff;
	v32 =	vadd.s32 v1, v37;
	[tilespmem:s7+$0xFFFFFF70] =	vst v29;
	v29 =	vmul.f32 v21, v31  }
0x2aa: {  	v24 =	vmul.f32 v24, v30;
	v21 =	vld.idx.msk [tilespmem:v28+s28+$0x0], $0xffff  }
0x2ab: {  	[tilespmem:s0+$0xFFFFFFD0] =	vst v20;
	v23 =	vld [tilespmem:s29+$0xFFFFFF80];
	v20 =	vmul.f32 v27, v25;
	v25 =	vmul.f32 v29, v7  }
0x2ac: {  	v31 =	vadd.s32 v3, v13;
	v13 =	vmov v37;
	v28 =	vld [tilespmem:s2+$0xFFFFFF20];
	v24 =	vmul.f32 v24, v6  }
.Ltmp7:
0x2ad: {  	v29 =	vld.idx.msk [tilespmem:v33+s28+$0x0], $0xffff;
	v20 =	vmul.f32 v20, v4;
	[tilespmem:s7+$0xFFFFFFF0] =	vst v25;
	(pc) =	sbr.rel @p3 .LBB2_15-.Ltmp7, $4  }
0x2ae: {  	v25 =	vld.idx.msk [tilespmem:v32+s28+$0x0], $0xffff;
	[tilespmem:s7+$0xFFFFFF30] =	vst v24  }
0x2af: {  	v24 =	vmul.f32 v26, v34;
	v26 =	vadd.s32 v3, v11;
	v11 =	vmov v18;
	[tilespmem:s7+$0xFFFFFFB0] =	vst v20;
	v20 =	vld [tilespmem:s29+$0x0]  }
0x2b0: {  	v27 =	vadd.s32 v3, v10;
	v10 =	vmov v19;
	v30 =	vld [tilespmem:s2+$0xFFFFFFA0]  }
0x2b1: {  	s8 =	smov.u32 s6;
	v19 =	vmul.f32 v24, v16;
	v24 =	vld.idx.msk [tilespmem:v31+s28+$0x0], $0xffff  }
0x2b2: {  	v8 =	vld [tilespmem:s5+$0xFFFFFFE0];
	_ =	sdelay $0x2  }
0x2b3: {  	v9 =	vadd.s32 v2, v12;
	_ =	sdelay $0x1  }
0x2b4: {  	v18 =	vadd.s32 v2, v13;
	v8 =	vmul.f32 v25, v8  }
0x2b5: {  	[tilespmem:s0+$0xFFFFFF60] =	vst v19;
	v22 =	vmul.f32 v22, v30;
	v25 =	vadd.s32 v2, v10  }
0x2b6: {  	v19 =	vmul.f32 v29, v28;
	v29 =	vld [tilespmem:s5+$0xFFFFFF70];
	v8 =	vmul.f32 v8, v17  }
0x2b7: {  	v22 =	vmul.f32 v22, v14;
	v9 =	vld.idx.msk [tilespmem:v9+s28+$0x0], $0xffff  }
0x2b8: {  	[tilespmem:s0+$0xFFFFFFE0] =	vst v8  }
0x2b9: {  	v28 =	vadd.s32 v2, v11;
	[tilespmem:s0+$0xFFFFFFA0] =	vst v22;
	v18 =	vld.idx.msk [tilespmem:v18+s28+$0x0], $0xffff  }
0x2ba: {  	v8 =	vmul.f32 v19, v15;
	v19 =	vld.idx.msk [tilespmem:v25+s28+$0x0], $0xffff  }
0x2bb: {  	v25 =	vld [tilespmem:s5+$0xFFFFFFB0]  }
0x2bc: {  	v12 =	vadd.s32 v3, v12;
	v9 =	vmul.f32 v9, v29;
	[tilespmem:s0+$0xFFFFFF20] =	vst v8;
	v8 =	vld [tilespmem:s5+$0xFFFFFFF0]  }
0x2bd: {  	v30 =	vld [tilespmem:s29+$0xFFFFFF40]  }
0x2be: {  	v22 =	vld.idx.msk [tilespmem:v28+s28+$0x0], $0xffff;
	v9 =	vmul.f32 v9, v16  }
0x2bf: {  	v28 =	vld [tilespmem:s5+$0xFFFFFF30]  }
0x2c0: {  	v10 =	vadd.s32 v3, v10;
	v29 =	vld [tilespmem:s29+$0xFFFFFFC0];
	[tilespmem:s0+$0xFFFFFF70] =	vst v9;
	v9 =	vmul.f32 v19, v25  }
0x2c1: {  	v12 =	vld.idx.msk [tilespmem:v12+s28+$0x0], $0xffff;
	v8 =	vmul.f32 v18, v8  }
0x2c2: {  	v13 =	vadd.s32 v3, v13;
	v18 =	vld.idx.msk [tilespmem:v26+s28+$0x0], $0xffff;
	v9 =	vmul.f32 v9, v14  }
0x2c3: {  	v26 =	vld.idx.msk [tilespmem:v27+s28+$0x0], $0xffff;
	v8 =	vmul.f32 v8, v17  }
0x2c4: {  	v19 =	vmul.f32 v22, v28;
	v22 =	vld [tilespmem:s5+$0xFFFFFF80];
	[tilespmem:s0+$0xFFFFFFB0] =	vst v9  }
0x2c5: {  	[tilespmem:s0+$0xFFFFFFF0] =	vst v8;
	v8 =	vadd.s32 v3, v11;
	v10 =	vld.idx.msk [tilespmem:v10+s28+$0x0], $0xffff  }
0x2c6: {  	v11 =	vmul.f32 v19, v15;
	v19 =	vld [tilespmem:s5+$0x0]  }
0x2c7: {  	v20 =	vmul.f32 v24, v20;
	v9 =	vld.idx.msk [tilespmem:v13+s28+$0x0], $0xffff;
	v13 =	vmul.f32 v21, v23  }
0x2c8: {  	[tilespmem:s0+$0xFFFFFF30] =	vst v11;
	v11 =	vld [tilespmem:s5+$0xFFFFFFC0]  }
0x2c9: {  	v7 =	vmul.f32 v20, v7;
	v21 =	vld [tilespmem:s5+$0xFFFFFF40];
	v5 =	vmul.f32 v13, v5  }
0x2ca: {  	v13 =	vmul.f32 v18, v30;
	v18 =	vmul.f32 v26, v29;
	v8 =	vld.idx.msk [tilespmem:v8+s28+$0x0], $0xffff;
	_ =	sdelay $0x1  }
0x2cb: {  	[tilespmem:s7+$0x0] =	vst v7;
	v4 =	vmul.f32 v18, v4;
	v7 =	vmul.f32 v9, v19  }
0x2cc: {  	[tilespmem:s7+$0xFFFFFF80] =	vst v5;
	v5 =	vmul.f32 v13, v6;
	v6 =	vmul.f32 v12, v22  }
0x2cd: {  	[tilespmem:s7+$0xFFFFFFC0] =	vst v4;
	v4 =	vmul.f32 v7, v17;
	v7 =	vmul.f32 v10, v11  }
0x2ce: {  	[tilespmem:s7+$0xFFFFFF40] =	vst v5;
	v5 =	vmul.f32 v6, v16;
	v6 =	vmul.f32 v8, v21  }
0x2cf: {  	[tilespmem:s0+$0x0] =	vst v4;
	v4 =	vmul.f32 v7, v14  }
0x2d0: {  	[tilespmem:s0+$0xFFFFFF80] =	vst v5;
	v5 =	vmul.f32 v6, v15  }
0x2d1: {  	[tilespmem:s0+$0xFFFFFFC0] =	vst v4  }
0x2d2: {  	[tilespmem:s0+$0xFFFFFF40] =	vst v5  }
0x2d3: {  	v4 =	vld [tilespmem:s31+$0x9880];
	_ =	sdelay $0x3  }
0x2d4: {  	s17 =	simm.s32 $0x1  }
0x2d5: {  	v8 =	vshll.u32 v4, $0x6;
	v4 =	vmov s17  }
0x2d6: {  	v15 =	vperm.xlane v8, v4  }
0x2d7: {  	s18 =	simm.s32 $0x2  }
0x2d8: {  	s2 =	simm.s32 $0x0;
	v6 =	vmov s18;
	v5 =	vadd.s32 v0, v15  }
0x2d9: {  	s23 =	simm.s32 $0x3;
	v7 =	vmov s2;
	v18 =	vperm.xlane v8, v6  }
0x2da: {  	v10 =	vmov s23;
	v19 =	vperm.xlane v8, v7  }
0x2db: {  	v9 =	vld [tilespmem:s1+$0xADC0];
	v20 =	vperm.xlane v8, v10;
	v11 =	vadd.s32 v0, v18  }
0x2dc: {  	v12 =	vld [tilespmem:s14+$0xFFFFFF50];
	v13 =	vadd.s32 v0, v19  }
0x2dd: {  	v14 =	vadd.s32 v0, v20;
	v16 =	vld.idx.msk [tilespmem:v5+s28+$0x0], $0xffff  }
0x2de: {  	v17 =	vld [tilespmem:s14+$0xFFFFFF10]  }
0x2df: {  	v21 =	vld [tilespmem:s14+$0xFFFFFF90]  }
0x2e0: {  	v11 =	vld.idx.msk [tilespmem:v11+s28+$0x0], $0xffff  }
0x2e1: {  	v13 =	vld.idx.msk [tilespmem:v13+s28+$0x0], $0xffff  }
0x2e2: {  	v14 =	vld.idx.msk [tilespmem:v14+s28+$0x0], $0xffff;
	v5 =	vperm.xlane v9, v4;
	v4 =	vmul.f32 v16, v12;
	v12 =	vadd.s32 v1, v15  }
0x2e3: {  	v16 =	vld [tilespmem:s14+$0xFFFFFFD0]  }
0x2e4: {  	v22 =	vmul.f32 v4, v5  }
0x2e5: {  	v11 =	vmul.f32 v11, v21;
	v4 =	vperm.xlane v9, v6  }
0x2e6: {  	v21 =	vadd.s32 v1, v18;
	v13 =	vmul.f32 v13, v17;
	v6 =	vperm.xlane v9, v7;
	[tilespmem:s22+$0xFFFFFF50] =	vst v22  }
0x2e7: {  	s1 =	sadd.s32 $0x100, s14;
	v7 =	vperm.xlane v9, v10;
	v10 =	vmul.f32 v11, v4;
	v11 =	vld.idx.msk [tilespmem:v12+s28+$0x0], $0xffff;
	v12 =	vadd.s32 v1, v19  }
0x2e8: {  	v31 =	vld [tilespmem:s1+$0xFFFFFF10];
	v17 =	vadd.s32 v1, v20;
	v14 =	vmul.f32 v14, v16  }
0x2e9: {  	s30 =	simm.s32 $0x7;
	v13 =	vmul.f32 v13, v6;
	v16 =	vld [tilespmem:s14+$0xFFFFFF60]  }
0x2ea: {  	v26 =	vmov s30;
	v33 =	vld [tilespmem:s1+$0xFFFFFF50];
	[tilespmem:s22+$0xFFFFFF90] =	vst v10;
	v10 =	vmul.f32 v14, v7  }
0x2eb: {  	s29 =	simm.s32 $0x6;
	[tilespmem:s22+$0xFFFFFF10] =	vst v13;
	v13 =	vperm.xlane v8, v26;
	v14 =	vld.idx.msk [tilespmem:v21+s28+$0x0], $0xffff  }
0x2ec: {  	s26 =	simm.s32 $0x5;
	v24 =	vmov s29;
	[tilespmem:s22+$0xFFFFFFD0] =	vst v10;
	v22 =	vld.idx.msk [tilespmem:v12+s28+$0x0], $0xffff  }
0x2ed: {  	v23 =	vmov s26;
	v34 =	vadd.s32 v0, v13;
	v10 =	vperm.xlane v8, v24;
	v17 =	vld.idx.msk [tilespmem:v17+s28+$0x0], $0xffff  }
0x2ee: {  	v25 =	vadd.s32 v2, v15;
	v11 =	vmul.f32 v11, v16;
	v12 =	vperm.xlane v8, v23;
	v16 =	vld [tilespmem:s14+$0xFFFFFFA0]  }
0x2ef: {  	s31 =	simm.s32 $0x4;
	v29 =	vld [tilespmem:s14+$0xFFFFFFE0];
	v32 =	vadd.s32 v0, v10  }
0x2f0: {  	v27 =	vmov s31;
	v21 =	vld [tilespmem:s14+$0xFFFFFF20];
	v28 =	vadd.s32 v0, v12;
	v30 =	vmul.f32 v11, v5  }
0x2f1: {  	v35 =	vld [tilespmem:s1+$0xFFFFFF90];
	v11 =	vperm.xlane v8, v27  }
0x2f2: {  	v34 =	vld.idx.msk [tilespmem:v34+s28+$0x0], $0xffff;
	[tilespmem:s22+$0xFFFFFF60] =	vst v30  }
0x2f3: {  	v30 =	vadd.s32 v0, v11;
	v25 =	vld.idx.msk [tilespmem:v25+s28+$0x0], $0xffff;
	v14 =	vmul.f32 v14, v16  }
0x2f4: {  	v56 =	vadd.s32 v2, v20;
	v17 =	vmul.f32 v17, v29;
	v29 =	vld.idx.msk [tilespmem:v32+s28+$0x0], $0xffff  }
0x2f5: {  	v36 =	vadd.s32 v2, v18;
	v21 =	vmul.f32 v22, v21;
	v28 =	vld.idx.msk [tilespmem:v28+s28+$0x0], $0xffff;
	v14 =	vmul.f32 v14, v4  }
0x2f6: {  	v37 =	vld [tilespmem:s14+$0xFFFFFF70];
	v16 =	vmul.f32 v17, v7  }
0x2f7: {  	v60 =	vadd.s32 v3, v15;
	v22 =	vld [tilespmem:s1+$0xFFFFFFD0];
	[tilespmem:s22+$0xFFFFFFA0] =	vst v14;
	v14 =	vmul.f32 v21, v6  }
0x2f8: {  	v15 =	vperm.xlane v9, v27;
	v17 =	vld.idx.msk [tilespmem:v30+s28+$0x0], $0xffff;
	v30 =	vadd.s32 v2, v19;
	[tilespmem:s22+$0xFFFFFFE0] =	vst v16  }
0x2f9: {  	v21 =	vld.idx.msk [tilespmem:v56+s28+$0x0], $0xffff;
	[tilespmem:s22+$0xFFFFFF20] =	vst v14;
	v14 =	vperm.xlane v9, v24;
	v29 =	vmul.f32 v29, v35  }
0x2fa: {  	v58 =	vadd.s32 v1, v10;
	v16 =	vperm.xlane v9, v23;
	v57 =	vld.idx.msk [tilespmem:v36+s28+$0x0], $0xffff;
	v23 =	vmul.f32 v28, v33  }
0x2fb: {  	v25 =	vmul.f32 v25, v37;
	v24 =	vld [tilespmem:s14+$0xFFFFFFF0];
	v27 =	vmul.f32 v29, v14  }
0x2fc: {  	s0 =	sadd.s32 $0x100, s22;
	v28 =	vadd.s32 v1, v12;
	v59 =	vld [tilespmem:s14+$0xFFFFFF30];
	v23 =	vmul.f32 v23, v16  }
0x2fd: {  	v25 =	vmul.f32 v25, v5;
	v29 =	vld [tilespmem:s14+$0xFFFFFFB0];
	[tilespmem:s0+$0xFFFFFF90] =	vst v27  }
0x2fe: {  	v30 =	vld.idx.msk [tilespmem:v30+s28+$0x0], $0xffff;
	[tilespmem:s0+$0xFFFFFF50] =	vst v23;
	v23 =	vmul.f32 v17, v31  }
0x2ff: {  	[tilespmem:s22+$0xFFFFFF70] =	vst v25;
	v17 =	vperm.xlane v9, v26;
	v26 =	vmul.f32 v34, v22;
	v22 =	vld.idx.msk [tilespmem:v58+s28+$0x0], $0xffff  }
0x300: {  	v24 =	vmul.f32 v21, v24;
	v21 =	vld.idx.msk [tilespmem:v60+s28+$0x0], $0xffff  }
0x301: {  	v27 =	vadd.s32 v1, v11;
	v31 =	vld.idx.msk [tilespmem:v28+s28+$0x0], $0xffff  }
0x302: {  	v62 =	vadd.s32 v1, v13;
	v61 =	vld [tilespmem:s1+$0xFFFFFF60];
	v23 =	vmul.f32 v23, v15  }
0x303: {  	v25 =	vmul.f32 v26, v17;
	v26 =	vmul.f32 v30, v59;
	v30 =	vld [tilespmem:s1+$0xFFFFFFA0]  }
0x304: {  	v63 =	vadd.s32 v3, v20;
	[tilespmem:s0+$0xFFFFFF10] =	vst v23;
	v23 =	vld [tilespmem:s14+$0xFFFFFF80]  }
0x305: {  	v24 =	vmul.f32 v24, v7;
	v20 =	vmul.f32 v57, v29;
	v28 =	vld [tilespmem:s1+$0xFFFFFF20]  }
0x306: {  	[tilespmem:s0+$0xFFFFFFD0] =	vst v25;
	v29 =	vld.idx.msk [tilespmem:v27+s28+$0x0], $0xffff;
	v26 =	vmul.f32 v26, v6  }
0x307: {  	[tilespmem:s22+$0xFFFFFFF0] =	vst v24;
	v24 =	vmul.f32 v20, v4;
	v25 =	vld.idx.msk [tilespmem:v62+s28+$0x0], $0xffff;
	v31 =	vmul.f32 v31, v61  }
0x308: {  	v20 =	vld [tilespmem:s14+$0x0];
	[tilespmem:s22+$0xFFFFFF30] =	vst v26;
	v26 =	vadd.s32 v3, v19  }
0x309: {  	s6 =	simm.s32 $0x8;
	s2 =	smov.u32 s1;
	v27 =	vadd.s32 v3, v18;
	[tilespmem:s22+$0xFFFFFFB0] =	vst v24;
	v24 =	vld.idx.msk [tilespmem:v63+s28+$0x0], $0xffff;
	v19 =	vmul.f32 v31, v16  }
.LBB2_17:
0x30a: {  	s3 =	sadd.s32 $0x1, s6  }
0x30b: {  	v31 =	vmov s6;
	s1 =	sadd.s32 $0x100, s1;
	v21 =	vmul.f32 v21, v23;
	v23 =	vld [tilespmem:s14+$0xFFFFFFC0];
	s7 =	smov.u32 s6;
	s5 =	sadd.s32 $0x4, s6  }
0x30c: {  	p3 =	slt.u32 s6, $0xC;
	v28 =	vmul.f32 v29, v28;
	v18 =	vperm.xlane v8, v31;
	v32 =	vmov s3;
	s3 =	sadd.s32 $0x2, s7;
	[tilespmem:s0+$0xFFFFFF60] =	vst v19;
	v29 =	vld [tilespmem:s14+$0xFFFFFF40];
	s14 =	smov.u32 s2  }
0x30d: {  	v35 =	vadd.s32 v2, v12;
	s2 =	smov.u32 s1;
	v33 =	vperm.xlane v8, v32;
	v34 =	vmov s3;
	s3 =	sadd.s32 $0x3, s7;
	v26 =	vld.idx.msk [tilespmem:v26+s28+$0x0], $0xffff  }
0x30e: {  	v21 =	vmul.f32 v21, v5;
	v5 =	vmovc v16;
	v19 =	vperm.xlane v8, v34;
	v36 =	vmov s3;
	v27 =	vld.idx.msk [tilespmem:v27+s28+$0x0], $0xffff  }
0x30f: {  	v22 =	vmul.f32 v22, v30;
	v16 =	vadd.s32 v0, v33;
	v37 =	vperm.xlane v8, v36;
	v30 =	vld [tilespmem:s14+$0xFFFFFFE0]  }
0x310: {  	v28 =	vmul.f32 v28, v15;
	v38 =	vld [tilespmem:s1+$0xFFFFFF10];
	v39 =	vadd.s32 v0, v19;
	[tilespmem:s22+$0xFFFFFF80] =	vst v21  }
0x311: {  	v20 =	vmul.f32 v24, v20;
	v22 =	vmul.f32 v22, v14;
	v21 =	vld [tilespmem:s1+$0xFFFFFF50];
	v40 =	vadd.s32 v0, v37  }
0x312: {  	v24 =	vadd.s32 v0, v18;
	v41 =	vld [tilespmem:s1+$0xFFFFFF90];
	[tilespmem:s0+$0xFFFFFF20] =	vst v28  }
0x313: {  	v20 =	vmul.f32 v20, v7;
	v7 =	vmov v17;
	v28 =	vld.idx.msk [tilespmem:v35+s28+$0x0], $0xffff;
	[tilespmem:s0+$0xFFFFFFA0] =	vst v22;
	v22 =	vmul.f32 v26, v29  }
0x314: {  	v23 =	vmul.f32 v27, v23;
	v17 =	vld.idx.msk [tilespmem:v16+s28+$0x0], $0xffff;
	v16 =	vmul.f32 v25, v30  }
0x315: {  	v26 =	vadd.s32 v2, v13;
	v25 =	vld.idx.msk [tilespmem:v39+s28+$0x0], $0xffff;
	v22 =	vmul.f32 v22, v6;
	[tilespmem:s22+$0x0] =	vst v20;
	v6 =	vmov v15  }
0x316: {  	v27 =	vadd.s32 v2, v10;
	v15 =	vmul.f32 v23, v4;
	v20 =	vld.idx.msk [tilespmem:v40+s28+$0x0], $0xffff;
	v16 =	vmul.f32 v16, v7  }
0x317: {  	v4 =	vmov v14;
	v23 =	vld.idx.msk [tilespmem:v24+s28+$0x0], $0xffff;
	[tilespmem:s22+$0xFFFFFF40] =	vst v22  }
0x318: {  	v24 =	vadd.s32 v2, v11;
	v22 =	vld [tilespmem:s1+$0xFFFFFFD0];
	[tilespmem:s22+$0xFFFFFFC0] =	vst v15;
	s22 =	smov.u32 s0  }
0x319: {  	v15 =	vperm.xlane v9, v31;
	v29 =	vld [tilespmem:s14+$0xFFFFFF70];
	[tilespmem:s0+$0xFFFFFFE0] =	vst v16  }
0x31a: {  	v16 =	vperm.xlane v9, v32;
	v17 =	vmul.f32 v17, v21;
	v21 =	vld.idx.msk [tilespmem:v26+s28+$0x0], $0xffff  }
0x31b: {  	v14 =	vperm.xlane v9, v34;
	v26 =	vadd.s32 v1, v33;
	v25 =	vmul.f32 v25, v41;
	v27 =	vld.idx.msk [tilespmem:v27+s28+$0x0], $0xffff  }
0x31c: {  	s0 =	sadd.s32 $0x100, s0;
	v30 =	vmul.f32 v17, v16;
	v17 =	vperm.xlane v9, v36;
	v31 =	vld [tilespmem:s14+$0xFFFFFFF0]  }
0x31d: {  	v32 =	vadd.s32 v1, v19;
	v23 =	vmul.f32 v23, v38;
	v25 =	vmul.f32 v25, v14;
	v24 =	vld.idx.msk [tilespmem:v24+s28+$0x0], $0xffff  }
0x31e: {  	v20 =	vmul.f32 v20, v22;
	[tilespmem:s0+$0xFFFFFF50] =	vst v30;
	v30 =	vld [tilespmem:s14+$0xFFFFFF30];
	v22 =	vmul.f32 v28, v29;
	v28 =	vadd.s32 v3, v12  }
0x31f: {  	v23 =	vmul.f32 v23, v15;
	v12 =	vmov v33;
	[tilespmem:s0+$0xFFFFFF90] =	vst v25;
	v25 =	vld [tilespmem:s14+$0xFFFFFFB0]  }
0x320: {  	v20 =	vmul.f32 v20, v17;
	v26 =	vld.idx.msk [tilespmem:v26+s28+$0x0], $0xffff;
	v29 =	vmul.f32 v22, v5  }
0x321: {  	v33 =	vadd.s32 v1, v18;
	[tilespmem:s0+$0xFFFFFF10] =	vst v23;
	v34 =	vld [tilespmem:s1+$0xFFFFFF60]  }
0x322: {  	v22 =	vld.idx.msk [tilespmem:v32+s28+$0x0], $0xffff;
	v32 =	vadd.s32 v1, v37;
	[tilespmem:s22+$0xFFFFFF70] =	vst v29;
	v29 =	vmul.f32 v21, v31  }
0x323: {  	v24 =	vmul.f32 v24, v30;
	v21 =	vld.idx.msk [tilespmem:v28+s28+$0x0], $0xffff  }
0x324: {  	[tilespmem:s0+$0xFFFFFFD0] =	vst v20;
	v23 =	vld [tilespmem:s14+$0xFFFFFF80];
	v20 =	vmul.f32 v27, v25;
	v25 =	vmul.f32 v29, v7  }
0x325: {  	v31 =	vadd.s32 v3, v13;
	v13 =	vmov v37;
	v28 =	vld [tilespmem:s1+$0xFFFFFF20];
	v24 =	vmul.f32 v24, v6  }
.Ltmp8:
0x326: {  	v29 =	vld.idx.msk [tilespmem:v33+s28+$0x0], $0xffff;
	v20 =	vmul.f32 v20, v4;
	[tilespmem:s22+$0xFFFFFFF0] =	vst v25;
	(pc) =	sbr.rel @p3 .LBB2_17-.Ltmp8, $4  }
0x327: {  	v25 =	vld.idx.msk [tilespmem:v32+s28+$0x0], $0xffff;
	[tilespmem:s22+$0xFFFFFF30] =	vst v24  }
0x328: {  	v24 =	vmul.f32 v26, v34;
	v26 =	vadd.s32 v3, v11;
	v11 =	vmov v18;
	[tilespmem:s22+$0xFFFFFFB0] =	vst v20;
	v20 =	vld [tilespmem:s14+$0x0]  }
0x329: {  	v27 =	vadd.s32 v3, v10;
	v10 =	vmov v19;
	v30 =	vld [tilespmem:s1+$0xFFFFFFA0]  }
0x32a: {  	s6 =	smov.u32 s5;
	v19 =	vmul.f32 v24, v16;
	v24 =	vld.idx.msk [tilespmem:v31+s28+$0x0], $0xffff  }
0x32b: {  	v8 =	vld [tilespmem:s2+$0xFFFFFFE0];
	_ =	sdelay $0x2  }
0x32c: {  	v9 =	vadd.s32 v2, v12;
	_ =	sdelay $0x1  }
0x32d: {  	v18 =	vadd.s32 v2, v13;
	v8 =	vmul.f32 v25, v8  }
0x32e: {  	[tilespmem:s0+$0xFFFFFF60] =	vst v19;
	v22 =	vmul.f32 v22, v30;
	v25 =	vadd.s32 v2, v10  }
0x32f: {  	v19 =	vmul.f32 v29, v28;
	v29 =	vld [tilespmem:s2+$0xFFFFFF70];
	v8 =	vmul.f32 v8, v17  }
0x330: {  	v22 =	vmul.f32 v22, v14;
	v9 =	vld.idx.msk [tilespmem:v9+s28+$0x0], $0xffff  }
0x331: {  	[tilespmem:s0+$0xFFFFFFE0] =	vst v8  }
0x332: {  	v28 =	vadd.s32 v2, v11;
	[tilespmem:s0+$0xFFFFFFA0] =	vst v22;
	v18 =	vld.idx.msk [tilespmem:v18+s28+$0x0], $0xffff  }
0x333: {  	v8 =	vmul.f32 v19, v15;
	v19 =	vld.idx.msk [tilespmem:v25+s28+$0x0], $0xffff  }
0x334: {  	v25 =	vld [tilespmem:s2+$0xFFFFFFB0]  }
0x335: {  	v12 =	vadd.s32 v3, v12;
	v9 =	vmul.f32 v9, v29;
	[tilespmem:s0+$0xFFFFFF20] =	vst v8;
	v8 =	vld [tilespmem:s2+$0xFFFFFFF0]  }
0x336: {  	v30 =	vld [tilespmem:s14+$0xFFFFFF40]  }
0x337: {  	v22 =	vld.idx.msk [tilespmem:v28+s28+$0x0], $0xffff;
	v9 =	vmul.f32 v9, v16  }
0x338: {  	v28 =	vld [tilespmem:s2+$0xFFFFFF30]  }
0x339: {  	v10 =	vadd.s32 v3, v10;
	v29 =	vld [tilespmem:s14+$0xFFFFFFC0];
	[tilespmem:s0+$0xFFFFFF70] =	vst v9;
	v9 =	vmul.f32 v19, v25  }
0x33a: {  	v12 =	vld.idx.msk [tilespmem:v12+s28+$0x0], $0xffff;
	v8 =	vmul.f32 v18, v8  }
0x33b: {  	v13 =	vadd.s32 v3, v13;
	v18 =	vld.idx.msk [tilespmem:v26+s28+$0x0], $0xffff;
	v9 =	vmul.f32 v9, v14  }
0x33c: {  	v26 =	vld.idx.msk [tilespmem:v27+s28+$0x0], $0xffff;
	v8 =	vmul.f32 v8, v17  }
0x33d: {  	v19 =	vmul.f32 v22, v28;
	v22 =	vld [tilespmem:s2+$0xFFFFFF80];
	[tilespmem:s0+$0xFFFFFFB0] =	vst v9  }
0x33e: {  	[tilespmem:s0+$0xFFFFFFF0] =	vst v8;
	v8 =	vadd.s32 v3, v11;
	v10 =	vld.idx.msk [tilespmem:v10+s28+$0x0], $0xffff  }
0x33f: {  	v11 =	vmul.f32 v19, v15;
	v19 =	vld [tilespmem:s2+$0x0]  }
0x340: {  	v20 =	vmul.f32 v24, v20;
	v9 =	vld.idx.msk [tilespmem:v13+s28+$0x0], $0xffff;
	v13 =	vmul.f32 v21, v23  }
0x341: {  	[tilespmem:s0+$0xFFFFFF30] =	vst v11;
	v11 =	vld [tilespmem:s2+$0xFFFFFFC0]  }
0x342: {  	v7 =	vmul.f32 v20, v7;
	v21 =	vld [tilespmem:s2+$0xFFFFFF40];
	v5 =	vmul.f32 v13, v5  }
0x343: {  	v13 =	vmul.f32 v18, v30;
	v18 =	vmul.f32 v26, v29;
	v8 =	vld.idx.msk [tilespmem:v8+s28+$0x0], $0xffff;
	_ =	sdelay $0x1  }
0x344: {  	[tilespmem:s22+$0x0] =	vst v7;
	v4 =	vmul.f32 v18, v4;
	v7 =	vmul.f32 v9, v19  }
0x345: {  	[tilespmem:s22+$0xFFFFFF80] =	vst v5;
	v5 =	vmul.f32 v13, v6;
	v6 =	vmul.f32 v12, v22  }
0x346: {  	[tilespmem:s22+$0xFFFFFFC0] =	vst v4;
	v4 =	vmul.f32 v7, v17;
	v7 =	vmul.f32 v10, v11  }
0x347: {  	[tilespmem:s22+$0xFFFFFF40] =	vst v5;
	v5 =	vmul.f32 v6, v16;
	v6 =	vmul.f32 v8, v21  }
0x348: {  	[tilespmem:s0+$0x0] =	vst v4;
	v4 =	vmul.f32 v7, v14  }
0x349: {  	[tilespmem:s0+$0xFFFFFF80] =	vst v5;
	v5 =	vmul.f32 v6, v15  }
0x34a: {  	[tilespmem:s0+$0xFFFFFFC0] =	vst v4  }
0x34b: {  	[tilespmem:s0+$0xFFFFFF40] =	vst v5  }
0x34c: {  	v4 =	vld [tilespmem:s25+$0x9880];
	_ =	sdelay $0x3  }
0x34d: {  	s22 =	simm.s32 $0x1  }
0x34e: {  	v8 =	vshll.u32 v4, $0x6;
	v4 =	vmov s22  }
0x34f: {  	v15 =	vperm.xlane v8, v4  }
0x350: {  	s23 =	simm.s32 $0x2  }
0x351: {  	s1 =	simm.s32 $0x0;
	v6 =	vmov s23;
	v5 =	vadd.s32 v0, v15  }
0x352: {  	v7 =	vmov s1;
	s25 =	simm.s32 $0x3;
	v18 =	vperm.xlane v8, v6  }
0x353: {  	v10 =	vmov s25;
	v19 =	vperm.xlane v8, v7  }
0x354: {  	v9 =	vld [tilespmem:s24+$0xADC0];
	v20 =	vperm.xlane v8, v10;
	v11 =	vadd.s32 v0, v18  }
0x355: {  	v12 =	vld [tilespmem:s21+$0xFFFFFF50];
	v13 =	vadd.s32 v0, v19  }
0x356: {  	v14 =	vadd.s32 v0, v20;
	v16 =	vld.idx.msk [tilespmem:v5+s28+$0x0], $0xffff  }
0x357: {  	v17 =	vld [tilespmem:s21+$0xFFFFFF10]  }
0x358: {  	v21 =	vld [tilespmem:s21+$0xFFFFFF90]  }
0x359: {  	v11 =	vld.idx.msk [tilespmem:v11+s28+$0x0], $0xffff  }
0x35a: {  	v13 =	vld.idx.msk [tilespmem:v13+s28+$0x0], $0xffff  }
0x35b: {  	v14 =	vld.idx.msk [tilespmem:v14+s28+$0x0], $0xffff;
	v5 =	vperm.xlane v9, v4;
	v4 =	vmul.f32 v16, v12;
	v12 =	vadd.s32 v1, v15  }
0x35c: {  	v16 =	vld [tilespmem:s21+$0xFFFFFFD0]  }
0x35d: {  	v22 =	vmul.f32 v4, v5  }
0x35e: {  	v11 =	vmul.f32 v11, v21;
	v4 =	vperm.xlane v9, v6  }
0x35f: {  	v21 =	vadd.s32 v1, v18;
	v13 =	vmul.f32 v13, v17;
	v6 =	vperm.xlane v9, v7;
	[tilespmem:s20+$0xFFFFFF50] =	vst v22  }
0x360: {  	s1 =	sadd.s32 $0x100, s21;
	v7 =	vperm.xlane v9, v10;
	v10 =	vmul.f32 v11, v4;
	v11 =	vld.idx.msk [tilespmem:v12+s28+$0x0], $0xffff;
	v12 =	vadd.s32 v1, v19  }
0x361: {  	v31 =	vld [tilespmem:s1+$0xFFFFFF10];
	v17 =	vadd.s32 v1, v20;
	v14 =	vmul.f32 v14, v16  }
0x362: {  	s30 =	simm.s32 $0x7;
	v13 =	vmul.f32 v13, v6;
	v16 =	vld [tilespmem:s21+$0xFFFFFF60]  }
0x363: {  	v26 =	vmov s30;
	v33 =	vld [tilespmem:s1+$0xFFFFFF50];
	[tilespmem:s20+$0xFFFFFF90] =	vst v10;
	v10 =	vmul.f32 v14, v7  }
0x364: {  	s29 =	simm.s32 $0x6;
	[tilespmem:s20+$0xFFFFFF10] =	vst v13;
	v13 =	vperm.xlane v8, v26;
	v14 =	vld.idx.msk [tilespmem:v21+s28+$0x0], $0xffff  }
0x365: {  	s26 =	simm.s32 $0x5;
	v24 =	vmov s29;
	[tilespmem:s20+$0xFFFFFFD0] =	vst v10;
	v22 =	vld.idx.msk [tilespmem:v12+s28+$0x0], $0xffff  }
0x366: {  	v23 =	vmov s26;
	v34 =	vadd.s32 v0, v13;
	v10 =	vperm.xlane v8, v24;
	v17 =	vld.idx.msk [tilespmem:v17+s28+$0x0], $0xffff  }
0x367: {  	v25 =	vadd.s32 v2, v15;
	v11 =	vmul.f32 v11, v16;
	v12 =	vperm.xlane v8, v23;
	v16 =	vld [tilespmem:s21+$0xFFFFFFA0]  }
0x368: {  	s31 =	simm.s32 $0x4;
	v29 =	vld [tilespmem:s21+$0xFFFFFFE0];
	v32 =	vadd.s32 v0, v10  }
0x369: {  	v27 =	vmov s31;
	v21 =	vld [tilespmem:s21+$0xFFFFFF20];
	v28 =	vadd.s32 v0, v12;
	v30 =	vmul.f32 v11, v5  }
0x36a: {  	v35 =	vld [tilespmem:s1+$0xFFFFFF90];
	v11 =	vperm.xlane v8, v27  }
0x36b: {  	v34 =	vld.idx.msk [tilespmem:v34+s28+$0x0], $0xffff;
	[tilespmem:s20+$0xFFFFFF60] =	vst v30  }
0x36c: {  	v30 =	vadd.s32 v0, v11;
	v25 =	vld.idx.msk [tilespmem:v25+s28+$0x0], $0xffff;
	v14 =	vmul.f32 v14, v16  }
0x36d: {  	v56 =	vadd.s32 v2, v20;
	v17 =	vmul.f32 v17, v29;
	v29 =	vld.idx.msk [tilespmem:v32+s28+$0x0], $0xffff  }
0x36e: {  	v36 =	vadd.s32 v2, v18;
	v21 =	vmul.f32 v22, v21;
	v28 =	vld.idx.msk [tilespmem:v28+s28+$0x0], $0xffff;
	v14 =	vmul.f32 v14, v4  }
0x36f: {  	v37 =	vld [tilespmem:s21+$0xFFFFFF70];
	v16 =	vmul.f32 v17, v7  }
0x370: {  	v60 =	vadd.s32 v3, v15;
	v22 =	vld [tilespmem:s1+$0xFFFFFFD0];
	[tilespmem:s20+$0xFFFFFFA0] =	vst v14;
	v14 =	vmul.f32 v21, v6  }
0x371: {  	v15 =	vperm.xlane v9, v27;
	v17 =	vld.idx.msk [tilespmem:v30+s28+$0x0], $0xffff;
	v30 =	vadd.s32 v2, v19;
	[tilespmem:s20+$0xFFFFFFE0] =	vst v16  }
0x372: {  	v21 =	vld.idx.msk [tilespmem:v56+s28+$0x0], $0xffff;
	[tilespmem:s20+$0xFFFFFF20] =	vst v14;
	v14 =	vperm.xlane v9, v24;
	v29 =	vmul.f32 v29, v35  }
0x373: {  	v58 =	vadd.s32 v1, v10;
	v16 =	vperm.xlane v9, v23;
	v57 =	vld.idx.msk [tilespmem:v36+s28+$0x0], $0xffff;
	v23 =	vmul.f32 v28, v33  }
0x374: {  	v25 =	vmul.f32 v25, v37;
	v24 =	vld [tilespmem:s21+$0xFFFFFFF0];
	v27 =	vmul.f32 v29, v14  }
0x375: {  	s0 =	sadd.s32 $0x100, s20;
	v28 =	vadd.s32 v1, v12;
	v59 =	vld [tilespmem:s21+$0xFFFFFF30];
	v23 =	vmul.f32 v23, v16  }
0x376: {  	v25 =	vmul.f32 v25, v5;
	v29 =	vld [tilespmem:s21+$0xFFFFFFB0];
	[tilespmem:s0+$0xFFFFFF90] =	vst v27  }
0x377: {  	v30 =	vld.idx.msk [tilespmem:v30+s28+$0x0], $0xffff;
	[tilespmem:s0+$0xFFFFFF50] =	vst v23;
	v23 =	vmul.f32 v17, v31  }
0x378: {  	[tilespmem:s20+$0xFFFFFF70] =	vst v25;
	v17 =	vperm.xlane v9, v26;
	v26 =	vmul.f32 v34, v22;
	v22 =	vld.idx.msk [tilespmem:v58+s28+$0x0], $0xffff  }
0x379: {  	v24 =	vmul.f32 v21, v24;
	v21 =	vld.idx.msk [tilespmem:v60+s28+$0x0], $0xffff  }
0x37a: {  	v27 =	vadd.s32 v1, v11;
	v31 =	vld.idx.msk [tilespmem:v28+s28+$0x0], $0xffff  }
0x37b: {  	v62 =	vadd.s32 v1, v13;
	v61 =	vld [tilespmem:s1+$0xFFFFFF60];
	v23 =	vmul.f32 v23, v15  }
0x37c: {  	v25 =	vmul.f32 v26, v17;
	v26 =	vmul.f32 v30, v59;
	v30 =	vld [tilespmem:s1+$0xFFFFFFA0]  }
0x37d: {  	v63 =	vadd.s32 v3, v20;
	[tilespmem:s0+$0xFFFFFF10] =	vst v23;
	v23 =	vld [tilespmem:s21+$0xFFFFFF80]  }
0x37e: {  	v24 =	vmul.f32 v24, v7;
	v20 =	vmul.f32 v57, v29;
	v28 =	vld [tilespmem:s1+$0xFFFFFF20]  }
0x37f: {  	[tilespmem:s0+$0xFFFFFFD0] =	vst v25;
	v29 =	vld.idx.msk [tilespmem:v27+s28+$0x0], $0xffff;
	v26 =	vmul.f32 v26, v6  }
0x380: {  	[tilespmem:s20+$0xFFFFFFF0] =	vst v24;
	v24 =	vmul.f32 v20, v4;
	v25 =	vld.idx.msk [tilespmem:v62+s28+$0x0], $0xffff;
	v31 =	vmul.f32 v31, v61  }
0x381: {  	v20 =	vld [tilespmem:s21+$0x0];
	[tilespmem:s20+$0xFFFFFF30] =	vst v26;
	v26 =	vadd.s32 v3, v19  }
0x382: {  	s6 =	simm.s32 $0x8;
	s2 =	smov.u32 s1;
	v27 =	vadd.s32 v3, v18;
	[tilespmem:s20+$0xFFFFFFB0] =	vst v24;
	v24 =	vld.idx.msk [tilespmem:v63+s28+$0x0], $0xffff;
	v19 =	vmul.f32 v31, v16  }
.LBB2_19:
0x383: {  	s3 =	sadd.s32 $0x1, s6  }
0x384: {  	v31 =	vmov s6;
	s1 =	sadd.s32 $0x100, s1;
	v21 =	vmul.f32 v21, v23;
	v23 =	vld [tilespmem:s21+$0xFFFFFFC0];
	s7 =	smov.u32 s6;
	s5 =	sadd.s32 $0x4, s6  }
0x385: {  	p3 =	slt.u32 s6, $0xC;
	v28 =	vmul.f32 v29, v28;
	v18 =	vperm.xlane v8, v31;
	v32 =	vmov s3;
	s3 =	sadd.s32 $0x2, s7;
	[tilespmem:s0+$0xFFFFFF60] =	vst v19;
	v29 =	vld [tilespmem:s21+$0xFFFFFF40];
	s21 =	smov.u32 s2  }
0x386: {  	v35 =	vadd.s32 v2, v12;
	s2 =	smov.u32 s1;
	v33 =	vperm.xlane v8, v32;
	v34 =	vmov s3;
	s3 =	sadd.s32 $0x3, s7;
	v26 =	vld.idx.msk [tilespmem:v26+s28+$0x0], $0xffff  }
0x387: {  	v21 =	vmul.f32 v21, v5;
	v5 =	vmovc v16;
	v19 =	vperm.xlane v8, v34;
	v36 =	vmov s3;
	v27 =	vld.idx.msk [tilespmem:v27+s28+$0x0], $0xffff  }
0x388: {  	v22 =	vmul.f32 v22, v30;
	v16 =	vadd.s32 v0, v33;
	v37 =	vperm.xlane v8, v36;
	v30 =	vld [tilespmem:s21+$0xFFFFFFE0]  }
0x389: {  	v28 =	vmul.f32 v28, v15;
	v38 =	vld [tilespmem:s1+$0xFFFFFF10];
	v39 =	vadd.s32 v0, v19;
	[tilespmem:s20+$0xFFFFFF80] =	vst v21  }
0x38a: {  	v20 =	vmul.f32 v24, v20;
	v22 =	vmul.f32 v22, v14;
	v21 =	vld [tilespmem:s1+$0xFFFFFF50];
	v40 =	vadd.s32 v0, v37  }
0x38b: {  	v24 =	vadd.s32 v0, v18;
	v41 =	vld [tilespmem:s1+$0xFFFFFF90];
	[tilespmem:s0+$0xFFFFFF20] =	vst v28  }
0x38c: {  	v20 =	vmul.f32 v20, v7;
	v7 =	vmov v17;
	v28 =	vld.idx.msk [tilespmem:v35+s28+$0x0], $0xffff;
	[tilespmem:s0+$0xFFFFFFA0] =	vst v22;
	v22 =	vmul.f32 v26, v29  }
0x38d: {  	v23 =	vmul.f32 v27, v23;
	v17 =	vld.idx.msk [tilespmem:v16+s28+$0x0], $0xffff;
	v16 =	vmul.f32 v25, v30  }
0x38e: {  	v26 =	vadd.s32 v2, v13;
	v25 =	vld.idx.msk [tilespmem:v39+s28+$0x0], $0xffff;
	v22 =	vmul.f32 v22, v6;
	[tilespmem:s20+$0x0] =	vst v20;
	v6 =	vmov v15  }
0x38f: {  	v27 =	vadd.s32 v2, v10;
	v15 =	vmul.f32 v23, v4;
	v20 =	vld.idx.msk [tilespmem:v40+s28+$0x0], $0xffff;
	v16 =	vmul.f32 v16, v7  }
0x390: {  	v4 =	vmov v14;
	v23 =	vld.idx.msk [tilespmem:v24+s28+$0x0], $0xffff;
	[tilespmem:s20+$0xFFFFFF40] =	vst v22  }
0x391: {  	v24 =	vadd.s32 v2, v11;
	v22 =	vld [tilespmem:s1+$0xFFFFFFD0];
	[tilespmem:s20+$0xFFFFFFC0] =	vst v15;
	s20 =	smov.u32 s0  }
0x392: {  	v15 =	vperm.xlane v9, v31;
	v29 =	vld [tilespmem:s21+$0xFFFFFF70];
	[tilespmem:s0+$0xFFFFFFE0] =	vst v16  }
0x393: {  	v16 =	vperm.xlane v9, v32;
	v17 =	vmul.f32 v17, v21;
	v21 =	vld.idx.msk [tilespmem:v26+s28+$0x0], $0xffff  }
0x394: {  	v14 =	vperm.xlane v9, v34;
	v26 =	vadd.s32 v1, v33;
	v25 =	vmul.f32 v25, v41;
	v27 =	vld.idx.msk [tilespmem:v27+s28+$0x0], $0xffff  }
0x395: {  	s0 =	sadd.s32 $0x100, s0;
	v30 =	vmul.f32 v17, v16;
	v17 =	vperm.xlane v9, v36;
	v31 =	vld [tilespmem:s21+$0xFFFFFFF0]  }
0x396: {  	v32 =	vadd.s32 v1, v19;
	v23 =	vmul.f32 v23, v38;
	v25 =	vmul.f32 v25, v14;
	v24 =	vld.idx.msk [tilespmem:v24+s28+$0x0], $0xffff  }
0x397: {  	v20 =	vmul.f32 v20, v22;
	[tilespmem:s0+$0xFFFFFF50] =	vst v30;
	v30 =	vld [tilespmem:s21+$0xFFFFFF30];
	v22 =	vmul.f32 v28, v29;
	v28 =	vadd.s32 v3, v12  }
0x398: {  	v23 =	vmul.f32 v23, v15;
	v12 =	vmov v33;
	[tilespmem:s0+$0xFFFFFF90] =	vst v25;
	v25 =	vld [tilespmem:s21+$0xFFFFFFB0]  }
0x399: {  	v20 =	vmul.f32 v20, v17;
	v26 =	vld.idx.msk [tilespmem:v26+s28+$0x0], $0xffff;
	v29 =	vmul.f32 v22, v5  }
0x39a: {  	v33 =	vadd.s32 v1, v18;
	[tilespmem:s0+$0xFFFFFF10] =	vst v23;
	v34 =	vld [tilespmem:s1+$0xFFFFFF60]  }
0x39b: {  	v22 =	vld.idx.msk [tilespmem:v32+s28+$0x0], $0xffff;
	v32 =	vadd.s32 v1, v37;
	[tilespmem:s20+$0xFFFFFF70] =	vst v29;
	v29 =	vmul.f32 v21, v31  }
0x39c: {  	v24 =	vmul.f32 v24, v30;
	v21 =	vld.idx.msk [tilespmem:v28+s28+$0x0], $0xffff  }
0x39d: {  	[tilespmem:s0+$0xFFFFFFD0] =	vst v20;
	v23 =	vld [tilespmem:s21+$0xFFFFFF80];
	v20 =	vmul.f32 v27, v25;
	v25 =	vmul.f32 v29, v7  }
0x39e: {  	v31 =	vadd.s32 v3, v13;
	v13 =	vmov v37;
	v28 =	vld [tilespmem:s1+$0xFFFFFF20];
	v24 =	vmul.f32 v24, v6  }
.Ltmp9:
0x39f: {  	v29 =	vld.idx.msk [tilespmem:v33+s28+$0x0], $0xffff;
	v20 =	vmul.f32 v20, v4;
	[tilespmem:s20+$0xFFFFFFF0] =	vst v25;
	(pc) =	sbr.rel @p3 .LBB2_19-.Ltmp9, $4  }
0x3a0: {  	v25 =	vld.idx.msk [tilespmem:v32+s28+$0x0], $0xffff;
	[tilespmem:s20+$0xFFFFFF30] =	vst v24  }
0x3a1: {  	v24 =	vmul.f32 v26, v34;
	v26 =	vadd.s32 v3, v11;
	v11 =	vmov v18;
	[tilespmem:s20+$0xFFFFFFB0] =	vst v20;
	v20 =	vld [tilespmem:s21+$0x0]  }
0x3a2: {  	v27 =	vadd.s32 v3, v10;
	v10 =	vmov v19;
	v30 =	vld [tilespmem:s1+$0xFFFFFFA0]  }
0x3a3: {  	s6 =	smov.u32 s5;
	v19 =	vmul.f32 v24, v16;
	v24 =	vld.idx.msk [tilespmem:v31+s28+$0x0], $0xffff  }
0x3a4: {  	v8 =	vld [tilespmem:s2+$0xFFFFFFE0];
	v9 =	vadd.s32 v2, v12  }
0x3a5: {  	v34 =	vmul.f32 v29, v28;
	v35 =	vadd.s32 v2, v11;
	_ =	sdelay $0x1  }
0x3a6: {  	v33 =	vadd.s32 v2, v10;
	[tilespmem:s0+$0xFFFFFF60] =	vst v19;
	v37 =	vmul.f32 v34, v15;
	v22 =	vmul.f32 v22, v30  }
0x3a7: {  	v18 =	vadd.s32 v2, v13;
	v36 =	vld [tilespmem:s2+$0xFFFFFF70]  }
0x3a8: {  	[tilespmem:s0+$0xFFFFFF20] =	vst v37;
	v8 =	vmul.f32 v25, v8;
	v22 =	vmul.f32 v22, v14;
	v9 =	vld.idx.msk [tilespmem:v9+s28+$0x0], $0xffff  }
0x3a9: {  	v40 =	vld.idx.msk [tilespmem:v35+s28+$0x0], $0xffff  }
0x3aa: {  	v42 =	vld [tilespmem:s2+$0xFFFFFF30];
	v8 =	vmul.f32 v8, v17;
	[tilespmem:s0+$0xFFFFFFA0] =	vst v22  }
0x3ab: {  	v38 =	vld.idx.msk [tilespmem:v33+s28+$0x0], $0xffff  }
0x3ac: {  	v41 =	vld [tilespmem:s2+$0xFFFFFFB0];
	[tilespmem:s0+$0xFFFFFFE0] =	vst v8  }
0x3ad: {  	v18 =	vld.idx.msk [tilespmem:v18+s28+$0x0], $0xffff  }
0x3ae: {  	v39 =	vld [tilespmem:s2+$0xFFFFFFF0]  }
0x3af: {  	v43 =	vadd.s32 v3, v12;
	v9 =	vmul.f32 v9, v36  }
0x3b0: {  	v44 =	vld [tilespmem:s21+$0xFFFFFFC0]  }
0x3b1: {  	v45 =	vld [tilespmem:s21+$0xFFFFFF40];
	v22 =	vmul.f32 v40, v42;
	v9 =	vmul.f32 v9, v16  }
0x3b2: {  	v26 =	vld.idx.msk [tilespmem:v26+s28+$0x0], $0xffff;
	v47 =	vmul.f32 v38, v41  }
0x3b3: {  	v48 =	vld.idx.msk [tilespmem:v27+s28+$0x0], $0xffff;
	v51 =	vmul.f32 v22, v15;
	[tilespmem:s0+$0xFFFFFF70] =	vst v9;
	v8 =	vmul.f32 v18, v39  }
0x3b4: {  	v46 =	vadd.s32 v3, v13;
	v12 =	vld.idx.msk [tilespmem:v43+s28+$0x0], $0xffff;
	v9 =	vmul.f32 v47, v14  }
0x3b5: {  	v50 =	vadd.s32 v3, v11;
	[tilespmem:s0+$0xFFFFFF30] =	vst v51;
	v49 =	vld [tilespmem:s2+$0xFFFFFF80];
	v8 =	vmul.f32 v8, v17  }
0x3b6: {  	v53 =	vadd.s32 v3, v10;
	v57 =	vld [tilespmem:s2+$0xFFFFFF40];
	[tilespmem:s0+$0xFFFFFFB0] =	vst v9  }
0x3b7: {  	v55 =	vld [tilespmem:s2+$0xFFFFFFC0];
	[tilespmem:s0+$0xFFFFFFF0] =	vst v8  }
0x3b8: {  	v52 =	vld [tilespmem:s2+$0x0]  }
0x3b9: {  	v56 =	vmul.f32 v21, v23;
	v54 =	vld.idx.msk [tilespmem:v46+s28+$0x0], $0xffff  }
0x3ba: {  	v20 =	vmul.f32 v24, v20;
	v8 =	vld.idx.msk [tilespmem:v50+s28+$0x0], $0xffff  }
0x3bb: {  	v5 =	vmul.f32 v56, v5;
	v58 =	vmul.f32 v26, v45;
	v10 =	vld.idx.msk [tilespmem:v53+s28+$0x0], $0xffff  }
0x3bc: {  	v59 =	vmul.f32 v48, v44;
	v7 =	vmul.f32 v20, v7  }
0x3bd: {  	[tilespmem:s20+$0xFFFFFF80] =	vst v5;
	v5 =	vmul.f32 v58, v6;
	v60 =	vmul.f32 v12, v49  }
0x3be: {  	v4 =	vmul.f32 v59, v4;
	[tilespmem:s20+$0x0] =	vst v7;
	v61 =	vmul.f32 v54, v52  }
0x3bf: {  	[tilespmem:s20+$0xFFFFFF40] =	vst v5;
	v5 =	vmul.f32 v60, v16;
	v62 =	vmul.f32 v8, v57  }
0x3c0: {  	s1 =	smul.u32 $0x5000, s16;
	[tilespmem:s20+$0xFFFFFFC0] =	vst v4;
	v63 =	vmul.f32 v10, v55;
	v4 =	vmul.f32 v61, v17  }
0x3c1: {  	s31 =	rddreg [dreg:$0x6];
	s15 =	sadd.s32 $0x1, s15;
	[tilespmem:s0+$0xFFFFFF80] =	vst v5;
	v5 =	vmul.f32 v62, v15  }
0x3c2: {  	s3 =	simm.s32 $0x50;
	p3 =	sne.s32 s15, $0xFA;
	s1 =	sshrl.u32 s1, $0x2;
	[tilespmem:s0+$0x0] =	vst v4;
	v4 =	vmul.f32 v63, v14  }
.Ltmp10:
0x3c3: {  	s12 =	sadd.s32 $0x1, s12;
	s30 =	sadd.s32 $0xFE60, s1;
	[tilespmem:s0+$0xFFFFFF40] =	vst v5;
	(pc) =	sbr.rel @p3 .LBB2_4-.Ltmp10, $4  }
.Ltmp11:
0x3c4: {  	s1 =	sor.u32 $0x6, s16;
	s2 =	rddreg [dreg:$0x7];
	[tilespmem:s0+$0xFFFFFFC0] =	vst v4;
	(pc) =	sbr.rel @!p3 .LBB2_21-.Ltmp11, $4  }
0x3c5: {  	[spmem:s31] =	stream.indirect.scatter.add.f32 [tilespmem:s30], [sflag:s1], $0x40, s19, s3, $0xb8;
	[tilespmem:$0x1C8E0] =	vst v63  }
0x3c6: {  	p2 =	por !p2, !p2;
	s0 =	simm.s32 @!p1 $0x50;
	s3 =	rddreg [dreg:$0x1e]  }
0x3c7: {  	[spmem:s2] =	stream.indirect.scatter.add.f32 @!p1 [tilespmem:s3], [sflag:s1], $0x1, s19, s0, $0xb8;
	[tilespmem:$0x1C8E0] =	vst v63  }
0x3c8: {  	_ = 	snop  }
.LBB2_8:
0x3c9: {  	p3 =	sgt.u32 s15, $0xF6  }
.Ltmp12:
0x3ca: {  	_ = 	snop;
	(pc) =	sbr.rel @p3 .LBB2_10-.Ltmp12, $4  }
.Ltmp13:
0x3cb: {  	_ = 	snop;
	(pc) =	sbr.rel @!p3 .LBB2_9-.Ltmp13, $4  }
0x3cc: {  	_ = 	snop  }
0x3cd: {  	_ = 	snop  }
0x3ce: {  	_ = 	snop  }
0x3cf: {  	_ = 	snop  }
.LBB2_22:
0x3d0: {  	_ =	sfence.sel $0x180000  }
0x3d1: {  	[bflag:$0x0] =	sbarrier.arrive $0xFFFF  }
0x3d2: {  	_ =	strace $0x90000047  }
0x3d3: {  	s0 =	stileid.u32;
	[bflag:$0x2] =	sbarrier.arrive $0xFFFF  }
0x3d4: {  	p0 =	sne.s32 s0, $0x0;
	s0 =	rddreg [dreg:$0x8]  }
0x3d5: {  	s0 =	sadd.s32 @!p0 $0x100000, s0  }
0x3d6: {  	[sflag:s0] =	ssyncadd.tile.s32 @!p0 $0x1;
	_ =	shalt  }
.Lfunc_end2:
_tile_overlayer_lowered:
.L_overlay_start_2:
0x3d7: {  	(tag) =	ssettag $0x2  }
0x3d8: {  	s0 =	rddreg [dreg:$0x0];
	s2 =	stileid.u32  }
0x3d9: {  	s1 =	rddreg [dreg:$0x1];
	p0 =	sne.s32 s2, $0x0  }
0x3da: {  	s3 =	rddreg [dreg:$0x2];
	[bflag:$0x3] =	sbarrier.arrive $0xFFFF;
	s2 =	simm.s32 @!p0 $0x1C08  }
0x3db: {  	[timem:s3], [sflag:s2] =	dma.local @!p0 [hbm:s0], s1  }
0x3dc: {  	s0 =	simm.s32 @!p0 $0x8  }
0x3dd: {  	_ =	swait.ge @!p0 [sflag:s0], s1  }
0x3de: {  	s1 =	ssub.s32 @!p0 $0x0, s1;
	[sflag:s0] =	ssyncset.done @!p0 $0x0  }
0x3df: {  	[sflag:s0] =	ssyncadd.s32 @!p0 s1  }
0x3e0: {  	[bflag:$0x3] =	sbarrier.arrive $0xFFFF  }
0x3e1: {  	_ =	shalt  }

// kernel: kernel.9.cloned.1.call-start
scs
__scs_entry_jumppad:
0x0: {  	(pc) =	sbr.rel $0x88, $3  }
0x1: {  	(tag) =	ssettag $0x0;
	lr =	simm.s32 $0x1  }
0x2: {  	[smem:$0x3F8F] =	sst lr;
	_ =	strace $0xD0000000  }
0x3: {  	_ = 	snop  }
0x4: {  	_ = 	snop  }
0x5: {  	_ = 	snop  }
0x6: {  	_ = 	snop  }
0x7: {  	_ = 	snop  }
__scs_overlays_trampoline_lowered:
0x8: {  	[smem:$0x3F9E] =	sst s0  }
0x9: {  	[smem:$0x3F9F] =	sst s1  }
0xa: {  	[smem:$0x3FA0] =	sst s2  }
0xb: {  	[smem:$0x3FA1] =	sst s3  }
0xc: {  	[smem:$0x3FA2] =	sst s4  }
0xd: {  	[smem:$0x3FA3] =	sst s5  }
0xe: {  	[smem:$0x3FA4] =	sst s6  }
0xf: {  	[smem:$0x3FA5] =	sst s7  }
0x10: {  	[smem:$0x3FA6] =	sst s8  }
0x11: {  	[smem:$0x3FA7] =	sst s9;
	s0 =	simm.s32 @!p0 $0x0  }
0x12: {  	s1 =	sld [smem:$0x3F8D];
	s0 =	simm.s32 @p0 $0x1  }
0x13: {  	[smem:$0x3FA8] =	sst s0;
	s0 =	simm.s32 @!p1 $0x0  }
0x14: {  	s2 =	sld [smem:$0x3F8C];
	s0 =	simm.s32 @p1 $0x1  }
0x15: {  	[smem:$0x3FA9] =	sst s0;
	s0 =	simm.s32 @!p2 $0x0  }
0x16: {  	s3 =	sld [smem:$0x3FDB];
	s0 =	simm.s32 @p2 $0x1  }
0x17: {  	s4 =	simm.s32 $0x1BF5;
	[smem:$0x3FAB] =	sst s0  }
0x18: {  	s0 =	sld [smem:$0x3F8E];
	_ =	swait.ge [sflag:s4], $0x0  }
0x19: {  	s7 =	sld [smem:$0x3F8F]  }
0x1a: {  	s8 =	sadd.s32 $0xFFFFE003, lr  }
0x1b: {  	s9 =	sadd.s32 $0xFFFFFEF7, lr;
	s5 =	simm.s32 $0xFFFFFFFF;
	p2 =	slt.u32 s8, $0xFFFFF086  }
0x1c: {  	p1 =	slt.u32 s9, $0xF7A;
	s5 =	simm.s32 @!p2 $0x0  }
0x1d: {  	s5 =	simm.s32 @p1 $0x1;
	p0 =	seq.s32 s7, s2  }
0x1e: {  	s7 =	smul.u32 @!p0 $0xF7A, s2;
	p2 =	seq.s32 @!p0 s5, $0x0  }
0x1f: {  	s9 =	smul.u32 $0xF7A, s1;
	s8 =	simm.s32 @!p0 $0x1BF5;
	p2 =	por !p2, p0  }
0x20: {  	[sflag:s8] =	ssyncset.s32 @!p0 $0xFFFFF086;
	s6 =	sadd.s32 @!p0 s3, s7;
	s7 =	simm.s32 @!p0 $0x108  }
0x21: {  	s3 =	sadd.s32 s3, s9;
	s6 =	sadd.s32 @!p0 $0x88, s6;
	s7 =	simm.s32 @p2 $0x1082  }
0x22: {  	[simem:s7], [sflag:s8] =	dma.local @!p0 [hbm:s6], $0xF7A  }
0x23: {  	s9 =	sor.u32 $0xD0000000, s2;
	s6 =	simm.s32 $0x108;
	_ =	swait.ge @!p0 [sflag:s8], $0x0  }
0x24: {  	s3 =	sadd.s32 $0x88, s3;
	s6 =	simm.s32 @!p1 $0x1082;
	[sflag:s4] =	ssyncset.s32 $0xFFFFF086  }
0x25: {  	[simem:s6], [sflag:s4] =	dma.local [hbm:s3], $0xF7A  }
0x26: {  	[smem:$0x3F8F] =	sst s1;
	(tag) =	ssettag s2;
	_ =	strace s9  }
0x27: {  	s1 =	sld [smem:$0x3F9F]  }
0x28: {  	s2 =	sld [smem:$0x3FA0]  }
0x29: {  	s4 =	sld [smem:$0x3FA2]  }
0x2a: {  	p0 =	seq.s32 s5, $0x0;
	s5 =	sld [smem:$0x3FA3]  }
0x2b: {  	s6 =	sld [smem:$0x3FA4]  }
0x2c: {  	s7 =	sld [smem:$0x3FA5]  }
0x2d: {  	s3 =	simm.s32 $0x108;
	s8 =	sld [smem:$0x3FA6]  }
0x2e: {  	s3 =	simm.s32 @!p0 $0x1082;
	s9 =	sld [smem:$0x3FA7]  }
0x2f: {  	lr =	sadd.s32 s0, s3;
	s0 =	sld [smem:$0x3F9E]  }
0x30: {  	s3 =	sld [smem:$0x3FA1]  }
0x31: {  	[smem:$0x3FAA] =	sst s10  }
0x32: {  	s10 =	sld [smem:$0x3FA8];
	_ =	sdelay $0x3  }
0x33: {  	p0 =	seq.s32 s10, $0x1;
	s10 =	sld [smem:$0x3FAA];
	_ =	sdelay $0x3  }
0x34: {  	[smem:$0x3FAA] =	sst s10  }
0x35: {  	s10 =	sld [smem:$0x3FA9];
	_ =	sdelay $0x3  }
0x36: {  	p1 =	seq.s32 s10, $0x1;
	s10 =	sld [smem:$0x3FAA];
	_ =	sdelay $0x3  }
0x37: {  	[smem:$0x3FAA] =	sst s10  }
0x38: {  	s10 =	sld [smem:$0x3FAB]  }
0x39: {  	_ = 	snop;
	(pc) =	sbr.ind lr, $3  }
0x3a: {  	_ = 	snop  }
0x3b: {  	_ = 	snop  }
0x3c: {  	p2 =	seq.s32 s10, $0x1;
	s10 =	sld [smem:$0x3FAA]  }
0x3d: {  	_ =	shalt  }
0x3e: {  	_ =	shalt  }
0x3f: {  	_ =	shalt  }
0x40: {  	_ =	shalt  }
0x41: {  	_ =	shalt  }
0x42: {  	_ =	shalt  }
0x43: {  	_ =	shalt  }
0x44: {  	_ =	shalt  }
0x45: {  	_ =	shalt  }
0x46: {  	_ =	shalt  }
0x47: {  	_ =	shalt  }
0x48: {  	_ =	shalt  }
0x49: {  	_ =	shalt  }
0x4a: {  	_ =	shalt  }
0x4b: {  	_ =	shalt  }
0x4c: {  	_ =	shalt  }
0x4d: {  	_ =	shalt  }
0x4e: {  	_ =	shalt  }
0x4f: {  	_ =	shalt  }
0x50: {  	_ =	shalt  }
0x51: {  	_ =	shalt  }
0x52: {  	_ =	shalt  }
0x53: {  	_ =	shalt  }
0x54: {  	_ =	shalt  }
0x55: {  	_ =	shalt  }
0x56: {  	_ =	shalt  }
0x57: {  	_ =	shalt  }
0x58: {  	_ =	shalt  }
0x59: {  	_ =	shalt  }
0x5a: {  	_ =	shalt  }
0x5b: {  	_ =	shalt  }
0x5c: {  	_ =	shalt  }
0x5d: {  	_ =	shalt  }
0x5e: {  	_ =	shalt  }
0x5f: {  	_ =	shalt  }
0x60: {  	_ =	shalt  }
0x61: {  	_ =	shalt  }
0x62: {  	_ =	shalt  }
0x63: {  	_ =	shalt  }
0x64: {  	_ =	shalt  }
0x65: {  	_ =	shalt  }
0x66: {  	_ =	shalt  }
0x67: {  	_ =	shalt  }
0x68: {  	_ =	shalt  }
0x69: {  	_ =	shalt  }
0x6a: {  	_ =	shalt  }
0x6b: {  	_ =	shalt  }
0x6c: {  	_ =	shalt  }
0x6d: {  	_ =	shalt  }
0x6e: {  	_ =	shalt  }
0x6f: {  	_ =	shalt  }
0x70: {  	_ =	shalt  }
0x71: {  	_ =	shalt  }
0x72: {  	_ =	shalt  }
0x73: {  	_ =	shalt  }
0x74: {  	_ =	shalt  }
0x75: {  	_ =	shalt  }
0x76: {  	_ =	shalt  }
0x77: {  	_ =	shalt  }
0x78: {  	_ =	shalt  }
0x79: {  	_ =	shalt  }
0x7a: {  	_ =	shalt  }
0x7b: {  	_ =	shalt  }
0x7c: {  	_ =	shalt  }
0x7d: {  	_ =	shalt  }
0x7e: {  	_ =	shalt  }
0x7f: {  	_ =	shalt  }
0x80: {  	_ =	shalt  }
0x81: {  	_ =	shalt  }
0x82: {  	_ =	shalt  }
0x83: {  	_ =	shalt  }
0x84: {  	_ =	shalt  }
0x85: {  	_ =	shalt  }
0x86: {  	_ =	shalt  }
0x87: {  	_ =	shalt  }
.Lfunc_end0:
.L_simem_size_0:
called_computation.1_lowered:
.L_overlay_start_0:
0x88: {  	s2 =	sld [smem:$0x3FD9]  }
0x89: {  	s3 =	sld [smem:$0x3FFE];
	_ =	sdelay $0x1  }
0x8a: {  	s1 =	srdreg.scid  }
0x8b: {  	s0 =	sand.u32 $0x1, s1  }
0x8c: {  	s14 =	sshll.u32 s0, $0xA;
	s2 =	sadd.s32 s3, s2  }
0x8d: {  	s2 =	sadd.s32 s2, s14  }
0x8e: {  	[smem:$0x3FB6] =	sst s2  }
0x8f: {  	_ = 	snop  }
0x90: {  	s2 =	sld [smem:$0x3FD0];
	_ =	sdelay $0x1  }
0x91: {  	s15 =	sld [smem:$0x3FC7]  }
0x92: {  	s5 =	simm.s32 $0xA;
	s6 =	simm.s32 $0x10;
	s4 =	sld [smem:$0x3FC6]  }
0x93: {  	[smem:s6], [sflag:s5] =	dma.local [hbm:s2], $0x1  }
0x94: {  	_ =	swait.eq [sflag:s5], $0x1  }
0x95: {  	[sflag:s5] =	ssyncset.done $0x0  }
0x96: {  	s16 =	sld [smem:$0x10];
	[sflag:s5] =	ssyncadd.s32 $0xFFFFFFFF  }
0x97: {  	s17 =	sld [smem:$0x11];
	(tm) =	ssettm $0x1  }
0x98: {  	s18 =	sld [smem:$0x3FFB];
	_ =	sdelay $0x3  }
0x99: {  	_ =	strace s18  }
0x9a: {  	s6 =	sld [smem:$0x3FFC];
	_ =	sdelay $0x3  }
0x9b: {  	_ =	strace s6  }
0x9c: {  	s6 =	sld [smem:$0x3FFD];
	_ =	sdelay $0x3  }
0x9d: {  	_ =	strace s6  }
0x9e: {  	_ =	strace $0x8FFFFFFF  }
0x9f: {  	s19 =	sld [smem:$0x3FDB];
	_ =	sdelay $0x1  }
0xa0: {  	s7 =	simm.s32 $_scs_section_size  }
0xa1: {  	s8 =	simm.s32 $_size__tile_overlayer_lowered;
	s9 =	simm.s32 $_tile_overlayer_lowered  }
0xa2: {  	s22 =	simm.s32 $0x1BFF;
	s21 =	sshll.u32 s9, $0x1;
	s6 =	sadd.s32 s7, s19  }
0xa3: {  	s10 =	simm.s32 $0x0;
	s20 =	sshll.u32 s8, $0x1;
	s8 =	sadd.s32 s21, s6  }
0xa4: {  	[timem:s10], [sflag:s22] =	dma.local [hbm:s8], s20  }
0xa5: {  	_ =	swait.ge [sflag:s22], s20  }
0xa6: {  	s7 =	ssub.s32 $0x0, s20;
	[sflag:s22] =	ssyncset.done $0x0  }
0xa7: {  	[sflag:s22] =	ssyncadd.s32 s7;
	_ =	sdelay $0x1  }
0xa8: {  	s23 =	simm.s32 $0x1B8B  }
0xa9: {  	_ =	swait.ge [sflag:s23], $0x1  }
0xaa: {  	[sflag:s23] =	ssyncset.done $0x0  }
0xab: {  	s25 =	simm.s32 $0x1B8E;
	s24 =	sld [smem:$0x3FFE];
	[sflag:s23] =	ssyncadd.s32 $0xFFFFFFFF  }
0xac: {  	s26 =	simm.s32 $execute0_lowered;
	[smem:$0x3FD2] =	sst s25  }
0xad: {  	s8 =	sshll.u32 s26, $0x1;
	_ =	strace $0x80000049;
	[dreg:$0x1] =	wrdreg $0xFFFFFFFF  }
0xae: {  	s28 =	simm.s32 $_size_execute0_lowered;
	s6 =	sadd.s32 s6, s8;
	[dreg:$0x0] =	wrdreg $0x0  }
0xaf: {  	s8 =	sshll.u32 s28, $0x1;
	[dreg:$0x2] =	wrdreg s6  }
0xb0: {  	[dreg:$0x3] =	wrdreg s8  }
0xb1: {  	[dreg:$0x4] =	wrdreg $0xC0  }
0xb2: {  	_ =	task [dreg:s10], $0x5FFFF  }
0xb3: {  	[dreg:$0x1] =	wrdreg $0xFFFFFFFF  }
0xb4: {  	[dreg:$0x0] =	wrdreg $0x60  }
0xb5: {  	[dreg:$0x2] =	wrdreg s24  }
0xb6: {  	[dreg:$0x3] =	wrdreg s15  }
0xb7: {  	[dreg:$0x4] =	wrdreg s4  }
0xb8: {  	[dreg:$0x5] =	wrdreg s16  }
0xb9: {  	[dreg:$0x6] =	wrdreg s17  }
0xba: {  	[dreg:$0x7] =	wrdreg $0x9  }
0xbb: {  	_ =	task.clear_ibuf [dreg:s10], $0x8FFFF;
	_ =	strace $0x90000049  }
0xbc: {  	s29 =	simm.s32 $0x9;
	_ =	strace $0x8000004B  }
0xbd: {  	_ =	swait.ge [sflag:s29], $0x1  }
0xbe: {  	[sflag:s29] =	ssyncadd.s32 $0xFFFFFFFF  }
0xbf: {  	_ =	strace $0x9000004B  }
0xc0: {  	_ =	sfence  }
0xc1: {  	s30 =	sld [smem:$0x0];
	_ =	sdelay $0x2  }
0xc2: {  	s31 =	sshll.u32 s1, $0xD;
	s1 =	sshrl.u32 s1, $0x2  }
0xc3: {  	s3 =	sand.u32 $0x4000, s31;
	s1 =	sadd.s32 s1, s30  }
0xc4: {  	s0 =	sor.u32 s3, s0;
	s1 =	sshll.u32 s1, $0x11  }
0xc5: {  	s0 =	sor.u32 s1, s0  }
0xc6: {  	s0 =	sadd.s32 $0x8F2B, s0  }
0xc7: {  	[sflag:s0] =	ssyncadd.remote.s32 $0x1  }
0xc8: {  	_ =	sfence.sel $0xFFFF  }
0xc9: {  	[dreg:$0x0] =	wrdreg $0xFFFFFFFF;
	(pc) =	sbr.abs _section_cstart, $3  }
0xca: {  	[dreg:$0x1] =	wrdreg $0xFFFFFFFF  }
0xcb: {  	_ =	task.clear_ibuf [dreg:s10], $0x2FFFF;
	_ =	strace $0x9FFFFFFF  }
0xcc: {  	(tm) =	ssettm $0x7FFFFFFF  }
0xcd: {  	_ =	shalt  }
tec
execute0_lowered:
.L_overlay_start_1:
0x0: {  	(tag) =	ssettag $0x1  }
0x1: {  	s10 =	rddreg [dreg:$0x0]  }
0x2: {  	s3 =	rddreg [dreg:$0x1]  }
0x3: {  	s5 =	rddreg [dreg:$0x2];
	s1 =	srdreg.scid  }
0x4: {  	s12 =	rddreg [dreg:$0x3];
	s0 =	stileid.u32;
	s13 =	sand.u32 $0x1, s1  }
0x5: {  	s14 =	rddreg [dreg:$0x4];
	s6 =	sshll.u32 s0, $0x5;
	s4 =	sshll.u32 s13, $0x9  }
0x6: {  	s2 =	simm.s32 $0x0;
	s1 =	rddreg [dreg:$0x5];
	s15 =	sor.u32 s6, s4  }
0x7: {  	[smem:$0x7FF] =	sst s2;
	s6 =	sshrl.u32 s15, $0x3  }
0x8: {  	_ =	strace $0x8000004A;
	s4 =	sadd.s32 s3, s6;
	s3 =	simm.s32 $0x2  }
0x9: {  	[tilespmem:s2], [sflag:$0x2] =	stream.linear.gather [hbm4b:s4+s2], $0x20, $0x38;
	[tilespmem:$0x2040] =	vst v63  }
0xa: {  	_ =	swait.ge [sflag:s3], $0x20  }
0xb: {  	[sflag:s3] =	ssyncset.done $0x0  }
0xc: {  	s5 =	sadd.s32 s5, s6;
	s6 =	simm.s32 $0x20;
	[sflag:s3] =	ssyncadd.s32 $0xFFFFFFE0  }
0xd: {  	[tilespmem:s6], [sflag:$0x2] =	stream.linear.gather [hbm4b:s5+s2], $0x20, $0x38;
	[tilespmem:$0x2040] =	vst v63  }
0xe: {  	_ =	swait.ge [sflag:s3], $0x20  }
0xf: {  	s8 =	simm.s32 $0x40;
	[sflag:s3] =	ssyncset.done $0x0  }
0x10: {  	s9 =	simm.s32 $0x1;
	s7 =	sadd.s32 $0x3C00, s10;
	[sflag:s3] =	ssyncadd.s32 $0xFFFFFFE0  }
0x11: {  	[tilespmem:s8], [sflag:$0x1] =	stream.indirect.gather [hbm4b:s7+s6], $0x80, s2, s6, $0xb8;
	[tilespmem:$0x2040] =	vst v63  }
0x12: {  	_ =	swait.ge [sflag:s9], $0x1000  }
0x13: {  	s11 =	simm.s32 $0x1040;
	[sflag:s9] =	ssyncset.done $0x0  }
0x14: {  	s10 =	sadd.s32 $0xA0000, s10;
	s13 =	ssub.s32 $0x2, s13;
	[sflag:s9] =	ssyncadd.s32 $0xFFFFF000  }
0x15: {  	[tilespmem:s11], [sflag:$0x1] =	stream.indirect.gather [hbm4b:s10+s6], $0x80, s6, s6, $0xb8;
	[tilespmem:$0x2040] =	vst v63  }
0x16: {  	s16 =	sshrl.u32 s13, $0x1;
	_ =	swait.ge [sflag:s9], $0x1000  }
0x17: {  	s15 =	sshll.u32 s15, $0x4;
	s16 =	ssub.s32 s13, s16;
	[sflag:s9] =	ssyncset.done $0x0  }
0x18: {  	s12 =	sadd.s32 s12, s15;
	s31 =	smax.u32 s16, $0x1;
	[sflag:s9] =	ssyncadd.s32 $0xFFFFF000  }
0x19: {  	[hbm4b:s12+s2] =	stream.linear.scatter [tilespmem:s8], [sflag:$0x2], $0x1000, $0x38;
	[tilespmem:$0x2040] =	vst v63  }
0x1a: {  	p0 =	sne.s32 s31, $0x1;
	_ =	swait.ge [sflag:s3], $0x1000  }
.Ltmp0:
0x1b: {  	[sflag:s3] =	ssyncset.done $0x0;
	(pc) =	sbr.rel @!p0 .LBB2_2-.Ltmp0, $4  }
0x1c: {  	s13 =	sadd.s32 s14, s15;
	[sflag:s3] =	ssyncadd.s32 $0xFFFFF000  }
0x1d: {  	[hbm4b:s13+s2] =	stream.linear.scatter [tilespmem:s11], [sflag:$0x2], $0x1000, $0x38;
	[tilespmem:$0x2040] =	vst v63  }
0x1e: {  	_ =	swait.ge [sflag:s3], $0x1000  }
0x1f: {  	s14 =	sadd.s32 $0xFFFFFFFF, s31;
	[sflag:s3] =	ssyncset.done $0x0  }
.LBB2_1:
0x20: {  	p0 =	sne.s32 s14, $0x1;
	s14 =	sadd.s32 $0xFFFFFFFF, s14;
	[sflag:s3] =	ssyncadd.s32 $0xFFFFF000  }
0x21: {  	[tilespmem:s2], [sflag:$0x2] =	stream.linear.gather [hbm4b:s4+s2], $0x20, $0x38;
	[tilespmem:$0x2040] =	vst v63  }
0x22: {  	_ =	swait.ge [sflag:s3], $0x20  }
0x23: {  	[sflag:s3] =	ssyncset.done $0x0  }
0x24: {  	[sflag:s3] =	ssyncadd.s32 $0xFFFFFFE0  }
0x25: {  	[tilespmem:s6], [sflag:$0x2] =	stream.linear.gather [hbm4b:s5+s2], $0x20, $0x38;
	[tilespmem:$0x2040] =	vst v63  }
0x26: {  	_ =	swait.ge [sflag:s3], $0x20  }
0x27: {  	[sflag:s3] =	ssyncset.done $0x0  }
0x28: {  	[sflag:s3] =	ssyncadd.s32 $0xFFFFFFE0  }
0x29: {  	[tilespmem:s8], [sflag:$0x1] =	stream.indirect.gather [hbm4b:s7+s6], $0x80, s2, s6, $0xb8;
	[tilespmem:$0x2040] =	vst v63  }
0x2a: {  	_ =	swait.ge [sflag:s9], $0x1000  }
0x2b: {  	[sflag:s9] =	ssyncset.done $0x0  }
0x2c: {  	[sflag:s9] =	ssyncadd.s32 $0xFFFFF000  }
0x2d: {  	[tilespmem:s11], [sflag:$0x1] =	stream.indirect.gather [hbm4b:s10+s6], $0x80, s6, s6, $0xb8;
	[tilespmem:$0x2040] =	vst v63  }
0x2e: {  	_ =	swait.ge [sflag:s9], $0x1000  }
0x2f: {  	[sflag:s9] =	ssyncset.done $0x0  }
0x30: {  	[sflag:s9] =	ssyncadd.s32 $0xFFFFF000  }
0x31: {  	[hbm4b:s12+s2] =	stream.linear.scatter [tilespmem:s8], [sflag:$0x2], $0x1000, $0x38;
	[tilespmem:$0x2040] =	vst v63  }
0x32: {  	_ =	swait.ge [sflag:s3], $0x1000  }
.Ltmp1:
0x33: {  	[sflag:s3] =	ssyncset.done $0x0;
	(pc) =	sbr.rel @p0 .LBB2_1-.Ltmp1, $4  }
0x34: {  	[sflag:s3] =	ssyncadd.s32 $0xFFFFF000  }
0x35: {  	[hbm4b:s13+s2] =	stream.linear.scatter [tilespmem:s11], [sflag:$0x2], $0x1000, $0x38;
	[tilespmem:$0x2040] =	vst v63  }
0x36: {  	_ =	swait.ge [sflag:s3], $0x1000  }
0x37: {  	[sflag:s3] =	ssyncset.done $0x0  }
.LBB2_2:
0x38: {  	[sflag:s3] =	ssyncadd.s32 $0xFFFFF000  }
0x39: {  	_ =	sfence.sel $0x180000  }
0x3a: {  	[bflag:$0x0] =	sbarrier.arrive $0xFFFF  }
0x3b: {  	p0 =	sne.s32 s0, $0x0;
	_ =	strace $0x9000004A  }
0x3c: {  	s0 =	sadd.s32 @!p0 $0x100000, s1;
	[bflag:$0x2] =	sbarrier.arrive $0xFFFF  }
0x3d: {  	[sflag:s0] =	ssyncadd.tile.s32 @!p0 $0x1;
	_ =	shalt  }
.Lfunc_end2:
_tile_overlayer_lowered:
.L_overlay_start_2:
0x3e: {  	(tag) =	ssettag $0x2  }
0x3f: {  	s0 =	rddreg [dreg:$0x0];
	s2 =	stileid.u32  }
0x40: {  	s1 =	rddreg [dreg:$0x1];
	p0 =	sne.s32 s2, $0x0  }
0x41: {  	s3 =	rddreg [dreg:$0x2];
	[bflag:$0x3] =	sbarrier.arrive $0xFFFF;
	s2 =	simm.s32 @!p0 $0x1C02  }
0x42: {  	[timem:s3], [sflag:s2] =	dma.local @!p0 [hbm:s0], s1  }
0x43: {  	s0 =	simm.s32 @!p0 $0x2  }
0x44: {  	_ =	swait.ge @!p0 [sflag:s0], s1  }
0x45: {  	s1 =	ssub.s32 @!p0 $0x0, s1;
	[sflag:s0] =	ssyncset.done @!p0 $0x0  }
0x46: {  	[sflag:s0] =	ssyncadd.s32 @!p0 s1  }
0x47: {  	[bflag:$0x3] =	sbarrier.arrive $0xFFFF  }
0x48: {  	_ =	shalt  }

</sc_bundles>
